<compile_context>
chip_gen: v7x
topology: tpu7x:2x2x1
jax: 0.10.2.dev20260603
libtpu: 0.0.44.dev20260713+nightly
codegen_flags: <defaults>
</compile_context>

<pallas_src>
import functools

import jax
import jax.numpy as jnp
from jax import lax
from jax.experimental import pallas as pl
from jax.experimental.pallas import tpu as pltpu
from jax.experimental.pallas import tpu_sc as plsc

_B = 16384
_C = 1000
_NC, _NS = 1, 16
_NW = _NC * _NS
_PER = _B // _NW
_RJ = 8
_RL = _PER // _RJ
_LANES = 16


def _sc_partials(preds_flat, targets, margin):
    mesh = plsc.VectorSubcoreMesh(
        core_axis_name="c", subcore_axis_name="s", num_cores=_NC
    )

    @functools.partial(
        pl.kernel,
        mesh=mesh,
        out_type=jax.ShapeDtypeStruct((_NW, _LANES), jnp.float32),
        compiler_params=pltpu.CompilerParams(needs_layout_passes=False),
        scratch_types=[
            pltpu.VMEM((_PER,), jnp.int32),
            pltpu.VMEM((_PER,), jnp.float32),
            pltpu.VMEM((_PER,), jnp.float32),
            pltpu.VMEM((_RJ, _RL), jnp.int32),
            pltpu.VMEM((_RJ, _RL), jnp.float32),
            pltpu.VMEM((_LANES,), jnp.float32),
            pltpu.SemaphoreType.DMA,
        ],
    )
    def body(preds_hbm, tgt_hbm, mar_hbm, out_hbm,
             tgt_v, mar_v, w_v, idx_v, val_v, row_v, sem):
        c = lax.axis_index("c")
        s = lax.axis_index("s")
        wid = s * _NC + c
        base = wid * _PER

        pltpu.sync_copy(tgt_hbm.at[pl.ds(base, _PER)], tgt_v)

        lane = lax.iota(jnp.int32, _LANES)
        copies = []
        for jj in range(_RJ):
            for i in range(_RL // _LANES):
                l = jj * _RL + i * _LANES
                t = tgt_v[pl.ds(l, _LANES)]
                idx = (
                    (t >> 3) * (_B * 8)
                    + (wid * (_PER // 128) + l // 128) * 1024
                    + (l % 128)
                    + (t & 7) * 128
                    + lane
                )
                idx_v[jj, pl.ds(i * _LANES, _LANES)] = idx
            copies.append(
                pltpu.async_copy(preds_hbm.at[idx_v.at[jj]], val_v.at[jj], sem)
            )

        pltpu.sync_copy(mar_hbm.at[pl.ds(base, _PER)], mar_v)
        for j in range(_PER // _LANES):
            m = mar_v[pl.ds(j * _LANES, _LANES)]
            w = jnp.exp(-0.5 * m * m)
            w_v[pl.ds(j * _LANES, _LANES)] = jnp.where(
                m != 0.0, w, jnp.zeros_like(w)
            )

        for cp in copies:
            cp.wait()

        acc = jnp.zeros((_LANES,), jnp.float32)
        for j in range(_PER // _LANES):
            g = _RL // _LANES
            v = val_v[j // g, pl.ds((j % g) * _LANES, _LANES)]
            w = w_v[pl.ds(j * _LANES, _LANES)]
            acc = acc + w * v
        row_v[...] = acc
        pltpu.sync_copy(row_v, out_hbm.at[wid])

    return body(preds_flat, targets, margin)


def kernel(preds, targets, margin):
    preds_flat = (
        preds.T.reshape(_C // 8, 8, _B // 128, 128)
        .transpose(0, 2, 1, 3)
        .reshape(_B * _C)
    )
    partials = _sc_partials(preds_flat, targets.astype(jnp.int32), margin)

    def tc_body(x_hbm, o_ref, x_vmem, sem):
        cp = pltpu.make_async_copy(x_hbm, x_vmem, sem)
        cp.start()
        cp.wait()
        total = jnp.sum(x_vmem[...]) * (-1.0 / _B)
        o_ref[...] = jnp.broadcast_to(total, (1, 1))

    loss = pl.pallas_call(
        tc_body,
        in_specs=[pl.BlockSpec(memory_space=pltpu.MemorySpace.HBM)],
        out_shape=jax.ShapeDtypeStruct((1, 1), jnp.float32),
        scratch_shapes=[
            pltpu.VMEM((_NW, _LANES), jnp.float32),
            pltpu.SemaphoreType.DMA,
        ],
    )(partials)
    return loss[0, 0]

# --- scband reference (transcript-rebuilt; emitter-appended) ---
"""Pipeline reference for scband-similar-distribution-7670811590932 (READ-ONLY COPY).

The authoritative reference and input builder live on the scoring server;
editing this copy changes nothing except your own understanding.
"""

import jax, jax.numpy as jnp
import numpy as np

WEIGHT1 = 1.0
WEIGHT2 = 1.0
SIGMA1 = 0.5
SIGMA2 = 0.5


def setup_inputs(seed: int = 0) -> dict:
    key = jax.random.key(seed)
    k1, k2, k3 = jax.random.split(key, 3)
    B, C = 16384, 1000
    preds = jax.random.normal(k1, (B, C), dtype=jnp.float32)
    targets = jax.random.randint(k2, (B,), 0, C, dtype=jnp.int32)
    margin = jax.random.normal(k3, (B,), dtype=jnp.float32)
    return {"preds": preds, "targets": targets, "margin": margin}


def reference(preds, targets, margin):
    B = preds.shape[0]
    # N = preds[arange(B), targets]  (row-wise gather of the target-class logit)
    N = jnp.take_along_axis(preds, targets[:, None].astype(jnp.int32), axis=1)[:, 0]
    pos = margin > 0
    neg = margin < 0
    # filtered_N1 / filtered_N: N values masked by margin sign (zeros elsewhere)
    filtered_N1 = jnp.where(pos, N, jnp.zeros_like(N))
    filtered_N = jnp.where(neg, N, jnp.zeros_like(N))
    # filtered margins (computed under no_grad in the original)
    x_pos = jnp.where(pos, margin, jnp.zeros_like(margin))
    x_neg = jnp.where(neg, margin, jnp.zeros_like(margin))
    # f(x, alpha, beta) = alpha * exp(-beta * x**2); weights are non-differentiable constants
    w1 = jax.lax.stop_gradient(WEIGHT1 * jnp.exp(-SIGMA1 * x_pos ** 2))
    w2 = jax.lax.stop_gradient(WEIGHT2 * jnp.exp(-SIGMA2 * x_neg ** 2))
    loss1 = jnp.sum(w1 * filtered_N1)
    loss2 = jnp.sum(w2 * filtered_N)
    loss = -(loss1 + loss2) / margin.shape[0]
    return loss

if __name__ == "__main__":
    import jax
    _d = setup_inputs()
    print(jax.jit(kernel)(*tuple(_d.values())))

</pallas_src>

<mosaic_0001>
#map = affine_map<(d0, d1) -> (0)>
#map1 = affine_map<(d0, d1) -> (0, 0)>
module attributes {stable_mosaic.version = 14 : i64} {
  func.func @body(%arg0: i32, %arg1: i32, %arg2: memref<16384000xf32, #tpu.memory_space<hbm>>, %arg3: memref<16384xi32, #tpu.memory_space<hbm>>, %arg4: memref<16384xf32, #tpu.memory_space<hbm>>, %arg5: memref<16x16xf32, #tpu.memory_space<hbm>>, %arg6: memref<1024xi32, #tpu.memory_space<vmem>>, %arg7: memref<1024xf32, #tpu.memory_space<vmem>>, %arg8: memref<1024xf32, #tpu.memory_space<vmem>>, %arg9: memref<8x128xi32, #tpu.memory_space<vmem>>, %arg10: memref<8x128xf32, #tpu.memory_space<vmem>>, %arg11: memref<16xf32, #tpu.memory_space<vmem>>, %arg12: memref<!tpu.dma_semaphore, #tpu.memory_space<semaphore_mem>>) attributes {dimension_semantics = [#tpu.dimension_semantics<core_parallel>, #tpu.dimension_semantics<subcore_parallel>], iteration_bounds = array<i64: 1, 16>, scalar_prefetch = 0 : i64, scratch_operands = 7 : i64, tpu.core_type = #tpu.core_type<sc_vector_subcore>, window_params = [{transform_indices = #map}, {transform_indices = #map}, {transform_indices = #map}, {transform_indices = #map1}]} {
    %mul3A = arith.constant 1 : i32
    %mul3A_0 = arith.muli %arg1, %mul3A : i32
    %add3A = arith.addi %mul3A_0, %arg0 : i32
    %mul3A_1 = arith.constant 1024 : i32
    %mul3A_2 = arith.muli %add3A, %mul3A_1 : i32
    "tpu.region"() ({
      %run_scoped3A = tpu.sem_alloc : memref<!tpu.dma_semaphore, #tpu.memory_space<semaphore_mem>>
      %dma_start3A_3613 = tpu.memref_slice %arg3[%mul3A_2] : memref<16384xi32, #tpu.memory_space<hbm>> -> memref<1024xi32, #tpu.memory_space<hbm>>
      %dma_start3A_3614 = tpu.memref_slice %arg3[%mul3A_2] : memref<16384xi32, #tpu.memory_space<hbm>> -> memref<1024xi32, #tpu.memory_space<hbm>>
      tpu.enqueue_dma source(%dma_start3A_3614 : memref<1024xi32, #tpu.memory_space<hbm>>) target(%arg6 : memref<1024xi32, #tpu.memory_space<vmem>>) target_semaphore(%run_scoped3A : memref<!tpu.dma_semaphore, #tpu.memory_space<semaphore_mem>>)
      %dma_wait3A_3615 = tpu.memref_slice %arg3[%mul3A_2] : memref<16384xi32, #tpu.memory_space<hbm>> -> memref<1024xi32, #tpu.memory_space<hbm>>
      %dma_wait3A_3616 = tpu.memref_slice %arg3[%mul3A_2] : memref<16384xi32, #tpu.memory_space<hbm>> -> memref<1024xi32, #tpu.memory_space<hbm>>
      tpu.wait_dma2 semaphore(%run_scoped3A : memref<!tpu.dma_semaphore, #tpu.memory_space<semaphore_mem>>) src(%dma_wait3A_3616 : memref<1024xi32, #tpu.memory_space<hbm>>) dst(%arg6 : memref<1024xi32, #tpu.memory_space<vmem>>)
      tpu.yield
    }) : () -> ()
    %iota3A = tpu.iota {dimensions = array<i32: 0>} : vector<16xi32>
    %get3A = arith.constant 0 : index
    %get3A_3 = tpu.vector_load %arg6[%get3A] {strides = array<i32>} : memref<1024xi32, #tpu.memory_space<vmem>>, vector<16xi32>,
    %shift_right_arithmetic3A = arith.constant 3 : i32
    %shift_right_arithmetic3A_4 = vector.broadcast %shift_right_arithmetic3A : i32 to vector<16xi32>
    %shift_right_arithmetic3A_5 = arith.shrsi %get3A_3, %shift_right_arithmetic3A_4 : vector<16xi32>
    %mul3A_6 = arith.constant 131072 : i32
    %mul3A_7 = vector.broadcast %mul3A_6 : i32 to vector<16xi32>
    %mul3A_8 = arith.muli %shift_right_arithmetic3A_5, %mul3A_7 : vector<16xi32>
    %mul3A_9 = arith.constant 8 : i32
    %mul3A_10 = arith.muli %add3A, %mul3A_9 : i32
    %add3A_11 = arith.constant 0 : i32
    %add3A_12 = arith.addi %mul3A_10, %add3A_11 : i32
    %mul3A_13 = arith.constant 1024 : i32
    %mul3A_14 = arith.muli %add3A_12, %mul3A_13 : i32
    %add3A_15 = vector.broadcast %mul3A_14 : i32 to vector<16xi32>
    %add3A_16 = arith.addi %mul3A_8, %add3A_15 : vector<16xi32>
    %add3A_17 = arith.constant 0 : i32
    %add3A_18 = vector.broadcast %add3A_17 : i32 to vector<16xi32>
    %add3A_19 = arith.addi %add3A_16, %add3A_18 : vector<16xi32>
    %and3A = arith.constant 7 : i32
    %and3A_20 = vector.broadcast %and3A : i32 to vector<16xi32>
    %and3A_21 = arith.andi %get3A_3, %and3A_20 : vector<16xi32>
    %mul3A_22 = arith.constant 128 : i32
    %mul3A_23 = vector.broadcast %mul3A_22 : i32 to vector<16xi32>
    %mul3A_24 = arith.muli %and3A_21, %mul3A_23 : vector<16xi32>
    %add3A_25 = arith.addi %add3A_19, %mul3A_24 : vector<16xi32>
    %add3A_26 = arith.addi %add3A_25, %iota3A : vector<16xi32>
    %swap3A = arith.constant 0 : i32
    %swap3A_27 = arith.index_cast %swap3A : i32 to index
    %swap3A_28 = arith.constant 0 : index
    %swap3A_29 = tpu.vector_load %arg9[%swap3A_27, %swap3A_28] {strides = array<i32>} : memref<8x128xi32, #tpu.memory_space<vmem>>, vector<16xi32>,
    tpu.vector_store %arg9[%swap3A_27, %swap3A_28], %add3A_26 {strides = array<i32>} : memref<8x128xi32, #tpu.memory_space<vmem>>, vector<16xi32>,
    %get3A_30 = arith.constant 16 : index
    %get3A_31 = tpu.vector_load %arg6[%get3A_30] {strides = array<i32>} : memref<1024xi32, #tpu.memory_space<vmem>>, vector<16xi32>,
    %shift_right_arithmetic3A_32 = arith.constant 3 : i32
    %shift_right_arithmetic3A_33 = vector.broadcast %shift_right_arithmetic3A_32 : i32 to vector<16xi32>
    %shift_right_arithmetic3A_34 = arith.shrsi %get3A_31, %shift_right_arithmetic3A_33 : vector<16xi32>
    %mul3A_35 = arith.constant 131072 : i32
    %mul3A_36 = vector.broadcast %mul3A_35 : i32 to vector<16xi32>
    %mul3A_37 = arith.muli %shift_right_arithmetic3A_34, %mul3A_36 : vector<16xi32>
    %mul3A_38 = arith.constant 8 : i32
    %mul3A_39 = arith.muli %add3A, %mul3A_38 : i32
    %add3A_40 = arith.constant 0 : i32
    %add3A_41 = arith.addi %mul3A_39, %add3A_40 : i32
    %mul3A_42 = arith.constant 1024 : i32
    %mul3A_43 = arith.muli %add3A_41, %mul3A_42 : i32
    %add3A_44 = vector.broadcast %mul3A_43 : i32 to vector<16xi32>
    %add3A_45 = arith.addi %mul3A_37, %add3A_44 : vector<16xi32>
    %add3A_46 = arith.constant 16 : i32
    %add3A_47 = vector.broadcast %add3A_46 : i32 to vector<16xi32>
    %add3A_48 = arith.addi %add3A_45, %add3A_47 : vector<16xi32>
    %and3A_49 = arith.constant 7 : i32
    %and3A_50 = vector.broadcast %and3A_49 : i32 to vector<16xi32>
    %and3A_51 = arith.andi %get3A_31, %and3A_50 : vector<16xi32>
    %mul3A_52 = arith.constant 128 : i32
    %mul3A_53 = vector.broadcast %mul3A_52 : i32 to vector<16xi32>
    %mul3A_54 = arith.muli %and3A_51, %mul3A_53 : vector<16xi32>
    %add3A_55 = arith.addi %add3A_48, %mul3A_54 : vector<16xi32>
    %add3A_56 = arith.addi %add3A_55, %iota3A : vector<16xi32>
    %swap3A_57 = arith.constant 0 : i32
    %swap3A_58 = arith.index_cast %swap3A_57 : i32 to index
    %swap3A_59 = arith.constant 16 : index
    %swap3A_60 = tpu.vector_load %arg9[%swap3A_58, %swap3A_59] {strides = array<i32>} : memref<8x128xi32, #tpu.memory_space<vmem>>, vector<16xi32>,
    tpu.vector_store %arg9[%swap3A_58, %swap3A_59], %add3A_56 {strides = array<i32>} : memref<8x128xi32, #tpu.memory_space<vmem>>, vector<16xi32>,
    %get3A_61 = arith.constant 32 : index
    %get3A_62 = tpu.vector_load %arg6[%get3A_61] {strides = array<i32>} : memref<1024xi32, #tpu.memory_space<vmem>>, vector<16xi32>,
    %shift_right_arithmetic3A_63 = arith.constant 3 : i32
    %shift_right_arithmetic3A_64 = vector.broadcast %shift_right_arithmetic3A_63 : i32 to vector<16xi32>
    %shift_right_arithmetic3A_65 = arith.shrsi %get3A_62, %shift_right_arithmetic3A_64 : vector<16xi32>
    %mul3A_66 = arith.constant 131072 : i32
    %mul3A_67 = vector.broadcast %mul3A_66 : i32 to vector<16xi32>
    %mul3A_68 = arith.muli %shift_right_arithmetic3A_65, %mul3A_67 : vector<16xi32>
    %mul3A_69 = arith.constant 8 : i32
    %mul3A_70 = arith.muli %add3A, %mul3A_69 : i32
    %add3A_71 = arith.constant 0 : i32
    %add3A_72 = arith.addi %mul3A_70, %add3A_71 : i32
    %mul3A_73 = arith.constant 1024 : i32
    %mul3A_74 = arith.muli %add3A_72, %mul3A_73 : i32
    %add3A_75 = vector.broadcast %mul3A_74 : i32 to vector<16xi32>
    %add3A_76 = arith.addi %mul3A_68, %add3A_75 : vector<16xi32>
    %add3A_77 = arith.constant 32 : i32
    %add3A_78 = vector.broadcast %add3A_77 : i32 to vector<16xi32>
    %add3A_79 = arith.addi %add3A_76, %add3A_78 : vector<16xi32>
    %and3A_80 = arith.constant 7 : i32
    %and3A_81 = vector.broadcast %and3A_80 : i32 to vector<16xi32>
    %and3A_82 = arith.andi %get3A_62, %and3A_81 : vector<16xi32>
    %mul3A_83 = arith.constant 128 : i32
    %mul3A_84 = vector.broadcast %mul3A_83 : i32 to vector<16xi32>
    %mul3A_85 = arith.muli %and3A_82, %mul3A_84 : vector<16xi32>
    %add3A_86 = arith.addi %add3A_79, %mul3A_85 : vector<16xi32>
    %add3A_87 = arith.addi %add3A_86, %iota3A : vector<16xi32>
    %swap3A_88 = arith.constant 0 : i32
    %swap3A_89 = arith.index_cast %swap3A_88 : i32 to index
    %swap3A_90 = arith.constant 32 : index
    %swap3A_91 = tpu.vector_load %arg9[%swap3A_89, %swap3A_90] {strides = array<i32>} : memref<8x128xi32, #tpu.memory_space<vmem>>, vector<16xi32>,
    tpu.vector_store %arg9[%swap3A_89, %swap3A_90], %add3A_87 {strides = array<i32>} : memref<8x128xi32, #tpu.memory_space<vmem>>, vector<16xi32>,
    %get3A_92 = arith.constant 48 : index
    %get3A_93 = tpu.vector_load %arg6[%get3A_92] {strides = array<i32>} : memref<1024xi32, #tpu.memory_space<vmem>>, vector<16xi32>,
    %shift_right_arithmetic3A_94 = arith.constant 3 : i32
    %shift_right_arithmetic3A_95 = vector.broadcast %shift_right_arithmetic3A_94 : i32 to vector<16xi32>
    %shift_right_arithmetic3A_96 = arith.shrsi %get3A_93, %shift_right_arithmetic3A_95 : vector<16xi32>
    %mul3A_97 = arith.constant 131072 : i32
    %mul3A_98 = vector.broadcast %mul3A_97 : i32 to vector<16xi32>
    %mul3A_99 = arith.muli %shift_right_arithmetic3A_96, %mul3A_98 : vector<16xi32>
    %mul3A_100 = arith.constant 8 : i32
    %mul3A_101 = arith.muli %add3A, %mul3A_100 : i32
    %add3A_102 = arith.constant 0 : i32
    %add3A_103 = arith.addi %mul3A_101, %add3A_102 : i32
    %mul3A_104 = arith.constant 1024 : i32
    %mul3A_105 = arith.muli %add3A_103, %mul3A_104 : i32
    %add3A_106 = vector.broadcast %mul3A_105 : i32 to vector<16xi32>
    %add3A_107 = arith.addi %mul3A_99, %add3A_106 : vector<16xi32>
    %add3A_108 = arith.constant 48 : i32
    %add3A_109 = vector.broadcast %add3A_108 : i32 to vector<16xi32>
    %add3A_110 = arith.addi %add3A_107, %add3A_109 : vector<16xi32>
    %and3A_111 = arith.constant 7 : i32
    %and3A_112 = vector.broadcast %and3A_111 : i32 to vector<16xi32>
    %and3A_113 = arith.andi %get3A_93, %and3A_112 : vector<16xi32>
    %mul3A_114 = arith.constant 128 : i32
    %mul3A_115 = vector.broadcast %mul3A_114 : i32 to vector<16xi32>
    %mul3A_116 = arith.muli %and3A_113, %mul3A_115 : vector<16xi32>
    %add3A_117 = arith.addi %add3A_110, %mul3A_116 : vector<16xi32>
    %add3A_118 = arith.addi %add3A_117, %iota3A : vector<16xi32>
    %swap3A_119 = arith.constant 0 : i32
    %swap3A_120 = arith.index_cast %swap3A_119 : i32 to index
    %swap3A_121 = arith.constant 48 : index
    %swap3A_122 = tpu.vector_load %arg9[%swap3A_120, %swap3A_121] {strides = array<i32>} : memref<8x128xi32, #tpu.memory_space<vmem>>, vector<16xi32>,
    tpu.vector_store %arg9[%swap3A_120, %swap3A_121], %add3A_118 {strides = array<i32>} : memref<8x128xi32, #tpu.memory_space<vmem>>, vector<16xi32>,
    %get3A_123 = arith.constant 64 : index
    %get3A_124 = tpu.vector_load %arg6[%get3A_123] {strides = array<i32>} : memref<1024xi32, #tpu.memory_space<vmem>>, vector<16xi32>,
    %shift_right_arithmetic3A_125 = arith.constant 3 : i32
    %shift_right_arithmetic3A_126 = vector.broadcast %shift_right_arithmetic3A_125 : i32 to vector<16xi32>
    %shift_right_arithmetic3A_127 = arith.shrsi %get3A_124, %shift_right_arithmetic3A_126 : vector<16xi32>
    %mul3A_128 = arith.constant 131072 : i32
    %mul3A_129 = vector.broadcast %mul3A_128 : i32 to vector<16xi32>
    %mul3A_130 = arith.muli %shift_right_arithmetic3A_127, %mul3A_129 : vector<16xi32>
    %mul3A_131 = arith.constant 8 : i32
    %mul3A_132 = arith.muli %add3A, %mul3A_131 : i32
    %add3A_133 = arith.constant 0 : i32
    %add3A_134 = arith.addi %mul3A_132, %add3A_133 : i32
    %mul3A_135 = arith.constant 1024 : i32
    %mul3A_136 = arith.muli %add3A_134, %mul3A_135 : i32
    %add3A_137 = vector.broadcast %mul3A_136 : i32 to vector<16xi32>
    %add3A_138 = arith.addi %mul3A_130, %add3A_137 : vector<16xi32>
    %add3A_139 = arith.constant 64 : i32
    %add3A_140 = vector.broadcast %add3A_139 : i32 to vector<16xi32>
    %add3A_141 = arith.addi %add3A_138, %add3A_140 : vector<16xi32>
    %and3A_142 = arith.constant 7 : i32
    %and3A_143 = vector.broadcast %and3A_142 : i32 to vector<16xi32>
    %and3A_144 = arith.andi %get3A_124, %and3A_143 : vector<16xi32>
    %mul3A_145 = arith.constant 128 : i32
    %mul3A_146 = vector.broadcast %mul3A_145 : i32 to vector<16xi32>
    %mul3A_147 = arith.muli %and3A_144, %mul3A_146 : vector<16xi32>
    %add3A_148 = arith.addi %add3A_141, %mul3A_147 : vector<16xi32>
    %add3A_149 = arith.addi %add3A_148, %iota3A : vector<16xi32>
    %swap3A_150 = arith.constant 0 : i32
    %swap3A_151 = arith.index_cast %swap3A_150 : i32 to index
    %swap3A_152 = arith.constant 64 : index
    %swap3A_153 = tpu.vector_load %arg9[%swap3A_151, %swap3A_152] {strides = array<i32>} : memref<8x128xi32, #tpu.memory_space<vmem>>, vector<16xi32>,
    tpu.vector_store %arg9[%swap3A_151, %swap3A_152], %add3A_149 {strides = array<i32>} : memref<8x128xi32, #tpu.memory_space<vmem>>, vector<16xi32>,
    %get3A_154 = arith.constant 80 : index
    %get3A_155 = tpu.vector_load %arg6[%get3A_154] {strides = array<i32>} : memref<1024xi32, #tpu.memory_space<vmem>>, vector<16xi32>,
    %shift_right_arithmetic3A_156 = arith.constant 3 : i32
    %shift_right_arithmetic3A_157 = vector.broadcast %shift_right_arithmetic3A_156 : i32 to vector<16xi32>
    %shift_right_arithmetic3A_158 = arith.shrsi %get3A_155, %shift_right_arithmetic3A_157 : vector<16xi32>
    %mul3A_159 = arith.constant 131072 : i32
    %mul3A_160 = vector.broadcast %mul3A_159 : i32 to vector<16xi32>
    %mul3A_161 = arith.muli %shift_right_arithmetic3A_158, %mul3A_160 : vector<16xi32>
    %mul3A_162 = arith.constant 8 : i32
    %mul3A_163 = arith.muli %add3A, %mul3A_162 : i32
    %add3A_164 = arith.constant 0 : i32
    %add3A_165 = arith.addi %mul3A_163, %add3A_164 : i32
    %mul3A_166 = arith.constant 1024 : i32
    %mul3A_167 = arith.muli %add3A_165, %mul3A_166 : i32
    %add3A_168 = vector.broadcast %mul3A_167 : i32 to vector<16xi32>
    %add3A_169 = arith.addi %mul3A_161, %add3A_168 : vector<16xi32>
    %add3A_170 = arith.constant 80 : i32
    %add3A_171 = vector.broadcast %add3A_170 : i32 to vector<16xi32>
    %add3A_172 = arith.addi %add3A_169, %add3A_171 : vector<16xi32>
    %and3A_173 = arith.constant 7 : i32
    %and3A_174 = vector.broadcast %and3A_173 : i32 to vector<16xi32>
    %and3A_175 = arith.andi %get3A_155, %and3A_174 : vector<16xi32>
    %mul3A_176 = arith.constant 128 : i32
    %mul3A_177 = vector.broadcast %mul3A_176 : i32 to vector<16xi32>
    %mul3A_178 = arith.muli %and3A_175, %mul3A_177 : vector<16xi32>
    %add3A_179 = arith.addi %add3A_172, %mul3A_178 : vector<16xi32>
    %add3A_180 = arith.addi %add3A_179, %iota3A : vector<16xi32>
    %swap3A_181 = arith.constant 0 : i32
    %swap3A_182 = arith.index_cast %swap3A_181 : i32 to index
    %swap3A_183 = arith.constant 80 : index
    %swap3A_184 = tpu.vector_load %arg9[%swap3A_182, %swap3A_183] {strides = array<i32>} : memref<8x128xi32, #tpu.memory_space<vmem>>, vector<16xi32>,
    tpu.vector_store %arg9[%swap3A_182, %swap3A_183], %add3A_180 {strides = array<i32>} : memref<8x128xi32, #tpu.memory_space<vmem>>, vector<16xi32>,
    %get3A_185 = arith.constant 96 : index
    %get3A_186 = tpu.vector_load %arg6[%get3A_185] {strides = array<i32>} : memref<1024xi32, #tpu.memory_space<vmem>>, vector<16xi32>,
    %shift_right_arithmetic3A_187 = arith.constant 3 : i32
    %shift_right_arithmetic3A_188 = vector.broadcast %shift_right_arithmetic3A_187 : i32 to vector<16xi32>
    %shift_right_arithmetic3A_189 = arith.shrsi %get3A_186, %shift_right_arithmetic3A_188 : vector<16xi32>
    %mul3A_190 = arith.constant 131072 : i32
    %mul3A_191 = vector.broadcast %mul3A_190 : i32 to vector<16xi32>
    %mul3A_192 = arith.muli %shift_right_arithmetic3A_189, %mul3A_191 : vector<16xi32>
    %mul3A_193 = arith.constant 8 : i32
    %mul3A_194 = arith.muli %add3A, %mul3A_193 : i32
    %add3A_195 = arith.constant 0 : i32
    %add3A_196 = arith.addi %mul3A_194, %add3A_195 : i32
    %mul3A_197 = arith.constant 1024 : i32
    %mul3A_198 = arith.muli %add3A_196, %mul3A_197 : i32
    %add3A_199 = vector.broadcast %mul3A_198 : i32 to vector<16xi32>
    %add3A_200 = arith.addi %mul3A_192, %add3A_199 : vector<16xi32>
    %add3A_201 = arith.constant 96 : i32
    %add3A_202 = vector.broadcast %add3A_201 : i32 to vector<16xi32>
    %add3A_203 = arith.addi %add3A_200, %add3A_202 : vector<16xi32>
    %and3A_204 = arith.constant 7 : i32
    %and3A_205 = vector.broadcast %and3A_204 : i32 to vector<16xi32>
    %and3A_206 = arith.andi %get3A_186, %and3A_205 : vector<16xi32>
    %mul3A_207 = arith.constant 128 : i32
    %mul3A_208 = vector.broadcast %mul3A_207 : i32 to vector<16xi32>
    %mul3A_209 = arith.muli %and3A_206, %mul3A_208 : vector<16xi32>
    %add3A_210 = arith.addi %add3A_203, %mul3A_209 : vector<16xi32>
    %add3A_211 = arith.addi %add3A_210, %iota3A : vector<16xi32>
    %swap3A_212 = arith.constant 0 : i32
    %swap3A_213 = arith.index_cast %swap3A_212 : i32 to index
    %swap3A_214 = arith.constant 96 : index
    %swap3A_215 = tpu.vector_load %arg9[%swap3A_213, %swap3A_214] {strides = array<i32>} : memref<8x128xi32, #tpu.memory_space<vmem>>, vector<16xi32>,
    tpu.vector_store %arg9[%swap3A_213, %swap3A_214], %add3A_211 {strides = array<i32>} : memref<8x128xi32, #tpu.memory_space<vmem>>, vector<16xi32>,
    %get3A_216 = arith.constant 112 : index
    %get3A_217 = tpu.vector_load %arg6[%get3A_216] {strides = array<i32>} : memref<1024xi32, #tpu.memory_space<vmem>>, vector<16xi32>,
    %shift_right_arithmetic3A_218 = arith.constant 3 : i32
    %shift_right_arithmetic3A_219 = vector.broadcast %shift_right_arithmetic3A_218 : i32 to vector<16xi32>
    %shift_right_arithmetic3A_220 = arith.shrsi %get3A_217, %shift_right_arithmetic3A_219 : vector<16xi32>
    %mul3A_221 = arith.constant 131072 : i32
    %mul3A_222 = vector.broadcast %mul3A_221 : i32 to vector<16xi32>
    %mul3A_223 = arith.muli %shift_right_arithmetic3A_220, %mul3A_222 : vector<16xi32>
    %mul3A_224 = arith.constant 8 : i32
    %mul3A_225 = arith.muli %add3A, %mul3A_224 : i32
    %add3A_226 = arith.constant 0 : i32
    %add3A_227 = arith.addi %mul3A_225, %add3A_226 : i32
    %mul3A_228 = arith.constant 1024 : i32
    %mul3A_229 = arith.muli %add3A_227, %mul3A_228 : i32
    %add3A_230 = vector.broadcast %mul3A_229 : i32 to vector<16xi32>
    %add3A_231 = arith.addi %mul3A_223, %add3A_230 : vector<16xi32>
    %add3A_232 = arith.constant 112 : i32
    %add3A_233 = vector.broadcast %add3A_232 : i32 to vector<16xi32>
    %add3A_234 = arith.addi %add3A_231, %add3A_233 : vector<16xi32>
    %and3A_235 = arith.constant 7 : i32
    %and3A_236 = vector.broadcast %and3A_235 : i32 to vector<16xi32>
    %and3A_237 = arith.andi %get3A_217, %and3A_236 : vector<16xi32>
    %mul3A_238 = arith.constant 128 : i32
    %mul3A_239 = vector.broadcast %mul3A_238 : i32 to vector<16xi32>
    %mul3A_240 = arith.muli %and3A_237, %mul3A_239 : vector<16xi32>
    %add3A_241 = arith.addi %add3A_234, %mul3A_240 : vector<16xi32>
    %add3A_242 = arith.addi %add3A_241, %iota3A : vector<16xi32>
    %swap3A_243 = arith.constant 0 : i32
    %swap3A_244 = arith.index_cast %swap3A_243 : i32 to index
    %swap3A_245 = arith.constant 112 : index
    %swap3A_246 = tpu.vector_load %arg9[%swap3A_244, %swap3A_245] {strides = array<i32>} : memref<8x128xi32, #tpu.memory_space<vmem>>, vector<16xi32>,
    tpu.vector_store %arg9[%swap3A_244, %swap3A_245], %add3A_242 {strides = array<i32>} : memref<8x128xi32, #tpu.memory_space<vmem>>, vector<16xi32>,
    %dma_start3A = arith.constant 0 : i32
    %dma_start3A_247 = arith.constant 0 : i32
    %dma_start3A_248 = arith.constant 0 : i32
    %dma_start3A_249 = tpu.memref_slice %arg10[%dma_start3A_247, %dma_start3A_248] : memref<8x128xf32, #tpu.memory_space<vmem>> -> memref<1x128xf32, #tpu.memory_space<vmem>>
    %dma_start3A_250 = tpu.memref_squeeze %dma_start3A_249 : memref<1x128xf32, #tpu.memory_space<vmem>> -> memref<128xf32, #tpu.memory_space<vmem>>
    %dma_start3A_251 = arith.constant 0 : i32
    %dma_start3A_252 = tpu.memref_slice %arg9[%dma_start3A, %dma_start3A_251] : memref<8x128xi32, #tpu.memory_space<vmem>> -> memref<1x128xi32, #tpu.memory_space<vmem>>
    %dma_start3A_253 = tpu.memref_squeeze %dma_start3A_252 : memref<1x128xi32, #tpu.memory_space<vmem>> -> memref<128xi32, #tpu.memory_space<vmem>>
    %dma_start3A_254 = arith.constant 0 : i32
    %dma_start3A_255 = tpu.memref_slice %arg2[%dma_start3A_254] : memref<16384000xf32, #tpu.memory_space<hbm>> -> memref<16384000xf32, #tpu.memory_space<hbm>>
    tpu.enqueue_indirect_dma source(%dma_start3A_255 : memref<16384000xf32, #tpu.memory_space<hbm>>) target(%dma_start3A_250 : memref<128xf32, #tpu.memory_space<vmem>>) offsets(%dma_start3A_253 : memref<128xi32, #tpu.memory_space<vmem>>) semaphore(%arg12 : memref<!tpu.dma_semaphore, #tpu.memory_space<semaphore_mem>>)
    %get3A_256 = arith.constant 128 : index
    %get3A_257 = tpu.vector_load %arg6[%get3A_256] {strides = array<i32>} : memref<1024xi32, #tpu.memory_space<vmem>>, vector<16xi32>,
    %shift_right_arithmetic3A_258 = arith.constant 3 : i32
    %shift_right_arithmetic3A_259 = vector.broadcast %shift_right_arithmetic3A_258 : i32 to vector<16xi32>
    %shift_right_arithmetic3A_260 = arith.shrsi %get3A_257, %shift_right_arithmetic3A_259 : vector<16xi32>
    %mul3A_261 = arith.constant 131072 : i32
    %mul3A_262 = vector.broadcast %mul3A_261 : i32 to vector<16xi32>
    %mul3A_263 = arith.muli %shift_right_arithmetic3A_260, %mul3A_262 : vector<16xi32>
    %mul3A_264 = arith.constant 8 : i32
    %mul3A_265 = arith.muli %add3A, %mul3A_264 : i32
    %add3A_266 = arith.constant 1 : i32
    %add3A_267 = arith.addi %mul3A_265, %add3A_266 : i32
    %mul3A_268 = arith.constant 1024 : i32
    %mul3A_269 = arith.muli %add3A_267, %mul3A_268 : i32
    %add3A_270 = vector.broadcast %mul3A_269 : i32 to vector<16xi32>
    %add3A_271 = arith.addi %mul3A_263, %add3A_270 : vector<16xi32>
    %add3A_272 = arith.constant 0 : i32
    %add3A_273 = vector.broadcast %add3A_272 : i32 to vector<16xi32>
    %add3A_274 = arith.addi %add3A_271, %add3A_273 : vector<16xi32>
    %and3A_275 = arith.constant 7 : i32
    %and3A_276 = vector.broadcast %and3A_275 : i32 to vector<16xi32>
    %and3A_277 = arith.andi %get3A_257, %and3A_276 : vector<16xi32>
    %mul3A_278 = arith.constant 128 : i32
    %mul3A_279 = vector.broadcast %mul3A_278 : i32 to vector<16xi32>
    %mul3A_280 = arith.muli %and3A_277, %mul3A_279 : vector<16xi32>
    %add3A_281 = arith.addi %add3A_274, %mul3A_280 : vector<16xi32>
    %add3A_282 = arith.addi %add3A_281, %iota3A : vector<16xi32>
    %swap3A_283 = arith.constant 1 : i32
    %swap3A_284 = arith.index_cast %swap3A_283 : i32 to index
    %swap3A_285 = arith.constant 0 : index
    %swap3A_286 = tpu.vector_load %arg9[%swap3A_284, %swap3A_285] {strides = array<i32>} : memref<8x128xi32, #tpu.memory_space<vmem>>, vector<16xi32>,
    tpu.vector_store %arg9[%swap3A_284, %swap3A_285], %add3A_282 {strides = array<i32>} : memref<8x128xi32, #tpu.memory_space<vmem>>, vector<16xi32>,
    %get3A_287 = arith.constant 144 : index
    %get3A_288 = tpu.vector_load %arg6[%get3A_287] {strides = array<i32>} : memref<1024xi32, #tpu.memory_space<vmem>>, vector<16xi32>,
    %shift_right_arithmetic3A_289 = arith.constant 3 : i32
    %shift_right_arithmetic3A_290 = vector.broadcast %shift_right_arithmetic3A_289 : i32 to vector<16xi32>
    %shift_right_arithmetic3A_291 = arith.shrsi %get3A_288, %shift_right_arithmetic3A_290 : vector<16xi32>
    %mul3A_292 = arith.constant 131072 : i32
    %mul3A_293 = vector.broadcast %mul3A_292 : i32 to vector<16xi32>
    %mul3A_294 = arith.muli %shift_right_arithmetic3A_291, %mul3A_293 : vector<16xi32>
    %mul3A_295 = arith.constant 8 : i32
    %mul3A_296 = arith.muli %add3A, %mul3A_295 : i32
    %add3A_297 = arith.constant 1 : i32
    %add3A_298 = arith.addi %mul3A_296, %add3A_297 : i32
    %mul3A_299 = arith.constant 1024 : i32
    %mul3A_300 = arith.muli %add3A_298, %mul3A_299 : i32
    %add3A_301 = vector.broadcast %mul3A_300 : i32 to vector<16xi32>
    %add3A_302 = arith.addi %mul3A_294, %add3A_301 : vector<16xi32>
    %add3A_303 = arith.constant 16 : i32
    %add3A_304 = vector.broadcast %add3A_303 : i32 to vector<16xi32>
    %add3A_305 = arith.addi %add3A_302, %add3A_304 : vector<16xi32>
    %and3A_306 = arith.constant 7 : i32
    %and3A_307 = vector.broadcast %and3A_306 : i32 to vector<16xi32>
    %and3A_308 = arith.andi %get3A_288, %and3A_307 : vector<16xi32>
    %mul3A_309 = arith.constant 128 : i32
    %mul3A_310 = vector.broadcast %mul3A_309 : i32 to vector<16xi32>
    %mul3A_311 = arith.muli %and3A_308, %mul3A_310 : vector<16xi32>
    %add3A_312 = arith.addi %add3A_305, %mul3A_311 : vector<16xi32>
    %add3A_313 = arith.addi %add3A_312, %iota3A : vector<16xi32>
    %swap3A_314 = arith.constant 1 : i32
    %swap3A_315 = arith.index_cast %swap3A_314 : i32 to index
    %swap3A_316 = arith.constant 16 : index
    %swap3A_317 = tpu.vector_load %arg9[%swap3A_315, %swap3A_316] {strides = array<i32>} : memref<8x128xi32, #tpu.memory_space<vmem>>, vector<16xi32>,
    tpu.vector_store %arg9[%swap3A_315, %swap3A_316], %add3A_313 {strides = array<i32>} : memref<8x128xi32, #tpu.memory_space<vmem>>, vector<16xi32>,
    %get3A_318 = arith.constant 160 : index
    %get3A_319 = tpu.vector_load %arg6[%get3A_318] {strides = array<i32>} : memref<1024xi32, #tpu.memory_space<vmem>>, vector<16xi32>,
    %shift_right_arithmetic3A_320 = arith.constant 3 : i32
    %shift_right_arithmetic3A_321 = vector.broadcast %shift_right_arithmetic3A_320 : i32 to vector<16xi32>
    %shift_right_arithmetic3A_322 = arith.shrsi %get3A_319, %shift_right_arithmetic3A_321 : vector<16xi32>
    %mul3A_323 = arith.constant 131072 : i32
    %mul3A_324 = vector.broadcast %mul3A_323 : i32 to vector<16xi32>
    %mul3A_325 = arith.muli %shift_right_arithmetic3A_322, %mul3A_324 : vector<16xi32>
    %mul3A_326 = arith.constant 8 : i32
    %mul3A_327 = arith.muli %add3A, %mul3A_326 : i32
    %add3A_328 = arith.constant 1 : i32
    %add3A_329 = arith.addi %mul3A_327, %add3A_328 : i32
    %mul3A_330 = arith.constant 1024 : i32
    %mul3A_331 = arith.muli %add3A_329, %mul3A_330 : i32
    %add3A_332 = vector.broadcast %mul3A_331 : i32 to vector<16xi32>
    %add3A_333 = arith.addi %mul3A_325, %add3A_332 : vector<16xi32>
    %add3A_334 = arith.constant 32 : i32
    %add3A_335 = vector.broadcast %add3A_334 : i32 to vector<16xi32>
    %add3A_336 = arith.addi %add3A_333, %add3A_335 : vector<16xi32>
    %and3A_337 = arith.constant 7 : i32
    %and3A_338 = vector.broadcast %and3A_337 : i32 to vector<16xi32>
    %and3A_339 = arith.andi %get3A_319, %and3A_338 : vector<16xi32>
    %mul3A_340 = arith.constant 128 : i32
    %mul3A_341 = vector.broadcast %mul3A_340 : i32 to vector<16xi32>
    %mul3A_342 = arith.muli %and3A_339, %mul3A_341 : vector<16xi32>
    %add3A_343 = arith.addi %add3A_336, %mul3A_342 : vector<16xi32>
    %add3A_344 = arith.addi %add3A_343, %iota3A : vector<16xi32>
    %swap3A_345 = arith.constant 1 : i32
    %swap3A_346 = arith.index_cast %swap3A_345 : i32 to index
    %swap3A_347 = arith.constant 32 : index
    %swap3A_348 = tpu.vector_load %arg9[%swap3A_346, %swap3A_347] {strides = array<i32>} : memref<8x128xi32, #tpu.memory_space<vmem>>, vector<16xi32>,
    tpu.vector_store %arg9[%swap3A_346, %swap3A_347], %add3A_344 {strides = array<i32>} : memref<8x128xi32, #tpu.memory_space<vmem>>, vector<16xi32>,
    %get3A_349 = arith.constant 176 : index
    %get3A_350 = tpu.vector_load %arg6[%get3A_349] {strides = array<i32>} : memref<1024xi32, #tpu.memory_space<vmem>>, vector<16xi32>,
    %shift_right_arithmetic3A_351 = arith.constant 3 : i32
    %shift_right_arithmetic3A_352 = vector.broadcast %shift_right_arithmetic3A_351 : i32 to vector<16xi32>
    %shift_right_arithmetic3A_353 = arith.shrsi %get3A_350, %shift_right_arithmetic3A_352 : vector<16xi32>
    %mul3A_354 = arith.constant 131072 : i32
    %mul3A_355 = vector.broadcast %mul3A_354 : i32 to vector<16xi32>
    %mul3A_356 = arith.muli %shift_right_arithmetic3A_353, %mul3A_355 : vector<16xi32>
    %mul3A_357 = arith.constant 8 : i32
    %mul3A_358 = arith.muli %add3A, %mul3A_357 : i32
    %add3A_359 = arith.constant 1 : i32
    %add3A_360 = arith.addi %mul3A_358, %add3A_359 : i32
    %mul3A_361 = arith.constant 1024 : i32
    %mul3A_362 = arith.muli %add3A_360, %mul3A_361 : i32
    %add3A_363 = vector.broadcast %mul3A_362 : i32 to vector<16xi32>
    %add3A_364 = arith.addi %mul3A_356, %add3A_363 : vector<16xi32>
    %add3A_365 = arith.constant 48 : i32
    %add3A_366 = vector.broadcast %add3A_365 : i32 to vector<16xi32>
    %add3A_367 = arith.addi %add3A_364, %add3A_366 : vector<16xi32>
    %and3A_368 = arith.constant 7 : i32
    %and3A_369 = vector.broadcast %and3A_368 : i32 to vector<16xi32>
    %and3A_370 = arith.andi %get3A_350, %and3A_369 : vector<16xi32>
    %mul3A_371 = arith.constant 128 : i32
    %mul3A_372 = vector.broadcast %mul3A_371 : i32 to vector<16xi32>
    %mul3A_373 = arith.muli %and3A_370, %mul3A_372 : vector<16xi32>
    %add3A_374 = arith.addi %add3A_367, %mul3A_373 : vector<16xi32>
    %add3A_375 = arith.addi %add3A_374, %iota3A : vector<16xi32>
    %swap3A_376 = arith.constant 1 : i32
    %swap3A_377 = arith.index_cast %swap3A_376 : i32 to index
    %swap3A_378 = arith.constant 48 : index
    %swap3A_379 = tpu.vector_load %arg9[%swap3A_377, %swap3A_378] {strides = array<i32>} : memref<8x128xi32, #tpu.memory_space<vmem>>, vector<16xi32>,
    tpu.vector_store %arg9[%swap3A_377, %swap3A_378], %add3A_375 {strides = array<i32>} : memref<8x128xi32, #tpu.memory_space<vmem>>, vector<16xi32>,
    %get3A_380 = arith.constant 192 : index
    %get3A_381 = tpu.vector_load %arg6[%get3A_380] {strides = array<i32>} : memref<1024xi32, #tpu.memory_space<vmem>>, vector<16xi32>,
    %shift_right_arithmetic3A_382 = arith.constant 3 : i32
    %shift_right_arithmetic3A_383 = vector.broadcast %shift_right_arithmetic3A_382 : i32 to vector<16xi32>
    %shift_right_arithmetic3A_384 = arith.shrsi %get3A_381, %shift_right_arithmetic3A_383 : vector<16xi32>
    %mul3A_385 = arith.constant 131072 : i32
    %mul3A_386 = vector.broadcast %mul3A_385 : i32 to vector<16xi32>
    %mul3A_387 = arith.muli %shift_right_arithmetic3A_384, %mul3A_386 : vector<16xi32>
    %mul3A_388 = arith.constant 8 : i32
    %mul3A_389 = arith.muli %add3A, %mul3A_388 : i32
    %add3A_390 = arith.constant 1 : i32
    %add3A_391 = arith.addi %mul3A_389, %add3A_390 : i32
    %mul3A_392 = arith.constant 1024 : i32
    %mul3A_393 = arith.muli %add3A_391, %mul3A_392 : i32
    %add3A_394 = vector.broadcast %mul3A_393 : i32 to vector<16xi32>
    %add3A_395 = arith.addi %mul3A_387, %add3A_394 : vector<16xi32>
    %add3A_396 = arith.constant 64 : i32
    %add3A_397 = vector.broadcast %add3A_396 : i32 to vector<16xi32>
    %add3A_398 = arith.addi %add3A_395, %add3A_397 : vector<16xi32>
    %and3A_399 = arith.constant 7 : i32
    %and3A_400 = vector.broadcast %and3A_399 : i32 to vector<16xi32>
    %and3A_401 = arith.andi %get3A_381, %and3A_400 : vector<16xi32>
    %mul3A_402 = arith.constant 128 : i32
    %mul3A_403 = vector.broadcast %mul3A_402 : i32 to vector<16xi32>
    %mul3A_404 = arith.muli %and3A_401, %mul3A_403 : vector<16xi32>
    %add3A_405 = arith.addi %add3A_398, %mul3A_404 : vector<16xi32>
    %add3A_406 = arith.addi %add3A_405, %iota3A : vector<16xi32>
    %swap3A_407 = arith.constant 1 : i32
    %swap3A_408 = arith.index_cast %swap3A_407 : i32 to index
    %swap3A_409 = arith.constant 64 : index
    %swap3A_410 = tpu.vector_load %arg9[%swap3A_408, %swap3A_409] {strides = array<i32>} : memref<8x128xi32, #tpu.memory_space<vmem>>, vector<16xi32>,
    tpu.vector_store %arg9[%swap3A_408, %swap3A_409], %add3A_406 {strides = array<i32>} : memref<8x128xi32, #tpu.memory_space<vmem>>, vector<16xi32>,
    %get3A_411 = arith.constant 208 : index
    %get3A_412 = tpu.vector_load %arg6[%get3A_411] {strides = array<i32>} : memref<1024xi32, #tpu.memory_space<vmem>>, vector<16xi32>,
    %shift_right_arithmetic3A_413 = arith.constant 3 : i32
    %shift_right_arithmetic3A_414 = vector.broadcast %shift_right_arithmetic3A_413 : i32 to vector<16xi32>
    %shift_right_arithmetic3A_415 = arith.shrsi %get3A_412, %shift_right_arithmetic3A_414 : vector<16xi32>
    %mul3A_416 = arith.constant 131072 : i32
    %mul3A_417 = vector.broadcast %mul3A_416 : i32 to vector<16xi32>
    %mul3A_418 = arith.muli %shift_right_arithmetic3A_415, %mul3A_417 : vector<16xi32>
    %mul3A_419 = arith.constant 8 : i32
    %mul3A_420 = arith.muli %add3A, %mul3A_419 : i32
    %add3A_421 = arith.constant 1 : i32
    %add3A_422 = arith.addi %mul3A_420, %add3A_421 : i32
    %mul3A_423 = arith.constant 1024 : i32
    %mul3A_424 = arith.muli %add3A_422, %mul3A_423 : i32
    %add3A_425 = vector.broadcast %mul3A_424 : i32 to vector<16xi32>
    %add3A_426 = arith.addi %mul3A_418, %add3A_425 : vector<16xi32>
    %add3A_427 = arith.constant 80 : i32
    %add3A_428 = vector.broadcast %add3A_427 : i32 to vector<16xi32>
    %add3A_429 = arith.addi %add3A_426, %add3A_428 : vector<16xi32>
    %and3A_430 = arith.constant 7 : i32
    %and3A_431 = vector.broadcast %and3A_430 : i32 to vector<16xi32>
    %and3A_432 = arith.andi %get3A_412, %and3A_431 : vector<16xi32>
    %mul3A_433 = arith.constant 128 : i32
    %mul3A_434 = vector.broadcast %mul3A_433 : i32 to vector<16xi32>
    %mul3A_435 = arith.muli %and3A_432, %mul3A_434 : vector<16xi32>
    %add3A_436 = arith.addi %add3A_429, %mul3A_435 : vector<16xi32>
    %add3A_437 = arith.addi %add3A_436, %iota3A : vector<16xi32>
    %swap3A_438 = arith.constant 1 : i32
    %swap3A_439 = arith.index_cast %swap3A_438 : i32 to index
    %swap3A_440 = arith.constant 80 : index
    %swap3A_441 = tpu.vector_load %arg9[%swap3A_439, %swap3A_440] {strides = array<i32>} : memref<8x128xi32, #tpu.memory_space<vmem>>, vector<16xi32>,
    tpu.vector_store %arg9[%swap3A_439, %swap3A_440], %add3A_437 {strides = array<i32>} : memref<8x128xi32, #tpu.memory_space<vmem>>, vector<16xi32>,
    %get3A_442 = arith.constant 224 : index
    %get3A_443 = tpu.vector_load %arg6[%get3A_442] {strides = array<i32>} : memref<1024xi32, #tpu.memory_space<vmem>>, vector<16xi32>,
    %shift_right_arithmetic3A_444 = arith.constant 3 : i32
    %shift_right_arithmetic3A_445 = vector.broadcast %shift_right_arithmetic3A_444 : i32 to vector<16xi32>
    %shift_right_arithmetic3A_446 = arith.shrsi %get3A_443, %shift_right_arithmetic3A_445 : vector<16xi32>
    %mul3A_447 = arith.constant 131072 : i32
    %mul3A_448 = vector.broadcast %mul3A_447 : i32 to vector<16xi32>
    %mul3A_449 = arith.muli %shift_right_arithmetic3A_446, %mul3A_448 : vector<16xi32>
    %mul3A_450 = arith.constant 8 : i32
    %mul3A_451 = arith.muli %add3A, %mul3A_450 : i32
    %add3A_452 = arith.constant 1 : i32
    %add3A_453 = arith.addi %mul3A_451, %add3A_452 : i32
    %mul3A_454 = arith.constant 1024 : i32
    %mul3A_455 = arith.muli %add3A_453, %mul3A_454 : i32
    %add3A_456 = vector.broadcast %mul3A_455 : i32 to vector<16xi32>
    %add3A_457 = arith.addi %mul3A_449, %add3A_456 : vector<16xi32>
    %add3A_458 = arith.constant 96 : i32
    %add3A_459 = vector.broadcast %add3A_458 : i32 to vector<16xi32>
    %add3A_460 = arith.addi %add3A_457, %add3A_459 : vector<16xi32>
    %and3A_461 = arith.constant 7 : i32
    %and3A_462 = vector.broadcast %and3A_461 : i32 to vector<16xi32>
    %and3A_463 = arith.andi %get3A_443, %and3A_462 : vector<16xi32>
    %mul3A_464 = arith.constant 128 : i32
    %mul3A_465 = vector.broadcast %mul3A_464 : i32 to vector<16xi32>
    %mul3A_466 = arith.muli %and3A_463, %mul3A_465 : vector<16xi32>
    %add3A_467 = arith.addi %add3A_460, %mul3A_466 : vector<16xi32>
    %add3A_468 = arith.addi %add3A_467, %iota3A : vector<16xi32>
    %swap3A_469 = arith.constant 1 : i32
    %swap3A_470 = arith.index_cast %swap3A_469 : i32 to index
    %swap3A_471 = arith.constant 96 : index
    %swap3A_472 = tpu.vector_load %arg9[%swap3A_470, %swap3A_471] {strides = array<i32>} : memref<8x128xi32, #tpu.memory_space<vmem>>, vector<16xi32>,
    tpu.vector_store %arg9[%swap3A_470, %swap3A_471], %add3A_468 {strides = array<i32>} : memref<8x128xi32, #tpu.memory_space<vmem>>, vector<16xi32>,
    %get3A_473 = arith.constant 240 : index
    %get3A_474 = tpu.vector_load %arg6[%get3A_473] {strides = array<i32>} : memref<1024xi32, #tpu.memory_space<vmem>>, vector<16xi32>,
    %shift_right_arithmetic3A_475 = arith.constant 3 : i32
    %shift_right_arithmetic3A_476 = vector.broadcast %shift_right_arithmetic3A_475 : i32 to vector<16xi32>
    %shift_right_arithmetic3A_477 = arith.shrsi %get3A_474, %shift_right_arithmetic3A_476 : vector<16xi32>
    %mul3A_478 = arith.constant 131072 : i32
    %mul3A_479 = vector.broadcast %mul3A_478 : i32 to vector<16xi32>
    %mul3A_480 = arith.muli %shift_right_arithmetic3A_477, %mul3A_479 : vector<16xi32>
    %mul3A_481 = arith.constant 8 : i32
    %mul3A_482 = arith.muli %add3A, %mul3A_481 : i32
    %add3A_483 = arith.constant 1 : i32
    %add3A_484 = arith.addi %mul3A_482, %add3A_483 : i32
    %mul3A_485 = arith.constant 1024 : i32
    %mul3A_486 = arith.muli %add3A_484, %mul3A_485 : i32
    %add3A_487 = vector.broadcast %mul3A_486 : i32 to vector<16xi32>
    %add3A_488 = arith.addi %mul3A_480, %add3A_487 : vector<16xi32>
    %add3A_489 = arith.constant 112 : i32
    %add3A_490 = vector.broadcast %add3A_489 : i32 to vector<16xi32>
    %add3A_491 = arith.addi %add3A_488, %add3A_490 : vector<16xi32>
    %and3A_492 = arith.constant 7 : i32
    %and3A_493 = vector.broadcast %and3A_492 : i32 to vector<16xi32>
    %and3A_494 = arith.andi %get3A_474, %and3A_493 : vector<16xi32>
    %mul3A_495 = arith.constant 128 : i32
    %mul3A_496 = vector.broadcast %mul3A_495 : i32 to vector<16xi32>
    %mul3A_497 = arith.muli %and3A_494, %mul3A_496 : vector<16xi32>
    %add3A_498 = arith.addi %add3A_491, %mul3A_497 : vector<16xi32>
    %add3A_499 = arith.addi %add3A_498, %iota3A : vector<16xi32>
    %swap3A_500 = arith.constant 1 : i32
    %swap3A_501 = arith.index_cast %swap3A_500 : i32 to index
    %swap3A_502 = arith.constant 112 : index
    %swap3A_503 = tpu.vector_load %arg9[%swap3A_501, %swap3A_502] {strides = array<i32>} : memref<8x128xi32, #tpu.memory_space<vmem>>, vector<16xi32>,
    tpu.vector_store %arg9[%swap3A_501, %swap3A_502], %add3A_499 {strides = array<i32>} : memref<8x128xi32, #tpu.memory_space<vmem>>, vector<16xi32>,
    %dma_start3A_504 = arith.constant 1 : i32
    %dma_start3A_505 = arith.constant 1 : i32
    %dma_start3A_506 = arith.constant 0 : i32
    %dma_start3A_507 = tpu.memref_slice %arg10[%dma_start3A_505, %dma_start3A_506] : memref<8x128xf32, #tpu.memory_space<vmem>> -> memref<1x128xf32, #tpu.memory_space<vmem>>
    %dma_start3A_508 = tpu.memref_squeeze %dma_start3A_507 : memref<1x128xf32, #tpu.memory_space<vmem>> -> memref<128xf32, #tpu.memory_space<vmem>>
    %dma_start3A_509 = arith.constant 0 : i32
    %dma_start3A_510 = tpu.memref_slice %arg9[%dma_start3A_504, %dma_start3A_509] : memref<8x128xi32, #tpu.memory_space<vmem>> -> memref<1x128xi32, #tpu.memory_space<vmem>>
    %dma_start3A_511 = tpu.memref_squeeze %dma_start3A_510 : memref<1x128xi32, #tpu.memory_space<vmem>> -> memref<128xi32, #tpu.memory_space<vmem>>
    %dma_start3A_512 = arith.constant 0 : i32
    %dma_start3A_513 = tpu.memref_slice %arg2[%dma_start3A_512] : memref<16384000xf32, #tpu.memory_space<hbm>> -> memref<16384000xf32, #tpu.memory_space<hbm>>
    tpu.enqueue_indirect_dma source(%dma_start3A_513 : memref<16384000xf32, #tpu.memory_space<hbm>>) target(%dma_start3A_508 : memref<128xf32, #tpu.memory_space<vmem>>) offsets(%dma_start3A_511 : memref<128xi32, #tpu.memory_space<vmem>>) semaphore(%arg12 : memref<!tpu.dma_semaphore, #tpu.memory_space<semaphore_mem>>)
    %get3A_514 = arith.constant 256 : index
    %get3A_515 = tpu.vector_load %arg6[%get3A_514] {strides = array<i32>} : memref<1024xi32, #tpu.memory_space<vmem>>, vector<16xi32>,
    %shift_right_arithmetic3A_516 = arith.constant 3 : i32
    %shift_right_arithmetic3A_517 = vector.broadcast %shift_right_arithmetic3A_516 : i32 to vector<16xi32>
    %shift_right_arithmetic3A_518 = arith.shrsi %get3A_515, %shift_right_arithmetic3A_517 : vector<16xi32>
    %mul3A_519 = arith.constant 131072 : i32
    %mul3A_520 = vector.broadcast %mul3A_519 : i32 to vector<16xi32>
    %mul3A_521 = arith.muli %shift_right_arithmetic3A_518, %mul3A_520 : vector<16xi32>
    %mul3A_522 = arith.constant 8 : i32
    %mul3A_523 = arith.muli %add3A, %mul3A_522 : i32
    %add3A_524 = arith.constant 2 : i32
    %add3A_525 = arith.addi %mul3A_523, %add3A_524 : i32
    %mul3A_526 = arith.constant 1024 : i32
    %mul3A_527 = arith.muli %add3A_525, %mul3A_526 : i32
    %add3A_528 = vector.broadcast %mul3A_527 : i32 to vector<16xi32>
    %add3A_529 = arith.addi %mul3A_521, %add3A_528 : vector<16xi32>
    %add3A_530 = arith.constant 0 : i32
    %add3A_531 = vector.broadcast %add3A_530 : i32 to vector<16xi32>
    %add3A_532 = arith.addi %add3A_529, %add3A_531 : vector<16xi32>
    %and3A_533 = arith.constant 7 : i32
    %and3A_534 = vector.broadcast %and3A_533 : i32 to vector<16xi32>
    %and3A_535 = arith.andi %get3A_515, %and3A_534 : vector<16xi32>
    %mul3A_536 = arith.constant 128 : i32
    %mul3A_537 = vector.broadcast %mul3A_536 : i32 to vector<16xi32>
    %mul3A_538 = arith.muli %and3A_535, %mul3A_537 : vector<16xi32>
    %add3A_539 = arith.addi %add3A_532, %mul3A_538 : vector<16xi32>
    %add3A_540 = arith.addi %add3A_539, %iota3A : vector<16xi32>
    %swap3A_541 = arith.constant 2 : i32
    %swap3A_542 = arith.index_cast %swap3A_541 : i32 to index
    %swap3A_543 = arith.constant 0 : index
    %swap3A_544 = tpu.vector_load %arg9[%swap3A_542, %swap3A_543] {strides = array<i32>} : memref<8x128xi32, #tpu.memory_space<vmem>>, vector<16xi32>,
    tpu.vector_store %arg9[%swap3A_542, %swap3A_543], %add3A_540 {strides = array<i32>} : memref<8x128xi32, #tpu.memory_space<vmem>>, vector<16xi32>,
    %get3A_545 = arith.constant 272 : index
    %get3A_546 = tpu.vector_load %arg6[%get3A_545] {strides = array<i32>} : memref<1024xi32, #tpu.memory_space<vmem>>, vector<16xi32>,
    %shift_right_arithmetic3A_547 = arith.constant 3 : i32
    %shift_right_arithmetic3A_548 = vector.broadcast %shift_right_arithmetic3A_547 : i32 to vector<16xi32>
    %shift_right_arithmetic3A_549 = arith.shrsi %get3A_546, %shift_right_arithmetic3A_548 : vector<16xi32>
    %mul3A_550 = arith.constant 131072 : i32
    %mul3A_551 = vector.broadcast %mul3A_550 : i32 to vector<16xi32>
    %mul3A_552 = arith.muli %shift_right_arithmetic3A_549, %mul3A_551 : vector<16xi32>
    %mul3A_553 = arith.constant 8 : i32
    %mul3A_554 = arith.muli %add3A, %mul3A_553 : i32
    %add3A_555 = arith.constant 2 : i32
    %add3A_556 = arith.addi %mul3A_554, %add3A_555 : i32
    %mul3A_557 = arith.constant 1024 : i32
    %mul3A_558 = arith.muli %add3A_556, %mul3A_557 : i32
    %add3A_559 = vector.broadcast %mul3A_558 : i32 to vector<16xi32>
    %add3A_560 = arith.addi %mul3A_552, %add3A_559 : vector<16xi32>
    %add3A_561 = arith.constant 16 : i32
    %add3A_562 = vector.broadcast %add3A_561 : i32 to vector<16xi32>
    %add3A_563 = arith.addi %add3A_560, %add3A_562 : vector<16xi32>
    %and3A_564 = arith.constant 7 : i32
    %and3A_565 = vector.broadcast %and3A_564 : i32 to vector<16xi32>
    %and3A_566 = arith.andi %get3A_546, %and3A_565 : vector<16xi32>
    %mul3A_567 = arith.constant 128 : i32
    %mul3A_568 = vector.broadcast %mul3A_567 : i32 to vector<16xi32>
    %mul3A_569 = arith.muli %and3A_566, %mul3A_568 : vector<16xi32>
    %add3A_570 = arith.addi %add3A_563, %mul3A_569 : vector<16xi32>
    %add3A_571 = arith.addi %add3A_570, %iota3A : vector<16xi32>
    %swap3A_572 = arith.constant 2 : i32
    %swap3A_573 = arith.index_cast %swap3A_572 : i32 to index
    %swap3A_574 = arith.constant 16 : index
    %swap3A_575 = tpu.vector_load %arg9[%swap3A_573, %swap3A_574] {strides = array<i32>} : memref<8x128xi32, #tpu.memory_space<vmem>>, vector<16xi32>,
    tpu.vector_store %arg9[%swap3A_573, %swap3A_574], %add3A_571 {strides = array<i32>} : memref<8x128xi32, #tpu.memory_space<vmem>>, vector<16xi32>,
    %get3A_576 = arith.constant 288 : index
    %get3A_577 = tpu.vector_load %arg6[%get3A_576] {strides = array<i32>} : memref<1024xi32, #tpu.memory_space<vmem>>, vector<16xi32>,
    %shift_right_arithmetic3A_578 = arith.constant 3 : i32
    %shift_right_arithmetic3A_579 = vector.broadcast %shift_right_arithmetic3A_578 : i32 to vector<16xi32>
    %shift_right_arithmetic3A_580 = arith.shrsi %get3A_577, %shift_right_arithmetic3A_579 : vector<16xi32>
    %mul3A_581 = arith.constant 131072 : i32
    %mul3A_582 = vector.broadcast %mul3A_581 : i32 to vector<16xi32>
    %mul3A_583 = arith.muli %shift_right_arithmetic3A_580, %mul3A_582 : vector<16xi32>
    %mul3A_584 = arith.constant 8 : i32
    %mul3A_585 = arith.muli %add3A, %mul3A_584 : i32
    %add3A_586 = arith.constant 2 : i32
    %add3A_587 = arith.addi %mul3A_585, %add3A_586 : i32
    %mul3A_588 = arith.constant 1024 : i32
    %mul3A_589 = arith.muli %add3A_587, %mul3A_588 : i32
    %add3A_590 = vector.broadcast %mul3A_589 : i32 to vector<16xi32>
    %add3A_591 = arith.addi %mul3A_583, %add3A_590 : vector<16xi32>
    %add3A_592 = arith.constant 32 : i32
    %add3A_593 = vector.broadcast %add3A_592 : i32 to vector<16xi32>
    %add3A_594 = arith.addi %add3A_591, %add3A_593 : vector<16xi32>
    %and3A_595 = arith.constant 7 : i32
    %and3A_596 = vector.broadcast %and3A_595 : i32 to vector<16xi32>
    %and3A_597 = arith.andi %get3A_577, %and3A_596 : vector<16xi32>
    %mul3A_598 = arith.constant 128 : i32
    %mul3A_599 = vector.broadcast %mul3A_598 : i32 to vector<16xi32>
    %mul3A_600 = arith.muli %and3A_597, %mul3A_599 : vector<16xi32>
    %add3A_601 = arith.addi %add3A_594, %mul3A_600 : vector<16xi32>
    %add3A_602 = arith.addi %add3A_601, %iota3A : vector<16xi32>
    %swap3A_603 = arith.constant 2 : i32
    %swap3A_604 = arith.index_cast %swap3A_603 : i32 to index
    %swap3A_605 = arith.constant 32 : index
    %swap3A_606 = tpu.vector_load %arg9[%swap3A_604, %swap3A_605] {strides = array<i32>} : memref<8x128xi32, #tpu.memory_space<vmem>>, vector<16xi32>,
    tpu.vector_store %arg9[%swap3A_604, %swap3A_605], %add3A_602 {strides = array<i32>} : memref<8x128xi32, #tpu.memory_space<vmem>>, vector<16xi32>,
    %get3A_607 = arith.constant 304 : index
    %get3A_608 = tpu.vector_load %arg6[%get3A_607] {strides = array<i32>} : memref<1024xi32, #tpu.memory_space<vmem>>, vector<16xi32>,
    %shift_right_arithmetic3A_609 = arith.constant 3 : i32
    %shift_right_arithmetic3A_610 = vector.broadcast %shift_right_arithmetic3A_609 : i32 to vector<16xi32>
    %shift_right_arithmetic3A_611 = arith.shrsi %get3A_608, %shift_right_arithmetic3A_610 : vector<16xi32>
    %mul3A_612 = arith.constant 131072 : i32
    %mul3A_613 = vector.broadcast %mul3A_612 : i32 to vector<16xi32>
    %mul3A_614 = arith.muli %shift_right_arithmetic3A_611, %mul3A_613 : vector<16xi32>
    %mul3A_615 = arith.constant 8 : i32
    %mul3A_616 = arith.muli %add3A, %mul3A_615 : i32
    %add3A_617 = arith.constant 2 : i32
    %add3A_618 = arith.addi %mul3A_616, %add3A_617 : i32
    %mul3A_619 = arith.constant 1024 : i32
    %mul3A_620 = arith.muli %add3A_618, %mul3A_619 : i32
    %add3A_621 = vector.broadcast %mul3A_620 : i32 to vector<16xi32>
    %add3A_622 = arith.addi %mul3A_614, %add3A_621 : vector<16xi32>
    %add3A_623 = arith.constant 48 : i32
    %add3A_624 = vector.broadcast %add3A_623 : i32 to vector<16xi32>
    %add3A_625 = arith.addi %add3A_622, %add3A_624 : vector<16xi32>
    %and3A_626 = arith.constant 7 : i32
    %and3A_627 = vector.broadcast %and3A_626 : i32 to vector<16xi32>
    %and3A_628 = arith.andi %get3A_608, %and3A_627 : vector<16xi32>
    %mul3A_629 = arith.constant 128 : i32
    %mul3A_630 = vector.broadcast %mul3A_629 : i32 to vector<16xi32>
    %mul3A_631 = arith.muli %and3A_628, %mul3A_630 : vector<16xi32>
    %add3A_632 = arith.addi %add3A_625, %mul3A_631 : vector<16xi32>
    %add3A_633 = arith.addi %add3A_632, %iota3A : vector<16xi32>
    %swap3A_634 = arith.constant 2 : i32
    %swap3A_635 = arith.index_cast %swap3A_634 : i32 to index
    %swap3A_636 = arith.constant 48 : index
    %swap3A_637 = tpu.vector_load %arg9[%swap3A_635, %swap3A_636] {strides = array<i32>} : memref<8x128xi32, #tpu.memory_space<vmem>>, vector<16xi32>,
    tpu.vector_store %arg9[%swap3A_635, %swap3A_636], %add3A_633 {strides = array<i32>} : memref<8x128xi32, #tpu.memory_space<vmem>>, vector<16xi32>,
    %get3A_638 = arith.constant 320 : index
    %get3A_639 = tpu.vector_load %arg6[%get3A_638] {strides = array<i32>} : memref<1024xi32, #tpu.memory_space<vmem>>, vector<16xi32>,
    %shift_right_arithmetic3A_640 = arith.constant 3 : i32
    %shift_right_arithmetic3A_641 = vector.broadcast %shift_right_arithmetic3A_640 : i32 to vector<16xi32>
    %shift_right_arithmetic3A_642 = arith.shrsi %get3A_639, %shift_right_arithmetic3A_641 : vector<16xi32>
    %mul3A_643 = arith.constant 131072 : i32
    %mul3A_644 = vector.broadcast %mul3A_643 : i32 to vector<16xi32>
    %mul3A_645 = arith.muli %shift_right_arithmetic3A_642, %mul3A_644 : vector<16xi32>
    %mul3A_646 = arith.constant 8 : i32
    %mul3A_647 = arith.muli %add3A, %mul3A_646 : i32
    %add3A_648 = arith.constant 2 : i32
    %add3A_649 = arith.addi %mul3A_647, %add3A_648 : i32
    %mul3A_650 = arith.constant 1024 : i32
    %mul3A_651 = arith.muli %add3A_649, %mul3A_650 : i32
    %add3A_652 = vector.broadcast %mul3A_651 : i32 to vector<16xi32>
    %add3A_653 = arith.addi %mul3A_645, %add3A_652 : vector<16xi32>
    %add3A_654 = arith.constant 64 : i32
    %add3A_655 = vector.broadcast %add3A_654 : i32 to vector<16xi32>
    %add3A_656 = arith.addi %add3A_653, %add3A_655 : vector<16xi32>
    %and3A_657 = arith.constant 7 : i32
    %and3A_658 = vector.broadcast %and3A_657 : i32 to vector<16xi32>
    %and3A_659 = arith.andi %get3A_639, %and3A_658 : vector<16xi32>
    %mul3A_660 = arith.constant 128 : i32
    %mul3A_661 = vector.broadcast %mul3A_660 : i32 to vector<16xi32>
    %mul3A_662 = arith.muli %and3A_659, %mul3A_661 : vector<16xi32>
    %add3A_663 = arith.addi %add3A_656, %mul3A_662 : vector<16xi32>
    %add3A_664 = arith.addi %add3A_663, %iota3A : vector<16xi32>
    %swap3A_665 = arith.constant 2 : i32
    %swap3A_666 = arith.index_cast %swap3A_665 : i32 to index
    %swap3A_667 = arith.constant 64 : index
    %swap3A_668 = tpu.vector_load %arg9[%swap3A_666, %swap3A_667] {strides = array<i32>} : memref<8x128xi32, #tpu.memory_space<vmem>>, vector<16xi32>,
    tpu.vector_store %arg9[%swap3A_666, %swap3A_667], %add3A_664 {strides = array<i32>} : memref<8x128xi32, #tpu.memory_space<vmem>>, vector<16xi32>,
    %get3A_669 = arith.constant 336 : index
    %get3A_670 = tpu.vector_load %arg6[%get3A_669] {strides = array<i32>} : memref<1024xi32, #tpu.memory_space<vmem>>, vector<16xi32>,
    %shift_right_arithmetic3A_671 = arith.constant 3 : i32
    %shift_right_arithmetic3A_672 = vector.broadcast %shift_right_arithmetic3A_671 : i32 to vector<16xi32>
    %shift_right_arithmetic3A_673 = arith.shrsi %get3A_670, %shift_right_arithmetic3A_672 : vector<16xi32>
    %mul3A_674 = arith.constant 131072 : i32
    %mul3A_675 = vector.broadcast %mul3A_674 : i32 to vector<16xi32>
    %mul3A_676 = arith.muli %shift_right_arithmetic3A_673, %mul3A_675 : vector<16xi32>
    %mul3A_677 = arith.constant 8 : i32
    %mul3A_678 = arith.muli %add3A, %mul3A_677 : i32
    %add3A_679 = arith.constant 2 : i32
    %add3A_680 = arith.addi %mul3A_678, %add3A_679 : i32
    %mul3A_681 = arith.constant 1024 : i32
    %mul3A_682 = arith.muli %add3A_680, %mul3A_681 : i32
    %add3A_683 = vector.broadcast %mul3A_682 : i32 to vector<16xi32>
    %add3A_684 = arith.addi %mul3A_676, %add3A_683 : vector<16xi32>
    %add3A_685 = arith.constant 80 : i32
    %add3A_686 = vector.broadcast %add3A_685 : i32 to vector<16xi32>
    %add3A_687 = arith.addi %add3A_684, %add3A_686 : vector<16xi32>
    %and3A_688 = arith.constant 7 : i32
    %and3A_689 = vector.broadcast %and3A_688 : i32 to vector<16xi32>
    %and3A_690 = arith.andi %get3A_670, %and3A_689 : vector<16xi32>
    %mul3A_691 = arith.constant 128 : i32
    %mul3A_692 = vector.broadcast %mul3A_691 : i32 to vector<16xi32>
    %mul3A_693 = arith.muli %and3A_690, %mul3A_692 : vector<16xi32>
    %add3A_694 = arith.addi %add3A_687, %mul3A_693 : vector<16xi32>
    %add3A_695 = arith.addi %add3A_694, %iota3A : vector<16xi32>
    %swap3A_696 = arith.constant 2 : i32
    %swap3A_697 = arith.index_cast %swap3A_696 : i32 to index
    %swap3A_698 = arith.constant 80 : index
    %swap3A_699 = tpu.vector_load %arg9[%swap3A_697, %swap3A_698] {strides = array<i32>} : memref<8x128xi32, #tpu.memory_space<vmem>>, vector<16xi32>,
    tpu.vector_store %arg9[%swap3A_697, %swap3A_698], %add3A_695 {strides = array<i32>} : memref<8x128xi32, #tpu.memory_space<vmem>>, vector<16xi32>,
    %get3A_700 = arith.constant 352 : index
    %get3A_701 = tpu.vector_load %arg6[%get3A_700] {strides = array<i32>} : memref<1024xi32, #tpu.memory_space<vmem>>, vector<16xi32>,
    %shift_right_arithmetic3A_702 = arith.constant 3 : i32
    %shift_right_arithmetic3A_703 = vector.broadcast %shift_right_arithmetic3A_702 : i32 to vector<16xi32>
    %shift_right_arithmetic3A_704 = arith.shrsi %get3A_701, %shift_right_arithmetic3A_703 : vector<16xi32>
    %mul3A_705 = arith.constant 131072 : i32
    %mul3A_706 = vector.broadcast %mul3A_705 : i32 to vector<16xi32>
    %mul3A_707 = arith.muli %shift_right_arithmetic3A_704, %mul3A_706 : vector<16xi32>
    %mul3A_708 = arith.constant 8 : i32
    %mul3A_709 = arith.muli %add3A, %mul3A_708 : i32
    %add3A_710 = arith.constant 2 : i32
    %add3A_711 = arith.addi %mul3A_709, %add3A_710 : i32
    %mul3A_712 = arith.constant 1024 : i32
    %mul3A_713 = arith.muli %add3A_711, %mul3A_712 : i32
    %add3A_714 = vector.broadcast %mul3A_713 : i32 to vector<16xi32>
    %add3A_715 = arith.addi %mul3A_707, %add3A_714 : vector<16xi32>
    %add3A_716 = arith.constant 96 : i32
    %add3A_717 = vector.broadcast %add3A_716 : i32 to vector<16xi32>
    %add3A_718 = arith.addi %add3A_715, %add3A_717 : vector<16xi32>
    %and3A_719 = arith.constant 7 : i32
    %and3A_720 = vector.broadcast %and3A_719 : i32 to vector<16xi32>
    %and3A_721 = arith.andi %get3A_701, %and3A_720 : vector<16xi32>
    %mul3A_722 = arith.constant 128 : i32
    %mul3A_723 = vector.broadcast %mul3A_722 : i32 to vector<16xi32>
    %mul3A_724 = arith.muli %and3A_721, %mul3A_723 : vector<16xi32>
    %add3A_725 = arith.addi %add3A_718, %mul3A_724 : vector<16xi32>
    %add3A_726 = arith.addi %add3A_725, %iota3A : vector<16xi32>
    %swap3A_727 = arith.constant 2 : i32
    %swap3A_728 = arith.index_cast %swap3A_727 : i32 to index
    %swap3A_729 = arith.constant 96 : index
    %swap3A_730 = tpu.vector_load %arg9[%swap3A_728, %swap3A_729] {strides = array<i32>} : memref<8x128xi32, #tpu.memory_space<vmem>>, vector<16xi32>,
    tpu.vector_store %arg9[%swap3A_728, %swap3A_729], %add3A_726 {strides = array<i32>} : memref<8x128xi32, #tpu.memory_space<vmem>>, vector<16xi32>,
    %get3A_731 = arith.constant 368 : index
    %get3A_732 = tpu.vector_load %arg6[%get3A_731] {strides = array<i32>} : memref<1024xi32, #tpu.memory_space<vmem>>, vector<16xi32>,
    %shift_right_arithmetic3A_733 = arith.constant 3 : i32
    %shift_right_arithmetic3A_734 = vector.broadcast %shift_right_arithmetic3A_733 : i32 to vector<16xi32>
    %shift_right_arithmetic3A_735 = arith.shrsi %get3A_732, %shift_right_arithmetic3A_734 : vector<16xi32>
    %mul3A_736 = arith.constant 131072 : i32
    %mul3A_737 = vector.broadcast %mul3A_736 : i32 to vector<16xi32>
    %mul3A_738 = arith.muli %shift_right_arithmetic3A_735, %mul3A_737 : vector<16xi32>
    %mul3A_739 = arith.constant 8 : i32
    %mul3A_740 = arith.muli %add3A, %mul3A_739 : i32
    %add3A_741 = arith.constant 2 : i32
    %add3A_742 = arith.addi %mul3A_740, %add3A_741 : i32
    %mul3A_743 = arith.constant 1024 : i32
    %mul3A_744 = arith.muli %add3A_742, %mul3A_743 : i32
    %add3A_745 = vector.broadcast %mul3A_744 : i32 to vector<16xi32>
    %add3A_746 = arith.addi %mul3A_738, %add3A_745 : vector<16xi32>
    %add3A_747 = arith.constant 112 : i32
    %add3A_748 = vector.broadcast %add3A_747 : i32 to vector<16xi32>
    %add3A_749 = arith.addi %add3A_746, %add3A_748 : vector<16xi32>
    %and3A_750 = arith.constant 7 : i32
    %and3A_751 = vector.broadcast %and3A_750 : i32 to vector<16xi32>
    %and3A_752 = arith.andi %get3A_732, %and3A_751 : vector<16xi32>
    %mul3A_753 = arith.constant 128 : i32
    %mul3A_754 = vector.broadcast %mul3A_753 : i32 to vector<16xi32>
    %mul3A_755 = arith.muli %and3A_752, %mul3A_754 : vector<16xi32>
    %add3A_756 = arith.addi %add3A_749, %mul3A_755 : vector<16xi32>
    %add3A_757 = arith.addi %add3A_756, %iota3A : vector<16xi32>
    %swap3A_758 = arith.constant 2 : i32
    %swap3A_759 = arith.index_cast %swap3A_758 : i32 to index
    %swap3A_760 = arith.constant 112 : index
    %swap3A_761 = tpu.vector_load %arg9[%swap3A_759, %swap3A_760] {strides = array<i32>} : memref<8x128xi32, #tpu.memory_space<vmem>>, vector<16xi32>,
    tpu.vector_store %arg9[%swap3A_759, %swap3A_760], %add3A_757 {strides = array<i32>} : memref<8x128xi32, #tpu.memory_space<vmem>>, vector<16xi32>,
    %dma_start3A_762 = arith.constant 2 : i32
    %dma_start3A_763 = arith.constant 2 : i32
    %dma_start3A_764 = arith.constant 0 : i32
    %dma_start3A_765 = tpu.memref_slice %arg10[%dma_start3A_763, %dma_start3A_764] : memref<8x128xf32, #tpu.memory_space<vmem>> -> memref<1x128xf32, #tpu.memory_space<vmem>>
    %dma_start3A_766 = tpu.memref_squeeze %dma_start3A_765 : memref<1x128xf32, #tpu.memory_space<vmem>> -> memref<128xf32, #tpu.memory_space<vmem>>
    %dma_start3A_767 = arith.constant 0 : i32
    %dma_start3A_768 = tpu.memref_slice %arg9[%dma_start3A_762, %dma_start3A_767] : memref<8x128xi32, #tpu.memory_space<vmem>> -> memref<1x128xi32, #tpu.memory_space<vmem>>
    %dma_start3A_769 = tpu.memref_squeeze %dma_start3A_768 : memref<1x128xi32, #tpu.memory_space<vmem>> -> memref<128xi32, #tpu.memory_space<vmem>>
    %dma_start3A_770 = arith.constant 0 : i32
    %dma_start3A_771 = tpu.memref_slice %arg2[%dma_start3A_770] : memref<16384000xf32, #tpu.memory_space<hbm>> -> memref<16384000xf32, #tpu.memory_space<hbm>>
    tpu.enqueue_indirect_dma source(%dma_start3A_771 : memref<16384000xf32, #tpu.memory_space<hbm>>) target(%dma_start3A_766 : memref<128xf32, #tpu.memory_space<vmem>>) offsets(%dma_start3A_769 : memref<128xi32, #tpu.memory_space<vmem>>) semaphore(%arg12 : memref<!tpu.dma_semaphore, #tpu.memory_space<semaphore_mem>>)
    %get3A_772 = arith.constant 384 : index
    %get3A_773 = tpu.vector_load %arg6[%get3A_772] {strides = array<i32>} : memref<1024xi32, #tpu.memory_space<vmem>>, vector<16xi32>,
    %shift_right_arithmetic3A_774 = arith.constant 3 : i32
    %shift_right_arithmetic3A_775 = vector.broadcast %shift_right_arithmetic3A_774 : i32 to vector<16xi32>
    %shift_right_arithmetic3A_776 = arith.shrsi %get3A_773, %shift_right_arithmetic3A_775 : vector<16xi32>
    %mul3A_777 = arith.constant 131072 : i32
    %mul3A_778 = vector.broadcast %mul3A_777 : i32 to vector<16xi32>
    %mul3A_779 = arith.muli %shift_right_arithmetic3A_776, %mul3A_778 : vector<16xi32>
    %mul3A_780 = arith.constant 8 : i32
    %mul3A_781 = arith.muli %add3A, %mul3A_780 : i32
    %add3A_782 = arith.constant 3 : i32
    %add3A_783 = arith.addi %mul3A_781, %add3A_782 : i32
    %mul3A_784 = arith.constant 1024 : i32
    %mul3A_785 = arith.muli %add3A_783, %mul3A_784 : i32
    %add3A_786 = vector.broadcast %mul3A_785 : i32 to vector<16xi32>
    %add3A_787 = arith.addi %mul3A_779, %add3A_786 : vector<16xi32>
    %add3A_788 = arith.constant 0 : i32
    %add3A_789 = vector.broadcast %add3A_788 : i32 to vector<16xi32>
    %add3A_790 = arith.addi %add3A_787, %add3A_789 : vector<16xi32>
    %and3A_791 = arith.constant 7 : i32
    %and3A_792 = vector.broadcast %and3A_791 : i32 to vector<16xi32>
    %and3A_793 = arith.andi %get3A_773, %and3A_792 : vector<16xi32>
    %mul3A_794 = arith.constant 128 : i32
    %mul3A_795 = vector.broadcast %mul3A_794 : i32 to vector<16xi32>
    %mul3A_796 = arith.muli %and3A_793, %mul3A_795 : vector<16xi32>
    %add3A_797 = arith.addi %add3A_790, %mul3A_796 : vector<16xi32>
    %add3A_798 = arith.addi %add3A_797, %iota3A : vector<16xi32>
    %swap3A_799 = arith.constant 3 : i32
    %swap3A_800 = arith.index_cast %swap3A_799 : i32 to index
    %swap3A_801 = arith.constant 0 : index
    %swap3A_802 = tpu.vector_load %arg9[%swap3A_800, %swap3A_801] {strides = array<i32>} : memref<8x128xi32, #tpu.memory_space<vmem>>, vector<16xi32>,
    tpu.vector_store %arg9[%swap3A_800, %swap3A_801], %add3A_798 {strides = array<i32>} : memref<8x128xi32, #tpu.memory_space<vmem>>, vector<16xi32>,
    %get3A_803 = arith.constant 400 : index
    %get3A_804 = tpu.vector_load %arg6[%get3A_803] {strides = array<i32>} : memref<1024xi32, #tpu.memory_space<vmem>>, vector<16xi32>,
    %shift_right_arithmetic3A_805 = arith.constant 3 : i32
    %shift_right_arithmetic3A_806 = vector.broadcast %shift_right_arithmetic3A_805 : i32 to vector<16xi32>
    %shift_right_arithmetic3A_807 = arith.shrsi %get3A_804, %shift_right_arithmetic3A_806 : vector<16xi32>
    %mul3A_808 = arith.constant 131072 : i32
    %mul3A_809 = vector.broadcast %mul3A_808 : i32 to vector<16xi32>
    %mul3A_810 = arith.muli %shift_right_arithmetic3A_807, %mul3A_809 : vector<16xi32>
    %mul3A_811 = arith.constant 8 : i32
    %mul3A_812 = arith.muli %add3A, %mul3A_811 : i32
    %add3A_813 = arith.constant 3 : i32
    %add3A_814 = arith.addi %mul3A_812, %add3A_813 : i32
    %mul3A_815 = arith.constant 1024 : i32
    %mul3A_816 = arith.muli %add3A_814, %mul3A_815 : i32
    %add3A_817 = vector.broadcast %mul3A_816 : i32 to vector<16xi32>
    %add3A_818 = arith.addi %mul3A_810, %add3A_817 : vector<16xi32>
    %add3A_819 = arith.constant 16 : i32
    %add3A_820 = vector.broadcast %add3A_819 : i32 to vector<16xi32>
    %add3A_821 = arith.addi %add3A_818, %add3A_820 : vector<16xi32>
    %and3A_822 = arith.constant 7 : i32
    %and3A_823 = vector.broadcast %and3A_822 : i32 to vector<16xi32>
    %and3A_824 = arith.andi %get3A_804, %and3A_823 : vector<16xi32>
    %mul3A_825 = arith.constant 128 : i32
    %mul3A_826 = vector.broadcast %mul3A_825 : i32 to vector<16xi32>
    %mul3A_827 = arith.muli %and3A_824, %mul3A_826 : vector<16xi32>
    %add3A_828 = arith.addi %add3A_821, %mul3A_827 : vector<16xi32>
    %add3A_829 = arith.addi %add3A_828, %iota3A : vector<16xi32>
    %swap3A_830 = arith.constant 3 : i32
    %swap3A_831 = arith.index_cast %swap3A_830 : i32 to index
    %swap3A_832 = arith.constant 16 : index
    %swap3A_833 = tpu.vector_load %arg9[%swap3A_831, %swap3A_832] {strides = array<i32>} : memref<8x128xi32, #tpu.memory_space<vmem>>, vector<16xi32>,
    tpu.vector_store %arg9[%swap3A_831, %swap3A_832], %add3A_829 {strides = array<i32>} : memref<8x128xi32, #tpu.memory_space<vmem>>, vector<16xi32>,
    %get3A_834 = arith.constant 416 : index
    %get3A_835 = tpu.vector_load %arg6[%get3A_834] {strides = array<i32>} : memref<1024xi32, #tpu.memory_space<vmem>>, vector<16xi32>,
    %shift_right_arithmetic3A_836 = arith.constant 3 : i32
    %shift_right_arithmetic3A_837 = vector.broadcast %shift_right_arithmetic3A_836 : i32 to vector<16xi32>
    %shift_right_arithmetic3A_838 = arith.shrsi %get3A_835, %shift_right_arithmetic3A_837 : vector<16xi32>
    %mul3A_839 = arith.constant 131072 : i32
    %mul3A_840 = vector.broadcast %mul3A_839 : i32 to vector<16xi32>
    %mul3A_841 = arith.muli %shift_right_arithmetic3A_838, %mul3A_840 : vector<16xi32>
    %mul3A_842 = arith.constant 8 : i32
    %mul3A_843 = arith.muli %add3A, %mul3A_842 : i32
    %add3A_844 = arith.constant 3 : i32
    %add3A_845 = arith.addi %mul3A_843, %add3A_844 : i32
    %mul3A_846 = arith.constant 1024 : i32
    %mul3A_847 = arith.muli %add3A_845, %mul3A_846 : i32
    %add3A_848 = vector.broadcast %mul3A_847 : i32 to vector<16xi32>
    %add3A_849 = arith.addi %mul3A_841, %add3A_848 : vector<16xi32>
    %add3A_850 = arith.constant 32 : i32
    %add3A_851 = vector.broadcast %add3A_850 : i32 to vector<16xi32>
    %add3A_852 = arith.addi %add3A_849, %add3A_851 : vector<16xi32>
    %and3A_853 = arith.constant 7 : i32
    %and3A_854 = vector.broadcast %and3A_853 : i32 to vector<16xi32>
    %and3A_855 = arith.andi %get3A_835, %and3A_854 : vector<16xi32>
    %mul3A_856 = arith.constant 128 : i32
    %mul3A_857 = vector.broadcast %mul3A_856 : i32 to vector<16xi32>
    %mul3A_858 = arith.muli %and3A_855, %mul3A_857 : vector<16xi32>
    %add3A_859 = arith.addi %add3A_852, %mul3A_858 : vector<16xi32>
    %add3A_860 = arith.addi %add3A_859, %iota3A : vector<16xi32>
    %swap3A_861 = arith.constant 3 : i32
    %swap3A_862 = arith.index_cast %swap3A_861 : i32 to index
    %swap3A_863 = arith.constant 32 : index
    %swap3A_864 = tpu.vector_load %arg9[%swap3A_862, %swap3A_863] {strides = array<i32>} : memref<8x128xi32, #tpu.memory_space<vmem>>, vector<16xi32>,
    tpu.vector_store %arg9[%swap3A_862, %swap3A_863], %add3A_860 {strides = array<i32>} : memref<8x128xi32, #tpu.memory_space<vmem>>, vector<16xi32>,
    %get3A_865 = arith.constant 432 : index
    %get3A_866 = tpu.vector_load %arg6[%get3A_865] {strides = array<i32>} : memref<1024xi32, #tpu.memory_space<vmem>>, vector<16xi32>,
    %shift_right_arithmetic3A_867 = arith.constant 3 : i32
    %shift_right_arithmetic3A_868 = vector.broadcast %shift_right_arithmetic3A_867 : i32 to vector<16xi32>
    %shift_right_arithmetic3A_869 = arith.shrsi %get3A_866, %shift_right_arithmetic3A_868 : vector<16xi32>
    %mul3A_870 = arith.constant 131072 : i32
    %mul3A_871 = vector.broadcast %mul3A_870 : i32 to vector<16xi32>
    %mul3A_872 = arith.muli %shift_right_arithmetic3A_869, %mul3A_871 : vector<16xi32>
    %mul3A_873 = arith.constant 8 : i32
    %mul3A_874 = arith.muli %add3A, %mul3A_873 : i32
    %add3A_875 = arith.constant 3 : i32
    %add3A_876 = arith.addi %mul3A_874, %add3A_875 : i32
    %mul3A_877 = arith.constant 1024 : i32
    %mul3A_878 = arith.muli %add3A_876, %mul3A_877 : i32
    %add3A_879 = vector.broadcast %mul3A_878 : i32 to vector<16xi32>
    %add3A_880 = arith.addi %mul3A_872, %add3A_879 : vector<16xi32>
    %add3A_881 = arith.constant 48 : i32
    %add3A_882 = vector.broadcast %add3A_881 : i32 to vector<16xi32>
    %add3A_883 = arith.addi %add3A_880, %add3A_882 : vector<16xi32>
    %and3A_884 = arith.constant 7 : i32
    %and3A_885 = vector.broadcast %and3A_884 : i32 to vector<16xi32>
    %and3A_886 = arith.andi %get3A_866, %and3A_885 : vector<16xi32>
    %mul3A_887 = arith.constant 128 : i32
    %mul3A_888 = vector.broadcast %mul3A_887 : i32 to vector<16xi32>
    %mul3A_889 = arith.muli %and3A_886, %mul3A_888 : vector<16xi32>
    %add3A_890 = arith.addi %add3A_883, %mul3A_889 : vector<16xi32>
    %add3A_891 = arith.addi %add3A_890, %iota3A : vector<16xi32>
    %swap3A_892 = arith.constant 3 : i32
    %swap3A_893 = arith.index_cast %swap3A_892 : i32 to index
    %swap3A_894 = arith.constant 48 : index
    %swap3A_895 = tpu.vector_load %arg9[%swap3A_893, %swap3A_894] {strides = array<i32>} : memref<8x128xi32, #tpu.memory_space<vmem>>, vector<16xi32>,
    tpu.vector_store %arg9[%swap3A_893, %swap3A_894], %add3A_891 {strides = array<i32>} : memref<8x128xi32, #tpu.memory_space<vmem>>, vector<16xi32>,
    %get3A_896 = arith.constant 448 : index
    %get3A_897 = tpu.vector_load %arg6[%get3A_896] {strides = array<i32>} : memref<1024xi32, #tpu.memory_space<vmem>>, vector<16xi32>,
    %shift_right_arithmetic3A_898 = arith.constant 3 : i32
    %shift_right_arithmetic3A_899 = vector.broadcast %shift_right_arithmetic3A_898 : i32 to vector<16xi32>
    %shift_right_arithmetic3A_900 = arith.shrsi %get3A_897, %shift_right_arithmetic3A_899 : vector<16xi32>
    %mul3A_901 = arith.constant 131072 : i32
    %mul3A_902 = vector.broadcast %mul3A_901 : i32 to vector<16xi32>
    %mul3A_903 = arith.muli %shift_right_arithmetic3A_900, %mul3A_902 : vector<16xi32>
    %mul3A_904 = arith.constant 8 : i32
    %mul3A_905 = arith.muli %add3A, %mul3A_904 : i32
    %add3A_906 = arith.constant 3 : i32
    %add3A_907 = arith.addi %mul3A_905, %add3A_906 : i32
    %mul3A_908 = arith.constant 1024 : i32
    %mul3A_909 = arith.muli %add3A_907, %mul3A_908 : i32
    %add3A_910 = vector.broadcast %mul3A_909 : i32 to vector<16xi32>
    %add3A_911 = arith.addi %mul3A_903, %add3A_910 : vector<16xi32>
    %add3A_912 = arith.constant 64 : i32
    %add3A_913 = vector.broadcast %add3A_912 : i32 to vector<16xi32>
    %add3A_914 = arith.addi %add3A_911, %add3A_913 : vector<16xi32>
    %and3A_915 = arith.constant 7 : i32
    %and3A_916 = vector.broadcast %and3A_915 : i32 to vector<16xi32>
    %and3A_917 = arith.andi %get3A_897, %and3A_916 : vector<16xi32>
    %mul3A_918 = arith.constant 128 : i32
    %mul3A_919 = vector.broadcast %mul3A_918 : i32 to vector<16xi32>
    %mul3A_920 = arith.muli %and3A_917, %mul3A_919 : vector<16xi32>
    %add3A_921 = arith.addi %add3A_914, %mul3A_920 : vector<16xi32>
    %add3A_922 = arith.addi %add3A_921, %iota3A : vector<16xi32>
    %swap3A_923 = arith.constant 3 : i32
    %swap3A_924 = arith.index_cast %swap3A_923 : i32 to index
    %swap3A_925 = arith.constant 64 : index
    %swap3A_926 = tpu.vector_load %arg9[%swap3A_924, %swap3A_925] {strides = array<i32>} : memref<8x128xi32, #tpu.memory_space<vmem>>, vector<16xi32>,
    tpu.vector_store %arg9[%swap3A_924, %swap3A_925], %add3A_922 {strides = array<i32>} : memref<8x128xi32, #tpu.memory_space<vmem>>, vector<16xi32>,
    %get3A_927 = arith.constant 464 : index
    %get3A_928 = tpu.vector_load %arg6[%get3A_927] {strides = array<i32>} : memref<1024xi32, #tpu.memory_space<vmem>>, vector<16xi32>,
    %shift_right_arithmetic3A_929 = arith.constant 3 : i32
    %shift_right_arithmetic3A_930 = vector.broadcast %shift_right_arithmetic3A_929 : i32 to vector<16xi32>
    %shift_right_arithmetic3A_931 = arith.shrsi %get3A_928, %shift_right_arithmetic3A_930 : vector<16xi32>
    %mul3A_932 = arith.constant 131072 : i32
    %mul3A_933 = vector.broadcast %mul3A_932 : i32 to vector<16xi32>
    %mul3A_934 = arith.muli %shift_right_arithmetic3A_931, %mul3A_933 : vector<16xi32>
    %mul3A_935 = arith.constant 8 : i32
    %mul3A_936 = arith.muli %add3A, %mul3A_935 : i32
    %add3A_937 = arith.constant 3 : i32
    %add3A_938 = arith.addi %mul3A_936, %add3A_937 : i32
    %mul3A_939 = arith.constant 1024 : i32
    %mul3A_940 = arith.muli %add3A_938, %mul3A_939 : i32
    %add3A_941 = vector.broadcast %mul3A_940 : i32 to vector<16xi32>
    %add3A_942 = arith.addi %mul3A_934, %add3A_941 : vector<16xi32>
    %add3A_943 = arith.constant 80 : i32
    %add3A_944 = vector.broadcast %add3A_943 : i32 to vector<16xi32>
    %add3A_945 = arith.addi %add3A_942, %add3A_944 : vector<16xi32>
    %and3A_946 = arith.constant 7 : i32
    %and3A_947 = vector.broadcast %and3A_946 : i32 to vector<16xi32>
    %and3A_948 = arith.andi %get3A_928, %and3A_947 : vector<16xi32>
    %mul3A_949 = arith.constant 128 : i32
    %mul3A_950 = vector.broadcast %mul3A_949 : i32 to vector<16xi32>
    %mul3A_951 = arith.muli %and3A_948, %mul3A_950 : vector<16xi32>
    %add3A_952 = arith.addi %add3A_945, %mul3A_951 : vector<16xi32>
    %add3A_953 = arith.addi %add3A_952, %iota3A : vector<16xi32>
    %swap3A_954 = arith.constant 3 : i32
    %swap3A_955 = arith.index_cast %swap3A_954 : i32 to index
    %swap3A_956 = arith.constant 80 : index
    %swap3A_957 = tpu.vector_load %arg9[%swap3A_955, %swap3A_956] {strides = array<i32>} : memref<8x128xi32, #tpu.memory_space<vmem>>, vector<16xi32>,
    tpu.vector_store %arg9[%swap3A_955, %swap3A_956], %add3A_953 {strides = array<i32>} : memref<8x128xi32, #tpu.memory_space<vmem>>, vector<16xi32>,
    %get3A_958 = arith.constant 480 : index
    %get3A_959 = tpu.vector_load %arg6[%get3A_958] {strides = array<i32>} : memref<1024xi32, #tpu.memory_space<vmem>>, vector<16xi32>,
    %shift_right_arithmetic3A_960 = arith.constant 3 : i32
    %shift_right_arithmetic3A_961 = vector.broadcast %shift_right_arithmetic3A_960 : i32 to vector<16xi32>
    %shift_right_arithmetic3A_962 = arith.shrsi %get3A_959, %shift_right_arithmetic3A_961 : vector<16xi32>
    %mul3A_963 = arith.constant 131072 : i32
    %mul3A_964 = vector.broadcast %mul3A_963 : i32 to vector<16xi32>
    %mul3A_965 = arith.muli %shift_right_arithmetic3A_962, %mul3A_964 : vector<16xi32>
    %mul3A_966 = arith.constant 8 : i32
    %mul3A_967 = arith.muli %add3A, %mul3A_966 : i32
    %add3A_968 = arith.constant 3 : i32
    %add3A_969 = arith.addi %mul3A_967, %add3A_968 : i32
    %mul3A_970 = arith.constant 1024 : i32
    %mul3A_971 = arith.muli %add3A_969, %mul3A_970 : i32
    %add3A_972 = vector.broadcast %mul3A_971 : i32 to vector<16xi32>
    %add3A_973 = arith.addi %mul3A_965, %add3A_972 : vector<16xi32>
    %add3A_974 = arith.constant 96 : i32
    %add3A_975 = vector.broadcast %add3A_974 : i32 to vector<16xi32>
    %add3A_976 = arith.addi %add3A_973, %add3A_975 : vector<16xi32>
    %and3A_977 = arith.constant 7 : i32
    %and3A_978 = vector.broadcast %and3A_977 : i32 to vector<16xi32>
    %and3A_979 = arith.andi %get3A_959, %and3A_978 : vector<16xi32>
    %mul3A_980 = arith.constant 128 : i32
    %mul3A_981 = vector.broadcast %mul3A_980 : i32 to vector<16xi32>
    %mul3A_982 = arith.muli %and3A_979, %mul3A_981 : vector<16xi32>
    %add3A_983 = arith.addi %add3A_976, %mul3A_982 : vector<16xi32>
    %add3A_984 = arith.addi %add3A_983, %iota3A : vector<16xi32>
    %swap3A_985 = arith.constant 3 : i32
    %swap3A_986 = arith.index_cast %swap3A_985 : i32 to index
    %swap3A_987 = arith.constant 96 : index
    %swap3A_988 = tpu.vector_load %arg9[%swap3A_986, %swap3A_987] {strides = array<i32>} : memref<8x128xi32, #tpu.memory_space<vmem>>, vector<16xi32>,
    tpu.vector_store %arg9[%swap3A_986, %swap3A_987], %add3A_984 {strides = array<i32>} : memref<8x128xi32, #tpu.memory_space<vmem>>, vector<16xi32>,
    %get3A_989 = arith.constant 496 : index
    %get3A_990 = tpu.vector_load %arg6[%get3A_989] {strides = array<i32>} : memref<1024xi32, #tpu.memory_space<vmem>>, vector<16xi32>,
    %shift_right_arithmetic3A_991 = arith.constant 3 : i32
    %shift_right_arithmetic3A_992 = vector.broadcast %shift_right_arithmetic3A_991 : i32 to vector<16xi32>
    %shift_right_arithmetic3A_993 = arith.shrsi %get3A_990, %shift_right_arithmetic3A_992 : vector<16xi32>
    %mul3A_994 = arith.constant 131072 : i32
    %mul3A_995 = vector.broadcast %mul3A_994 : i32 to vector<16xi32>
    %mul3A_996 = arith.muli %shift_right_arithmetic3A_993, %mul3A_995 : vector<16xi32>
    %mul3A_997 = arith.constant 8 : i32
    %mul3A_998 = arith.muli %add3A, %mul3A_997 : i32
    %add3A_999 = arith.constant 3 : i32
    %add3A_1000 = arith.addi %mul3A_998, %add3A_999 : i32
    %mul3A_1001 = arith.constant 1024 : i32
    %mul3A_1002 = arith.muli %add3A_1000, %mul3A_1001 : i32
    %add3A_1003 = vector.broadcast %mul3A_1002 : i32 to vector<16xi32>
    %add3A_1004 = arith.addi %mul3A_996, %add3A_1003 : vector<16xi32>
    %add3A_1005 = arith.constant 112 : i32
    %add3A_1006 = vector.broadcast %add3A_1005 : i32 to vector<16xi32>
    %add3A_1007 = arith.addi %add3A_1004, %add3A_1006 : vector<16xi32>
    %and3A_1008 = arith.constant 7 : i32
    %and3A_1009 = vector.broadcast %and3A_1008 : i32 to vector<16xi32>
    %and3A_1010 = arith.andi %get3A_990, %and3A_1009 : vector<16xi32>
    %mul3A_1011 = arith.constant 128 : i32
    %mul3A_1012 = vector.broadcast %mul3A_1011 : i32 to vector<16xi32>
    %mul3A_1013 = arith.muli %and3A_1010, %mul3A_1012 : vector<16xi32>
    %add3A_1014 = arith.addi %add3A_1007, %mul3A_1013 : vector<16xi32>
    %add3A_1015 = arith.addi %add3A_1014, %iota3A : vector<16xi32>
    %swap3A_1016 = arith.constant 3 : i32
    %swap3A_1017 = arith.index_cast %swap3A_1016 : i32 to index
    %swap3A_1018 = arith.constant 112 : index
    %swap3A_1019 = tpu.vector_load %arg9[%swap3A_1017, %swap3A_1018] {strides = array<i32>} : memref<8x128xi32, #tpu.memory_space<vmem>>, vector<16xi32>,
    tpu.vector_store %arg9[%swap3A_1017, %swap3A_1018], %add3A_1015 {strides = array<i32>} : memref<8x128xi32, #tpu.memory_space<vmem>>, vector<16xi32>,
    %dma_start3A_1020 = arith.constant 3 : i32
    %dma_start3A_1021 = arith.constant 3 : i32
    %dma_start3A_1022 = arith.constant 0 : i32
    %dma_start3A_1023 = tpu.memref_slice %arg10[%dma_start3A_1021, %dma_start3A_1022] : memref<8x128xf32, #tpu.memory_space<vmem>> -> memref<1x128xf32, #tpu.memory_space<vmem>>
    %dma_start3A_1024 = tpu.memref_squeeze %dma_start3A_1023 : memref<1x128xf32, #tpu.memory_space<vmem>> -> memref<128xf32, #tpu.memory_space<vmem>>
    %dma_start3A_1025 = arith.constant 0 : i32
    %dma_start3A_1026 = tpu.memref_slice %arg9[%dma_start3A_1020, %dma_start3A_1025] : memref<8x128xi32, #tpu.memory_space<vmem>> -> memref<1x128xi32, #tpu.memory_space<vmem>>
    %dma_start3A_1027 = tpu.memref_squeeze %dma_start3A_1026 : memref<1x128xi32, #tpu.memory_space<vmem>> -> memref<128xi32, #tpu.memory_space<vmem>>
    %dma_start3A_1028 = arith.constant 0 : i32
    %dma_start3A_1029 = tpu.memref_slice %arg2[%dma_start3A_1028] : memref<16384000xf32, #tpu.memory_space<hbm>> -> memref<16384000xf32, #tpu.memory_space<hbm>>
    tpu.enqueue_indirect_dma source(%dma_start3A_1029 : memref<16384000xf32, #tpu.memory_space<hbm>>) target(%dma_start3A_1024 : memref<128xf32, #tpu.memory_space<vmem>>) offsets(%dma_start3A_1027 : memref<128xi32, #tpu.memory_space<vmem>>) semaphore(%arg12 : memref<!tpu.dma_semaphore, #tpu.memory_space<semaphore_mem>>)
    %get3A_1030 = arith.constant 512 : index
    %get3A_1031 = tpu.vector_load %arg6[%get3A_1030] {strides = array<i32>} : memref<1024xi32, #tpu.memory_space<vmem>>, vector<16xi32>,
    %shift_right_arithmetic3A_1032 = arith.constant 3 : i32
    %shift_right_arithmetic3A_1033 = vector.broadcast %shift_right_arithmetic3A_1032 : i32 to vector<16xi32>
    %shift_right_arithmetic3A_1034 = arith.shrsi %get3A_1031, %shift_right_arithmetic3A_1033 : vector<16xi32>
    %mul3A_1035 = arith.constant 131072 : i32
    %mul3A_1036 = vector.broadcast %mul3A_1035 : i32 to vector<16xi32>
    %mul3A_1037 = arith.muli %shift_right_arithmetic3A_1034, %mul3A_1036 : vector<16xi32>
    %mul3A_1038 = arith.constant 8 : i32
    %mul3A_1039 = arith.muli %add3A, %mul3A_1038 : i32
    %add3A_1040 = arith.constant 4 : i32
    %add3A_1041 = arith.addi %mul3A_1039, %add3A_1040 : i32
    %mul3A_1042 = arith.constant 1024 : i32
    %mul3A_1043 = arith.muli %add3A_1041, %mul3A_1042 : i32
    %add3A_1044 = vector.broadcast %mul3A_1043 : i32 to vector<16xi32>
    %add3A_1045 = arith.addi %mul3A_1037, %add3A_1044 : vector<16xi32>
    %add3A_1046 = arith.constant 0 : i32
    %add3A_1047 = vector.broadcast %add3A_1046 : i32 to vector<16xi32>
    %add3A_1048 = arith.addi %add3A_1045, %add3A_1047 : vector<16xi32>
    %and3A_1049 = arith.constant 7 : i32
    %and3A_1050 = vector.broadcast %and3A_1049 : i32 to vector<16xi32>
    %and3A_1051 = arith.andi %get3A_1031, %and3A_1050 : vector<16xi32>
    %mul3A_1052 = arith.constant 128 : i32
    %mul3A_1053 = vector.broadcast %mul3A_1052 : i32 to vector<16xi32>
    %mul3A_1054 = arith.muli %and3A_1051, %mul3A_1053 : vector<16xi32>
    %add3A_1055 = arith.addi %add3A_1048, %mul3A_1054 : vector<16xi32>
    %add3A_1056 = arith.addi %add3A_1055, %iota3A : vector<16xi32>
    %swap3A_1057 = arith.constant 4 : i32
    %swap3A_1058 = arith.index_cast %swap3A_1057 : i32 to index
    %swap3A_1059 = arith.constant 0 : index
    %swap3A_1060 = tpu.vector_load %arg9[%swap3A_1058, %swap3A_1059] {strides = array<i32>} : memref<8x128xi32, #tpu.memory_space<vmem>>, vector<16xi32>,
    tpu.vector_store %arg9[%swap3A_1058, %swap3A_1059], %add3A_1056 {strides = array<i32>} : memref<8x128xi32, #tpu.memory_space<vmem>>, vector<16xi32>,
    %get3A_1061 = arith.constant 528 : index
    %get3A_1062 = tpu.vector_load %arg6[%get3A_1061] {strides = array<i32>} : memref<1024xi32, #tpu.memory_space<vmem>>, vector<16xi32>,
    %shift_right_arithmetic3A_1063 = arith.constant 3 : i32
    %shift_right_arithmetic3A_1064 = vector.broadcast %shift_right_arithmetic3A_1063 : i32 to vector<16xi32>
    %shift_right_arithmetic3A_1065 = arith.shrsi %get3A_1062, %shift_right_arithmetic3A_1064 : vector<16xi32>
    %mul3A_1066 = arith.constant 131072 : i32
    %mul3A_1067 = vector.broadcast %mul3A_1066 : i32 to vector<16xi32>
    %mul3A_1068 = arith.muli %shift_right_arithmetic3A_1065, %mul3A_1067 : vector<16xi32>
    %mul3A_1069 = arith.constant 8 : i32
    %mul3A_1070 = arith.muli %add3A, %mul3A_1069 : i32
    %add3A_1071 = arith.constant 4 : i32
    %add3A_1072 = arith.addi %mul3A_1070, %add3A_1071 : i32
    %mul3A_1073 = arith.constant 1024 : i32
    %mul3A_1074 = arith.muli %add3A_1072, %mul3A_1073 : i32
    %add3A_1075 = vector.broadcast %mul3A_1074 : i32 to vector<16xi32>
    %add3A_1076 = arith.addi %mul3A_1068, %add3A_1075 : vector<16xi32>
    %add3A_1077 = arith.constant 16 : i32
    %add3A_1078 = vector.broadcast %add3A_1077 : i32 to vector<16xi32>
    %add3A_1079 = arith.addi %add3A_1076, %add3A_1078 : vector<16xi32>
    %and3A_1080 = arith.constant 7 : i32
    %and3A_1081 = vector.broadcast %and3A_1080 : i32 to vector<16xi32>
    %and3A_1082 = arith.andi %get3A_1062, %and3A_1081 : vector<16xi32>
    %mul3A_1083 = arith.constant 128 : i32
    %mul3A_1084 = vector.broadcast %mul3A_1083 : i32 to vector<16xi32>
    %mul3A_1085 = arith.muli %and3A_1082, %mul3A_1084 : vector<16xi32>
    %add3A_1086 = arith.addi %add3A_1079, %mul3A_1085 : vector<16xi32>
    %add3A_1087 = arith.addi %add3A_1086, %iota3A : vector<16xi32>
    %swap3A_1088 = arith.constant 4 : i32
    %swap3A_1089 = arith.index_cast %swap3A_1088 : i32 to index
    %swap3A_1090 = arith.constant 16 : index
    %swap3A_1091 = tpu.vector_load %arg9[%swap3A_1089, %swap3A_1090] {strides = array<i32>} : memref<8x128xi32, #tpu.memory_space<vmem>>, vector<16xi32>,
    tpu.vector_store %arg9[%swap3A_1089, %swap3A_1090], %add3A_1087 {strides = array<i32>} : memref<8x128xi32, #tpu.memory_space<vmem>>, vector<16xi32>,
    %get3A_1092 = arith.constant 544 : index
    %get3A_1093 = tpu.vector_load %arg6[%get3A_1092] {strides = array<i32>} : memref<1024xi32, #tpu.memory_space<vmem>>, vector<16xi32>,
    %shift_right_arithmetic3A_1094 = arith.constant 3 : i32
    %shift_right_arithmetic3A_1095 = vector.broadcast %shift_right_arithmetic3A_1094 : i32 to vector<16xi32>
    %shift_right_arithmetic3A_1096 = arith.shrsi %get3A_1093, %shift_right_arithmetic3A_1095 : vector<16xi32>
    %mul3A_1097 = arith.constant 131072 : i32
    %mul3A_1098 = vector.broadcast %mul3A_1097 : i32 to vector<16xi32>
    %mul3A_1099 = arith.muli %shift_right_arithmetic3A_1096, %mul3A_1098 : vector<16xi32>
    %mul3A_1100 = arith.constant 8 : i32
    %mul3A_1101 = arith.muli %add3A, %mul3A_1100 : i32
    %add3A_1102 = arith.constant 4 : i32
    %add3A_1103 = arith.addi %mul3A_1101, %add3A_1102 : i32
    %mul3A_1104 = arith.constant 1024 : i32
    %mul3A_1105 = arith.muli %add3A_1103, %mul3A_1104 : i32
    %add3A_1106 = vector.broadcast %mul3A_1105 : i32 to vector<16xi32>
    %add3A_1107 = arith.addi %mul3A_1099, %add3A_1106 : vector<16xi32>
    %add3A_1108 = arith.constant 32 : i32
    %add3A_1109 = vector.broadcast %add3A_1108 : i32 to vector<16xi32>
    %add3A_1110 = arith.addi %add3A_1107, %add3A_1109 : vector<16xi32>
    %and3A_1111 = arith.constant 7 : i32
    %and3A_1112 = vector.broadcast %and3A_1111 : i32 to vector<16xi32>
    %and3A_1113 = arith.andi %get3A_1093, %and3A_1112 : vector<16xi32>
    %mul3A_1114 = arith.constant 128 : i32
    %mul3A_1115 = vector.broadcast %mul3A_1114 : i32 to vector<16xi32>
    %mul3A_1116 = arith.muli %and3A_1113, %mul3A_1115 : vector<16xi32>
    %add3A_1117 = arith.addi %add3A_1110, %mul3A_1116 : vector<16xi32>
    %add3A_1118 = arith.addi %add3A_1117, %iota3A : vector<16xi32>
    %swap3A_1119 = arith.constant 4 : i32
    %swap3A_1120 = arith.index_cast %swap3A_1119 : i32 to index
    %swap3A_1121 = arith.constant 32 : index
    %swap3A_1122 = tpu.vector_load %arg9[%swap3A_1120, %swap3A_1121] {strides = array<i32>} : memref<8x128xi32, #tpu.memory_space<vmem>>, vector<16xi32>,
    tpu.vector_store %arg9[%swap3A_1120, %swap3A_1121], %add3A_1118 {strides = array<i32>} : memref<8x128xi32, #tpu.memory_space<vmem>>, vector<16xi32>,
    %get3A_1123 = arith.constant 560 : index
    %get3A_1124 = tpu.vector_load %arg6[%get3A_1123] {strides = array<i32>} : memref<1024xi32, #tpu.memory_space<vmem>>, vector<16xi32>,
    %shift_right_arithmetic3A_1125 = arith.constant 3 : i32
    %shift_right_arithmetic3A_1126 = vector.broadcast %shift_right_arithmetic3A_1125 : i32 to vector<16xi32>
    %shift_right_arithmetic3A_1127 = arith.shrsi %get3A_1124, %shift_right_arithmetic3A_1126 : vector<16xi32>
    %mul3A_1128 = arith.constant 131072 : i32
    %mul3A_1129 = vector.broadcast %mul3A_1128 : i32 to vector<16xi32>
    %mul3A_1130 = arith.muli %shift_right_arithmetic3A_1127, %mul3A_1129 : vector<16xi32>
    %mul3A_1131 = arith.constant 8 : i32
    %mul3A_1132 = arith.muli %add3A, %mul3A_1131 : i32
    %add3A_1133 = arith.constant 4 : i32
    %add3A_1134 = arith.addi %mul3A_1132, %add3A_1133 : i32
    %mul3A_1135 = arith.constant 1024 : i32
    %mul3A_1136 = arith.muli %add3A_1134, %mul3A_1135 : i32
    %add3A_1137 = vector.broadcast %mul3A_1136 : i32 to vector<16xi32>
    %add3A_1138 = arith.addi %mul3A_1130, %add3A_1137 : vector<16xi32>
    %add3A_1139 = arith.constant 48 : i32
    %add3A_1140 = vector.broadcast %add3A_1139 : i32 to vector<16xi32>
    %add3A_1141 = arith.addi %add3A_1138, %add3A_1140 : vector<16xi32>
    %and3A_1142 = arith.constant 7 : i32
    %and3A_1143 = vector.broadcast %and3A_1142 : i32 to vector<16xi32>
    %and3A_1144 = arith.andi %get3A_1124, %and3A_1143 : vector<16xi32>
    %mul3A_1145 = arith.constant 128 : i32
    %mul3A_1146 = vector.broadcast %mul3A_1145 : i32 to vector<16xi32>
    %mul3A_1147 = arith.muli %and3A_1144, %mul3A_1146 : vector<16xi32>
    %add3A_1148 = arith.addi %add3A_1141, %mul3A_1147 : vector<16xi32>
    %add3A_1149 = arith.addi %add3A_1148, %iota3A : vector<16xi32>
    %swap3A_1150 = arith.constant 4 : i32
    %swap3A_1151 = arith.index_cast %swap3A_1150 : i32 to index
    %swap3A_1152 = arith.constant 48 : index
    %swap3A_1153 = tpu.vector_load %arg9[%swap3A_1151, %swap3A_1152] {strides = array<i32>} : memref<8x128xi32, #tpu.memory_space<vmem>>, vector<16xi32>,
    tpu.vector_store %arg9[%swap3A_1151, %swap3A_1152], %add3A_1149 {strides = array<i32>} : memref<8x128xi32, #tpu.memory_space<vmem>>, vector<16xi32>,
    %get3A_1154 = arith.constant 576 : index
    %get3A_1155 = tpu.vector_load %arg6[%get3A_1154] {strides = array<i32>} : memref<1024xi32, #tpu.memory_space<vmem>>, vector<16xi32>,
    %shift_right_arithmetic3A_1156 = arith.constant 3 : i32
    %shift_right_arithmetic3A_1157 = vector.broadcast %shift_right_arithmetic3A_1156 : i32 to vector<16xi32>
    %shift_right_arithmetic3A_1158 = arith.shrsi %get3A_1155, %shift_right_arithmetic3A_1157 : vector<16xi32>
    %mul3A_1159 = arith.constant 131072 : i32
    %mul3A_1160 = vector.broadcast %mul3A_1159 : i32 to vector<16xi32>
    %mul3A_1161 = arith.muli %shift_right_arithmetic3A_1158, %mul3A_1160 : vector<16xi32>
    %mul3A_1162 = arith.constant 8 : i32
    %mul3A_1163 = arith.muli %add3A, %mul3A_1162 : i32
    %add3A_1164 = arith.constant 4 : i32
    %add3A_1165 = arith.addi %mul3A_1163, %add3A_1164 : i32
    %mul3A_1166 = arith.constant 1024 : i32
    %mul3A_1167 = arith.muli %add3A_1165, %mul3A_1166 : i32
    %add3A_1168 = vector.broadcast %mul3A_1167 : i32 to vector<16xi32>
    %add3A_1169 = arith.addi %mul3A_1161, %add3A_1168 : vector<16xi32>
    %add3A_1170 = arith.constant 64 : i32
    %add3A_1171 = vector.broadcast %add3A_1170 : i32 to vector<16xi32>
    %add3A_1172 = arith.addi %add3A_1169, %add3A_1171 : vector<16xi32>
    %and3A_1173 = arith.constant 7 : i32
    %and3A_1174 = vector.broadcast %and3A_1173 : i32 to vector<16xi32>
    %and3A_1175 = arith.andi %get3A_1155, %and3A_1174 : vector<16xi32>
    %mul3A_1176 = arith.constant 128 : i32
    %mul3A_1177 = vector.broadcast %mul3A_1176 : i32 to vector<16xi32>
    %mul3A_1178 = arith.muli %and3A_1175, %mul3A_1177 : vector<16xi32>
    %add3A_1179 = arith.addi %add3A_1172, %mul3A_1178 : vector<16xi32>
    %add3A_1180 = arith.addi %add3A_1179, %iota3A : vector<16xi32>
    %swap3A_1181 = arith.constant 4 : i32
    %swap3A_1182 = arith.index_cast %swap3A_1181 : i32 to index
    %swap3A_1183 = arith.constant 64 : index
    %swap3A_1184 = tpu.vector_load %arg9[%swap3A_1182, %swap3A_1183] {strides = array<i32>} : memref<8x128xi32, #tpu.memory_space<vmem>>, vector<16xi32>,
    tpu.vector_store %arg9[%swap3A_1182, %swap3A_1183], %add3A_1180 {strides = array<i32>} : memref<8x128xi32, #tpu.memory_space<vmem>>, vector<16xi32>,
    %get3A_1185 = arith.constant 592 : index
    %get3A_1186 = tpu.vector_load %arg6[%get3A_1185] {strides = array<i32>} : memref<1024xi32, #tpu.memory_space<vmem>>, vector<16xi32>,
    %shift_right_arithmetic3A_1187 = arith.constant 3 : i32
    %shift_right_arithmetic3A_1188 = vector.broadcast %shift_right_arithmetic3A_1187 : i32 to vector<16xi32>
    %shift_right_arithmetic3A_1189 = arith.shrsi %get3A_1186, %shift_right_arithmetic3A_1188 : vector<16xi32>
    %mul3A_1190 = arith.constant 131072 : i32
    %mul3A_1191 = vector.broadcast %mul3A_1190 : i32 to vector<16xi32>
    %mul3A_1192 = arith.muli %shift_right_arithmetic3A_1189, %mul3A_1191 : vector<16xi32>
    %mul3A_1193 = arith.constant 8 : i32
    %mul3A_1194 = arith.muli %add3A, %mul3A_1193 : i32
    %add3A_1195 = arith.constant 4 : i32
    %add3A_1196 = arith.addi %mul3A_1194, %add3A_1195 : i32
    %mul3A_1197 = arith.constant 1024 : i32
    %mul3A_1198 = arith.muli %add3A_1196, %mul3A_1197 : i32
    %add3A_1199 = vector.broadcast %mul3A_1198 : i32 to vector<16xi32>
    %add3A_1200 = arith.addi %mul3A_1192, %add3A_1199 : vector<16xi32>
    %add3A_1201 = arith.constant 80 : i32
    %add3A_1202 = vector.broadcast %add3A_1201 : i32 to vector<16xi32>
    %add3A_1203 = arith.addi %add3A_1200, %add3A_1202 : vector<16xi32>
    %and3A_1204 = arith.constant 7 : i32
    %and3A_1205 = vector.broadcast %and3A_1204 : i32 to vector<16xi32>
    %and3A_1206 = arith.andi %get3A_1186, %and3A_1205 : vector<16xi32>
    %mul3A_1207 = arith.constant 128 : i32
    %mul3A_1208 = vector.broadcast %mul3A_1207 : i32 to vector<16xi32>
    %mul3A_1209 = arith.muli %and3A_1206, %mul3A_1208 : vector<16xi32>
    %add3A_1210 = arith.addi %add3A_1203, %mul3A_1209 : vector<16xi32>
    %add3A_1211 = arith.addi %add3A_1210, %iota3A : vector<16xi32>
    %swap3A_1212 = arith.constant 4 : i32
    %swap3A_1213 = arith.index_cast %swap3A_1212 : i32 to index
    %swap3A_1214 = arith.constant 80 : index
    %swap3A_1215 = tpu.vector_load %arg9[%swap3A_1213, %swap3A_1214] {strides = array<i32>} : memref<8x128xi32, #tpu.memory_space<vmem>>, vector<16xi32>,
    tpu.vector_store %arg9[%swap3A_1213, %swap3A_1214], %add3A_1211 {strides = array<i32>} : memref<8x128xi32, #tpu.memory_space<vmem>>, vector<16xi32>,
    %get3A_1216 = arith.constant 608 : index
    %get3A_1217 = tpu.vector_load %arg6[%get3A_1216] {strides = array<i32>} : memref<1024xi32, #tpu.memory_space<vmem>>, vector<16xi32>,
    %shift_right_arithmetic3A_1218 = arith.constant 3 : i32
    %shift_right_arithmetic3A_1219 = vector.broadcast %shift_right_arithmetic3A_1218 : i32 to vector<16xi32>
    %shift_right_arithmetic3A_1220 = arith.shrsi %get3A_1217, %shift_right_arithmetic3A_1219 : vector<16xi32>
    %mul3A_1221 = arith.constant 131072 : i32
    %mul3A_1222 = vector.broadcast %mul3A_1221 : i32 to vector<16xi32>
    %mul3A_1223 = arith.muli %shift_right_arithmetic3A_1220, %mul3A_1222 : vector<16xi32>
    %mul3A_1224 = arith.constant 8 : i32
    %mul3A_1225 = arith.muli %add3A, %mul3A_1224 : i32
    %add3A_1226 = arith.constant 4 : i32
    %add3A_1227 = arith.addi %mul3A_1225, %add3A_1226 : i32
    %mul3A_1228 = arith.constant 1024 : i32
    %mul3A_1229 = arith.muli %add3A_1227, %mul3A_1228 : i32
    %add3A_1230 = vector.broadcast %mul3A_1229 : i32 to vector<16xi32>
    %add3A_1231 = arith.addi %mul3A_1223, %add3A_1230 : vector<16xi32>
    %add3A_1232 = arith.constant 96 : i32
    %add3A_1233 = vector.broadcast %add3A_1232 : i32 to vector<16xi32>
    %add3A_1234 = arith.addi %add3A_1231, %add3A_1233 : vector<16xi32>
    %and3A_1235 = arith.constant 7 : i32
    %and3A_1236 = vector.broadcast %and3A_1235 : i32 to vector<16xi32>
    %and3A_1237 = arith.andi %get3A_1217, %and3A_1236 : vector<16xi32>
    %mul3A_1238 = arith.constant 128 : i32
    %mul3A_1239 = vector.broadcast %mul3A_1238 : i32 to vector<16xi32>
    %mul3A_1240 = arith.muli %and3A_1237, %mul3A_1239 : vector<16xi32>
    %add3A_1241 = arith.addi %add3A_1234, %mul3A_1240 : vector<16xi32>
    %add3A_1242 = arith.addi %add3A_1241, %iota3A : vector<16xi32>
    %swap3A_1243 = arith.constant 4 : i32
    %swap3A_1244 = arith.index_cast %swap3A_1243 : i32 to index
    %swap3A_1245 = arith.constant 96 : index
    %swap3A_1246 = tpu.vector_load %arg9[%swap3A_1244, %swap3A_1245] {strides = array<i32>} : memref<8x128xi32, #tpu.memory_space<vmem>>, vector<16xi32>,
    tpu.vector_store %arg9[%swap3A_1244, %swap3A_1245], %add3A_1242 {strides = array<i32>} : memref<8x128xi32, #tpu.memory_space<vmem>>, vector<16xi32>,
    %get3A_1247 = arith.constant 624 : index
    %get3A_1248 = tpu.vector_load %arg6[%get3A_1247] {strides = array<i32>} : memref<1024xi32, #tpu.memory_space<vmem>>, vector<16xi32>,
    %shift_right_arithmetic3A_1249 = arith.constant 3 : i32
    %shift_right_arithmetic3A_1250 = vector.broadcast %shift_right_arithmetic3A_1249 : i32 to vector<16xi32>
    %shift_right_arithmetic3A_1251 = arith.shrsi %get3A_1248, %shift_right_arithmetic3A_1250 : vector<16xi32>
    %mul3A_1252 = arith.constant 131072 : i32
    %mul3A_1253 = vector.broadcast %mul3A_1252 : i32 to vector<16xi32>
    %mul3A_1254 = arith.muli %shift_right_arithmetic3A_1251, %mul3A_1253 : vector<16xi32>
    %mul3A_1255 = arith.constant 8 : i32
    %mul3A_1256 = arith.muli %add3A, %mul3A_1255 : i32
    %add3A_1257 = arith.constant 4 : i32
    %add3A_1258 = arith.addi %mul3A_1256, %add3A_1257 : i32
    %mul3A_1259 = arith.constant 1024 : i32
    %mul3A_1260 = arith.muli %add3A_1258, %mul3A_1259 : i32
    %add3A_1261 = vector.broadcast %mul3A_1260 : i32 to vector<16xi32>
    %add3A_1262 = arith.addi %mul3A_1254, %add3A_1261 : vector<16xi32>
    %add3A_1263 = arith.constant 112 : i32
    %add3A_1264 = vector.broadcast %add3A_1263 : i32 to vector<16xi32>
    %add3A_1265 = arith.addi %add3A_1262, %add3A_1264 : vector<16xi32>
    %and3A_1266 = arith.constant 7 : i32
    %and3A_1267 = vector.broadcast %and3A_1266 : i32 to vector<16xi32>
    %and3A_1268 = arith.andi %get3A_1248, %and3A_1267 : vector<16xi32>
    %mul3A_1269 = arith.constant 128 : i32
    %mul3A_1270 = vector.broadcast %mul3A_1269 : i32 to vector<16xi32>
    %mul3A_1271 = arith.muli %and3A_1268, %mul3A_1270 : vector<16xi32>
    %add3A_1272 = arith.addi %add3A_1265, %mul3A_1271 : vector<16xi32>
    %add3A_1273 = arith.addi %add3A_1272, %iota3A : vector<16xi32>
    %swap3A_1274 = arith.constant 4 : i32
    %swap3A_1275 = arith.index_cast %swap3A_1274 : i32 to index
    %swap3A_1276 = arith.constant 112 : index
    %swap3A_1277 = tpu.vector_load %arg9[%swap3A_1275, %swap3A_1276] {strides = array<i32>} : memref<8x128xi32, #tpu.memory_space<vmem>>, vector<16xi32>,
    tpu.vector_store %arg9[%swap3A_1275, %swap3A_1276], %add3A_1273 {strides = array<i32>} : memref<8x128xi32, #tpu.memory_space<vmem>>, vector<16xi32>,
    %dma_start3A_1278 = arith.constant 4 : i32
    %dma_start3A_1279 = arith.constant 4 : i32
    %dma_start3A_1280 = arith.constant 0 : i32
    %dma_start3A_1281 = tpu.memref_slice %arg10[%dma_start3A_1279, %dma_start3A_1280] : memref<8x128xf32, #tpu.memory_space<vmem>> -> memref<1x128xf32, #tpu.memory_space<vmem>>
    %dma_start3A_1282 = tpu.memref_squeeze %dma_start3A_1281 : memref<1x128xf32, #tpu.memory_space<vmem>> -> memref<128xf32, #tpu.memory_space<vmem>>
    %dma_start3A_1283 = arith.constant 0 : i32
    %dma_start3A_1284 = tpu.memref_slice %arg9[%dma_start3A_1278, %dma_start3A_1283] : memref<8x128xi32, #tpu.memory_space<vmem>> -> memref<1x128xi32, #tpu.memory_space<vmem>>
    %dma_start3A_1285 = tpu.memref_squeeze %dma_start3A_1284 : memref<1x128xi32, #tpu.memory_space<vmem>> -> memref<128xi32, #tpu.memory_space<vmem>>
    %dma_start3A_1286 = arith.constant 0 : i32
    %dma_start3A_1287 = tpu.memref_slice %arg2[%dma_start3A_1286] : memref<16384000xf32, #tpu.memory_space<hbm>> -> memref<16384000xf32, #tpu.memory_space<hbm>>
    tpu.enqueue_indirect_dma source(%dma_start3A_1287 : memref<16384000xf32, #tpu.memory_space<hbm>>) target(%dma_start3A_1282 : memref<128xf32, #tpu.memory_space<vmem>>) offsets(%dma_start3A_1285 : memref<128xi32, #tpu.memory_space<vmem>>) semaphore(%arg12 : memref<!tpu.dma_semaphore, #tpu.memory_space<semaphore_mem>>)
    %get3A_1288 = arith.constant 640 : index
    %get3A_1289 = tpu.vector_load %arg6[%get3A_1288] {strides = array<i32>} : memref<1024xi32, #tpu.memory_space<vmem>>, vector<16xi32>,
    %shift_right_arithmetic3A_1290 = arith.constant 3 : i32
    %shift_right_arithmetic3A_1291 = vector.broadcast %shift_right_arithmetic3A_1290 : i32 to vector<16xi32>
    %shift_right_arithmetic3A_1292 = arith.shrsi %get3A_1289, %shift_right_arithmetic3A_1291 : vector<16xi32>
    %mul3A_1293 = arith.constant 131072 : i32
    %mul3A_1294 = vector.broadcast %mul3A_1293 : i32 to vector<16xi32>
    %mul3A_1295 = arith.muli %shift_right_arithmetic3A_1292, %mul3A_1294 : vector<16xi32>
    %mul3A_1296 = arith.constant 8 : i32
    %mul3A_1297 = arith.muli %add3A, %mul3A_1296 : i32
    %add3A_1298 = arith.constant 5 : i32
    %add3A_1299 = arith.addi %mul3A_1297, %add3A_1298 : i32
    %mul3A_1300 = arith.constant 1024 : i32
    %mul3A_1301 = arith.muli %add3A_1299, %mul3A_1300 : i32
    %add3A_1302 = vector.broadcast %mul3A_1301 : i32 to vector<16xi32>
    %add3A_1303 = arith.addi %mul3A_1295, %add3A_1302 : vector<16xi32>
    %add3A_1304 = arith.constant 0 : i32
    %add3A_1305 = vector.broadcast %add3A_1304 : i32 to vector<16xi32>
    %add3A_1306 = arith.addi %add3A_1303, %add3A_1305 : vector<16xi32>
    %and3A_1307 = arith.constant 7 : i32
    %and3A_1308 = vector.broadcast %and3A_1307 : i32 to vector<16xi32>
    %and3A_1309 = arith.andi %get3A_1289, %and3A_1308 : vector<16xi32>
    %mul3A_1310 = arith.constant 128 : i32
    %mul3A_1311 = vector.broadcast %mul3A_1310 : i32 to vector<16xi32>
    %mul3A_1312 = arith.muli %and3A_1309, %mul3A_1311 : vector<16xi32>
    %add3A_1313 = arith.addi %add3A_1306, %mul3A_1312 : vector<16xi32>
    %add3A_1314 = arith.addi %add3A_1313, %iota3A : vector<16xi32>
    %swap3A_1315 = arith.constant 5 : i32
    %swap3A_1316 = arith.index_cast %swap3A_1315 : i32 to index
    %swap3A_1317 = arith.constant 0 : index
    %swap3A_1318 = tpu.vector_load %arg9[%swap3A_1316, %swap3A_1317] {strides = array<i32>} : memref<8x128xi32, #tpu.memory_space<vmem>>, vector<16xi32>,
    tpu.vector_store %arg9[%swap3A_1316, %swap3A_1317], %add3A_1314 {strides = array<i32>} : memref<8x128xi32, #tpu.memory_space<vmem>>, vector<16xi32>,
    %get3A_1319 = arith.constant 656 : index
    %get3A_1320 = tpu.vector_load %arg6[%get3A_1319] {strides = array<i32>} : memref<1024xi32, #tpu.memory_space<vmem>>, vector<16xi32>,
    %shift_right_arithmetic3A_1321 = arith.constant 3 : i32
    %shift_right_arithmetic3A_1322 = vector.broadcast %shift_right_arithmetic3A_1321 : i32 to vector<16xi32>
    %shift_right_arithmetic3A_1323 = arith.shrsi %get3A_1320, %shift_right_arithmetic3A_1322 : vector<16xi32>
    %mul3A_1324 = arith.constant 131072 : i32
    %mul3A_1325 = vector.broadcast %mul3A_1324 : i32 to vector<16xi32>
    %mul3A_1326 = arith.muli %shift_right_arithmetic3A_1323, %mul3A_1325 : vector<16xi32>
    %mul3A_1327 = arith.constant 8 : i32
    %mul3A_1328 = arith.muli %add3A, %mul3A_1327 : i32
    %add3A_1329 = arith.constant 5 : i32
    %add3A_1330 = arith.addi %mul3A_1328, %add3A_1329 : i32
    %mul3A_1331 = arith.constant 1024 : i32
    %mul3A_1332 = arith.muli %add3A_1330, %mul3A_1331 : i32
    %add3A_1333 = vector.broadcast %mul3A_1332 : i32 to vector<16xi32>
    %add3A_1334 = arith.addi %mul3A_1326, %add3A_1333 : vector<16xi32>
    %add3A_1335 = arith.constant 16 : i32
    %add3A_1336 = vector.broadcast %add3A_1335 : i32 to vector<16xi32>
    %add3A_1337 = arith.addi %add3A_1334, %add3A_1336 : vector<16xi32>
    %and3A_1338 = arith.constant 7 : i32
    %and3A_1339 = vector.broadcast %and3A_1338 : i32 to vector<16xi32>
    %and3A_1340 = arith.andi %get3A_1320, %and3A_1339 : vector<16xi32>
    %mul3A_1341 = arith.constant 128 : i32
    %mul3A_1342 = vector.broadcast %mul3A_1341 : i32 to vector<16xi32>
    %mul3A_1343 = arith.muli %and3A_1340, %mul3A_1342 : vector<16xi32>
    %add3A_1344 = arith.addi %add3A_1337, %mul3A_1343 : vector<16xi32>
    %add3A_1345 = arith.addi %add3A_1344, %iota3A : vector<16xi32>
    %swap3A_1346 = arith.constant 5 : i32
    %swap3A_1347 = arith.index_cast %swap3A_1346 : i32 to index
    %swap3A_1348 = arith.constant 16 : index
    %swap3A_1349 = tpu.vector_load %arg9[%swap3A_1347, %swap3A_1348] {strides = array<i32>} : memref<8x128xi32, #tpu.memory_space<vmem>>, vector<16xi32>,
    tpu.vector_store %arg9[%swap3A_1347, %swap3A_1348], %add3A_1345 {strides = array<i32>} : memref<8x128xi32, #tpu.memory_space<vmem>>, vector<16xi32>,
    %get3A_1350 = arith.constant 672 : index
    %get3A_1351 = tpu.vector_load %arg6[%get3A_1350] {strides = array<i32>} : memref<1024xi32, #tpu.memory_space<vmem>>, vector<16xi32>,
    %shift_right_arithmetic3A_1352 = arith.constant 3 : i32
    %shift_right_arithmetic3A_1353 = vector.broadcast %shift_right_arithmetic3A_1352 : i32 to vector<16xi32>
    %shift_right_arithmetic3A_1354 = arith.shrsi %get3A_1351, %shift_right_arithmetic3A_1353 : vector<16xi32>
    %mul3A_1355 = arith.constant 131072 : i32
    %mul3A_1356 = vector.broadcast %mul3A_1355 : i32 to vector<16xi32>
    %mul3A_1357 = arith.muli %shift_right_arithmetic3A_1354, %mul3A_1356 : vector<16xi32>
    %mul3A_1358 = arith.constant 8 : i32
    %mul3A_1359 = arith.muli %add3A, %mul3A_1358 : i32
    %add3A_1360 = arith.constant 5 : i32
    %add3A_1361 = arith.addi %mul3A_1359, %add3A_1360 : i32
    %mul3A_1362 = arith.constant 1024 : i32
    %mul3A_1363 = arith.muli %add3A_1361, %mul3A_1362 : i32
    %add3A_1364 = vector.broadcast %mul3A_1363 : i32 to vector<16xi32>
    %add3A_1365 = arith.addi %mul3A_1357, %add3A_1364 : vector<16xi32>
    %add3A_1366 = arith.constant 32 : i32
    %add3A_1367 = vector.broadcast %add3A_1366 : i32 to vector<16xi32>
    %add3A_1368 = arith.addi %add3A_1365, %add3A_1367 : vector<16xi32>
    %and3A_1369 = arith.constant 7 : i32
    %and3A_1370 = vector.broadcast %and3A_1369 : i32 to vector<16xi32>
    %and3A_1371 = arith.andi %get3A_1351, %and3A_1370 : vector<16xi32>
    %mul3A_1372 = arith.constant 128 : i32
    %mul3A_1373 = vector.broadcast %mul3A_1372 : i32 to vector<16xi32>
    %mul3A_1374 = arith.muli %and3A_1371, %mul3A_1373 : vector<16xi32>
    %add3A_1375 = arith.addi %add3A_1368, %mul3A_1374 : vector<16xi32>
    %add3A_1376 = arith.addi %add3A_1375, %iota3A : vector<16xi32>
    %swap3A_1377 = arith.constant 5 : i32
    %swap3A_1378 = arith.index_cast %swap3A_1377 : i32 to index
    %swap3A_1379 = arith.constant 32 : index
    %swap3A_1380 = tpu.vector_load %arg9[%swap3A_1378, %swap3A_1379] {strides = array<i32>} : memref<8x128xi32, #tpu.memory_space<vmem>>, vector<16xi32>,
    tpu.vector_store %arg9[%swap3A_1378, %swap3A_1379], %add3A_1376 {strides = array<i32>} : memref<8x128xi32, #tpu.memory_space<vmem>>, vector<16xi32>,
    %get3A_1381 = arith.constant 688 : index
    %get3A_1382 = tpu.vector_load %arg6[%get3A_1381] {strides = array<i32>} : memref<1024xi32, #tpu.memory_space<vmem>>, vector<16xi32>,
    %shift_right_arithmetic3A_1383 = arith.constant 3 : i32
    %shift_right_arithmetic3A_1384 = vector.broadcast %shift_right_arithmetic3A_1383 : i32 to vector<16xi32>
    %shift_right_arithmetic3A_1385 = arith.shrsi %get3A_1382, %shift_right_arithmetic3A_1384 : vector<16xi32>
    %mul3A_1386 = arith.constant 131072 : i32
    %mul3A_1387 = vector.broadcast %mul3A_1386 : i32 to vector<16xi32>
    %mul3A_1388 = arith.muli %shift_right_arithmetic3A_1385, %mul3A_1387 : vector<16xi32>
    %mul3A_1389 = arith.constant 8 : i32
    %mul3A_1390 = arith.muli %add3A, %mul3A_1389 : i32
    %add3A_1391 = arith.constant 5 : i32
    %add3A_1392 = arith.addi %mul3A_1390, %add3A_1391 : i32
    %mul3A_1393 = arith.constant 1024 : i32
    %mul3A_1394 = arith.muli %add3A_1392, %mul3A_1393 : i32
    %add3A_1395 = vector.broadcast %mul3A_1394 : i32 to vector<16xi32>
    %add3A_1396 = arith.addi %mul3A_1388, %add3A_1395 : vector<16xi32>
    %add3A_1397 = arith.constant 48 : i32
    %add3A_1398 = vector.broadcast %add3A_1397 : i32 to vector<16xi32>
    %add3A_1399 = arith.addi %add3A_1396, %add3A_1398 : vector<16xi32>
    %and3A_1400 = arith.constant 7 : i32
    %and3A_1401 = vector.broadcast %and3A_1400 : i32 to vector<16xi32>
    %and3A_1402 = arith.andi %get3A_1382, %and3A_1401 : vector<16xi32>
    %mul3A_1403 = arith.constant 128 : i32
    %mul3A_1404 = vector.broadcast %mul3A_1403 : i32 to vector<16xi32>
    %mul3A_1405 = arith.muli %and3A_1402, %mul3A_1404 : vector<16xi32>
    %add3A_1406 = arith.addi %add3A_1399, %mul3A_1405 : vector<16xi32>
    %add3A_1407 = arith.addi %add3A_1406, %iota3A : vector<16xi32>
    %swap3A_1408 = arith.constant 5 : i32
    %swap3A_1409 = arith.index_cast %swap3A_1408 : i32 to index
    %swap3A_1410 = arith.constant 48 : index
    %swap3A_1411 = tpu.vector_load %arg9[%swap3A_1409, %swap3A_1410] {strides = array<i32>} : memref<8x128xi32, #tpu.memory_space<vmem>>, vector<16xi32>,
    tpu.vector_store %arg9[%swap3A_1409, %swap3A_1410], %add3A_1407 {strides = array<i32>} : memref<8x128xi32, #tpu.memory_space<vmem>>, vector<16xi32>,
    %get3A_1412 = arith.constant 704 : index
    %get3A_1413 = tpu.vector_load %arg6[%get3A_1412] {strides = array<i32>} : memref<1024xi32, #tpu.memory_space<vmem>>, vector<16xi32>,
    %shift_right_arithmetic3A_1414 = arith.constant 3 : i32
    %shift_right_arithmetic3A_1415 = vector.broadcast %shift_right_arithmetic3A_1414 : i32 to vector<16xi32>
    %shift_right_arithmetic3A_1416 = arith.shrsi %get3A_1413, %shift_right_arithmetic3A_1415 : vector<16xi32>
    %mul3A_1417 = arith.constant 131072 : i32
    %mul3A_1418 = vector.broadcast %mul3A_1417 : i32 to vector<16xi32>
    %mul3A_1419 = arith.muli %shift_right_arithmetic3A_1416, %mul3A_1418 : vector<16xi32>
    %mul3A_1420 = arith.constant 8 : i32
    %mul3A_1421 = arith.muli %add3A, %mul3A_1420 : i32
    %add3A_1422 = arith.constant 5 : i32
    %add3A_1423 = arith.addi %mul3A_1421, %add3A_1422 : i32
    %mul3A_1424 = arith.constant 1024 : i32
    %mul3A_1425 = arith.muli %add3A_1423, %mul3A_1424 : i32
    %add3A_1426 = vector.broadcast %mul3A_1425 : i32 to vector<16xi32>
    %add3A_1427 = arith.addi %mul3A_1419, %add3A_1426 : vector<16xi32>
    %add3A_1428 = arith.constant 64 : i32
    %add3A_1429 = vector.broadcast %add3A_1428 : i32 to vector<16xi32>
    %add3A_1430 = arith.addi %add3A_1427, %add3A_1429 : vector<16xi32>
    %and3A_1431 = arith.constant 7 : i32
    %and3A_1432 = vector.broadcast %and3A_1431 : i32 to vector<16xi32>
    %and3A_1433 = arith.andi %get3A_1413, %and3A_1432 : vector<16xi32>
    %mul3A_1434 = arith.constant 128 : i32
    %mul3A_1435 = vector.broadcast %mul3A_1434 : i32 to vector<16xi32>
    %mul3A_1436 = arith.muli %and3A_1433, %mul3A_1435 : vector<16xi32>
    %add3A_1437 = arith.addi %add3A_1430, %mul3A_1436 : vector<16xi32>
    %add3A_1438 = arith.addi %add3A_1437, %iota3A : vector<16xi32>
    %swap3A_1439 = arith.constant 5 : i32
    %swap3A_1440 = arith.index_cast %swap3A_1439 : i32 to index
    %swap3A_1441 = arith.constant 64 : index
    %swap3A_1442 = tpu.vector_load %arg9[%swap3A_1440, %swap3A_1441] {strides = array<i32>} : memref<8x128xi32, #tpu.memory_space<vmem>>, vector<16xi32>,
    tpu.vector_store %arg9[%swap3A_1440, %swap3A_1441], %add3A_1438 {strides = array<i32>} : memref<8x128xi32, #tpu.memory_space<vmem>>, vector<16xi32>,
    %get3A_1443 = arith.constant 720 : index
    %get3A_1444 = tpu.vector_load %arg6[%get3A_1443] {strides = array<i32>} : memref<1024xi32, #tpu.memory_space<vmem>>, vector<16xi32>,
    %shift_right_arithmetic3A_1445 = arith.constant 3 : i32
    %shift_right_arithmetic3A_1446 = vector.broadcast %shift_right_arithmetic3A_1445 : i32 to vector<16xi32>
    %shift_right_arithmetic3A_1447 = arith.shrsi %get3A_1444, %shift_right_arithmetic3A_1446 : vector<16xi32>
    %mul3A_1448 = arith.constant 131072 : i32
    %mul3A_1449 = vector.broadcast %mul3A_1448 : i32 to vector<16xi32>
    %mul3A_1450 = arith.muli %shift_right_arithmetic3A_1447, %mul3A_1449 : vector<16xi32>
    %mul3A_1451 = arith.constant 8 : i32
    %mul3A_1452 = arith.muli %add3A, %mul3A_1451 : i32
    %add3A_1453 = arith.constant 5 : i32
    %add3A_1454 = arith.addi %mul3A_1452, %add3A_1453 : i32
    %mul3A_1455 = arith.constant 1024 : i32
    %mul3A_1456 = arith.muli %add3A_1454, %mul3A_1455 : i32
    %add3A_1457 = vector.broadcast %mul3A_1456 : i32 to vector<16xi32>
    %add3A_1458 = arith.addi %mul3A_1450, %add3A_1457 : vector<16xi32>
    %add3A_1459 = arith.constant 80 : i32
    %add3A_1460 = vector.broadcast %add3A_1459 : i32 to vector<16xi32>
    %add3A_1461 = arith.addi %add3A_1458, %add3A_1460 : vector<16xi32>
    %and3A_1462 = arith.constant 7 : i32
    %and3A_1463 = vector.broadcast %and3A_1462 : i32 to vector<16xi32>
    %and3A_1464 = arith.andi %get3A_1444, %and3A_1463 : vector<16xi32>
    %mul3A_1465 = arith.constant 128 : i32
    %mul3A_1466 = vector.broadcast %mul3A_1465 : i32 to vector<16xi32>
    %mul3A_1467 = arith.muli %and3A_1464, %mul3A_1466 : vector<16xi32>
    %add3A_1468 = arith.addi %add3A_1461, %mul3A_1467 : vector<16xi32>
    %add3A_1469 = arith.addi %add3A_1468, %iota3A : vector<16xi32>
    %swap3A_1470 = arith.constant 5 : i32
    %swap3A_1471 = arith.index_cast %swap3A_1470 : i32 to index
    %swap3A_1472 = arith.constant 80 : index
    %swap3A_1473 = tpu.vector_load %arg9[%swap3A_1471, %swap3A_1472] {strides = array<i32>} : memref<8x128xi32, #tpu.memory_space<vmem>>, vector<16xi32>,
    tpu.vector_store %arg9[%swap3A_1471, %swap3A_1472], %add3A_1469 {strides = array<i32>} : memref<8x128xi32, #tpu.memory_space<vmem>>, vector<16xi32>,
    %get3A_1474 = arith.constant 736 : index
    %get3A_1475 = tpu.vector_load %arg6[%get3A_1474] {strides = array<i32>} : memref<1024xi32, #tpu.memory_space<vmem>>, vector<16xi32>,
    %shift_right_arithmetic3A_1476 = arith.constant 3 : i32
    %shift_right_arithmetic3A_1477 = vector.broadcast %shift_right_arithmetic3A_1476 : i32 to vector<16xi32>
    %shift_right_arithmetic3A_1478 = arith.shrsi %get3A_1475, %shift_right_arithmetic3A_1477 : vector<16xi32>
    %mul3A_1479 = arith.constant 131072 : i32
    %mul3A_1480 = vector.broadcast %mul3A_1479 : i32 to vector<16xi32>
    %mul3A_1481 = arith.muli %shift_right_arithmetic3A_1478, %mul3A_1480 : vector<16xi32>
    %mul3A_1482 = arith.constant 8 : i32
    %mul3A_1483 = arith.muli %add3A, %mul3A_1482 : i32
    %add3A_1484 = arith.constant 5 : i32
    %add3A_1485 = arith.addi %mul3A_1483, %add3A_1484 : i32
    %mul3A_1486 = arith.constant 1024 : i32
    %mul3A_1487 = arith.muli %add3A_1485, %mul3A_1486 : i32
    %add3A_1488 = vector.broadcast %mul3A_1487 : i32 to vector<16xi32>
    %add3A_1489 = arith.addi %mul3A_1481, %add3A_1488 : vector<16xi32>
    %add3A_1490 = arith.constant 96 : i32
    %add3A_1491 = vector.broadcast %add3A_1490 : i32 to vector<16xi32>
    %add3A_1492 = arith.addi %add3A_1489, %add3A_1491 : vector<16xi32>
    %and3A_1493 = arith.constant 7 : i32
    %and3A_1494 = vector.broadcast %and3A_1493 : i32 to vector<16xi32>
    %and3A_1495 = arith.andi %get3A_1475, %and3A_1494 : vector<16xi32>
    %mul3A_1496 = arith.constant 128 : i32
    %mul3A_1497 = vector.broadcast %mul3A_1496 : i32 to vector<16xi32>
    %mul3A_1498 = arith.muli %and3A_1495, %mul3A_1497 : vector<16xi32>
    %add3A_1499 = arith.addi %add3A_1492, %mul3A_1498 : vector<16xi32>
    %add3A_1500 = arith.addi %add3A_1499, %iota3A : vector<16xi32>
    %swap3A_1501 = arith.constant 5 : i32
    %swap3A_1502 = arith.index_cast %swap3A_1501 : i32 to index
    %swap3A_1503 = arith.constant 96 : index
    %swap3A_1504 = tpu.vector_load %arg9[%swap3A_1502, %swap3A_1503] {strides = array<i32>} : memref<8x128xi32, #tpu.memory_space<vmem>>, vector<16xi32>,
    tpu.vector_store %arg9[%swap3A_1502, %swap3A_1503], %add3A_1500 {strides = array<i32>} : memref<8x128xi32, #tpu.memory_space<vmem>>, vector<16xi32>,
    %get3A_1505 = arith.constant 752 : index
    %get3A_1506 = tpu.vector_load %arg6[%get3A_1505] {strides = array<i32>} : memref<1024xi32, #tpu.memory_space<vmem>>, vector<16xi32>,
    %shift_right_arithmetic3A_1507 = arith.constant 3 : i32
    %shift_right_arithmetic3A_1508 = vector.broadcast %shift_right_arithmetic3A_1507 : i32 to vector<16xi32>
    %shift_right_arithmetic3A_1509 = arith.shrsi %get3A_1506, %shift_right_arithmetic3A_1508 : vector<16xi32>
    %mul3A_1510 = arith.constant 131072 : i32
    %mul3A_1511 = vector.broadcast %mul3A_1510 : i32 to vector<16xi32>
    %mul3A_1512 = arith.muli %shift_right_arithmetic3A_1509, %mul3A_1511 : vector<16xi32>
    %mul3A_1513 = arith.constant 8 : i32
    %mul3A_1514 = arith.muli %add3A, %mul3A_1513 : i32
    %add3A_1515 = arith.constant 5 : i32
    %add3A_1516 = arith.addi %mul3A_1514, %add3A_1515 : i32
    %mul3A_1517 = arith.constant 1024 : i32
    %mul3A_1518 = arith.muli %add3A_1516, %mul3A_1517 : i32
    %add3A_1519 = vector.broadcast %mul3A_1518 : i32 to vector<16xi32>
    %add3A_1520 = arith.addi %mul3A_1512, %add3A_1519 : vector<16xi32>
    %add3A_1521 = arith.constant 112 : i32
    %add3A_1522 = vector.broadcast %add3A_1521 : i32 to vector<16xi32>
    %add3A_1523 = arith.addi %add3A_1520, %add3A_1522 : vector<16xi32>
    %and3A_1524 = arith.constant 7 : i32
    %and3A_1525 = vector.broadcast %and3A_1524 : i32 to vector<16xi32>
    %and3A_1526 = arith.andi %get3A_1506, %and3A_1525 : vector<16xi32>
    %mul3A_1527 = arith.constant 128 : i32
    %mul3A_1528 = vector.broadcast %mul3A_1527 : i32 to vector<16xi32>
    %mul3A_1529 = arith.muli %and3A_1526, %mul3A_1528 : vector<16xi32>
    %add3A_1530 = arith.addi %add3A_1523, %mul3A_1529 : vector<16xi32>
    %add3A_1531 = arith.addi %add3A_1530, %iota3A : vector<16xi32>
    %swap3A_1532 = arith.constant 5 : i32
    %swap3A_1533 = arith.index_cast %swap3A_1532 : i32 to index
    %swap3A_1534 = arith.constant 112 : index
    %swap3A_1535 = tpu.vector_load %arg9[%swap3A_1533, %swap3A_1534] {strides = array<i32>} : memref<8x128xi32, #tpu.memory_space<vmem>>, vector<16xi32>,
    tpu.vector_store %arg9[%swap3A_1533, %swap3A_1534], %add3A_1531 {strides = array<i32>} : memref<8x128xi32, #tpu.memory_space<vmem>>, vector<16xi32>,
    %dma_start3A_1536 = arith.constant 5 : i32
    %dma_start3A_1537 = arith.constant 5 : i32
    %dma_start3A_1538 = arith.constant 0 : i32
    %dma_start3A_1539 = tpu.memref_slice %arg10[%dma_start3A_1537, %dma_start3A_1538] : memref<8x128xf32, #tpu.memory_space<vmem>> -> memref<1x128xf32, #tpu.memory_space<vmem>>
    %dma_start3A_1540 = tpu.memref_squeeze %dma_start3A_1539 : memref<1x128xf32, #tpu.memory_space<vmem>> -> memref<128xf32, #tpu.memory_space<vmem>>
    %dma_start3A_1541 = arith.constant 0 : i32
    %dma_start3A_1542 = tpu.memref_slice %arg9[%dma_start3A_1536, %dma_start3A_1541] : memref<8x128xi32, #tpu.memory_space<vmem>> -> memref<1x128xi32, #tpu.memory_space<vmem>>
    %dma_start3A_1543 = tpu.memref_squeeze %dma_start3A_1542 : memref<1x128xi32, #tpu.memory_space<vmem>> -> memref<128xi32, #tpu.memory_space<vmem>>
    %dma_start3A_1544 = arith.constant 0 : i32
    %dma_start3A_1545 = tpu.memref_slice %arg2[%dma_start3A_1544] : memref<16384000xf32, #tpu.memory_space<hbm>> -> memref<16384000xf32, #tpu.memory_space<hbm>>
    tpu.enqueue_indirect_dma source(%dma_start3A_1545 : memref<16384000xf32, #tpu.memory_space<hbm>>) target(%dma_start3A_1540 : memref<128xf32, #tpu.memory_space<vmem>>) offsets(%dma_start3A_1543 : memref<128xi32, #tpu.memory_space<vmem>>) semaphore(%arg12 : memref<!tpu.dma_semaphore, #tpu.memory_space<semaphore_mem>>)
    %get3A_1546 = arith.constant 768 : index
    %get3A_1547 = tpu.vector_load %arg6[%get3A_1546] {strides = array<i32>} : memref<1024xi32, #tpu.memory_space<vmem>>, vector<16xi32>,
    %shift_right_arithmetic3A_1548 = arith.constant 3 : i32
    %shift_right_arithmetic3A_1549 = vector.broadcast %shift_right_arithmetic3A_1548 : i32 to vector<16xi32>
    %shift_right_arithmetic3A_1550 = arith.shrsi %get3A_1547, %shift_right_arithmetic3A_1549 : vector<16xi32>
    %mul3A_1551 = arith.constant 131072 : i32
    %mul3A_1552 = vector.broadcast %mul3A_1551 : i32 to vector<16xi32>
    %mul3A_1553 = arith.muli %shift_right_arithmetic3A_1550, %mul3A_1552 : vector<16xi32>
    %mul3A_1554 = arith.constant 8 : i32
    %mul3A_1555 = arith.muli %add3A, %mul3A_1554 : i32
    %add3A_1556 = arith.constant 6 : i32
    %add3A_1557 = arith.addi %mul3A_1555, %add3A_1556 : i32
    %mul3A_1558 = arith.constant 1024 : i32
    %mul3A_1559 = arith.muli %add3A_1557, %mul3A_1558 : i32
    %add3A_1560 = vector.broadcast %mul3A_1559 : i32 to vector<16xi32>
    %add3A_1561 = arith.addi %mul3A_1553, %add3A_1560 : vector<16xi32>
    %add3A_1562 = arith.constant 0 : i32
    %add3A_1563 = vector.broadcast %add3A_1562 : i32 to vector<16xi32>
    %add3A_1564 = arith.addi %add3A_1561, %add3A_1563 : vector<16xi32>
    %and3A_1565 = arith.constant 7 : i32
    %and3A_1566 = vector.broadcast %and3A_1565 : i32 to vector<16xi32>
    %and3A_1567 = arith.andi %get3A_1547, %and3A_1566 : vector<16xi32>
    %mul3A_1568 = arith.constant 128 : i32
    %mul3A_1569 = vector.broadcast %mul3A_1568 : i32 to vector<16xi32>
    %mul3A_1570 = arith.muli %and3A_1567, %mul3A_1569 : vector<16xi32>
    %add3A_1571 = arith.addi %add3A_1564, %mul3A_1570 : vector<16xi32>
    %add3A_1572 = arith.addi %add3A_1571, %iota3A : vector<16xi32>
    %swap3A_1573 = arith.constant 6 : i32
    %swap3A_1574 = arith.index_cast %swap3A_1573 : i32 to index
    %swap3A_1575 = arith.constant 0 : index
    %swap3A_1576 = tpu.vector_load %arg9[%swap3A_1574, %swap3A_1575] {strides = array<i32>} : memref<8x128xi32, #tpu.memory_space<vmem>>, vector<16xi32>,
    tpu.vector_store %arg9[%swap3A_1574, %swap3A_1575], %add3A_1572 {strides = array<i32>} : memref<8x128xi32, #tpu.memory_space<vmem>>, vector<16xi32>,
    %get3A_1577 = arith.constant 784 : index
    %get3A_1578 = tpu.vector_load %arg6[%get3A_1577] {strides = array<i32>} : memref<1024xi32, #tpu.memory_space<vmem>>, vector<16xi32>,
    %shift_right_arithmetic3A_1579 = arith.constant 3 : i32
    %shift_right_arithmetic3A_1580 = vector.broadcast %shift_right_arithmetic3A_1579 : i32 to vector<16xi32>
    %shift_right_arithmetic3A_1581 = arith.shrsi %get3A_1578, %shift_right_arithmetic3A_1580 : vector<16xi32>
    %mul3A_1582 = arith.constant 131072 : i32
    %mul3A_1583 = vector.broadcast %mul3A_1582 : i32 to vector<16xi32>
    %mul3A_1584 = arith.muli %shift_right_arithmetic3A_1581, %mul3A_1583 : vector<16xi32>
    %mul3A_1585 = arith.constant 8 : i32
    %mul3A_1586 = arith.muli %add3A, %mul3A_1585 : i32
    %add3A_1587 = arith.constant 6 : i32
    %add3A_1588 = arith.addi %mul3A_1586, %add3A_1587 : i32
    %mul3A_1589 = arith.constant 1024 : i32
    %mul3A_1590 = arith.muli %add3A_1588, %mul3A_1589 : i32
    %add3A_1591 = vector.broadcast %mul3A_1590 : i32 to vector<16xi32>
    %add3A_1592 = arith.addi %mul3A_1584, %add3A_1591 : vector<16xi32>
    %add3A_1593 = arith.constant 16 : i32
    %add3A_1594 = vector.broadcast %add3A_1593 : i32 to vector<16xi32>
    %add3A_1595 = arith.addi %add3A_1592, %add3A_1594 : vector<16xi32>
    %and3A_1596 = arith.constant 7 : i32
    %and3A_1597 = vector.broadcast %and3A_1596 : i32 to vector<16xi32>
    %and3A_1598 = arith.andi %get3A_1578, %and3A_1597 : vector<16xi32>
    %mul3A_1599 = arith.constant 128 : i32
    %mul3A_1600 = vector.broadcast %mul3A_1599 : i32 to vector<16xi32>
    %mul3A_1601 = arith.muli %and3A_1598, %mul3A_1600 : vector<16xi32>
    %add3A_1602 = arith.addi %add3A_1595, %mul3A_1601 : vector<16xi32>
    %add3A_1603 = arith.addi %add3A_1602, %iota3A : vector<16xi32>
    %swap3A_1604 = arith.constant 6 : i32
    %swap3A_1605 = arith.index_cast %swap3A_1604 : i32 to index
    %swap3A_1606 = arith.constant 16 : index
    %swap3A_1607 = tpu.vector_load %arg9[%swap3A_1605, %swap3A_1606] {strides = array<i32>} : memref<8x128xi32, #tpu.memory_space<vmem>>, vector<16xi32>,
    tpu.vector_store %arg9[%swap3A_1605, %swap3A_1606], %add3A_1603 {strides = array<i32>} : memref<8x128xi32, #tpu.memory_space<vmem>>, vector<16xi32>,
    %get3A_1608 = arith.constant 800 : index
    %get3A_1609 = tpu.vector_load %arg6[%get3A_1608] {strides = array<i32>} : memref<1024xi32, #tpu.memory_space<vmem>>, vector<16xi32>,
    %shift_right_arithmetic3A_1610 = arith.constant 3 : i32
    %shift_right_arithmetic3A_1611 = vector.broadcast %shift_right_arithmetic3A_1610 : i32 to vector<16xi32>
    %shift_right_arithmetic3A_1612 = arith.shrsi %get3A_1609, %shift_right_arithmetic3A_1611 : vector<16xi32>
    %mul3A_1613 = arith.constant 131072 : i32
    %mul3A_1614 = vector.broadcast %mul3A_1613 : i32 to vector<16xi32>
    %mul3A_1615 = arith.muli %shift_right_arithmetic3A_1612, %mul3A_1614 : vector<16xi32>
    %mul3A_1616 = arith.constant 8 : i32
    %mul3A_1617 = arith.muli %add3A, %mul3A_1616 : i32
    %add3A_1618 = arith.constant 6 : i32
    %add3A_1619 = arith.addi %mul3A_1617, %add3A_1618 : i32
    %mul3A_1620 = arith.constant 1024 : i32
    %mul3A_1621 = arith.muli %add3A_1619, %mul3A_1620 : i32
    %add3A_1622 = vector.broadcast %mul3A_1621 : i32 to vector<16xi32>
    %add3A_1623 = arith.addi %mul3A_1615, %add3A_1622 : vector<16xi32>
    %add3A_1624 = arith.constant 32 : i32
    %add3A_1625 = vector.broadcast %add3A_1624 : i32 to vector<16xi32>
    %add3A_1626 = arith.addi %add3A_1623, %add3A_1625 : vector<16xi32>
    %and3A_1627 = arith.constant 7 : i32
    %and3A_1628 = vector.broadcast %and3A_1627 : i32 to vector<16xi32>
    %and3A_1629 = arith.andi %get3A_1609, %and3A_1628 : vector<16xi32>
    %mul3A_1630 = arith.constant 128 : i32
    %mul3A_1631 = vector.broadcast %mul3A_1630 : i32 to vector<16xi32>
    %mul3A_1632 = arith.muli %and3A_1629, %mul3A_1631 : vector<16xi32>
    %add3A_1633 = arith.addi %add3A_1626, %mul3A_1632 : vector<16xi32>
    %add3A_1634 = arith.addi %add3A_1633, %iota3A : vector<16xi32>
    %swap3A_1635 = arith.constant 6 : i32
    %swap3A_1636 = arith.index_cast %swap3A_1635 : i32 to index
    %swap3A_1637 = arith.constant 32 : index
    %swap3A_1638 = tpu.vector_load %arg9[%swap3A_1636, %swap3A_1637] {strides = array<i32>} : memref<8x128xi32, #tpu.memory_space<vmem>>, vector<16xi32>,
    tpu.vector_store %arg9[%swap3A_1636, %swap3A_1637], %add3A_1634 {strides = array<i32>} : memref<8x128xi32, #tpu.memory_space<vmem>>, vector<16xi32>,
    %get3A_1639 = arith.constant 816 : index
    %get3A_1640 = tpu.vector_load %arg6[%get3A_1639] {strides = array<i32>} : memref<1024xi32, #tpu.memory_space<vmem>>, vector<16xi32>,
    %shift_right_arithmetic3A_1641 = arith.constant 3 : i32
    %shift_right_arithmetic3A_1642 = vector.broadcast %shift_right_arithmetic3A_1641 : i32 to vector<16xi32>
    %shift_right_arithmetic3A_1643 = arith.shrsi %get3A_1640, %shift_right_arithmetic3A_1642 : vector<16xi32>
    %mul3A_1644 = arith.constant 131072 : i32
    %mul3A_1645 = vector.broadcast %mul3A_1644 : i32 to vector<16xi32>
    %mul3A_1646 = arith.muli %shift_right_arithmetic3A_1643, %mul3A_1645 : vector<16xi32>
    %mul3A_1647 = arith.constant 8 : i32
    %mul3A_1648 = arith.muli %add3A, %mul3A_1647 : i32
    %add3A_1649 = arith.constant 6 : i32
    %add3A_1650 = arith.addi %mul3A_1648, %add3A_1649 : i32
    %mul3A_1651 = arith.constant 1024 : i32
    %mul3A_1652 = arith.muli %add3A_1650, %mul3A_1651 : i32
    %add3A_1653 = vector.broadcast %mul3A_1652 : i32 to vector<16xi32>
    %add3A_1654 = arith.addi %mul3A_1646, %add3A_1653 : vector<16xi32>
    %add3A_1655 = arith.constant 48 : i32
    %add3A_1656 = vector.broadcast %add3A_1655 : i32 to vector<16xi32>
    %add3A_1657 = arith.addi %add3A_1654, %add3A_1656 : vector<16xi32>
    %and3A_1658 = arith.constant 7 : i32
    %and3A_1659 = vector.broadcast %and3A_1658 : i32 to vector<16xi32>
    %and3A_1660 = arith.andi %get3A_1640, %and3A_1659 : vector<16xi32>
    %mul3A_1661 = arith.constant 128 : i32
    %mul3A_1662 = vector.broadcast %mul3A_1661 : i32 to vector<16xi32>
    %mul3A_1663 = arith.muli %and3A_1660, %mul3A_1662 : vector<16xi32>
    %add3A_1664 = arith.addi %add3A_1657, %mul3A_1663 : vector<16xi32>
    %add3A_1665 = arith.addi %add3A_1664, %iota3A : vector<16xi32>
    %swap3A_1666 = arith.constant 6 : i32
    %swap3A_1667 = arith.index_cast %swap3A_1666 : i32 to index
    %swap3A_1668 = arith.constant 48 : index
    %swap3A_1669 = tpu.vector_load %arg9[%swap3A_1667, %swap3A_1668] {strides = array<i32>} : memref<8x128xi32, #tpu.memory_space<vmem>>, vector<16xi32>,
    tpu.vector_store %arg9[%swap3A_1667, %swap3A_1668], %add3A_1665 {strides = array<i32>} : memref<8x128xi32, #tpu.memory_space<vmem>>, vector<16xi32>,
    %get3A_1670 = arith.constant 832 : index
    %get3A_1671 = tpu.vector_load %arg6[%get3A_1670] {strides = array<i32>} : memref<1024xi32, #tpu.memory_space<vmem>>, vector<16xi32>,
    %shift_right_arithmetic3A_1672 = arith.constant 3 : i32
    %shift_right_arithmetic3A_1673 = vector.broadcast %shift_right_arithmetic3A_1672 : i32 to vector<16xi32>
    %shift_right_arithmetic3A_1674 = arith.shrsi %get3A_1671, %shift_right_arithmetic3A_1673 : vector<16xi32>
    %mul3A_1675 = arith.constant 131072 : i32
    %mul3A_1676 = vector.broadcast %mul3A_1675 : i32 to vector<16xi32>
    %mul3A_1677 = arith.muli %shift_right_arithmetic3A_1674, %mul3A_1676 : vector<16xi32>
    %mul3A_1678 = arith.constant 8 : i32
    %mul3A_1679 = arith.muli %add3A, %mul3A_1678 : i32
    %add3A_1680 = arith.constant 6 : i32
    %add3A_1681 = arith.addi %mul3A_1679, %add3A_1680 : i32
    %mul3A_1682 = arith.constant 1024 : i32
    %mul3A_1683 = arith.muli %add3A_1681, %mul3A_1682 : i32
    %add3A_1684 = vector.broadcast %mul3A_1683 : i32 to vector<16xi32>
    %add3A_1685 = arith.addi %mul3A_1677, %add3A_1684 : vector<16xi32>
    %add3A_1686 = arith.constant 64 : i32
    %add3A_1687 = vector.broadcast %add3A_1686 : i32 to vector<16xi32>
    %add3A_1688 = arith.addi %add3A_1685, %add3A_1687 : vector<16xi32>
    %and3A_1689 = arith.constant 7 : i32
    %and3A_1690 = vector.broadcast %and3A_1689 : i32 to vector<16xi32>
    %and3A_1691 = arith.andi %get3A_1671, %and3A_1690 : vector<16xi32>
    %mul3A_1692 = arith.constant 128 : i32
    %mul3A_1693 = vector.broadcast %mul3A_1692 : i32 to vector<16xi32>
    %mul3A_1694 = arith.muli %and3A_1691, %mul3A_1693 : vector<16xi32>
    %add3A_1695 = arith.addi %add3A_1688, %mul3A_1694 : vector<16xi32>
    %add3A_1696 = arith.addi %add3A_1695, %iota3A : vector<16xi32>
    %swap3A_1697 = arith.constant 6 : i32
    %swap3A_1698 = arith.index_cast %swap3A_1697 : i32 to index
    %swap3A_1699 = arith.constant 64 : index
    %swap3A_1700 = tpu.vector_load %arg9[%swap3A_1698, %swap3A_1699] {strides = array<i32>} : memref<8x128xi32, #tpu.memory_space<vmem>>, vector<16xi32>,
    tpu.vector_store %arg9[%swap3A_1698, %swap3A_1699], %add3A_1696 {strides = array<i32>} : memref<8x128xi32, #tpu.memory_space<vmem>>, vector<16xi32>,
    %get3A_1701 = arith.constant 848 : index
    %get3A_1702 = tpu.vector_load %arg6[%get3A_1701] {strides = array<i32>} : memref<1024xi32, #tpu.memory_space<vmem>>, vector<16xi32>,
    %shift_right_arithmetic3A_1703 = arith.constant 3 : i32
    %shift_right_arithmetic3A_1704 = vector.broadcast %shift_right_arithmetic3A_1703 : i32 to vector<16xi32>
    %shift_right_arithmetic3A_1705 = arith.shrsi %get3A_1702, %shift_right_arithmetic3A_1704 : vector<16xi32>
    %mul3A_1706 = arith.constant 131072 : i32
    %mul3A_1707 = vector.broadcast %mul3A_1706 : i32 to vector<16xi32>
    %mul3A_1708 = arith.muli %shift_right_arithmetic3A_1705, %mul3A_1707 : vector<16xi32>
    %mul3A_1709 = arith.constant 8 : i32
    %mul3A_1710 = arith.muli %add3A, %mul3A_1709 : i32
    %add3A_1711 = arith.constant 6 : i32
    %add3A_1712 = arith.addi %mul3A_1710, %add3A_1711 : i32
    %mul3A_1713 = arith.constant 1024 : i32
    %mul3A_1714 = arith.muli %add3A_1712, %mul3A_1713 : i32
    %add3A_1715 = vector.broadcast %mul3A_1714 : i32 to vector<16xi32>
    %add3A_1716 = arith.addi %mul3A_1708, %add3A_1715 : vector<16xi32>
    %add3A_1717 = arith.constant 80 : i32
    %add3A_1718 = vector.broadcast %add3A_1717 : i32 to vector<16xi32>
    %add3A_1719 = arith.addi %add3A_1716, %add3A_1718 : vector<16xi32>
    %and3A_1720 = arith.constant 7 : i32
    %and3A_1721 = vector.broadcast %and3A_1720 : i32 to vector<16xi32>
    %and3A_1722 = arith.andi %get3A_1702, %and3A_1721 : vector<16xi32>
    %mul3A_1723 = arith.constant 128 : i32
    %mul3A_1724 = vector.broadcast %mul3A_1723 : i32 to vector<16xi32>
    %mul3A_1725 = arith.muli %and3A_1722, %mul3A_1724 : vector<16xi32>
    %add3A_1726 = arith.addi %add3A_1719, %mul3A_1725 : vector<16xi32>
    %add3A_1727 = arith.addi %add3A_1726, %iota3A : vector<16xi32>
    %swap3A_1728 = arith.constant 6 : i32
    %swap3A_1729 = arith.index_cast %swap3A_1728 : i32 to index
    %swap3A_1730 = arith.constant 80 : index
    %swap3A_1731 = tpu.vector_load %arg9[%swap3A_1729, %swap3A_1730] {strides = array<i32>} : memref<8x128xi32, #tpu.memory_space<vmem>>, vector<16xi32>,
    tpu.vector_store %arg9[%swap3A_1729, %swap3A_1730], %add3A_1727 {strides = array<i32>} : memref<8x128xi32, #tpu.memory_space<vmem>>, vector<16xi32>,
    %get3A_1732 = arith.constant 864 : index
    %get3A_1733 = tpu.vector_load %arg6[%get3A_1732] {strides = array<i32>} : memref<1024xi32, #tpu.memory_space<vmem>>, vector<16xi32>,
    %shift_right_arithmetic3A_1734 = arith.constant 3 : i32
    %shift_right_arithmetic3A_1735 = vector.broadcast %shift_right_arithmetic3A_1734 : i32 to vector<16xi32>
    %shift_right_arithmetic3A_1736 = arith.shrsi %get3A_1733, %shift_right_arithmetic3A_1735 : vector<16xi32>
    %mul3A_1737 = arith.constant 131072 : i32
    %mul3A_1738 = vector.broadcast %mul3A_1737 : i32 to vector<16xi32>
    %mul3A_1739 = arith.muli %shift_right_arithmetic3A_1736, %mul3A_1738 : vector<16xi32>
    %mul3A_1740 = arith.constant 8 : i32
    %mul3A_1741 = arith.muli %add3A, %mul3A_1740 : i32
    %add3A_1742 = arith.constant 6 : i32
    %add3A_1743 = arith.addi %mul3A_1741, %add3A_1742 : i32
    %mul3A_1744 = arith.constant 1024 : i32
    %mul3A_1745 = arith.muli %add3A_1743, %mul3A_1744 : i32
    %add3A_1746 = vector.broadcast %mul3A_1745 : i32 to vector<16xi32>
    %add3A_1747 = arith.addi %mul3A_1739, %add3A_1746 : vector<16xi32>
    %add3A_1748 = arith.constant 96 : i32
    %add3A_1749 = vector.broadcast %add3A_1748 : i32 to vector<16xi32>
    %add3A_1750 = arith.addi %add3A_1747, %add3A_1749 : vector<16xi32>
    %and3A_1751 = arith.constant 7 : i32
    %and3A_1752 = vector.broadcast %and3A_1751 : i32 to vector<16xi32>
    %and3A_1753 = arith.andi %get3A_1733, %and3A_1752 : vector<16xi32>
    %mul3A_1754 = arith.constant 128 : i32
    %mul3A_1755 = vector.broadcast %mul3A_1754 : i32 to vector<16xi32>
    %mul3A_1756 = arith.muli %and3A_1753, %mul3A_1755 : vector<16xi32>
    %add3A_1757 = arith.addi %add3A_1750, %mul3A_1756 : vector<16xi32>
    %add3A_1758 = arith.addi %add3A_1757, %iota3A : vector<16xi32>
    %swap3A_1759 = arith.constant 6 : i32
    %swap3A_1760 = arith.index_cast %swap3A_1759 : i32 to index
    %swap3A_1761 = arith.constant 96 : index
    %swap3A_1762 = tpu.vector_load %arg9[%swap3A_1760, %swap3A_1761] {strides = array<i32>} : memref<8x128xi32, #tpu.memory_space<vmem>>, vector<16xi32>,
    tpu.vector_store %arg9[%swap3A_1760, %swap3A_1761], %add3A_1758 {strides = array<i32>} : memref<8x128xi32, #tpu.memory_space<vmem>>, vector<16xi32>,
    %get3A_1763 = arith.constant 880 : index
    %get3A_1764 = tpu.vector_load %arg6[%get3A_1763] {strides = array<i32>} : memref<1024xi32, #tpu.memory_space<vmem>>, vector<16xi32>,
    %shift_right_arithmetic3A_1765 = arith.constant 3 : i32
    %shift_right_arithmetic3A_1766 = vector.broadcast %shift_right_arithmetic3A_1765 : i32 to vector<16xi32>
    %shift_right_arithmetic3A_1767 = arith.shrsi %get3A_1764, %shift_right_arithmetic3A_1766 : vector<16xi32>
    %mul3A_1768 = arith.constant 131072 : i32
    %mul3A_1769 = vector.broadcast %mul3A_1768 : i32 to vector<16xi32>
    %mul3A_1770 = arith.muli %shift_right_arithmetic3A_1767, %mul3A_1769 : vector<16xi32>
    %mul3A_1771 = arith.constant 8 : i32
    %mul3A_1772 = arith.muli %add3A, %mul3A_1771 : i32
    %add3A_1773 = arith.constant 6 : i32
    %add3A_1774 = arith.addi %mul3A_1772, %add3A_1773 : i32
    %mul3A_1775 = arith.constant 1024 : i32
    %mul3A_1776 = arith.muli %add3A_1774, %mul3A_1775 : i32
    %add3A_1777 = vector.broadcast %mul3A_1776 : i32 to vector<16xi32>
    %add3A_1778 = arith.addi %mul3A_1770, %add3A_1777 : vector<16xi32>
    %add3A_1779 = arith.constant 112 : i32
    %add3A_1780 = vector.broadcast %add3A_1779 : i32 to vector<16xi32>
    %add3A_1781 = arith.addi %add3A_1778, %add3A_1780 : vector<16xi32>
    %and3A_1782 = arith.constant 7 : i32
    %and3A_1783 = vector.broadcast %and3A_1782 : i32 to vector<16xi32>
    %and3A_1784 = arith.andi %get3A_1764, %and3A_1783 : vector<16xi32>
    %mul3A_1785 = arith.constant 128 : i32
    %mul3A_1786 = vector.broadcast %mul3A_1785 : i32 to vector<16xi32>
    %mul3A_1787 = arith.muli %and3A_1784, %mul3A_1786 : vector<16xi32>
    %add3A_1788 = arith.addi %add3A_1781, %mul3A_1787 : vector<16xi32>
    %add3A_1789 = arith.addi %add3A_1788, %iota3A : vector<16xi32>
    %swap3A_1790 = arith.constant 6 : i32
    %swap3A_1791 = arith.index_cast %swap3A_1790 : i32 to index
    %swap3A_1792 = arith.constant 112 : index
    %swap3A_1793 = tpu.vector_load %arg9[%swap3A_1791, %swap3A_1792] {strides = array<i32>} : memref<8x128xi32, #tpu.memory_space<vmem>>, vector<16xi32>,
    tpu.vector_store %arg9[%swap3A_1791, %swap3A_1792], %add3A_1789 {strides = array<i32>} : memref<8x128xi32, #tpu.memory_space<vmem>>, vector<16xi32>,
    %dma_start3A_1794 = arith.constant 6 : i32
    %dma_start3A_1795 = arith.constant 6 : i32
    %dma_start3A_1796 = arith.constant 0 : i32
    %dma_start3A_1797 = tpu.memref_slice %arg10[%dma_start3A_1795, %dma_start3A_1796] : memref<8x128xf32, #tpu.memory_space<vmem>> -> memref<1x128xf32, #tpu.memory_space<vmem>>
    %dma_start3A_1798 = tpu.memref_squeeze %dma_start3A_1797 : memref<1x128xf32, #tpu.memory_space<vmem>> -> memref<128xf32, #tpu.memory_space<vmem>>
    %dma_start3A_1799 = arith.constant 0 : i32
    %dma_start3A_1800 = tpu.memref_slice %arg9[%dma_start3A_1794, %dma_start3A_1799] : memref<8x128xi32, #tpu.memory_space<vmem>> -> memref<1x128xi32, #tpu.memory_space<vmem>>
    %dma_start3A_1801 = tpu.memref_squeeze %dma_start3A_1800 : memref<1x128xi32, #tpu.memory_space<vmem>> -> memref<128xi32, #tpu.memory_space<vmem>>
    %dma_start3A_1802 = arith.constant 0 : i32
    %dma_start3A_1803 = tpu.memref_slice %arg2[%dma_start3A_1802] : memref<16384000xf32, #tpu.memory_space<hbm>> -> memref<16384000xf32, #tpu.memory_space<hbm>>
    tpu.enqueue_indirect_dma source(%dma_start3A_1803 : memref<16384000xf32, #tpu.memory_space<hbm>>) target(%dma_start3A_1798 : memref<128xf32, #tpu.memory_space<vmem>>) offsets(%dma_start3A_1801 : memref<128xi32, #tpu.memory_space<vmem>>) semaphore(%arg12 : memref<!tpu.dma_semaphore, #tpu.memory_space<semaphore_mem>>)
    %get3A_1804 = arith.constant 896 : index
    %get3A_1805 = tpu.vector_load %arg6[%get3A_1804] {strides = array<i32>} : memref<1024xi32, #tpu.memory_space<vmem>>, vector<16xi32>,
    %shift_right_arithmetic3A_1806 = arith.constant 3 : i32
    %shift_right_arithmetic3A_1807 = vector.broadcast %shift_right_arithmetic3A_1806 : i32 to vector<16xi32>
    %shift_right_arithmetic3A_1808 = arith.shrsi %get3A_1805, %shift_right_arithmetic3A_1807 : vector<16xi32>
    %mul3A_1809 = arith.constant 131072 : i32
    %mul3A_1810 = vector.broadcast %mul3A_1809 : i32 to vector<16xi32>
    %mul3A_1811 = arith.muli %shift_right_arithmetic3A_1808, %mul3A_1810 : vector<16xi32>
    %mul3A_1812 = arith.constant 8 : i32
    %mul3A_1813 = arith.muli %add3A, %mul3A_1812 : i32
    %add3A_1814 = arith.constant 7 : i32
    %add3A_1815 = arith.addi %mul3A_1813, %add3A_1814 : i32
    %mul3A_1816 = arith.constant 1024 : i32
    %mul3A_1817 = arith.muli %add3A_1815, %mul3A_1816 : i32
    %add3A_1818 = vector.broadcast %mul3A_1817 : i32 to vector<16xi32>
    %add3A_1819 = arith.addi %mul3A_1811, %add3A_1818 : vector<16xi32>
    %add3A_1820 = arith.constant 0 : i32
    %add3A_1821 = vector.broadcast %add3A_1820 : i32 to vector<16xi32>
    %add3A_1822 = arith.addi %add3A_1819, %add3A_1821 : vector<16xi32>
    %and3A_1823 = arith.constant 7 : i32
    %and3A_1824 = vector.broadcast %and3A_1823 : i32 to vector<16xi32>
    %and3A_1825 = arith.andi %get3A_1805, %and3A_1824 : vector<16xi32>
    %mul3A_1826 = arith.constant 128 : i32
    %mul3A_1827 = vector.broadcast %mul3A_1826 : i32 to vector<16xi32>
    %mul3A_1828 = arith.muli %and3A_1825, %mul3A_1827 : vector<16xi32>
    %add3A_1829 = arith.addi %add3A_1822, %mul3A_1828 : vector<16xi32>
    %add3A_1830 = arith.addi %add3A_1829, %iota3A : vector<16xi32>
    %swap3A_1831 = arith.constant 7 : i32
    %swap3A_1832 = arith.index_cast %swap3A_1831 : i32 to index
    %swap3A_1833 = arith.constant 0 : index
    %swap3A_1834 = tpu.vector_load %arg9[%swap3A_1832, %swap3A_1833] {strides = array<i32>} : memref<8x128xi32, #tpu.memory_space<vmem>>, vector<16xi32>,
    tpu.vector_store %arg9[%swap3A_1832, %swap3A_1833], %add3A_1830 {strides = array<i32>} : memref<8x128xi32, #tpu.memory_space<vmem>>, vector<16xi32>,
    %get3A_1835 = arith.constant 912 : index
    %get3A_1836 = tpu.vector_load %arg6[%get3A_1835] {strides = array<i32>} : memref<1024xi32, #tpu.memory_space<vmem>>, vector<16xi32>,
    %shift_right_arithmetic3A_1837 = arith.constant 3 : i32
    %shift_right_arithmetic3A_1838 = vector.broadcast %shift_right_arithmetic3A_1837 : i32 to vector<16xi32>
    %shift_right_arithmetic3A_1839 = arith.shrsi %get3A_1836, %shift_right_arithmetic3A_1838 : vector<16xi32>
    %mul3A_1840 = arith.constant 131072 : i32
    %mul3A_1841 = vector.broadcast %mul3A_1840 : i32 to vector<16xi32>
    %mul3A_1842 = arith.muli %shift_right_arithmetic3A_1839, %mul3A_1841 : vector<16xi32>
    %mul3A_1843 = arith.constant 8 : i32
    %mul3A_1844 = arith.muli %add3A, %mul3A_1843 : i32
    %add3A_1845 = arith.constant 7 : i32
    %add3A_1846 = arith.addi %mul3A_1844, %add3A_1845 : i32
    %mul3A_1847 = arith.constant 1024 : i32
    %mul3A_1848 = arith.muli %add3A_1846, %mul3A_1847 : i32
    %add3A_1849 = vector.broadcast %mul3A_1848 : i32 to vector<16xi32>
    %add3A_1850 = arith.addi %mul3A_1842, %add3A_1849 : vector<16xi32>
    %add3A_1851 = arith.constant 16 : i32
    %add3A_1852 = vector.broadcast %add3A_1851 : i32 to vector<16xi32>
    %add3A_1853 = arith.addi %add3A_1850, %add3A_1852 : vector<16xi32>
    %and3A_1854 = arith.constant 7 : i32
    %and3A_1855 = vector.broadcast %and3A_1854 : i32 to vector<16xi32>
    %and3A_1856 = arith.andi %get3A_1836, %and3A_1855 : vector<16xi32>
    %mul3A_1857 = arith.constant 128 : i32
    %mul3A_1858 = vector.broadcast %mul3A_1857 : i32 to vector<16xi32>
    %mul3A_1859 = arith.muli %and3A_1856, %mul3A_1858 : vector<16xi32>
    %add3A_1860 = arith.addi %add3A_1853, %mul3A_1859 : vector<16xi32>
    %add3A_1861 = arith.addi %add3A_1860, %iota3A : vector<16xi32>
    %swap3A_1862 = arith.constant 7 : i32
    %swap3A_1863 = arith.index_cast %swap3A_1862 : i32 to index
    %swap3A_1864 = arith.constant 16 : index
    %swap3A_1865 = tpu.vector_load %arg9[%swap3A_1863, %swap3A_1864] {strides = array<i32>} : memref<8x128xi32, #tpu.memory_space<vmem>>, vector<16xi32>,
    tpu.vector_store %arg9[%swap3A_1863, %swap3A_1864], %add3A_1861 {strides = array<i32>} : memref<8x128xi32, #tpu.memory_space<vmem>>, vector<16xi32>,
    %get3A_1866 = arith.constant 928 : index
    %get3A_1867 = tpu.vector_load %arg6[%get3A_1866] {strides = array<i32>} : memref<1024xi32, #tpu.memory_space<vmem>>, vector<16xi32>,
    %shift_right_arithmetic3A_1868 = arith.constant 3 : i32
    %shift_right_arithmetic3A_1869 = vector.broadcast %shift_right_arithmetic3A_1868 : i32 to vector<16xi32>
    %shift_right_arithmetic3A_1870 = arith.shrsi %get3A_1867, %shift_right_arithmetic3A_1869 : vector<16xi32>
    %mul3A_1871 = arith.constant 131072 : i32
    %mul3A_1872 = vector.broadcast %mul3A_1871 : i32 to vector<16xi32>
    %mul3A_1873 = arith.muli %shift_right_arithmetic3A_1870, %mul3A_1872 : vector<16xi32>
    %mul3A_1874 = arith.constant 8 : i32
    %mul3A_1875 = arith.muli %add3A, %mul3A_1874 : i32
    %add3A_1876 = arith.constant 7 : i32
    %add3A_1877 = arith.addi %mul3A_1875, %add3A_1876 : i32
    %mul3A_1878 = arith.constant 1024 : i32
    %mul3A_1879 = arith.muli %add3A_1877, %mul3A_1878 : i32
    %add3A_1880 = vector.broadcast %mul3A_1879 : i32 to vector<16xi32>
    %add3A_1881 = arith.addi %mul3A_1873, %add3A_1880 : vector<16xi32>
    %add3A_1882 = arith.constant 32 : i32
    %add3A_1883 = vector.broadcast %add3A_1882 : i32 to vector<16xi32>
    %add3A_1884 = arith.addi %add3A_1881, %add3A_1883 : vector<16xi32>
    %and3A_1885 = arith.constant 7 : i32
    %and3A_1886 = vector.broadcast %and3A_1885 : i32 to vector<16xi32>
    %and3A_1887 = arith.andi %get3A_1867, %and3A_1886 : vector<16xi32>
    %mul3A_1888 = arith.constant 128 : i32
    %mul3A_1889 = vector.broadcast %mul3A_1888 : i32 to vector<16xi32>
    %mul3A_1890 = arith.muli %and3A_1887, %mul3A_1889 : vector<16xi32>
    %add3A_1891 = arith.addi %add3A_1884, %mul3A_1890 : vector<16xi32>
    %add3A_1892 = arith.addi %add3A_1891, %iota3A : vector<16xi32>
    %swap3A_1893 = arith.constant 7 : i32
    %swap3A_1894 = arith.index_cast %swap3A_1893 : i32 to index
    %swap3A_1895 = arith.constant 32 : index
    %swap3A_1896 = tpu.vector_load %arg9[%swap3A_1894, %swap3A_1895] {strides = array<i32>} : memref<8x128xi32, #tpu.memory_space<vmem>>, vector<16xi32>,
    tpu.vector_store %arg9[%swap3A_1894, %swap3A_1895], %add3A_1892 {strides = array<i32>} : memref<8x128xi32, #tpu.memory_space<vmem>>, vector<16xi32>,
    %get3A_1897 = arith.constant 944 : index
    %get3A_1898 = tpu.vector_load %arg6[%get3A_1897] {strides = array<i32>} : memref<1024xi32, #tpu.memory_space<vmem>>, vector<16xi32>,
    %shift_right_arithmetic3A_1899 = arith.constant 3 : i32
    %shift_right_arithmetic3A_1900 = vector.broadcast %shift_right_arithmetic3A_1899 : i32 to vector<16xi32>
    %shift_right_arithmetic3A_1901 = arith.shrsi %get3A_1898, %shift_right_arithmetic3A_1900 : vector<16xi32>
    %mul3A_1902 = arith.constant 131072 : i32
    %mul3A_1903 = vector.broadcast %mul3A_1902 : i32 to vector<16xi32>
    %mul3A_1904 = arith.muli %shift_right_arithmetic3A_1901, %mul3A_1903 : vector<16xi32>
    %mul3A_1905 = arith.constant 8 : i32
    %mul3A_1906 = arith.muli %add3A, %mul3A_1905 : i32
    %add3A_1907 = arith.constant 7 : i32
    %add3A_1908 = arith.addi %mul3A_1906, %add3A_1907 : i32
    %mul3A_1909 = arith.constant 1024 : i32
    %mul3A_1910 = arith.muli %add3A_1908, %mul3A_1909 : i32
    %add3A_1911 = vector.broadcast %mul3A_1910 : i32 to vector<16xi32>
    %add3A_1912 = arith.addi %mul3A_1904, %add3A_1911 : vector<16xi32>
    %add3A_1913 = arith.constant 48 : i32
    %add3A_1914 = vector.broadcast %add3A_1913 : i32 to vector<16xi32>
    %add3A_1915 = arith.addi %add3A_1912, %add3A_1914 : vector<16xi32>
    %and3A_1916 = arith.constant 7 : i32
    %and3A_1917 = vector.broadcast %and3A_1916 : i32 to vector<16xi32>
    %and3A_1918 = arith.andi %get3A_1898, %and3A_1917 : vector<16xi32>
    %mul3A_1919 = arith.constant 128 : i32
    %mul3A_1920 = vector.broadcast %mul3A_1919 : i32 to vector<16xi32>
    %mul3A_1921 = arith.muli %and3A_1918, %mul3A_1920 : vector<16xi32>
    %add3A_1922 = arith.addi %add3A_1915, %mul3A_1921 : vector<16xi32>
    %add3A_1923 = arith.addi %add3A_1922, %iota3A : vector<16xi32>
    %swap3A_1924 = arith.constant 7 : i32
    %swap3A_1925 = arith.index_cast %swap3A_1924 : i32 to index
    %swap3A_1926 = arith.constant 48 : index
    %swap3A_1927 = tpu.vector_load %arg9[%swap3A_1925, %swap3A_1926] {strides = array<i32>} : memref<8x128xi32, #tpu.memory_space<vmem>>, vector<16xi32>,
    tpu.vector_store %arg9[%swap3A_1925, %swap3A_1926], %add3A_1923 {strides = array<i32>} : memref<8x128xi32, #tpu.memory_space<vmem>>, vector<16xi32>,
    %get3A_1928 = arith.constant 960 : index
    %get3A_1929 = tpu.vector_load %arg6[%get3A_1928] {strides = array<i32>} : memref<1024xi32, #tpu.memory_space<vmem>>, vector<16xi32>,
    %shift_right_arithmetic3A_1930 = arith.constant 3 : i32
    %shift_right_arithmetic3A_1931 = vector.broadcast %shift_right_arithmetic3A_1930 : i32 to vector<16xi32>
    %shift_right_arithmetic3A_1932 = arith.shrsi %get3A_1929, %shift_right_arithmetic3A_1931 : vector<16xi32>
    %mul3A_1933 = arith.constant 131072 : i32
    %mul3A_1934 = vector.broadcast %mul3A_1933 : i32 to vector<16xi32>
    %mul3A_1935 = arith.muli %shift_right_arithmetic3A_1932, %mul3A_1934 : vector<16xi32>
    %mul3A_1936 = arith.constant 8 : i32
    %mul3A_1937 = arith.muli %add3A, %mul3A_1936 : i32
    %add3A_1938 = arith.constant 7 : i32
    %add3A_1939 = arith.addi %mul3A_1937, %add3A_1938 : i32
    %mul3A_1940 = arith.constant 1024 : i32
    %mul3A_1941 = arith.muli %add3A_1939, %mul3A_1940 : i32
    %add3A_1942 = vector.broadcast %mul3A_1941 : i32 to vector<16xi32>
    %add3A_1943 = arith.addi %mul3A_1935, %add3A_1942 : vector<16xi32>
    %add3A_1944 = arith.constant 64 : i32
    %add3A_1945 = vector.broadcast %add3A_1944 : i32 to vector<16xi32>
    %add3A_1946 = arith.addi %add3A_1943, %add3A_1945 : vector<16xi32>
    %and3A_1947 = arith.constant 7 : i32
    %and3A_1948 = vector.broadcast %and3A_1947 : i32 to vector<16xi32>
    %and3A_1949 = arith.andi %get3A_1929, %and3A_1948 : vector<16xi32>
    %mul3A_1950 = arith.constant 128 : i32
    %mul3A_1951 = vector.broadcast %mul3A_1950 : i32 to vector<16xi32>
    %mul3A_1952 = arith.muli %and3A_1949, %mul3A_1951 : vector<16xi32>
    %add3A_1953 = arith.addi %add3A_1946, %mul3A_1952 : vector<16xi32>
    %add3A_1954 = arith.addi %add3A_1953, %iota3A : vector<16xi32>
    %swap3A_1955 = arith.constant 7 : i32
    %swap3A_1956 = arith.index_cast %swap3A_1955 : i32 to index
    %swap3A_1957 = arith.constant 64 : index
    %swap3A_1958 = tpu.vector_load %arg9[%swap3A_1956, %swap3A_1957] {strides = array<i32>} : memref<8x128xi32, #tpu.memory_space<vmem>>, vector<16xi32>,
    tpu.vector_store %arg9[%swap3A_1956, %swap3A_1957], %add3A_1954 {strides = array<i32>} : memref<8x128xi32, #tpu.memory_space<vmem>>, vector<16xi32>,
    %get3A_1959 = arith.constant 976 : index
    %get3A_1960 = tpu.vector_load %arg6[%get3A_1959] {strides = array<i32>} : memref<1024xi32, #tpu.memory_space<vmem>>, vector<16xi32>,
    %shift_right_arithmetic3A_1961 = arith.constant 3 : i32
    %shift_right_arithmetic3A_1962 = vector.broadcast %shift_right_arithmetic3A_1961 : i32 to vector<16xi32>
    %shift_right_arithmetic3A_1963 = arith.shrsi %get3A_1960, %shift_right_arithmetic3A_1962 : vector<16xi32>
    %mul3A_1964 = arith.constant 131072 : i32
    %mul3A_1965 = vector.broadcast %mul3A_1964 : i32 to vector<16xi32>
    %mul3A_1966 = arith.muli %shift_right_arithmetic3A_1963, %mul3A_1965 : vector<16xi32>
    %mul3A_1967 = arith.constant 8 : i32
    %mul3A_1968 = arith.muli %add3A, %mul3A_1967 : i32
    %add3A_1969 = arith.constant 7 : i32
    %add3A_1970 = arith.addi %mul3A_1968, %add3A_1969 : i32
    %mul3A_1971 = arith.constant 1024 : i32
    %mul3A_1972 = arith.muli %add3A_1970, %mul3A_1971 : i32
    %add3A_1973 = vector.broadcast %mul3A_1972 : i32 to vector<16xi32>
    %add3A_1974 = arith.addi %mul3A_1966, %add3A_1973 : vector<16xi32>
    %add3A_1975 = arith.constant 80 : i32
    %add3A_1976 = vector.broadcast %add3A_1975 : i32 to vector<16xi32>
    %add3A_1977 = arith.addi %add3A_1974, %add3A_1976 : vector<16xi32>
    %and3A_1978 = arith.constant 7 : i32
    %and3A_1979 = vector.broadcast %and3A_1978 : i32 to vector<16xi32>
    %and3A_1980 = arith.andi %get3A_1960, %and3A_1979 : vector<16xi32>
    %mul3A_1981 = arith.constant 128 : i32
    %mul3A_1982 = vector.broadcast %mul3A_1981 : i32 to vector<16xi32>
    %mul3A_1983 = arith.muli %and3A_1980, %mul3A_1982 : vector<16xi32>
    %add3A_1984 = arith.addi %add3A_1977, %mul3A_1983 : vector<16xi32>
    %add3A_1985 = arith.addi %add3A_1984, %iota3A : vector<16xi32>
    %swap3A_1986 = arith.constant 7 : i32
    %swap3A_1987 = arith.index_cast %swap3A_1986 : i32 to index
    %swap3A_1988 = arith.constant 80 : index
    %swap3A_1989 = tpu.vector_load %arg9[%swap3A_1987, %swap3A_1988] {strides = array<i32>} : memref<8x128xi32, #tpu.memory_space<vmem>>, vector<16xi32>,
    tpu.vector_store %arg9[%swap3A_1987, %swap3A_1988], %add3A_1985 {strides = array<i32>} : memref<8x128xi32, #tpu.memory_space<vmem>>, vector<16xi32>,
    %get3A_1990 = arith.constant 992 : index
    %get3A_1991 = tpu.vector_load %arg6[%get3A_1990] {strides = array<i32>} : memref<1024xi32, #tpu.memory_space<vmem>>, vector<16xi32>,
    %shift_right_arithmetic3A_1992 = arith.constant 3 : i32
    %shift_right_arithmetic3A_1993 = vector.broadcast %shift_right_arithmetic3A_1992 : i32 to vector<16xi32>
    %shift_right_arithmetic3A_1994 = arith.shrsi %get3A_1991, %shift_right_arithmetic3A_1993 : vector<16xi32>
    %mul3A_1995 = arith.constant 131072 : i32
    %mul3A_1996 = vector.broadcast %mul3A_1995 : i32 to vector<16xi32>
    %mul3A_1997 = arith.muli %shift_right_arithmetic3A_1994, %mul3A_1996 : vector<16xi32>
    %mul3A_1998 = arith.constant 8 : i32
    %mul3A_1999 = arith.muli %add3A, %mul3A_1998 : i32
    %add3A_2000 = arith.constant 7 : i32
    %add3A_2001 = arith.addi %mul3A_1999, %add3A_2000 : i32
    %mul3A_2002 = arith.constant 1024 : i32
    %mul3A_2003 = arith.muli %add3A_2001, %mul3A_2002 : i32
    %add3A_2004 = vector.broadcast %mul3A_2003 : i32 to vector<16xi32>
    %add3A_2005 = arith.addi %mul3A_1997, %add3A_2004 : vector<16xi32>
    %add3A_2006 = arith.constant 96 : i32
    %add3A_2007 = vector.broadcast %add3A_2006 : i32 to vector<16xi32>
    %add3A_2008 = arith.addi %add3A_2005, %add3A_2007 : vector<16xi32>
    %and3A_2009 = arith.constant 7 : i32
    %and3A_2010 = vector.broadcast %and3A_2009 : i32 to vector<16xi32>
    %and3A_2011 = arith.andi %get3A_1991, %and3A_2010 : vector<16xi32>
    %mul3A_2012 = arith.constant 128 : i32
    %mul3A_2013 = vector.broadcast %mul3A_2012 : i32 to vector<16xi32>
    %mul3A_2014 = arith.muli %and3A_2011, %mul3A_2013 : vector<16xi32>
    %add3A_2015 = arith.addi %add3A_2008, %mul3A_2014 : vector<16xi32>
    %add3A_2016 = arith.addi %add3A_2015, %iota3A : vector<16xi32>
    %swap3A_2017 = arith.constant 7 : i32
    %swap3A_2018 = arith.index_cast %swap3A_2017 : i32 to index
    %swap3A_2019 = arith.constant 96 : index
    %swap3A_2020 = tpu.vector_load %arg9[%swap3A_2018, %swap3A_2019] {strides = array<i32>} : memref<8x128xi32, #tpu.memory_space<vmem>>, vector<16xi32>,
    tpu.vector_store %arg9[%swap3A_2018, %swap3A_2019], %add3A_2016 {strides = array<i32>} : memref<8x128xi32, #tpu.memory_space<vmem>>, vector<16xi32>,
    %get3A_2021 = arith.constant 1008 : index
    %get3A_2022 = tpu.vector_load %arg6[%get3A_2021] {strides = array<i32>} : memref<1024xi32, #tpu.memory_space<vmem>>, vector<16xi32>,
    %shift_right_arithmetic3A_2023 = arith.constant 3 : i32
    %shift_right_arithmetic3A_2024 = vector.broadcast %shift_right_arithmetic3A_2023 : i32 to vector<16xi32>
    %shift_right_arithmetic3A_2025 = arith.shrsi %get3A_2022, %shift_right_arithmetic3A_2024 : vector<16xi32>
    %mul3A_2026 = arith.constant 131072 : i32
    %mul3A_2027 = vector.broadcast %mul3A_2026 : i32 to vector<16xi32>
    %mul3A_2028 = arith.muli %shift_right_arithmetic3A_2025, %mul3A_2027 : vector<16xi32>
    %mul3A_2029 = arith.constant 8 : i32
    %mul3A_2030 = arith.muli %add3A, %mul3A_2029 : i32
    %add3A_2031 = arith.constant 7 : i32
    %add3A_2032 = arith.addi %mul3A_2030, %add3A_2031 : i32
    %mul3A_2033 = arith.constant 1024 : i32
    %mul3A_2034 = arith.muli %add3A_2032, %mul3A_2033 : i32
    %add3A_2035 = vector.broadcast %mul3A_2034 : i32 to vector<16xi32>
    %add3A_2036 = arith.addi %mul3A_2028, %add3A_2035 : vector<16xi32>
    %add3A_2037 = arith.constant 112 : i32
    %add3A_2038 = vector.broadcast %add3A_2037 : i32 to vector<16xi32>
    %add3A_2039 = arith.addi %add3A_2036, %add3A_2038 : vector<16xi32>
    %and3A_2040 = arith.constant 7 : i32
    %and3A_2041 = vector.broadcast %and3A_2040 : i32 to vector<16xi32>
    %and3A_2042 = arith.andi %get3A_2022, %and3A_2041 : vector<16xi32>
    %mul3A_2043 = arith.constant 128 : i32
    %mul3A_2044 = vector.broadcast %mul3A_2043 : i32 to vector<16xi32>
    %mul3A_2045 = arith.muli %and3A_2042, %mul3A_2044 : vector<16xi32>
    %add3A_2046 = arith.addi %add3A_2039, %mul3A_2045 : vector<16xi32>
    %add3A_2047 = arith.addi %add3A_2046, %iota3A : vector<16xi32>
    %swap3A_2048 = arith.constant 7 : i32
    %swap3A_2049 = arith.index_cast %swap3A_2048 : i32 to index
    %swap3A_2050 = arith.constant 112 : index
    %swap3A_2051 = tpu.vector_load %arg9[%swap3A_2049, %swap3A_2050] {strides = array<i32>} : memref<8x128xi32, #tpu.memory_space<vmem>>, vector<16xi32>,
    tpu.vector_store %arg9[%swap3A_2049, %swap3A_2050], %add3A_2047 {strides = array<i32>} : memref<8x128xi32, #tpu.memory_space<vmem>>, vector<16xi32>,
    %dma_start3A_2052 = arith.constant 7 : i32
    %dma_start3A_2053 = arith.constant 7 : i32
    %dma_start3A_2054 = arith.constant 0 : i32
    %dma_start3A_2055 = tpu.memref_slice %arg10[%dma_start3A_2053, %dma_start3A_2054] : memref<8x128xf32, #tpu.memory_space<vmem>> -> memref<1x128xf32, #tpu.memory_space<vmem>>
    %dma_start3A_2056 = tpu.memref_squeeze %dma_start3A_2055 : memref<1x128xf32, #tpu.memory_space<vmem>> -> memref<128xf32, #tpu.memory_space<vmem>>
    %dma_start3A_2057 = arith.constant 0 : i32
    %dma_start3A_2058 = tpu.memref_slice %arg9[%dma_start3A_2052, %dma_start3A_2057] : memref<8x128xi32, #tpu.memory_space<vmem>> -> memref<1x128xi32, #tpu.memory_space<vmem>>
    %dma_start3A_2059 = tpu.memref_squeeze %dma_start3A_2058 : memref<1x128xi32, #tpu.memory_space<vmem>> -> memref<128xi32, #tpu.memory_space<vmem>>
    %dma_start3A_2060 = arith.constant 0 : i32
    %dma_start3A_2061 = tpu.memref_slice %arg2[%dma_start3A_2060] : memref<16384000xf32, #tpu.memory_space<hbm>> -> memref<16384000xf32, #tpu.memory_space<hbm>>
    tpu.enqueue_indirect_dma source(%dma_start3A_2061 : memref<16384000xf32, #tpu.memory_space<hbm>>) target(%dma_start3A_2056 : memref<128xf32, #tpu.memory_space<vmem>>) offsets(%dma_start3A_2059 : memref<128xi32, #tpu.memory_space<vmem>>) semaphore(%arg12 : memref<!tpu.dma_semaphore, #tpu.memory_space<semaphore_mem>>)
    "tpu.region"() ({
      %run_scoped3A = tpu.sem_alloc : memref<!tpu.dma_semaphore, #tpu.memory_space<semaphore_mem>>
      %dma_start3A_3613 = tpu.memref_slice %arg4[%mul3A_2] : memref<16384xf32, #tpu.memory_space<hbm>> -> memref<1024xf32, #tpu.memory_space<hbm>>
      %dma_start3A_3614 = tpu.memref_slice %arg4[%mul3A_2] : memref<16384xf32, #tpu.memory_space<hbm>> -> memref<1024xf32, #tpu.memory_space<hbm>>
      tpu.enqueue_dma source(%dma_start3A_3614 : memref<1024xf32, #tpu.memory_space<hbm>>) target(%arg7 : memref<1024xf32, #tpu.memory_space<vmem>>) target_semaphore(%run_scoped3A : memref<!tpu.dma_semaphore, #tpu.memory_space<semaphore_mem>>)
      %dma_wait3A_3615 = tpu.memref_slice %arg4[%mul3A_2] : memref<16384xf32, #tpu.memory_space<hbm>> -> memref<1024xf32, #tpu.memory_space<hbm>>
      %dma_wait3A_3616 = tpu.memref_slice %arg4[%mul3A_2] : memref<16384xf32, #tpu.memory_space<hbm>> -> memref<1024xf32, #tpu.memory_space<hbm>>
      tpu.wait_dma2 semaphore(%run_scoped3A : memref<!tpu.dma_semaphore, #tpu.memory_space<semaphore_mem>>) src(%dma_wait3A_3616 : memref<1024xf32, #tpu.memory_space<hbm>>) dst(%arg7 : memref<1024xf32, #tpu.memory_space<vmem>>)
      tpu.yield
    }) : () -> ()
    %get3A_2062 = arith.constant 0 : index
    %get3A_2063 = tpu.vector_load %arg7[%get3A_2062] {strides = array<i32>} : memref<1024xf32, #tpu.memory_space<vmem>>, vector<16xf32>,
    %mul3A_2064 = arith.constant -5.000000e-01 : f32
    %mul3A_2065 = vector.broadcast %mul3A_2064 : f32 to vector<16xf32>
    %mul3A_2066 = arith.mulf %mul3A_2065, %get3A_2063 : vector<16xf32>
    %mul3A_2067 = arith.mulf %mul3A_2066, %get3A_2063 : vector<16xf32>
    %exp3A = math.exp %mul3A_2067 : vector<16xf32>
    %ne3A = arith.constant 0.000000e+00 : f32
    %ne3A_2068 = vector.broadcast %ne3A : f32 to vector<16xf32>
    %ne3A_2069 = arith.cmpf one, %get3A_2063, %ne3A_2068 : vector<16xf32>
    %broadcast_in_dim3A = arith.constant 0.000000e+00 : f32
    %broadcast_in_dim3A_2070 = vector.broadcast %broadcast_in_dim3A : f32 to vector<16xf32>
    %select_n3A = arith.select %ne3A_2069, %exp3A, %broadcast_in_dim3A_2070 : vector<16xi1>, vector<16xf32>
    %swap3A_2071 = arith.constant 0 : index
    %swap3A_2072 = tpu.vector_load %arg8[%swap3A_2071] {strides = array<i32>} : memref<1024xf32, #tpu.memory_space<vmem>>, vector<16xf32>,
    tpu.vector_store %arg8[%swap3A_2071], %select_n3A {strides = array<i32>} : memref<1024xf32, #tpu.memory_space<vmem>>, vector<16xf32>,
    %get3A_2073 = arith.constant 16 : index
    %get3A_2074 = tpu.vector_load %arg7[%get3A_2073] {strides = array<i32>} : memref<1024xf32, #tpu.memory_space<vmem>>, vector<16xf32>,
    %mul3A_2075 = arith.constant -5.000000e-01 : f32
    %mul3A_2076 = vector.broadcast %mul3A_2075 : f32 to vector<16xf32>
    %mul3A_2077 = arith.mulf %mul3A_2076, %get3A_2074 : vector<16xf32>
    %mul3A_2078 = arith.mulf %mul3A_2077, %get3A_2074 : vector<16xf32>
    %exp3A_2079 = math.exp %mul3A_2078 : vector<16xf32>
    %ne3A_2080 = arith.constant 0.000000e+00 : f32
    %ne3A_2081 = vector.broadcast %ne3A_2080 : f32 to vector<16xf32>
    %ne3A_2082 = arith.cmpf one, %get3A_2074, %ne3A_2081 : vector<16xf32>
    %broadcast_in_dim3A_2083 = arith.constant 0.000000e+00 : f32
    %broadcast_in_dim3A_2084 = vector.broadcast %broadcast_in_dim3A_2083 : f32 to vector<16xf32>
    %select_n3A_2085 = arith.select %ne3A_2082, %exp3A_2079, %broadcast_in_dim3A_2084 : vector<16xi1>, vector<16xf32>
    %swap3A_2086 = arith.constant 16 : index
    %swap3A_2087 = tpu.vector_load %arg8[%swap3A_2086] {strides = array<i32>} : memref<1024xf32, #tpu.memory_space<vmem>>, vector<16xf32>,
    tpu.vector_store %arg8[%swap3A_2086], %select_n3A_2085 {strides = array<i32>} : memref<1024xf32, #tpu.memory_space<vmem>>, vector<16xf32>,
    %get3A_2088 = arith.constant 32 : index
    %get3A_2089 = tpu.vector_load %arg7[%get3A_2088] {strides = array<i32>} : memref<1024xf32, #tpu.memory_space<vmem>>, vector<16xf32>,
    %mul3A_2090 = arith.constant -5.000000e-01 : f32
    %mul3A_2091 = vector.broadcast %mul3A_2090 : f32 to vector<16xf32>
    %mul3A_2092 = arith.mulf %mul3A_2091, %get3A_2089 : vector<16xf32>
    %mul3A_2093 = arith.mulf %mul3A_2092, %get3A_2089 : vector<16xf32>
    %exp3A_2094 = math.exp %mul3A_2093 : vector<16xf32>
    %ne3A_2095 = arith.constant 0.000000e+00 : f32
    %ne3A_2096 = vector.broadcast %ne3A_2095 : f32 to vector<16xf32>
    %ne3A_2097 = arith.cmpf one, %get3A_2089, %ne3A_2096 : vector<16xf32>
    %broadcast_in_dim3A_2098 = arith.constant 0.000000e+00 : f32
    %broadcast_in_dim3A_2099 = vector.broadcast %broadcast_in_dim3A_2098 : f32 to vector<16xf32>
    %select_n3A_2100 = arith.select %ne3A_2097, %exp3A_2094, %broadcast_in_dim3A_2099 : vector<16xi1>, vector<16xf32>
    %swap3A_2101 = arith.constant 32 : index
    %swap3A_2102 = tpu.vector_load %arg8[%swap3A_2101] {strides = array<i32>} : memref<1024xf32, #tpu.memory_space<vmem>>, vector<16xf32>,
    tpu.vector_store %arg8[%swap3A_2101], %select_n3A_2100 {strides = array<i32>} : memref<1024xf32, #tpu.memory_space<vmem>>, vector<16xf32>,
    %get3A_2103 = arith.constant 48 : index
    %get3A_2104 = tpu.vector_load %arg7[%get3A_2103] {strides = array<i32>} : memref<1024xf32, #tpu.memory_space<vmem>>, vector<16xf32>,
    %mul3A_2105 = arith.constant -5.000000e-01 : f32
    %mul3A_2106 = vector.broadcast %mul3A_2105 : f32 to vector<16xf32>
    %mul3A_2107 = arith.mulf %mul3A_2106, %get3A_2104 : vector<16xf32>
    %mul3A_2108 = arith.mulf %mul3A_2107, %get3A_2104 : vector<16xf32>
    %exp3A_2109 = math.exp %mul3A_2108 : vector<16xf32>
    %ne3A_2110 = arith.constant 0.000000e+00 : f32
    %ne3A_2111 = vector.broadcast %ne3A_2110 : f32 to vector<16xf32>
    %ne3A_2112 = arith.cmpf one, %get3A_2104, %ne3A_2111 : vector<16xf32>
    %broadcast_in_dim3A_2113 = arith.constant 0.000000e+00 : f32
    %broadcast_in_dim3A_2114 = vector.broadcast %broadcast_in_dim3A_2113 : f32 to vector<16xf32>
    %select_n3A_2115 = arith.select %ne3A_2112, %exp3A_2109, %broadcast_in_dim3A_2114 : vector<16xi1>, vector<16xf32>
    %swap3A_2116 = arith.constant 48 : index
    %swap3A_2117 = tpu.vector_load %arg8[%swap3A_2116] {strides = array<i32>} : memref<1024xf32, #tpu.memory_space<vmem>>, vector<16xf32>,
    tpu.vector_store %arg8[%swap3A_2116], %select_n3A_2115 {strides = array<i32>} : memref<1024xf32, #tpu.memory_space<vmem>>, vector<16xf32>,
    %get3A_2118 = arith.constant 64 : index
    %get3A_2119 = tpu.vector_load %arg7[%get3A_2118] {strides = array<i32>} : memref<1024xf32, #tpu.memory_space<vmem>>, vector<16xf32>,
    %mul3A_2120 = arith.constant -5.000000e-01 : f32
    %mul3A_2121 = vector.broadcast %mul3A_2120 : f32 to vector<16xf32>
    %mul3A_2122 = arith.mulf %mul3A_2121, %get3A_2119 : vector<16xf32>
    %mul3A_2123 = arith.mulf %mul3A_2122, %get3A_2119 : vector<16xf32>
    %exp3A_2124 = math.exp %mul3A_2123 : vector<16xf32>
    %ne3A_2125 = arith.constant 0.000000e+00 : f32
    %ne3A_2126 = vector.broadcast %ne3A_2125 : f32 to vector<16xf32>
    %ne3A_2127 = arith.cmpf one, %get3A_2119, %ne3A_2126 : vector<16xf32>
    %broadcast_in_dim3A_2128 = arith.constant 0.000000e+00 : f32
    %broadcast_in_dim3A_2129 = vector.broadcast %broadcast_in_dim3A_2128 : f32 to vector<16xf32>
    %select_n3A_2130 = arith.select %ne3A_2127, %exp3A_2124, %broadcast_in_dim3A_2129 : vector<16xi1>, vector<16xf32>
    %swap3A_2131 = arith.constant 64 : index
    %swap3A_2132 = tpu.vector_load %arg8[%swap3A_2131] {strides = array<i32>} : memref<1024xf32, #tpu.memory_space<vmem>>, vector<16xf32>,
    tpu.vector_store %arg8[%swap3A_2131], %select_n3A_2130 {strides = array<i32>} : memref<1024xf32, #tpu.memory_space<vmem>>, vector<16xf32>,
    %get3A_2133 = arith.constant 80 : index
    %get3A_2134 = tpu.vector_load %arg7[%get3A_2133] {strides = array<i32>} : memref<1024xf32, #tpu.memory_space<vmem>>, vector<16xf32>,
    %mul3A_2135 = arith.constant -5.000000e-01 : f32
    %mul3A_2136 = vector.broadcast %mul3A_2135 : f32 to vector<16xf32>
    %mul3A_2137 = arith.mulf %mul3A_2136, %get3A_2134 : vector<16xf32>
    %mul3A_2138 = arith.mulf %mul3A_2137, %get3A_2134 : vector<16xf32>
    %exp3A_2139 = math.exp %mul3A_2138 : vector<16xf32>
    %ne3A_2140 = arith.constant 0.000000e+00 : f32
    %ne3A_2141 = vector.broadcast %ne3A_2140 : f32 to vector<16xf32>
    %ne3A_2142 = arith.cmpf one, %get3A_2134, %ne3A_2141 : vector<16xf32>
    %broadcast_in_dim3A_2143 = arith.constant 0.000000e+00 : f32
    %broadcast_in_dim3A_2144 = vector.broadcast %broadcast_in_dim3A_2143 : f32 to vector<16xf32>
    %select_n3A_2145 = arith.select %ne3A_2142, %exp3A_2139, %broadcast_in_dim3A_2144 : vector<16xi1>, vector<16xf32>
    %swap3A_2146 = arith.constant 80 : index
    %swap3A_2147 = tpu.vector_load %arg8[%swap3A_2146] {strides = array<i32>} : memref<1024xf32, #tpu.memory_space<vmem>>, vector<16xf32>,
    tpu.vector_store %arg8[%swap3A_2146], %select_n3A_2145 {strides = array<i32>} : memref<1024xf32, #tpu.memory_space<vmem>>, vector<16xf32>,
    %get3A_2148 = arith.constant 96 : index
    %get3A_2149 = tpu.vector_load %arg7[%get3A_2148] {strides = array<i32>} : memref<1024xf32, #tpu.memory_space<vmem>>, vector<16xf32>,
    %mul3A_2150 = arith.constant -5.000000e-01 : f32
    %mul3A_2151 = vector.broadcast %mul3A_2150 : f32 to vector<16xf32>
    %mul3A_2152 = arith.mulf %mul3A_2151, %get3A_2149 : vector<16xf32>
    %mul3A_2153 = arith.mulf %mul3A_2152, %get3A_2149 : vector<16xf32>
    %exp3A_2154 = math.exp %mul3A_2153 : vector<16xf32>
    %ne3A_2155 = arith.constant 0.000000e+00 : f32
    %ne3A_2156 = vector.broadcast %ne3A_2155 : f32 to vector<16xf32>
    %ne3A_2157 = arith.cmpf one, %get3A_2149, %ne3A_2156 : vector<16xf32>
    %broadcast_in_dim3A_2158 = arith.constant 0.000000e+00 : f32
    %broadcast_in_dim3A_2159 = vector.broadcast %broadcast_in_dim3A_2158 : f32 to vector<16xf32>
    %select_n3A_2160 = arith.select %ne3A_2157, %exp3A_2154, %broadcast_in_dim3A_2159 : vector<16xi1>, vector<16xf32>
    %swap3A_2161 = arith.constant 96 : index
    %swap3A_2162 = tpu.vector_load %arg8[%swap3A_2161] {strides = array<i32>} : memref<1024xf32, #tpu.memory_space<vmem>>, vector<16xf32>,
    tpu.vector_store %arg8[%swap3A_2161], %select_n3A_2160 {strides = array<i32>} : memref<1024xf32, #tpu.memory_space<vmem>>, vector<16xf32>,
    %get3A_2163 = arith.constant 112 : index
    %get3A_2164 = tpu.vector_load %arg7[%get3A_2163] {strides = array<i32>} : memref<1024xf32, #tpu.memory_space<vmem>>, vector<16xf32>,
    %mul3A_2165 = arith.constant -5.000000e-01 : f32
    %mul3A_2166 = vector.broadcast %mul3A_2165 : f32 to vector<16xf32>
    %mul3A_2167 = arith.mulf %mul3A_2166, %get3A_2164 : vector<16xf32>
    %mul3A_2168 = arith.mulf %mul3A_2167, %get3A_2164 : vector<16xf32>
    %exp3A_2169 = math.exp %mul3A_2168 : vector<16xf32>
    %ne3A_2170 = arith.constant 0.000000e+00 : f32
    %ne3A_2171 = vector.broadcast %ne3A_2170 : f32 to vector<16xf32>
    %ne3A_2172 = arith.cmpf one, %get3A_2164, %ne3A_2171 : vector<16xf32>
    %broadcast_in_dim3A_2173 = arith.constant 0.000000e+00 : f32
    %broadcast_in_dim3A_2174 = vector.broadcast %broadcast_in_dim3A_2173 : f32 to vector<16xf32>
    %select_n3A_2175 = arith.select %ne3A_2172, %exp3A_2169, %broadcast_in_dim3A_2174 : vector<16xi1>, vector<16xf32>
    %swap3A_2176 = arith.constant 112 : index
    %swap3A_2177 = tpu.vector_load %arg8[%swap3A_2176] {strides = array<i32>} : memref<1024xf32, #tpu.memory_space<vmem>>, vector<16xf32>,
    tpu.vector_store %arg8[%swap3A_2176], %select_n3A_2175 {strides = array<i32>} : memref<1024xf32, #tpu.memory_space<vmem>>, vector<16xf32>,
    %get3A_2178 = arith.constant 128 : index
    %get3A_2179 = tpu.vector_load %arg7[%get3A_2178] {strides = array<i32>} : memref<1024xf32, #tpu.memory_space<vmem>>, vector<16xf32>,
    %mul3A_2180 = arith.constant -5.000000e-01 : f32
    %mul3A_2181 = vector.broadcast %mul3A_2180 : f32 to vector<16xf32>
    %mul3A_2182 = arith.mulf %mul3A_2181, %get3A_2179 : vector<16xf32>
    %mul3A_2183 = arith.mulf %mul3A_2182, %get3A_2179 : vector<16xf32>
    %exp3A_2184 = math.exp %mul3A_2183 : vector<16xf32>
    %ne3A_2185 = arith.constant 0.000000e+00 : f32
    %ne3A_2186 = vector.broadcast %ne3A_2185 : f32 to vector<16xf32>
    %ne3A_2187 = arith.cmpf one, %get3A_2179, %ne3A_2186 : vector<16xf32>
    %broadcast_in_dim3A_2188 = arith.constant 0.000000e+00 : f32
    %broadcast_in_dim3A_2189 = vector.broadcast %broadcast_in_dim3A_2188 : f32 to vector<16xf32>
    %select_n3A_2190 = arith.select %ne3A_2187, %exp3A_2184, %broadcast_in_dim3A_2189 : vector<16xi1>, vector<16xf32>
    %swap3A_2191 = arith.constant 128 : index
    %swap3A_2192 = tpu.vector_load %arg8[%swap3A_2191] {strides = array<i32>} : memref<1024xf32, #tpu.memory_space<vmem>>, vector<16xf32>,
    tpu.vector_store %arg8[%swap3A_2191], %select_n3A_2190 {strides = array<i32>} : memref<1024xf32, #tpu.memory_space<vmem>>, vector<16xf32>,
    %get3A_2193 = arith.constant 144 : index
    %get3A_2194 = tpu.vector_load %arg7[%get3A_2193] {strides = array<i32>} : memref<1024xf32, #tpu.memory_space<vmem>>, vector<16xf32>,
    %mul3A_2195 = arith.constant -5.000000e-01 : f32
    %mul3A_2196 = vector.broadcast %mul3A_2195 : f32 to vector<16xf32>
    %mul3A_2197 = arith.mulf %mul3A_2196, %get3A_2194 : vector<16xf32>
    %mul3A_2198 = arith.mulf %mul3A_2197, %get3A_2194 : vector<16xf32>
    %exp3A_2199 = math.exp %mul3A_2198 : vector<16xf32>
    %ne3A_2200 = arith.constant 0.000000e+00 : f32
    %ne3A_2201 = vector.broadcast %ne3A_2200 : f32 to vector<16xf32>
    %ne3A_2202 = arith.cmpf one, %get3A_2194, %ne3A_2201 : vector<16xf32>
    %broadcast_in_dim3A_2203 = arith.constant 0.000000e+00 : f32
    %broadcast_in_dim3A_2204 = vector.broadcast %broadcast_in_dim3A_2203 : f32 to vector<16xf32>
    %select_n3A_2205 = arith.select %ne3A_2202, %exp3A_2199, %broadcast_in_dim3A_2204 : vector<16xi1>, vector<16xf32>
    %swap3A_2206 = arith.constant 144 : index
    %swap3A_2207 = tpu.vector_load %arg8[%swap3A_2206] {strides = array<i32>} : memref<1024xf32, #tpu.memory_space<vmem>>, vector<16xf32>,
    tpu.vector_store %arg8[%swap3A_2206], %select_n3A_2205 {strides = array<i32>} : memref<1024xf32, #tpu.memory_space<vmem>>, vector<16xf32>,
    %get3A_2208 = arith.constant 160 : index
    %get3A_2209 = tpu.vector_load %arg7[%get3A_2208] {strides = array<i32>} : memref<1024xf32, #tpu.memory_space<vmem>>, vector<16xf32>,
    %mul3A_2210 = arith.constant -5.000000e-01 : f32
    %mul3A_2211 = vector.broadcast %mul3A_2210 : f32 to vector<16xf32>
    %mul3A_2212 = arith.mulf %mul3A_2211, %get3A_2209 : vector<16xf32>
    %mul3A_2213 = arith.mulf %mul3A_2212, %get3A_2209 : vector<16xf32>
    %exp3A_2214 = math.exp %mul3A_2213 : vector<16xf32>
    %ne3A_2215 = arith.constant 0.000000e+00 : f32
    %ne3A_2216 = vector.broadcast %ne3A_2215 : f32 to vector<16xf32>
    %ne3A_2217 = arith.cmpf one, %get3A_2209, %ne3A_2216 : vector<16xf32>
    %broadcast_in_dim3A_2218 = arith.constant 0.000000e+00 : f32
    %broadcast_in_dim3A_2219 = vector.broadcast %broadcast_in_dim3A_2218 : f32 to vector<16xf32>
    %select_n3A_2220 = arith.select %ne3A_2217, %exp3A_2214, %broadcast_in_dim3A_2219 : vector<16xi1>, vector<16xf32>
    %swap3A_2221 = arith.constant 160 : index
    %swap3A_2222 = tpu.vector_load %arg8[%swap3A_2221] {strides = array<i32>} : memref<1024xf32, #tpu.memory_space<vmem>>, vector<16xf32>,
    tpu.vector_store %arg8[%swap3A_2221], %select_n3A_2220 {strides = array<i32>} : memref<1024xf32, #tpu.memory_space<vmem>>, vector<16xf32>,
    %get3A_2223 = arith.constant 176 : index
    %get3A_2224 = tpu.vector_load %arg7[%get3A_2223] {strides = array<i32>} : memref<1024xf32, #tpu.memory_space<vmem>>, vector<16xf32>,
    %mul3A_2225 = arith.constant -5.000000e-01 : f32
    %mul3A_2226 = vector.broadcast %mul3A_2225 : f32 to vector<16xf32>
    %mul3A_2227 = arith.mulf %mul3A_2226, %get3A_2224 : vector<16xf32>
    %mul3A_2228 = arith.mulf %mul3A_2227, %get3A_2224 : vector<16xf32>
    %exp3A_2229 = math.exp %mul3A_2228 : vector<16xf32>
    %ne3A_2230 = arith.constant 0.000000e+00 : f32
    %ne3A_2231 = vector.broadcast %ne3A_2230 : f32 to vector<16xf32>
    %ne3A_2232 = arith.cmpf one, %get3A_2224, %ne3A_2231 : vector<16xf32>
    %broadcast_in_dim3A_2233 = arith.constant 0.000000e+00 : f32
    %broadcast_in_dim3A_2234 = vector.broadcast %broadcast_in_dim3A_2233 : f32 to vector<16xf32>
    %select_n3A_2235 = arith.select %ne3A_2232, %exp3A_2229, %broadcast_in_dim3A_2234 : vector<16xi1>, vector<16xf32>
    %swap3A_2236 = arith.constant 176 : index
    %swap3A_2237 = tpu.vector_load %arg8[%swap3A_2236] {strides = array<i32>} : memref<1024xf32, #tpu.memory_space<vmem>>, vector<16xf32>,
    tpu.vector_store %arg8[%swap3A_2236], %select_n3A_2235 {strides = array<i32>} : memref<1024xf32, #tpu.memory_space<vmem>>, vector<16xf32>,
    %get3A_2238 = arith.constant 192 : index
    %get3A_2239 = tpu.vector_load %arg7[%get3A_2238] {strides = array<i32>} : memref<1024xf32, #tpu.memory_space<vmem>>, vector<16xf32>,
    %mul3A_2240 = arith.constant -5.000000e-01 : f32
    %mul3A_2241 = vector.broadcast %mul3A_2240 : f32 to vector<16xf32>
    %mul3A_2242 = arith.mulf %mul3A_2241, %get3A_2239 : vector<16xf32>
    %mul3A_2243 = arith.mulf %mul3A_2242, %get3A_2239 : vector<16xf32>
    %exp3A_2244 = math.exp %mul3A_2243 : vector<16xf32>
    %ne3A_2245 = arith.constant 0.000000e+00 : f32
    %ne3A_2246 = vector.broadcast %ne3A_2245 : f32 to vector<16xf32>
    %ne3A_2247 = arith.cmpf one, %get3A_2239, %ne3A_2246 : vector<16xf32>
    %broadcast_in_dim3A_2248 = arith.constant 0.000000e+00 : f32
    %broadcast_in_dim3A_2249 = vector.broadcast %broadcast_in_dim3A_2248 : f32 to vector<16xf32>
    %select_n3A_2250 = arith.select %ne3A_2247, %exp3A_2244, %broadcast_in_dim3A_2249 : vector<16xi1>, vector<16xf32>
    %swap3A_2251 = arith.constant 192 : index
    %swap3A_2252 = tpu.vector_load %arg8[%swap3A_2251] {strides = array<i32>} : memref<1024xf32, #tpu.memory_space<vmem>>, vector<16xf32>,
    tpu.vector_store %arg8[%swap3A_2251], %select_n3A_2250 {strides = array<i32>} : memref<1024xf32, #tpu.memory_space<vmem>>, vector<16xf32>,
    %get3A_2253 = arith.constant 208 : index
    %get3A_2254 = tpu.vector_load %arg7[%get3A_2253] {strides = array<i32>} : memref<1024xf32, #tpu.memory_space<vmem>>, vector<16xf32>,
    %mul3A_2255 = arith.constant -5.000000e-01 : f32
    %mul3A_2256 = vector.broadcast %mul3A_2255 : f32 to vector<16xf32>
    %mul3A_2257 = arith.mulf %mul3A_2256, %get3A_2254 : vector<16xf32>
    %mul3A_2258 = arith.mulf %mul3A_2257, %get3A_2254 : vector<16xf32>
    %exp3A_2259 = math.exp %mul3A_2258 : vector<16xf32>
    %ne3A_2260 = arith.constant 0.000000e+00 : f32
    %ne3A_2261 = vector.broadcast %ne3A_2260 : f32 to vector<16xf32>
    %ne3A_2262 = arith.cmpf one, %get3A_2254, %ne3A_2261 : vector<16xf32>
    %broadcast_in_dim3A_2263 = arith.constant 0.000000e+00 : f32
    %broadcast_in_dim3A_2264 = vector.broadcast %broadcast_in_dim3A_2263 : f32 to vector<16xf32>
    %select_n3A_2265 = arith.select %ne3A_2262, %exp3A_2259, %broadcast_in_dim3A_2264 : vector<16xi1>, vector<16xf32>
    %swap3A_2266 = arith.constant 208 : index
    %swap3A_2267 = tpu.vector_load %arg8[%swap3A_2266] {strides = array<i32>} : memref<1024xf32, #tpu.memory_space<vmem>>, vector<16xf32>,
    tpu.vector_store %arg8[%swap3A_2266], %select_n3A_2265 {strides = array<i32>} : memref<1024xf32, #tpu.memory_space<vmem>>, vector<16xf32>,
    %get3A_2268 = arith.constant 224 : index
    %get3A_2269 = tpu.vector_load %arg7[%get3A_2268] {strides = array<i32>} : memref<1024xf32, #tpu.memory_space<vmem>>, vector<16xf32>,
    %mul3A_2270 = arith.constant -5.000000e-01 : f32
    %mul3A_2271 = vector.broadcast %mul3A_2270 : f32 to vector<16xf32>
    %mul3A_2272 = arith.mulf %mul3A_2271, %get3A_2269 : vector<16xf32>
    %mul3A_2273 = arith.mulf %mul3A_2272, %get3A_2269 : vector<16xf32>
    %exp3A_2274 = math.exp %mul3A_2273 : vector<16xf32>
    %ne3A_2275 = arith.constant 0.000000e+00 : f32
    %ne3A_2276 = vector.broadcast %ne3A_2275 : f32 to vector<16xf32>
    %ne3A_2277 = arith.cmpf one, %get3A_2269, %ne3A_2276 : vector<16xf32>
    %broadcast_in_dim3A_2278 = arith.constant 0.000000e+00 : f32
    %broadcast_in_dim3A_2279 = vector.broadcast %broadcast_in_dim3A_2278 : f32 to vector<16xf32>
    %select_n3A_2280 = arith.select %ne3A_2277, %exp3A_2274, %broadcast_in_dim3A_2279 : vector<16xi1>, vector<16xf32>
    %swap3A_2281 = arith.constant 224 : index
    %swap3A_2282 = tpu.vector_load %arg8[%swap3A_2281] {strides = array<i32>} : memref<1024xf32, #tpu.memory_space<vmem>>, vector<16xf32>,
    tpu.vector_store %arg8[%swap3A_2281], %select_n3A_2280 {strides = array<i32>} : memref<1024xf32, #tpu.memory_space<vmem>>, vector<16xf32>,
    %get3A_2283 = arith.constant 240 : index
    %get3A_2284 = tpu.vector_load %arg7[%get3A_2283] {strides = array<i32>} : memref<1024xf32, #tpu.memory_space<vmem>>, vector<16xf32>,
    %mul3A_2285 = arith.constant -5.000000e-01 : f32
    %mul3A_2286 = vector.broadcast %mul3A_2285 : f32 to vector<16xf32>
    %mul3A_2287 = arith.mulf %mul3A_2286, %get3A_2284 : vector<16xf32>
    %mul3A_2288 = arith.mulf %mul3A_2287, %get3A_2284 : vector<16xf32>
    %exp3A_2289 = math.exp %mul3A_2288 : vector<16xf32>
    %ne3A_2290 = arith.constant 0.000000e+00 : f32
    %ne3A_2291 = vector.broadcast %ne3A_2290 : f32 to vector<16xf32>
    %ne3A_2292 = arith.cmpf one, %get3A_2284, %ne3A_2291 : vector<16xf32>
    %broadcast_in_dim3A_2293 = arith.constant 0.000000e+00 : f32
    %broadcast_in_dim3A_2294 = vector.broadcast %broadcast_in_dim3A_2293 : f32 to vector<16xf32>
    %select_n3A_2295 = arith.select %ne3A_2292, %exp3A_2289, %broadcast_in_dim3A_2294 : vector<16xi1>, vector<16xf32>
    %swap3A_2296 = arith.constant 240 : index
    %swap3A_2297 = tpu.vector_load %arg8[%swap3A_2296] {strides = array<i32>} : memref<1024xf32, #tpu.memory_space<vmem>>, vector<16xf32>,
    tpu.vector_store %arg8[%swap3A_2296], %select_n3A_2295 {strides = array<i32>} : memref<1024xf32, #tpu.memory_space<vmem>>, vector<16xf32>,
    %get3A_2298 = arith.constant 256 : index
    %get3A_2299 = tpu.vector_load %arg7[%get3A_2298] {strides = array<i32>} : memref<1024xf32, #tpu.memory_space<vmem>>, vector<16xf32>,
    %mul3A_2300 = arith.constant -5.000000e-01 : f32
    %mul3A_2301 = vector.broadcast %mul3A_2300 : f32 to vector<16xf32>
    %mul3A_2302 = arith.mulf %mul3A_2301, %get3A_2299 : vector<16xf32>
    %mul3A_2303 = arith.mulf %mul3A_2302, %get3A_2299 : vector<16xf32>
    %exp3A_2304 = math.exp %mul3A_2303 : vector<16xf32>
    %ne3A_2305 = arith.constant 0.000000e+00 : f32
    %ne3A_2306 = vector.broadcast %ne3A_2305 : f32 to vector<16xf32>
    %ne3A_2307 = arith.cmpf one, %get3A_2299, %ne3A_2306 : vector<16xf32>
    %broadcast_in_dim3A_2308 = arith.constant 0.000000e+00 : f32
    %broadcast_in_dim3A_2309 = vector.broadcast %broadcast_in_dim3A_2308 : f32 to vector<16xf32>
    %select_n3A_2310 = arith.select %ne3A_2307, %exp3A_2304, %broadcast_in_dim3A_2309 : vector<16xi1>, vector<16xf32>
    %swap3A_2311 = arith.constant 256 : index
    %swap3A_2312 = tpu.vector_load %arg8[%swap3A_2311] {strides = array<i32>} : memref<1024xf32, #tpu.memory_space<vmem>>, vector<16xf32>,
    tpu.vector_store %arg8[%swap3A_2311], %select_n3A_2310 {strides = array<i32>} : memref<1024xf32, #tpu.memory_space<vmem>>, vector<16xf32>,
    %get3A_2313 = arith.constant 272 : index
    %get3A_2314 = tpu.vector_load %arg7[%get3A_2313] {strides = array<i32>} : memref<1024xf32, #tpu.memory_space<vmem>>, vector<16xf32>,
    %mul3A_2315 = arith.constant -5.000000e-01 : f32
    %mul3A_2316 = vector.broadcast %mul3A_2315 : f32 to vector<16xf32>
    %mul3A_2317 = arith.mulf %mul3A_2316, %get3A_2314 : vector<16xf32>
    %mul3A_2318 = arith.mulf %mul3A_2317, %get3A_2314 : vector<16xf32>
    %exp3A_2319 = math.exp %mul3A_2318 : vector<16xf32>
    %ne3A_2320 = arith.constant 0.000000e+00 : f32
    %ne3A_2321 = vector.broadcast %ne3A_2320 : f32 to vector<16xf32>
    %ne3A_2322 = arith.cmpf one, %get3A_2314, %ne3A_2321 : vector<16xf32>
    %broadcast_in_dim3A_2323 = arith.constant 0.000000e+00 : f32
    %broadcast_in_dim3A_2324 = vector.broadcast %broadcast_in_dim3A_2323 : f32 to vector<16xf32>
    %select_n3A_2325 = arith.select %ne3A_2322, %exp3A_2319, %broadcast_in_dim3A_2324 : vector<16xi1>, vector<16xf32>
    %swap3A_2326 = arith.constant 272 : index
    %swap3A_2327 = tpu.vector_load %arg8[%swap3A_2326] {strides = array<i32>} : memref<1024xf32, #tpu.memory_space<vmem>>, vector<16xf32>,
    tpu.vector_store %arg8[%swap3A_2326], %select_n3A_2325 {strides = array<i32>} : memref<1024xf32, #tpu.memory_space<vmem>>, vector<16xf32>,
    %get3A_2328 = arith.constant 288 : index
    %get3A_2329 = tpu.vector_load %arg7[%get3A_2328] {strides = array<i32>} : memref<1024xf32, #tpu.memory_space<vmem>>, vector<16xf32>,
    %mul3A_2330 = arith.constant -5.000000e-01 : f32
    %mul3A_2331 = vector.broadcast %mul3A_2330 : f32 to vector<16xf32>
    %mul3A_2332 = arith.mulf %mul3A_2331, %get3A_2329 : vector<16xf32>
    %mul3A_2333 = arith.mulf %mul3A_2332, %get3A_2329 : vector<16xf32>
    %exp3A_2334 = math.exp %mul3A_2333 : vector<16xf32>
    %ne3A_2335 = arith.constant 0.000000e+00 : f32
    %ne3A_2336 = vector.broadcast %ne3A_2335 : f32 to vector<16xf32>
    %ne3A_2337 = arith.cmpf one, %get3A_2329, %ne3A_2336 : vector<16xf32>
    %broadcast_in_dim3A_2338 = arith.constant 0.000000e+00 : f32
    %broadcast_in_dim3A_2339 = vector.broadcast %broadcast_in_dim3A_2338 : f32 to vector<16xf32>
    %select_n3A_2340 = arith.select %ne3A_2337, %exp3A_2334, %broadcast_in_dim3A_2339 : vector<16xi1>, vector<16xf32>
    %swap3A_2341 = arith.constant 288 : index
    %swap3A_2342 = tpu.vector_load %arg8[%swap3A_2341] {strides = array<i32>} : memref<1024xf32, #tpu.memory_space<vmem>>, vector<16xf32>,
    tpu.vector_store %arg8[%swap3A_2341], %select_n3A_2340 {strides = array<i32>} : memref<1024xf32, #tpu.memory_space<vmem>>, vector<16xf32>,
    %get3A_2343 = arith.constant 304 : index
    %get3A_2344 = tpu.vector_load %arg7[%get3A_2343] {strides = array<i32>} : memref<1024xf32, #tpu.memory_space<vmem>>, vector<16xf32>,
    %mul3A_2345 = arith.constant -5.000000e-01 : f32
    %mul3A_2346 = vector.broadcast %mul3A_2345 : f32 to vector<16xf32>
    %mul3A_2347 = arith.mulf %mul3A_2346, %get3A_2344 : vector<16xf32>
    %mul3A_2348 = arith.mulf %mul3A_2347, %get3A_2344 : vector<16xf32>
    %exp3A_2349 = math.exp %mul3A_2348 : vector<16xf32>
    %ne3A_2350 = arith.constant 0.000000e+00 : f32
    %ne3A_2351 = vector.broadcast %ne3A_2350 : f32 to vector<16xf32>
    %ne3A_2352 = arith.cmpf one, %get3A_2344, %ne3A_2351 : vector<16xf32>
    %broadcast_in_dim3A_2353 = arith.constant 0.000000e+00 : f32
    %broadcast_in_dim3A_2354 = vector.broadcast %broadcast_in_dim3A_2353 : f32 to vector<16xf32>
    %select_n3A_2355 = arith.select %ne3A_2352, %exp3A_2349, %broadcast_in_dim3A_2354 : vector<16xi1>, vector<16xf32>
    %swap3A_2356 = arith.constant 304 : index
    %swap3A_2357 = tpu.vector_load %arg8[%swap3A_2356] {strides = array<i32>} : memref<1024xf32, #tpu.memory_space<vmem>>, vector<16xf32>,
    tpu.vector_store %arg8[%swap3A_2356], %select_n3A_2355 {strides = array<i32>} : memref<1024xf32, #tpu.memory_space<vmem>>, vector<16xf32>,
    %get3A_2358 = arith.constant 320 : index
    %get3A_2359 = tpu.vector_load %arg7[%get3A_2358] {strides = array<i32>} : memref<1024xf32, #tpu.memory_space<vmem>>, vector<16xf32>,
    %mul3A_2360 = arith.constant -5.000000e-01 : f32
    %mul3A_2361 = vector.broadcast %mul3A_2360 : f32 to vector<16xf32>
    %mul3A_2362 = arith.mulf %mul3A_2361, %get3A_2359 : vector<16xf32>
    %mul3A_2363 = arith.mulf %mul3A_2362, %get3A_2359 : vector<16xf32>
    %exp3A_2364 = math.exp %mul3A_2363 : vector<16xf32>
    %ne3A_2365 = arith.constant 0.000000e+00 : f32
    %ne3A_2366 = vector.broadcast %ne3A_2365 : f32 to vector<16xf32>
    %ne3A_2367 = arith.cmpf one, %get3A_2359, %ne3A_2366 : vector<16xf32>
    %broadcast_in_dim3A_2368 = arith.constant 0.000000e+00 : f32
    %broadcast_in_dim3A_2369 = vector.broadcast %broadcast_in_dim3A_2368 : f32 to vector<16xf32>
    %select_n3A_2370 = arith.select %ne3A_2367, %exp3A_2364, %broadcast_in_dim3A_2369 : vector<16xi1>, vector<16xf32>
    %swap3A_2371 = arith.constant 320 : index
    %swap3A_2372 = tpu.vector_load %arg8[%swap3A_2371] {strides = array<i32>} : memref<1024xf32, #tpu.memory_space<vmem>>, vector<16xf32>,
    tpu.vector_store %arg8[%swap3A_2371], %select_n3A_2370 {strides = array<i32>} : memref<1024xf32, #tpu.memory_space<vmem>>, vector<16xf32>,
    %get3A_2373 = arith.constant 336 : index
    %get3A_2374 = tpu.vector_load %arg7[%get3A_2373] {strides = array<i32>} : memref<1024xf32, #tpu.memory_space<vmem>>, vector<16xf32>,
    %mul3A_2375 = arith.constant -5.000000e-01 : f32
    %mul3A_2376 = vector.broadcast %mul3A_2375 : f32 to vector<16xf32>
    %mul3A_2377 = arith.mulf %mul3A_2376, %get3A_2374 : vector<16xf32>
    %mul3A_2378 = arith.mulf %mul3A_2377, %get3A_2374 : vector<16xf32>
    %exp3A_2379 = math.exp %mul3A_2378 : vector<16xf32>
    %ne3A_2380 = arith.constant 0.000000e+00 : f32
    %ne3A_2381 = vector.broadcast %ne3A_2380 : f32 to vector<16xf32>
    %ne3A_2382 = arith.cmpf one, %get3A_2374, %ne3A_2381 : vector<16xf32>
    %broadcast_in_dim3A_2383 = arith.constant 0.000000e+00 : f32
    %broadcast_in_dim3A_2384 = vector.broadcast %broadcast_in_dim3A_2383 : f32 to vector<16xf32>
    %select_n3A_2385 = arith.select %ne3A_2382, %exp3A_2379, %broadcast_in_dim3A_2384 : vector<16xi1>, vector<16xf32>
    %swap3A_2386 = arith.constant 336 : index
    %swap3A_2387 = tpu.vector_load %arg8[%swap3A_2386] {strides = array<i32>} : memref<1024xf32, #tpu.memory_space<vmem>>, vector<16xf32>,
    tpu.vector_store %arg8[%swap3A_2386], %select_n3A_2385 {strides = array<i32>} : memref<1024xf32, #tpu.memory_space<vmem>>, vector<16xf32>,
    %get3A_2388 = arith.constant 352 : index
    %get3A_2389 = tpu.vector_load %arg7[%get3A_2388] {strides = array<i32>} : memref<1024xf32, #tpu.memory_space<vmem>>, vector<16xf32>,
    %mul3A_2390 = arith.constant -5.000000e-01 : f32
    %mul3A_2391 = vector.broadcast %mul3A_2390 : f32 to vector<16xf32>
    %mul3A_2392 = arith.mulf %mul3A_2391, %get3A_2389 : vector<16xf32>
    %mul3A_2393 = arith.mulf %mul3A_2392, %get3A_2389 : vector<16xf32>
    %exp3A_2394 = math.exp %mul3A_2393 : vector<16xf32>
    %ne3A_2395 = arith.constant 0.000000e+00 : f32
    %ne3A_2396 = vector.broadcast %ne3A_2395 : f32 to vector<16xf32>
    %ne3A_2397 = arith.cmpf one, %get3A_2389, %ne3A_2396 : vector<16xf32>
    %broadcast_in_dim3A_2398 = arith.constant 0.000000e+00 : f32
    %broadcast_in_dim3A_2399 = vector.broadcast %broadcast_in_dim3A_2398 : f32 to vector<16xf32>
    %select_n3A_2400 = arith.select %ne3A_2397, %exp3A_2394, %broadcast_in_dim3A_2399 : vector<16xi1>, vector<16xf32>
    %swap3A_2401 = arith.constant 352 : index
    %swap3A_2402 = tpu.vector_load %arg8[%swap3A_2401] {strides = array<i32>} : memref<1024xf32, #tpu.memory_space<vmem>>, vector<16xf32>,
    tpu.vector_store %arg8[%swap3A_2401], %select_n3A_2400 {strides = array<i32>} : memref<1024xf32, #tpu.memory_space<vmem>>, vector<16xf32>,
    %get3A_2403 = arith.constant 368 : index
    %get3A_2404 = tpu.vector_load %arg7[%get3A_2403] {strides = array<i32>} : memref<1024xf32, #tpu.memory_space<vmem>>, vector<16xf32>,
    %mul3A_2405 = arith.constant -5.000000e-01 : f32
    %mul3A_2406 = vector.broadcast %mul3A_2405 : f32 to vector<16xf32>
    %mul3A_2407 = arith.mulf %mul3A_2406, %get3A_2404 : vector<16xf32>
    %mul3A_2408 = arith.mulf %mul3A_2407, %get3A_2404 : vector<16xf32>
    %exp3A_2409 = math.exp %mul3A_2408 : vector<16xf32>
    %ne3A_2410 = arith.constant 0.000000e+00 : f32
    %ne3A_2411 = vector.broadcast %ne3A_2410 : f32 to vector<16xf32>
    %ne3A_2412 = arith.cmpf one, %get3A_2404, %ne3A_2411 : vector<16xf32>
    %broadcast_in_dim3A_2413 = arith.constant 0.000000e+00 : f32
    %broadcast_in_dim3A_2414 = vector.broadcast %broadcast_in_dim3A_2413 : f32 to vector<16xf32>
    %select_n3A_2415 = arith.select %ne3A_2412, %exp3A_2409, %broadcast_in_dim3A_2414 : vector<16xi1>, vector<16xf32>
    %swap3A_2416 = arith.constant 368 : index
    %swap3A_2417 = tpu.vector_load %arg8[%swap3A_2416] {strides = array<i32>} : memref<1024xf32, #tpu.memory_space<vmem>>, vector<16xf32>,
    tpu.vector_store %arg8[%swap3A_2416], %select_n3A_2415 {strides = array<i32>} : memref<1024xf32, #tpu.memory_space<vmem>>, vector<16xf32>,
    %get3A_2418 = arith.constant 384 : index
    %get3A_2419 = tpu.vector_load %arg7[%get3A_2418] {strides = array<i32>} : memref<1024xf32, #tpu.memory_space<vmem>>, vector<16xf32>,
    %mul3A_2420 = arith.constant -5.000000e-01 : f32
    %mul3A_2421 = vector.broadcast %mul3A_2420 : f32 to vector<16xf32>
    %mul3A_2422 = arith.mulf %mul3A_2421, %get3A_2419 : vector<16xf32>
    %mul3A_2423 = arith.mulf %mul3A_2422, %get3A_2419 : vector<16xf32>
    %exp3A_2424 = math.exp %mul3A_2423 : vector<16xf32>
    %ne3A_2425 = arith.constant 0.000000e+00 : f32
    %ne3A_2426 = vector.broadcast %ne3A_2425 : f32 to vector<16xf32>
    %ne3A_2427 = arith.cmpf one, %get3A_2419, %ne3A_2426 : vector<16xf32>
    %broadcast_in_dim3A_2428 = arith.constant 0.000000e+00 : f32
    %broadcast_in_dim3A_2429 = vector.broadcast %broadcast_in_dim3A_2428 : f32 to vector<16xf32>
    %select_n3A_2430 = arith.select %ne3A_2427, %exp3A_2424, %broadcast_in_dim3A_2429 : vector<16xi1>, vector<16xf32>
    %swap3A_2431 = arith.constant 384 : index
    %swap3A_2432 = tpu.vector_load %arg8[%swap3A_2431] {strides = array<i32>} : memref<1024xf32, #tpu.memory_space<vmem>>, vector<16xf32>,
    tpu.vector_store %arg8[%swap3A_2431], %select_n3A_2430 {strides = array<i32>} : memref<1024xf32, #tpu.memory_space<vmem>>, vector<16xf32>,
    %get3A_2433 = arith.constant 400 : index
    %get3A_2434 = tpu.vector_load %arg7[%get3A_2433] {strides = array<i32>} : memref<1024xf32, #tpu.memory_space<vmem>>, vector<16xf32>,
    %mul3A_2435 = arith.constant -5.000000e-01 : f32
    %mul3A_2436 = vector.broadcast %mul3A_2435 : f32 to vector<16xf32>
    %mul3A_2437 = arith.mulf %mul3A_2436, %get3A_2434 : vector<16xf32>
    %mul3A_2438 = arith.mulf %mul3A_2437, %get3A_2434 : vector<16xf32>
    %exp3A_2439 = math.exp %mul3A_2438 : vector<16xf32>
    %ne3A_2440 = arith.constant 0.000000e+00 : f32
    %ne3A_2441 = vector.broadcast %ne3A_2440 : f32 to vector<16xf32>
    %ne3A_2442 = arith.cmpf one, %get3A_2434, %ne3A_2441 : vector<16xf32>
    %broadcast_in_dim3A_2443 = arith.constant 0.000000e+00 : f32
    %broadcast_in_dim3A_2444 = vector.broadcast %broadcast_in_dim3A_2443 : f32 to vector<16xf32>
    %select_n3A_2445 = arith.select %ne3A_2442, %exp3A_2439, %broadcast_in_dim3A_2444 : vector<16xi1>, vector<16xf32>
    %swap3A_2446 = arith.constant 400 : index
    %swap3A_2447 = tpu.vector_load %arg8[%swap3A_2446] {strides = array<i32>} : memref<1024xf32, #tpu.memory_space<vmem>>, vector<16xf32>,
    tpu.vector_store %arg8[%swap3A_2446], %select_n3A_2445 {strides = array<i32>} : memref<1024xf32, #tpu.memory_space<vmem>>, vector<16xf32>,
    %get3A_2448 = arith.constant 416 : index
    %get3A_2449 = tpu.vector_load %arg7[%get3A_2448] {strides = array<i32>} : memref<1024xf32, #tpu.memory_space<vmem>>, vector<16xf32>,
    %mul3A_2450 = arith.constant -5.000000e-01 : f32
    %mul3A_2451 = vector.broadcast %mul3A_2450 : f32 to vector<16xf32>
    %mul3A_2452 = arith.mulf %mul3A_2451, %get3A_2449 : vector<16xf32>
    %mul3A_2453 = arith.mulf %mul3A_2452, %get3A_2449 : vector<16xf32>
    %exp3A_2454 = math.exp %mul3A_2453 : vector<16xf32>
    %ne3A_2455 = arith.constant 0.000000e+00 : f32
    %ne3A_2456 = vector.broadcast %ne3A_2455 : f32 to vector<16xf32>
    %ne3A_2457 = arith.cmpf one, %get3A_2449, %ne3A_2456 : vector<16xf32>
    %broadcast_in_dim3A_2458 = arith.constant 0.000000e+00 : f32
    %broadcast_in_dim3A_2459 = vector.broadcast %broadcast_in_dim3A_2458 : f32 to vector<16xf32>
    %select_n3A_2460 = arith.select %ne3A_2457, %exp3A_2454, %broadcast_in_dim3A_2459 : vector<16xi1>, vector<16xf32>
    %swap3A_2461 = arith.constant 416 : index
    %swap3A_2462 = tpu.vector_load %arg8[%swap3A_2461] {strides = array<i32>} : memref<1024xf32, #tpu.memory_space<vmem>>, vector<16xf32>,
    tpu.vector_store %arg8[%swap3A_2461], %select_n3A_2460 {strides = array<i32>} : memref<1024xf32, #tpu.memory_space<vmem>>, vector<16xf32>,
    %get3A_2463 = arith.constant 432 : index
    %get3A_2464 = tpu.vector_load %arg7[%get3A_2463] {strides = array<i32>} : memref<1024xf32, #tpu.memory_space<vmem>>, vector<16xf32>,
    %mul3A_2465 = arith.constant -5.000000e-01 : f32
    %mul3A_2466 = vector.broadcast %mul3A_2465 : f32 to vector<16xf32>
    %mul3A_2467 = arith.mulf %mul3A_2466, %get3A_2464 : vector<16xf32>
    %mul3A_2468 = arith.mulf %mul3A_2467, %get3A_2464 : vector<16xf32>
    %exp3A_2469 = math.exp %mul3A_2468 : vector<16xf32>
    %ne3A_2470 = arith.constant 0.000000e+00 : f32
    %ne3A_2471 = vector.broadcast %ne3A_2470 : f32 to vector<16xf32>
    %ne3A_2472 = arith.cmpf one, %get3A_2464, %ne3A_2471 : vector<16xf32>
    %broadcast_in_dim3A_2473 = arith.constant 0.000000e+00 : f32
    %broadcast_in_dim3A_2474 = vector.broadcast %broadcast_in_dim3A_2473 : f32 to vector<16xf32>
    %select_n3A_2475 = arith.select %ne3A_2472, %exp3A_2469, %broadcast_in_dim3A_2474 : vector<16xi1>, vector<16xf32>
    %swap3A_2476 = arith.constant 432 : index
    %swap3A_2477 = tpu.vector_load %arg8[%swap3A_2476] {strides = array<i32>} : memref<1024xf32, #tpu.memory_space<vmem>>, vector<16xf32>,
    tpu.vector_store %arg8[%swap3A_2476], %select_n3A_2475 {strides = array<i32>} : memref<1024xf32, #tpu.memory_space<vmem>>, vector<16xf32>,
    %get3A_2478 = arith.constant 448 : index
    %get3A_2479 = tpu.vector_load %arg7[%get3A_2478] {strides = array<i32>} : memref<1024xf32, #tpu.memory_space<vmem>>, vector<16xf32>,
    %mul3A_2480 = arith.constant -5.000000e-01 : f32
    %mul3A_2481 = vector.broadcast %mul3A_2480 : f32 to vector<16xf32>
    %mul3A_2482 = arith.mulf %mul3A_2481, %get3A_2479 : vector<16xf32>
    %mul3A_2483 = arith.mulf %mul3A_2482, %get3A_2479 : vector<16xf32>
    %exp3A_2484 = math.exp %mul3A_2483 : vector<16xf32>
    %ne3A_2485 = arith.constant 0.000000e+00 : f32
    %ne3A_2486 = vector.broadcast %ne3A_2485 : f32 to vector<16xf32>
    %ne3A_2487 = arith.cmpf one, %get3A_2479, %ne3A_2486 : vector<16xf32>
    %broadcast_in_dim3A_2488 = arith.constant 0.000000e+00 : f32
    %broadcast_in_dim3A_2489 = vector.broadcast %broadcast_in_dim3A_2488 : f32 to vector<16xf32>
    %select_n3A_2490 = arith.select %ne3A_2487, %exp3A_2484, %broadcast_in_dim3A_2489 : vector<16xi1>, vector<16xf32>
    %swap3A_2491 = arith.constant 448 : index
    %swap3A_2492 = tpu.vector_load %arg8[%swap3A_2491] {strides = array<i32>} : memref<1024xf32, #tpu.memory_space<vmem>>, vector<16xf32>,
    tpu.vector_store %arg8[%swap3A_2491], %select_n3A_2490 {strides = array<i32>} : memref<1024xf32, #tpu.memory_space<vmem>>, vector<16xf32>,
    %get3A_2493 = arith.constant 464 : index
    %get3A_2494 = tpu.vector_load %arg7[%get3A_2493] {strides = array<i32>} : memref<1024xf32, #tpu.memory_space<vmem>>, vector<16xf32>,
    %mul3A_2495 = arith.constant -5.000000e-01 : f32
    %mul3A_2496 = vector.broadcast %mul3A_2495 : f32 to vector<16xf32>
    %mul3A_2497 = arith.mulf %mul3A_2496, %get3A_2494 : vector<16xf32>
    %mul3A_2498 = arith.mulf %mul3A_2497, %get3A_2494 : vector<16xf32>
    %exp3A_2499 = math.exp %mul3A_2498 : vector<16xf32>
    %ne3A_2500 = arith.constant 0.000000e+00 : f32
    %ne3A_2501 = vector.broadcast %ne3A_2500 : f32 to vector<16xf32>
    %ne3A_2502 = arith.cmpf one, %get3A_2494, %ne3A_2501 : vector<16xf32>
    %broadcast_in_dim3A_2503 = arith.constant 0.000000e+00 : f32
    %broadcast_in_dim3A_2504 = vector.broadcast %broadcast_in_dim3A_2503 : f32 to vector<16xf32>
    %select_n3A_2505 = arith.select %ne3A_2502, %exp3A_2499, %broadcast_in_dim3A_2504 : vector<16xi1>, vector<16xf32>
    %swap3A_2506 = arith.constant 464 : index
    %swap3A_2507 = tpu.vector_load %arg8[%swap3A_2506] {strides = array<i32>} : memref<1024xf32, #tpu.memory_space<vmem>>, vector<16xf32>,
    tpu.vector_store %arg8[%swap3A_2506], %select_n3A_2505 {strides = array<i32>} : memref<1024xf32, #tpu.memory_space<vmem>>, vector<16xf32>,
    %get3A_2508 = arith.constant 480 : index
    %get3A_2509 = tpu.vector_load %arg7[%get3A_2508] {strides = array<i32>} : memref<1024xf32, #tpu.memory_space<vmem>>, vector<16xf32>,
    %mul3A_2510 = arith.constant -5.000000e-01 : f32
    %mul3A_2511 = vector.broadcast %mul3A_2510 : f32 to vector<16xf32>
    %mul3A_2512 = arith.mulf %mul3A_2511, %get3A_2509 : vector<16xf32>
    %mul3A_2513 = arith.mulf %mul3A_2512, %get3A_2509 : vector<16xf32>
    %exp3A_2514 = math.exp %mul3A_2513 : vector<16xf32>
    %ne3A_2515 = arith.constant 0.000000e+00 : f32
    %ne3A_2516 = vector.broadcast %ne3A_2515 : f32 to vector<16xf32>
    %ne3A_2517 = arith.cmpf one, %get3A_2509, %ne3A_2516 : vector<16xf32>
    %broadcast_in_dim3A_2518 = arith.constant 0.000000e+00 : f32
    %broadcast_in_dim3A_2519 = vector.broadcast %broadcast_in_dim3A_2518 : f32 to vector<16xf32>
    %select_n3A_2520 = arith.select %ne3A_2517, %exp3A_2514, %broadcast_in_dim3A_2519 : vector<16xi1>, vector<16xf32>
    %swap3A_2521 = arith.constant 480 : index
    %swap3A_2522 = tpu.vector_load %arg8[%swap3A_2521] {strides = array<i32>} : memref<1024xf32, #tpu.memory_space<vmem>>, vector<16xf32>,
    tpu.vector_store %arg8[%swap3A_2521], %select_n3A_2520 {strides = array<i32>} : memref<1024xf32, #tpu.memory_space<vmem>>, vector<16xf32>,
    %get3A_2523 = arith.constant 496 : index
    %get3A_2524 = tpu.vector_load %arg7[%get3A_2523] {strides = array<i32>} : memref<1024xf32, #tpu.memory_space<vmem>>, vector<16xf32>,
    %mul3A_2525 = arith.constant -5.000000e-01 : f32
    %mul3A_2526 = vector.broadcast %mul3A_2525 : f32 to vector<16xf32>
    %mul3A_2527 = arith.mulf %mul3A_2526, %get3A_2524 : vector<16xf32>
    %mul3A_2528 = arith.mulf %mul3A_2527, %get3A_2524 : vector<16xf32>
    %exp3A_2529 = math.exp %mul3A_2528 : vector<16xf32>
    %ne3A_2530 = arith.constant 0.000000e+00 : f32
    %ne3A_2531 = vector.broadcast %ne3A_2530 : f32 to vector<16xf32>
    %ne3A_2532 = arith.cmpf one, %get3A_2524, %ne3A_2531 : vector<16xf32>
    %broadcast_in_dim3A_2533 = arith.constant 0.000000e+00 : f32
    %broadcast_in_dim3A_2534 = vector.broadcast %broadcast_in_dim3A_2533 : f32 to vector<16xf32>
    %select_n3A_2535 = arith.select %ne3A_2532, %exp3A_2529, %broadcast_in_dim3A_2534 : vector<16xi1>, vector<16xf32>
    %swap3A_2536 = arith.constant 496 : index
    %swap3A_2537 = tpu.vector_load %arg8[%swap3A_2536] {strides = array<i32>} : memref<1024xf32, #tpu.memory_space<vmem>>, vector<16xf32>,
    tpu.vector_store %arg8[%swap3A_2536], %select_n3A_2535 {strides = array<i32>} : memref<1024xf32, #tpu.memory_space<vmem>>, vector<16xf32>,
    %get3A_2538 = arith.constant 512 : index
    %get3A_2539 = tpu.vector_load %arg7[%get3A_2538] {strides = array<i32>} : memref<1024xf32, #tpu.memory_space<vmem>>, vector<16xf32>,
    %mul3A_2540 = arith.constant -5.000000e-01 : f32
    %mul3A_2541 = vector.broadcast %mul3A_2540 : f32 to vector<16xf32>
    %mul3A_2542 = arith.mulf %mul3A_2541, %get3A_2539 : vector<16xf32>
    %mul3A_2543 = arith.mulf %mul3A_2542, %get3A_2539 : vector<16xf32>
    %exp3A_2544 = math.exp %mul3A_2543 : vector<16xf32>
    %ne3A_2545 = arith.constant 0.000000e+00 : f32
    %ne3A_2546 = vector.broadcast %ne3A_2545 : f32 to vector<16xf32>
    %ne3A_2547 = arith.cmpf one, %get3A_2539, %ne3A_2546 : vector<16xf32>
    %broadcast_in_dim3A_2548 = arith.constant 0.000000e+00 : f32
    %broadcast_in_dim3A_2549 = vector.broadcast %broadcast_in_dim3A_2548 : f32 to vector<16xf32>
    %select_n3A_2550 = arith.select %ne3A_2547, %exp3A_2544, %broadcast_in_dim3A_2549 : vector<16xi1>, vector<16xf32>
    %swap3A_2551 = arith.constant 512 : index
    %swap3A_2552 = tpu.vector_load %arg8[%swap3A_2551] {strides = array<i32>} : memref<1024xf32, #tpu.memory_space<vmem>>, vector<16xf32>,
    tpu.vector_store %arg8[%swap3A_2551], %select_n3A_2550 {strides = array<i32>} : memref<1024xf32, #tpu.memory_space<vmem>>, vector<16xf32>,
    %get3A_2553 = arith.constant 528 : index
    %get3A_2554 = tpu.vector_load %arg7[%get3A_2553] {strides = array<i32>} : memref<1024xf32, #tpu.memory_space<vmem>>, vector<16xf32>,
    %mul3A_2555 = arith.constant -5.000000e-01 : f32
    %mul3A_2556 = vector.broadcast %mul3A_2555 : f32 to vector<16xf32>
    %mul3A_2557 = arith.mulf %mul3A_2556, %get3A_2554 : vector<16xf32>
    %mul3A_2558 = arith.mulf %mul3A_2557, %get3A_2554 : vector<16xf32>
    %exp3A_2559 = math.exp %mul3A_2558 : vector<16xf32>
    %ne3A_2560 = arith.constant 0.000000e+00 : f32
    %ne3A_2561 = vector.broadcast %ne3A_2560 : f32 to vector<16xf32>
    %ne3A_2562 = arith.cmpf one, %get3A_2554, %ne3A_2561 : vector<16xf32>
    %broadcast_in_dim3A_2563 = arith.constant 0.000000e+00 : f32
    %broadcast_in_dim3A_2564 = vector.broadcast %broadcast_in_dim3A_2563 : f32 to vector<16xf32>
    %select_n3A_2565 = arith.select %ne3A_2562, %exp3A_2559, %broadcast_in_dim3A_2564 : vector<16xi1>, vector<16xf32>
    %swap3A_2566 = arith.constant 528 : index
    %swap3A_2567 = tpu.vector_load %arg8[%swap3A_2566] {strides = array<i32>} : memref<1024xf32, #tpu.memory_space<vmem>>, vector<16xf32>,
    tpu.vector_store %arg8[%swap3A_2566], %select_n3A_2565 {strides = array<i32>} : memref<1024xf32, #tpu.memory_space<vmem>>, vector<16xf32>,
    %get3A_2568 = arith.constant 544 : index
    %get3A_2569 = tpu.vector_load %arg7[%get3A_2568] {strides = array<i32>} : memref<1024xf32, #tpu.memory_space<vmem>>, vector<16xf32>,
    %mul3A_2570 = arith.constant -5.000000e-01 : f32
    %mul3A_2571 = vector.broadcast %mul3A_2570 : f32 to vector<16xf32>
    %mul3A_2572 = arith.mulf %mul3A_2571, %get3A_2569 : vector<16xf32>
    %mul3A_2573 = arith.mulf %mul3A_2572, %get3A_2569 : vector<16xf32>
    %exp3A_2574 = math.exp %mul3A_2573 : vector<16xf32>
    %ne3A_2575 = arith.constant 0.000000e+00 : f32
    %ne3A_2576 = vector.broadcast %ne3A_2575 : f32 to vector<16xf32>
    %ne3A_2577 = arith.cmpf one, %get3A_2569, %ne3A_2576 : vector<16xf32>
    %broadcast_in_dim3A_2578 = arith.constant 0.000000e+00 : f32
    %broadcast_in_dim3A_2579 = vector.broadcast %broadcast_in_dim3A_2578 : f32 to vector<16xf32>
    %select_n3A_2580 = arith.select %ne3A_2577, %exp3A_2574, %broadcast_in_dim3A_2579 : vector<16xi1>, vector<16xf32>
    %swap3A_2581 = arith.constant 544 : index
    %swap3A_2582 = tpu.vector_load %arg8[%swap3A_2581] {strides = array<i32>} : memref<1024xf32, #tpu.memory_space<vmem>>, vector<16xf32>,
    tpu.vector_store %arg8[%swap3A_2581], %select_n3A_2580 {strides = array<i32>} : memref<1024xf32, #tpu.memory_space<vmem>>, vector<16xf32>,
    %get3A_2583 = arith.constant 560 : index
    %get3A_2584 = tpu.vector_load %arg7[%get3A_2583] {strides = array<i32>} : memref<1024xf32, #tpu.memory_space<vmem>>, vector<16xf32>,
    %mul3A_2585 = arith.constant -5.000000e-01 : f32
    %mul3A_2586 = vector.broadcast %mul3A_2585 : f32 to vector<16xf32>
    %mul3A_2587 = arith.mulf %mul3A_2586, %get3A_2584 : vector<16xf32>
    %mul3A_2588 = arith.mulf %mul3A_2587, %get3A_2584 : vector<16xf32>
    %exp3A_2589 = math.exp %mul3A_2588 : vector<16xf32>
    %ne3A_2590 = arith.constant 0.000000e+00 : f32
    %ne3A_2591 = vector.broadcast %ne3A_2590 : f32 to vector<16xf32>
    %ne3A_2592 = arith.cmpf one, %get3A_2584, %ne3A_2591 : vector<16xf32>
    %broadcast_in_dim3A_2593 = arith.constant 0.000000e+00 : f32
    %broadcast_in_dim3A_2594 = vector.broadcast %broadcast_in_dim3A_2593 : f32 to vector<16xf32>
    %select_n3A_2595 = arith.select %ne3A_2592, %exp3A_2589, %broadcast_in_dim3A_2594 : vector<16xi1>, vector<16xf32>
    %swap3A_2596 = arith.constant 560 : index
    %swap3A_2597 = tpu.vector_load %arg8[%swap3A_2596] {strides = array<i32>} : memref<1024xf32, #tpu.memory_space<vmem>>, vector<16xf32>,
    tpu.vector_store %arg8[%swap3A_2596], %select_n3A_2595 {strides = array<i32>} : memref<1024xf32, #tpu.memory_space<vmem>>, vector<16xf32>,
    %get3A_2598 = arith.constant 576 : index
    %get3A_2599 = tpu.vector_load %arg7[%get3A_2598] {strides = array<i32>} : memref<1024xf32, #tpu.memory_space<vmem>>, vector<16xf32>,
    %mul3A_2600 = arith.constant -5.000000e-01 : f32
    %mul3A_2601 = vector.broadcast %mul3A_2600 : f32 to vector<16xf32>
    %mul3A_2602 = arith.mulf %mul3A_2601, %get3A_2599 : vector<16xf32>
    %mul3A_2603 = arith.mulf %mul3A_2602, %get3A_2599 : vector<16xf32>
    %exp3A_2604 = math.exp %mul3A_2603 : vector<16xf32>
    %ne3A_2605 = arith.constant 0.000000e+00 : f32
    %ne3A_2606 = vector.broadcast %ne3A_2605 : f32 to vector<16xf32>
    %ne3A_2607 = arith.cmpf one, %get3A_2599, %ne3A_2606 : vector<16xf32>
    %broadcast_in_dim3A_2608 = arith.constant 0.000000e+00 : f32
    %broadcast_in_dim3A_2609 = vector.broadcast %broadcast_in_dim3A_2608 : f32 to vector<16xf32>
    %select_n3A_2610 = arith.select %ne3A_2607, %exp3A_2604, %broadcast_in_dim3A_2609 : vector<16xi1>, vector<16xf32>
    %swap3A_2611 = arith.constant 576 : index
    %swap3A_2612 = tpu.vector_load %arg8[%swap3A_2611] {strides = array<i32>} : memref<1024xf32, #tpu.memory_space<vmem>>, vector<16xf32>,
    tpu.vector_store %arg8[%swap3A_2611], %select_n3A_2610 {strides = array<i32>} : memref<1024xf32, #tpu.memory_space<vmem>>, vector<16xf32>,
    %get3A_2613 = arith.constant 592 : index
    %get3A_2614 = tpu.vector_load %arg7[%get3A_2613] {strides = array<i32>} : memref<1024xf32, #tpu.memory_space<vmem>>, vector<16xf32>,
    %mul3A_2615 = arith.constant -5.000000e-01 : f32
    %mul3A_2616 = vector.broadcast %mul3A_2615 : f32 to vector<16xf32>
    %mul3A_2617 = arith.mulf %mul3A_2616, %get3A_2614 : vector<16xf32>
    %mul3A_2618 = arith.mulf %mul3A_2617, %get3A_2614 : vector<16xf32>
    %exp3A_2619 = math.exp %mul3A_2618 : vector<16xf32>
    %ne3A_2620 = arith.constant 0.000000e+00 : f32
    %ne3A_2621 = vector.broadcast %ne3A_2620 : f32 to vector<16xf32>
    %ne3A_2622 = arith.cmpf one, %get3A_2614, %ne3A_2621 : vector<16xf32>
    %broadcast_in_dim3A_2623 = arith.constant 0.000000e+00 : f32
    %broadcast_in_dim3A_2624 = vector.broadcast %broadcast_in_dim3A_2623 : f32 to vector<16xf32>
    %select_n3A_2625 = arith.select %ne3A_2622, %exp3A_2619, %broadcast_in_dim3A_2624 : vector<16xi1>, vector<16xf32>
    %swap3A_2626 = arith.constant 592 : index
    %swap3A_2627 = tpu.vector_load %arg8[%swap3A_2626] {strides = array<i32>} : memref<1024xf32, #tpu.memory_space<vmem>>, vector<16xf32>,
    tpu.vector_store %arg8[%swap3A_2626], %select_n3A_2625 {strides = array<i32>} : memref<1024xf32, #tpu.memory_space<vmem>>, vector<16xf32>,
    %get3A_2628 = arith.constant 608 : index
    %get3A_2629 = tpu.vector_load %arg7[%get3A_2628] {strides = array<i32>} : memref<1024xf32, #tpu.memory_space<vmem>>, vector<16xf32>,
    %mul3A_2630 = arith.constant -5.000000e-01 : f32
    %mul3A_2631 = vector.broadcast %mul3A_2630 : f32 to vector<16xf32>
    %mul3A_2632 = arith.mulf %mul3A_2631, %get3A_2629 : vector<16xf32>
    %mul3A_2633 = arith.mulf %mul3A_2632, %get3A_2629 : vector<16xf32>
    %exp3A_2634 = math.exp %mul3A_2633 : vector<16xf32>
    %ne3A_2635 = arith.constant 0.000000e+00 : f32
    %ne3A_2636 = vector.broadcast %ne3A_2635 : f32 to vector<16xf32>
    %ne3A_2637 = arith.cmpf one, %get3A_2629, %ne3A_2636 : vector<16xf32>
    %broadcast_in_dim3A_2638 = arith.constant 0.000000e+00 : f32
    %broadcast_in_dim3A_2639 = vector.broadcast %broadcast_in_dim3A_2638 : f32 to vector<16xf32>
    %select_n3A_2640 = arith.select %ne3A_2637, %exp3A_2634, %broadcast_in_dim3A_2639 : vector<16xi1>, vector<16xf32>
    %swap3A_2641 = arith.constant 608 : index
    %swap3A_2642 = tpu.vector_load %arg8[%swap3A_2641] {strides = array<i32>} : memref<1024xf32, #tpu.memory_space<vmem>>, vector<16xf32>,
    tpu.vector_store %arg8[%swap3A_2641], %select_n3A_2640 {strides = array<i32>} : memref<1024xf32, #tpu.memory_space<vmem>>, vector<16xf32>,
    %get3A_2643 = arith.constant 624 : index
    %get3A_2644 = tpu.vector_load %arg7[%get3A_2643] {strides = array<i32>} : memref<1024xf32, #tpu.memory_space<vmem>>, vector<16xf32>,
    %mul3A_2645 = arith.constant -5.000000e-01 : f32
    %mul3A_2646 = vector.broadcast %mul3A_2645 : f32 to vector<16xf32>
    %mul3A_2647 = arith.mulf %mul3A_2646, %get3A_2644 : vector<16xf32>
    %mul3A_2648 = arith.mulf %mul3A_2647, %get3A_2644 : vector<16xf32>
    %exp3A_2649 = math.exp %mul3A_2648 : vector<16xf32>
    %ne3A_2650 = arith.constant 0.000000e+00 : f32
    %ne3A_2651 = vector.broadcast %ne3A_2650 : f32 to vector<16xf32>
    %ne3A_2652 = arith.cmpf one, %get3A_2644, %ne3A_2651 : vector<16xf32>
    %broadcast_in_dim3A_2653 = arith.constant 0.000000e+00 : f32
    %broadcast_in_dim3A_2654 = vector.broadcast %broadcast_in_dim3A_2653 : f32 to vector<16xf32>
    %select_n3A_2655 = arith.select %ne3A_2652, %exp3A_2649, %broadcast_in_dim3A_2654 : vector<16xi1>, vector<16xf32>
    %swap3A_2656 = arith.constant 624 : index
    %swap3A_2657 = tpu.vector_load %arg8[%swap3A_2656] {strides = array<i32>} : memref<1024xf32, #tpu.memory_space<vmem>>, vector<16xf32>,
    tpu.vector_store %arg8[%swap3A_2656], %select_n3A_2655 {strides = array<i32>} : memref<1024xf32, #tpu.memory_space<vmem>>, vector<16xf32>,
    %get3A_2658 = arith.constant 640 : index
    %get3A_2659 = tpu.vector_load %arg7[%get3A_2658] {strides = array<i32>} : memref<1024xf32, #tpu.memory_space<vmem>>, vector<16xf32>,
    %mul3A_2660 = arith.constant -5.000000e-01 : f32
    %mul3A_2661 = vector.broadcast %mul3A_2660 : f32 to vector<16xf32>
    %mul3A_2662 = arith.mulf %mul3A_2661, %get3A_2659 : vector<16xf32>
    %mul3A_2663 = arith.mulf %mul3A_2662, %get3A_2659 : vector<16xf32>
    %exp3A_2664 = math.exp %mul3A_2663 : vector<16xf32>
    %ne3A_2665 = arith.constant 0.000000e+00 : f32
    %ne3A_2666 = vector.broadcast %ne3A_2665 : f32 to vector<16xf32>
    %ne3A_2667 = arith.cmpf one, %get3A_2659, %ne3A_2666 : vector<16xf32>
    %broadcast_in_dim3A_2668 = arith.constant 0.000000e+00 : f32
    %broadcast_in_dim3A_2669 = vector.broadcast %broadcast_in_dim3A_2668 : f32 to vector<16xf32>
    %select_n3A_2670 = arith.select %ne3A_2667, %exp3A_2664, %broadcast_in_dim3A_2669 : vector<16xi1>, vector<16xf32>
    %swap3A_2671 = arith.constant 640 : index
    %swap3A_2672 = tpu.vector_load %arg8[%swap3A_2671] {strides = array<i32>} : memref<1024xf32, #tpu.memory_space<vmem>>, vector<16xf32>,
    tpu.vector_store %arg8[%swap3A_2671], %select_n3A_2670 {strides = array<i32>} : memref<1024xf32, #tpu.memory_space<vmem>>, vector<16xf32>,
    %get3A_2673 = arith.constant 656 : index
    %get3A_2674 = tpu.vector_load %arg7[%get3A_2673] {strides = array<i32>} : memref<1024xf32, #tpu.memory_space<vmem>>, vector<16xf32>,
    %mul3A_2675 = arith.constant -5.000000e-01 : f32
    %mul3A_2676 = vector.broadcast %mul3A_2675 : f32 to vector<16xf32>
    %mul3A_2677 = arith.mulf %mul3A_2676, %get3A_2674 : vector<16xf32>
    %mul3A_2678 = arith.mulf %mul3A_2677, %get3A_2674 : vector<16xf32>
    %exp3A_2679 = math.exp %mul3A_2678 : vector<16xf32>
    %ne3A_2680 = arith.constant 0.000000e+00 : f32
    %ne3A_2681 = vector.broadcast %ne3A_2680 : f32 to vector<16xf32>
    %ne3A_2682 = arith.cmpf one, %get3A_2674, %ne3A_2681 : vector<16xf32>
    %broadcast_in_dim3A_2683 = arith.constant 0.000000e+00 : f32
    %broadcast_in_dim3A_2684 = vector.broadcast %broadcast_in_dim3A_2683 : f32 to vector<16xf32>
    %select_n3A_2685 = arith.select %ne3A_2682, %exp3A_2679, %broadcast_in_dim3A_2684 : vector<16xi1>, vector<16xf32>
    %swap3A_2686 = arith.constant 656 : index
    %swap3A_2687 = tpu.vector_load %arg8[%swap3A_2686] {strides = array<i32>} : memref<1024xf32, #tpu.memory_space<vmem>>, vector<16xf32>,
    tpu.vector_store %arg8[%swap3A_2686], %select_n3A_2685 {strides = array<i32>} : memref<1024xf32, #tpu.memory_space<vmem>>, vector<16xf32>,
    %get3A_2688 = arith.constant 672 : index
    %get3A_2689 = tpu.vector_load %arg7[%get3A_2688] {strides = array<i32>} : memref<1024xf32, #tpu.memory_space<vmem>>, vector<16xf32>,
    %mul3A_2690 = arith.constant -5.000000e-01 : f32
    %mul3A_2691 = vector.broadcast %mul3A_2690 : f32 to vector<16xf32>
    %mul3A_2692 = arith.mulf %mul3A_2691, %get3A_2689 : vector<16xf32>
    %mul3A_2693 = arith.mulf %mul3A_2692, %get3A_2689 : vector<16xf32>
    %exp3A_2694 = math.exp %mul3A_2693 : vector<16xf32>
    %ne3A_2695 = arith.constant 0.000000e+00 : f32
    %ne3A_2696 = vector.broadcast %ne3A_2695 : f32 to vector<16xf32>
    %ne3A_2697 = arith.cmpf one, %get3A_2689, %ne3A_2696 : vector<16xf32>
    %broadcast_in_dim3A_2698 = arith.constant 0.000000e+00 : f32
    %broadcast_in_dim3A_2699 = vector.broadcast %broadcast_in_dim3A_2698 : f32 to vector<16xf32>
    %select_n3A_2700 = arith.select %ne3A_2697, %exp3A_2694, %broadcast_in_dim3A_2699 : vector<16xi1>, vector<16xf32>
    %swap3A_2701 = arith.constant 672 : index
    %swap3A_2702 = tpu.vector_load %arg8[%swap3A_2701] {strides = array<i32>} : memref<1024xf32, #tpu.memory_space<vmem>>, vector<16xf32>,
    tpu.vector_store %arg8[%swap3A_2701], %select_n3A_2700 {strides = array<i32>} : memref<1024xf32, #tpu.memory_space<vmem>>, vector<16xf32>,
    %get3A_2703 = arith.constant 688 : index
    %get3A_2704 = tpu.vector_load %arg7[%get3A_2703] {strides = array<i32>} : memref<1024xf32, #tpu.memory_space<vmem>>, vector<16xf32>,
    %mul3A_2705 = arith.constant -5.000000e-01 : f32
    %mul3A_2706 = vector.broadcast %mul3A_2705 : f32 to vector<16xf32>
    %mul3A_2707 = arith.mulf %mul3A_2706, %get3A_2704 : vector<16xf32>
    %mul3A_2708 = arith.mulf %mul3A_2707, %get3A_2704 : vector<16xf32>
    %exp3A_2709 = math.exp %mul3A_2708 : vector<16xf32>
    %ne3A_2710 = arith.constant 0.000000e+00 : f32
    %ne3A_2711 = vector.broadcast %ne3A_2710 : f32 to vector<16xf32>
    %ne3A_2712 = arith.cmpf one, %get3A_2704, %ne3A_2711 : vector<16xf32>
    %broadcast_in_dim3A_2713 = arith.constant 0.000000e+00 : f32
    %broadcast_in_dim3A_2714 = vector.broadcast %broadcast_in_dim3A_2713 : f32 to vector<16xf32>
    %select_n3A_2715 = arith.select %ne3A_2712, %exp3A_2709, %broadcast_in_dim3A_2714 : vector<16xi1>, vector<16xf32>
    %swap3A_2716 = arith.constant 688 : index
    %swap3A_2717 = tpu.vector_load %arg8[%swap3A_2716] {strides = array<i32>} : memref<1024xf32, #tpu.memory_space<vmem>>, vector<16xf32>,
    tpu.vector_store %arg8[%swap3A_2716], %select_n3A_2715 {strides = array<i32>} : memref<1024xf32, #tpu.memory_space<vmem>>, vector<16xf32>,
    %get3A_2718 = arith.constant 704 : index
    %get3A_2719 = tpu.vector_load %arg7[%get3A_2718] {strides = array<i32>} : memref<1024xf32, #tpu.memory_space<vmem>>, vector<16xf32>,
    %mul3A_2720 = arith.constant -5.000000e-01 : f32
    %mul3A_2721 = vector.broadcast %mul3A_2720 : f32 to vector<16xf32>
    %mul3A_2722 = arith.mulf %mul3A_2721, %get3A_2719 : vector<16xf32>
    %mul3A_2723 = arith.mulf %mul3A_2722, %get3A_2719 : vector<16xf32>
    %exp3A_2724 = math.exp %mul3A_2723 : vector<16xf32>
    %ne3A_2725 = arith.constant 0.000000e+00 : f32
    %ne3A_2726 = vector.broadcast %ne3A_2725 : f32 to vector<16xf32>
    %ne3A_2727 = arith.cmpf one, %get3A_2719, %ne3A_2726 : vector<16xf32>
    %broadcast_in_dim3A_2728 = arith.constant 0.000000e+00 : f32
    %broadcast_in_dim3A_2729 = vector.broadcast %broadcast_in_dim3A_2728 : f32 to vector<16xf32>
    %select_n3A_2730 = arith.select %ne3A_2727, %exp3A_2724, %broadcast_in_dim3A_2729 : vector<16xi1>, vector<16xf32>
    %swap3A_2731 = arith.constant 704 : index
    %swap3A_2732 = tpu.vector_load %arg8[%swap3A_2731] {strides = array<i32>} : memref<1024xf32, #tpu.memory_space<vmem>>, vector<16xf32>,
    tpu.vector_store %arg8[%swap3A_2731], %select_n3A_2730 {strides = array<i32>} : memref<1024xf32, #tpu.memory_space<vmem>>, vector<16xf32>,
    %get3A_2733 = arith.constant 720 : index
    %get3A_2734 = tpu.vector_load %arg7[%get3A_2733] {strides = array<i32>} : memref<1024xf32, #tpu.memory_space<vmem>>, vector<16xf32>,
    %mul3A_2735 = arith.constant -5.000000e-01 : f32
    %mul3A_2736 = vector.broadcast %mul3A_2735 : f32 to vector<16xf32>
    %mul3A_2737 = arith.mulf %mul3A_2736, %get3A_2734 : vector<16xf32>
    %mul3A_2738 = arith.mulf %mul3A_2737, %get3A_2734 : vector<16xf32>
    %exp3A_2739 = math.exp %mul3A_2738 : vector<16xf32>
    %ne3A_2740 = arith.constant 0.000000e+00 : f32
    %ne3A_2741 = vector.broadcast %ne3A_2740 : f32 to vector<16xf32>
    %ne3A_2742 = arith.cmpf one, %get3A_2734, %ne3A_2741 : vector<16xf32>
    %broadcast_in_dim3A_2743 = arith.constant 0.000000e+00 : f32
    %broadcast_in_dim3A_2744 = vector.broadcast %broadcast_in_dim3A_2743 : f32 to vector<16xf32>
    %select_n3A_2745 = arith.select %ne3A_2742, %exp3A_2739, %broadcast_in_dim3A_2744 : vector<16xi1>, vector<16xf32>
    %swap3A_2746 = arith.constant 720 : index
    %swap3A_2747 = tpu.vector_load %arg8[%swap3A_2746] {strides = array<i32>} : memref<1024xf32, #tpu.memory_space<vmem>>, vector<16xf32>,
    tpu.vector_store %arg8[%swap3A_2746], %select_n3A_2745 {strides = array<i32>} : memref<1024xf32, #tpu.memory_space<vmem>>, vector<16xf32>,
    %get3A_2748 = arith.constant 736 : index
    %get3A_2749 = tpu.vector_load %arg7[%get3A_2748] {strides = array<i32>} : memref<1024xf32, #tpu.memory_space<vmem>>, vector<16xf32>,
    %mul3A_2750 = arith.constant -5.000000e-01 : f32
    %mul3A_2751 = vector.broadcast %mul3A_2750 : f32 to vector<16xf32>
    %mul3A_2752 = arith.mulf %mul3A_2751, %get3A_2749 : vector<16xf32>
    %mul3A_2753 = arith.mulf %mul3A_2752, %get3A_2749 : vector<16xf32>
    %exp3A_2754 = math.exp %mul3A_2753 : vector<16xf32>
    %ne3A_2755 = arith.constant 0.000000e+00 : f32
    %ne3A_2756 = vector.broadcast %ne3A_2755 : f32 to vector<16xf32>
    %ne3A_2757 = arith.cmpf one, %get3A_2749, %ne3A_2756 : vector<16xf32>
    %broadcast_in_dim3A_2758 = arith.constant 0.000000e+00 : f32
    %broadcast_in_dim3A_2759 = vector.broadcast %broadcast_in_dim3A_2758 : f32 to vector<16xf32>
    %select_n3A_2760 = arith.select %ne3A_2757, %exp3A_2754, %broadcast_in_dim3A_2759 : vector<16xi1>, vector<16xf32>
    %swap3A_2761 = arith.constant 736 : index
    %swap3A_2762 = tpu.vector_load %arg8[%swap3A_2761] {strides = array<i32>} : memref<1024xf32, #tpu.memory_space<vmem>>, vector<16xf32>,
    tpu.vector_store %arg8[%swap3A_2761], %select_n3A_2760 {strides = array<i32>} : memref<1024xf32, #tpu.memory_space<vmem>>, vector<16xf32>,
    %get3A_2763 = arith.constant 752 : index
    %get3A_2764 = tpu.vector_load %arg7[%get3A_2763] {strides = array<i32>} : memref<1024xf32, #tpu.memory_space<vmem>>, vector<16xf32>,
    %mul3A_2765 = arith.constant -5.000000e-01 : f32
    %mul3A_2766 = vector.broadcast %mul3A_2765 : f32 to vector<16xf32>
    %mul3A_2767 = arith.mulf %mul3A_2766, %get3A_2764 : vector<16xf32>
    %mul3A_2768 = arith.mulf %mul3A_2767, %get3A_2764 : vector<16xf32>
    %exp3A_2769 = math.exp %mul3A_2768 : vector<16xf32>
    %ne3A_2770 = arith.constant 0.000000e+00 : f32
    %ne3A_2771 = vector.broadcast %ne3A_2770 : f32 to vector<16xf32>
    %ne3A_2772 = arith.cmpf one, %get3A_2764, %ne3A_2771 : vector<16xf32>
    %broadcast_in_dim3A_2773 = arith.constant 0.000000e+00 : f32
    %broadcast_in_dim3A_2774 = vector.broadcast %broadcast_in_dim3A_2773 : f32 to vector<16xf32>
    %select_n3A_2775 = arith.select %ne3A_2772, %exp3A_2769, %broadcast_in_dim3A_2774 : vector<16xi1>, vector<16xf32>
    %swap3A_2776 = arith.constant 752 : index
    %swap3A_2777 = tpu.vector_load %arg8[%swap3A_2776] {strides = array<i32>} : memref<1024xf32, #tpu.memory_space<vmem>>, vector<16xf32>,
    tpu.vector_store %arg8[%swap3A_2776], %select_n3A_2775 {strides = array<i32>} : memref<1024xf32, #tpu.memory_space<vmem>>, vector<16xf32>,
    %get3A_2778 = arith.constant 768 : index
    %get3A_2779 = tpu.vector_load %arg7[%get3A_2778] {strides = array<i32>} : memref<1024xf32, #tpu.memory_space<vmem>>, vector<16xf32>,
    %mul3A_2780 = arith.constant -5.000000e-01 : f32
    %mul3A_2781 = vector.broadcast %mul3A_2780 : f32 to vector<16xf32>
    %mul3A_2782 = arith.mulf %mul3A_2781, %get3A_2779 : vector<16xf32>
    %mul3A_2783 = arith.mulf %mul3A_2782, %get3A_2779 : vector<16xf32>
    %exp3A_2784 = math.exp %mul3A_2783 : vector<16xf32>
    %ne3A_2785 = arith.constant 0.000000e+00 : f32
    %ne3A_2786 = vector.broadcast %ne3A_2785 : f32 to vector<16xf32>
    %ne3A_2787 = arith.cmpf one, %get3A_2779, %ne3A_2786 : vector<16xf32>
    %broadcast_in_dim3A_2788 = arith.constant 0.000000e+00 : f32
    %broadcast_in_dim3A_2789 = vector.broadcast %broadcast_in_dim3A_2788 : f32 to vector<16xf32>
    %select_n3A_2790 = arith.select %ne3A_2787, %exp3A_2784, %broadcast_in_dim3A_2789 : vector<16xi1>, vector<16xf32>
    %swap3A_2791 = arith.constant 768 : index
    %swap3A_2792 = tpu.vector_load %arg8[%swap3A_2791] {strides = array<i32>} : memref<1024xf32, #tpu.memory_space<vmem>>, vector<16xf32>,
    tpu.vector_store %arg8[%swap3A_2791], %select_n3A_2790 {strides = array<i32>} : memref<1024xf32, #tpu.memory_space<vmem>>, vector<16xf32>,
    %get3A_2793 = arith.constant 784 : index
    %get3A_2794 = tpu.vector_load %arg7[%get3A_2793] {strides = array<i32>} : memref<1024xf32, #tpu.memory_space<vmem>>, vector<16xf32>,
    %mul3A_2795 = arith.constant -5.000000e-01 : f32
    %mul3A_2796 = vector.broadcast %mul3A_2795 : f32 to vector<16xf32>
    %mul3A_2797 = arith.mulf %mul3A_2796, %get3A_2794 : vector<16xf32>
    %mul3A_2798 = arith.mulf %mul3A_2797, %get3A_2794 : vector<16xf32>
    %exp3A_2799 = math.exp %mul3A_2798 : vector<16xf32>
    %ne3A_2800 = arith.constant 0.000000e+00 : f32
    %ne3A_2801 = vector.broadcast %ne3A_2800 : f32 to vector<16xf32>
    %ne3A_2802 = arith.cmpf one, %get3A_2794, %ne3A_2801 : vector<16xf32>
    %broadcast_in_dim3A_2803 = arith.constant 0.000000e+00 : f32
    %broadcast_in_dim3A_2804 = vector.broadcast %broadcast_in_dim3A_2803 : f32 to vector<16xf32>
    %select_n3A_2805 = arith.select %ne3A_2802, %exp3A_2799, %broadcast_in_dim3A_2804 : vector<16xi1>, vector<16xf32>
    %swap3A_2806 = arith.constant 784 : index
    %swap3A_2807 = tpu.vector_load %arg8[%swap3A_2806] {strides = array<i32>} : memref<1024xf32, #tpu.memory_space<vmem>>, vector<16xf32>,
    tpu.vector_store %arg8[%swap3A_2806], %select_n3A_2805 {strides = array<i32>} : memref<1024xf32, #tpu.memory_space<vmem>>, vector<16xf32>,
    %get3A_2808 = arith.constant 800 : index
    %get3A_2809 = tpu.vector_load %arg7[%get3A_2808] {strides = array<i32>} : memref<1024xf32, #tpu.memory_space<vmem>>, vector<16xf32>,
    %mul3A_2810 = arith.constant -5.000000e-01 : f32
    %mul3A_2811 = vector.broadcast %mul3A_2810 : f32 to vector<16xf32>
    %mul3A_2812 = arith.mulf %mul3A_2811, %get3A_2809 : vector<16xf32>
    %mul3A_2813 = arith.mulf %mul3A_2812, %get3A_2809 : vector<16xf32>
    %exp3A_2814 = math.exp %mul3A_2813 : vector<16xf32>
    %ne3A_2815 = arith.constant 0.000000e+00 : f32
    %ne3A_2816 = vector.broadcast %ne3A_2815 : f32 to vector<16xf32>
    %ne3A_2817 = arith.cmpf one, %get3A_2809, %ne3A_2816 : vector<16xf32>
    %broadcast_in_dim3A_2818 = arith.constant 0.000000e+00 : f32
    %broadcast_in_dim3A_2819 = vector.broadcast %broadcast_in_dim3A_2818 : f32 to vector<16xf32>
    %select_n3A_2820 = arith.select %ne3A_2817, %exp3A_2814, %broadcast_in_dim3A_2819 : vector<16xi1>, vector<16xf32>
    %swap3A_2821 = arith.constant 800 : index
    %swap3A_2822 = tpu.vector_load %arg8[%swap3A_2821] {strides = array<i32>} : memref<1024xf32, #tpu.memory_space<vmem>>, vector<16xf32>,
    tpu.vector_store %arg8[%swap3A_2821], %select_n3A_2820 {strides = array<i32>} : memref<1024xf32, #tpu.memory_space<vmem>>, vector<16xf32>,
    %get3A_2823 = arith.constant 816 : index
    %get3A_2824 = tpu.vector_load %arg7[%get3A_2823] {strides = array<i32>} : memref<1024xf32, #tpu.memory_space<vmem>>, vector<16xf32>,
    %mul3A_2825 = arith.constant -5.000000e-01 : f32
    %mul3A_2826 = vector.broadcast %mul3A_2825 : f32 to vector<16xf32>
    %mul3A_2827 = arith.mulf %mul3A_2826, %get3A_2824 : vector<16xf32>
    %mul3A_2828 = arith.mulf %mul3A_2827, %get3A_2824 : vector<16xf32>
    %exp3A_2829 = math.exp %mul3A_2828 : vector<16xf32>
    %ne3A_2830 = arith.constant 0.000000e+00 : f32
    %ne3A_2831 = vector.broadcast %ne3A_2830 : f32 to vector<16xf32>
    %ne3A_2832 = arith.cmpf one, %get3A_2824, %ne3A_2831 : vector<16xf32>
    %broadcast_in_dim3A_2833 = arith.constant 0.000000e+00 : f32
    %broadcast_in_dim3A_2834 = vector.broadcast %broadcast_in_dim3A_2833 : f32 to vector<16xf32>
    %select_n3A_2835 = arith.select %ne3A_2832, %exp3A_2829, %broadcast_in_dim3A_2834 : vector<16xi1>, vector<16xf32>
    %swap3A_2836 = arith.constant 816 : index
    %swap3A_2837 = tpu.vector_load %arg8[%swap3A_2836] {strides = array<i32>} : memref<1024xf32, #tpu.memory_space<vmem>>, vector<16xf32>,
    tpu.vector_store %arg8[%swap3A_2836], %select_n3A_2835 {strides = array<i32>} : memref<1024xf32, #tpu.memory_space<vmem>>, vector<16xf32>,
    %get3A_2838 = arith.constant 832 : index
    %get3A_2839 = tpu.vector_load %arg7[%get3A_2838] {strides = array<i32>} : memref<1024xf32, #tpu.memory_space<vmem>>, vector<16xf32>,
    %mul3A_2840 = arith.constant -5.000000e-01 : f32
    %mul3A_2841 = vector.broadcast %mul3A_2840 : f32 to vector<16xf32>
    %mul3A_2842 = arith.mulf %mul3A_2841, %get3A_2839 : vector<16xf32>
    %mul3A_2843 = arith.mulf %mul3A_2842, %get3A_2839 : vector<16xf32>
    %exp3A_2844 = math.exp %mul3A_2843 : vector<16xf32>
    %ne3A_2845 = arith.constant 0.000000e+00 : f32
    %ne3A_2846 = vector.broadcast %ne3A_2845 : f32 to vector<16xf32>
    %ne3A_2847 = arith.cmpf one, %get3A_2839, %ne3A_2846 : vector<16xf32>
    %broadcast_in_dim3A_2848 = arith.constant 0.000000e+00 : f32
    %broadcast_in_dim3A_2849 = vector.broadcast %broadcast_in_dim3A_2848 : f32 to vector<16xf32>
    %select_n3A_2850 = arith.select %ne3A_2847, %exp3A_2844, %broadcast_in_dim3A_2849 : vector<16xi1>, vector<16xf32>
    %swap3A_2851 = arith.constant 832 : index
    %swap3A_2852 = tpu.vector_load %arg8[%swap3A_2851] {strides = array<i32>} : memref<1024xf32, #tpu.memory_space<vmem>>, vector<16xf32>,
    tpu.vector_store %arg8[%swap3A_2851], %select_n3A_2850 {strides = array<i32>} : memref<1024xf32, #tpu.memory_space<vmem>>, vector<16xf32>,
    %get3A_2853 = arith.constant 848 : index
    %get3A_2854 = tpu.vector_load %arg7[%get3A_2853] {strides = array<i32>} : memref<1024xf32, #tpu.memory_space<vmem>>, vector<16xf32>,
    %mul3A_2855 = arith.constant -5.000000e-01 : f32
    %mul3A_2856 = vector.broadcast %mul3A_2855 : f32 to vector<16xf32>
    %mul3A_2857 = arith.mulf %mul3A_2856, %get3A_2854 : vector<16xf32>
    %mul3A_2858 = arith.mulf %mul3A_2857, %get3A_2854 : vector<16xf32>
    %exp3A_2859 = math.exp %mul3A_2858 : vector<16xf32>
    %ne3A_2860 = arith.constant 0.000000e+00 : f32
    %ne3A_2861 = vector.broadcast %ne3A_2860 : f32 to vector<16xf32>
    %ne3A_2862 = arith.cmpf one, %get3A_2854, %ne3A_2861 : vector<16xf32>
    %broadcast_in_dim3A_2863 = arith.constant 0.000000e+00 : f32
    %broadcast_in_dim3A_2864 = vector.broadcast %broadcast_in_dim3A_2863 : f32 to vector<16xf32>
    %select_n3A_2865 = arith.select %ne3A_2862, %exp3A_2859, %broadcast_in_dim3A_2864 : vector<16xi1>, vector<16xf32>
    %swap3A_2866 = arith.constant 848 : index
    %swap3A_2867 = tpu.vector_load %arg8[%swap3A_2866] {strides = array<i32>} : memref<1024xf32, #tpu.memory_space<vmem>>, vector<16xf32>,
    tpu.vector_store %arg8[%swap3A_2866], %select_n3A_2865 {strides = array<i32>} : memref<1024xf32, #tpu.memory_space<vmem>>, vector<16xf32>,
    %get3A_2868 = arith.constant 864 : index
    %get3A_2869 = tpu.vector_load %arg7[%get3A_2868] {strides = array<i32>} : memref<1024xf32, #tpu.memory_space<vmem>>, vector<16xf32>,
    %mul3A_2870 = arith.constant -5.000000e-01 : f32
    %mul3A_2871 = vector.broadcast %mul3A_2870 : f32 to vector<16xf32>
    %mul3A_2872 = arith.mulf %mul3A_2871, %get3A_2869 : vector<16xf32>
    %mul3A_2873 = arith.mulf %mul3A_2872, %get3A_2869 : vector<16xf32>
    %exp3A_2874 = math.exp %mul3A_2873 : vector<16xf32>
    %ne3A_2875 = arith.constant 0.000000e+00 : f32
    %ne3A_2876 = vector.broadcast %ne3A_2875 : f32 to vector<16xf32>
    %ne3A_2877 = arith.cmpf one, %get3A_2869, %ne3A_2876 : vector<16xf32>
    %broadcast_in_dim3A_2878 = arith.constant 0.000000e+00 : f32
    %broadcast_in_dim3A_2879 = vector.broadcast %broadcast_in_dim3A_2878 : f32 to vector<16xf32>
    %select_n3A_2880 = arith.select %ne3A_2877, %exp3A_2874, %broadcast_in_dim3A_2879 : vector<16xi1>, vector<16xf32>
    %swap3A_2881 = arith.constant 864 : index
    %swap3A_2882 = tpu.vector_load %arg8[%swap3A_2881] {strides = array<i32>} : memref<1024xf32, #tpu.memory_space<vmem>>, vector<16xf32>,
    tpu.vector_store %arg8[%swap3A_2881], %select_n3A_2880 {strides = array<i32>} : memref<1024xf32, #tpu.memory_space<vmem>>, vector<16xf32>,
    %get3A_2883 = arith.constant 880 : index
    %get3A_2884 = tpu.vector_load %arg7[%get3A_2883] {strides = array<i32>} : memref<1024xf32, #tpu.memory_space<vmem>>, vector<16xf32>,
    %mul3A_2885 = arith.constant -5.000000e-01 : f32
    %mul3A_2886 = vector.broadcast %mul3A_2885 : f32 to vector<16xf32>
    %mul3A_2887 = arith.mulf %mul3A_2886, %get3A_2884 : vector<16xf32>
    %mul3A_2888 = arith.mulf %mul3A_2887, %get3A_2884 : vector<16xf32>
    %exp3A_2889 = math.exp %mul3A_2888 : vector<16xf32>
    %ne3A_2890 = arith.constant 0.000000e+00 : f32
    %ne3A_2891 = vector.broadcast %ne3A_2890 : f32 to vector<16xf32>
    %ne3A_2892 = arith.cmpf one, %get3A_2884, %ne3A_2891 : vector<16xf32>
    %broadcast_in_dim3A_2893 = arith.constant 0.000000e+00 : f32
    %broadcast_in_dim3A_2894 = vector.broadcast %broadcast_in_dim3A_2893 : f32 to vector<16xf32>
    %select_n3A_2895 = arith.select %ne3A_2892, %exp3A_2889, %broadcast_in_dim3A_2894 : vector<16xi1>, vector<16xf32>
    %swap3A_2896 = arith.constant 880 : index
    %swap3A_2897 = tpu.vector_load %arg8[%swap3A_2896] {strides = array<i32>} : memref<1024xf32, #tpu.memory_space<vmem>>, vector<16xf32>,
    tpu.vector_store %arg8[%swap3A_2896], %select_n3A_2895 {strides = array<i32>} : memref<1024xf32, #tpu.memory_space<vmem>>, vector<16xf32>,
    %get3A_2898 = arith.constant 896 : index
    %get3A_2899 = tpu.vector_load %arg7[%get3A_2898] {strides = array<i32>} : memref<1024xf32, #tpu.memory_space<vmem>>, vector<16xf32>,
    %mul3A_2900 = arith.constant -5.000000e-01 : f32
    %mul3A_2901 = vector.broadcast %mul3A_2900 : f32 to vector<16xf32>
    %mul3A_2902 = arith.mulf %mul3A_2901, %get3A_2899 : vector<16xf32>
    %mul3A_2903 = arith.mulf %mul3A_2902, %get3A_2899 : vector<16xf32>
    %exp3A_2904 = math.exp %mul3A_2903 : vector<16xf32>
    %ne3A_2905 = arith.constant 0.000000e+00 : f32
    %ne3A_2906 = vector.broadcast %ne3A_2905 : f32 to vector<16xf32>
    %ne3A_2907 = arith.cmpf one, %get3A_2899, %ne3A_2906 : vector<16xf32>
    %broadcast_in_dim3A_2908 = arith.constant 0.000000e+00 : f32
    %broadcast_in_dim3A_2909 = vector.broadcast %broadcast_in_dim3A_2908 : f32 to vector<16xf32>
    %select_n3A_2910 = arith.select %ne3A_2907, %exp3A_2904, %broadcast_in_dim3A_2909 : vector<16xi1>, vector<16xf32>
    %swap3A_2911 = arith.constant 896 : index
    %swap3A_2912 = tpu.vector_load %arg8[%swap3A_2911] {strides = array<i32>} : memref<1024xf32, #tpu.memory_space<vmem>>, vector<16xf32>,
    tpu.vector_store %arg8[%swap3A_2911], %select_n3A_2910 {strides = array<i32>} : memref<1024xf32, #tpu.memory_space<vmem>>, vector<16xf32>,
    %get3A_2913 = arith.constant 912 : index
    %get3A_2914 = tpu.vector_load %arg7[%get3A_2913] {strides = array<i32>} : memref<1024xf32, #tpu.memory_space<vmem>>, vector<16xf32>,
    %mul3A_2915 = arith.constant -5.000000e-01 : f32
    %mul3A_2916 = vector.broadcast %mul3A_2915 : f32 to vector<16xf32>
    %mul3A_2917 = arith.mulf %mul3A_2916, %get3A_2914 : vector<16xf32>
    %mul3A_2918 = arith.mulf %mul3A_2917, %get3A_2914 : vector<16xf32>
    %exp3A_2919 = math.exp %mul3A_2918 : vector<16xf32>
    %ne3A_2920 = arith.constant 0.000000e+00 : f32
    %ne3A_2921 = vector.broadcast %ne3A_2920 : f32 to vector<16xf32>
    %ne3A_2922 = arith.cmpf one, %get3A_2914, %ne3A_2921 : vector<16xf32>
    %broadcast_in_dim3A_2923 = arith.constant 0.000000e+00 : f32
    %broadcast_in_dim3A_2924 = vector.broadcast %broadcast_in_dim3A_2923 : f32 to vector<16xf32>
    %select_n3A_2925 = arith.select %ne3A_2922, %exp3A_2919, %broadcast_in_dim3A_2924 : vector<16xi1>, vector<16xf32>
    %swap3A_2926 = arith.constant 912 : index
    %swap3A_2927 = tpu.vector_load %arg8[%swap3A_2926] {strides = array<i32>} : memref<1024xf32, #tpu.memory_space<vmem>>, vector<16xf32>,
    tpu.vector_store %arg8[%swap3A_2926], %select_n3A_2925 {strides = array<i32>} : memref<1024xf32, #tpu.memory_space<vmem>>, vector<16xf32>,
    %get3A_2928 = arith.constant 928 : index
    %get3A_2929 = tpu.vector_load %arg7[%get3A_2928] {strides = array<i32>} : memref<1024xf32, #tpu.memory_space<vmem>>, vector<16xf32>,
    %mul3A_2930 = arith.constant -5.000000e-01 : f32
    %mul3A_2931 = vector.broadcast %mul3A_2930 : f32 to vector<16xf32>
    %mul3A_2932 = arith.mulf %mul3A_2931, %get3A_2929 : vector<16xf32>
    %mul3A_2933 = arith.mulf %mul3A_2932, %get3A_2929 : vector<16xf32>
    %exp3A_2934 = math.exp %mul3A_2933 : vector<16xf32>
    %ne3A_2935 = arith.constant 0.000000e+00 : f32
    %ne3A_2936 = vector.broadcast %ne3A_2935 : f32 to vector<16xf32>
    %ne3A_2937 = arith.cmpf one, %get3A_2929, %ne3A_2936 : vector<16xf32>
    %broadcast_in_dim3A_2938 = arith.constant 0.000000e+00 : f32
    %broadcast_in_dim3A_2939 = vector.broadcast %broadcast_in_dim3A_2938 : f32 to vector<16xf32>
    %select_n3A_2940 = arith.select %ne3A_2937, %exp3A_2934, %broadcast_in_dim3A_2939 : vector<16xi1>, vector<16xf32>
    %swap3A_2941 = arith.constant 928 : index
    %swap3A_2942 = tpu.vector_load %arg8[%swap3A_2941] {strides = array<i32>} : memref<1024xf32, #tpu.memory_space<vmem>>, vector<16xf32>,
    tpu.vector_store %arg8[%swap3A_2941], %select_n3A_2940 {strides = array<i32>} : memref<1024xf32, #tpu.memory_space<vmem>>, vector<16xf32>,
    %get3A_2943 = arith.constant 944 : index
    %get3A_2944 = tpu.vector_load %arg7[%get3A_2943] {strides = array<i32>} : memref<1024xf32, #tpu.memory_space<vmem>>, vector<16xf32>,
    %mul3A_2945 = arith.constant -5.000000e-01 : f32
    %mul3A_2946 = vector.broadcast %mul3A_2945 : f32 to vector<16xf32>
    %mul3A_2947 = arith.mulf %mul3A_2946, %get3A_2944 : vector<16xf32>
    %mul3A_2948 = arith.mulf %mul3A_2947, %get3A_2944 : vector<16xf32>
    %exp3A_2949 = math.exp %mul3A_2948 : vector<16xf32>
    %ne3A_2950 = arith.constant 0.000000e+00 : f32
    %ne3A_2951 = vector.broadcast %ne3A_2950 : f32 to vector<16xf32>
    %ne3A_2952 = arith.cmpf one, %get3A_2944, %ne3A_2951 : vector<16xf32>
    %broadcast_in_dim3A_2953 = arith.constant 0.000000e+00 : f32
    %broadcast_in_dim3A_2954 = vector.broadcast %broadcast_in_dim3A_2953 : f32 to vector<16xf32>
    %select_n3A_2955 = arith.select %ne3A_2952, %exp3A_2949, %broadcast_in_dim3A_2954 : vector<16xi1>, vector<16xf32>
    %swap3A_2956 = arith.constant 944 : index
    %swap3A_2957 = tpu.vector_load %arg8[%swap3A_2956] {strides = array<i32>} : memref<1024xf32, #tpu.memory_space<vmem>>, vector<16xf32>,
    tpu.vector_store %arg8[%swap3A_2956], %select_n3A_2955 {strides = array<i32>} : memref<1024xf32, #tpu.memory_space<vmem>>, vector<16xf32>,
    %get3A_2958 = arith.constant 960 : index
    %get3A_2959 = tpu.vector_load %arg7[%get3A_2958] {strides = array<i32>} : memref<1024xf32, #tpu.memory_space<vmem>>, vector<16xf32>,
    %mul3A_2960 = arith.constant -5.000000e-01 : f32
    %mul3A_2961 = vector.broadcast %mul3A_2960 : f32 to vector<16xf32>
    %mul3A_2962 = arith.mulf %mul3A_2961, %get3A_2959 : vector<16xf32>
    %mul3A_2963 = arith.mulf %mul3A_2962, %get3A_2959 : vector<16xf32>
    %exp3A_2964 = math.exp %mul3A_2963 : vector<16xf32>
    %ne3A_2965 = arith.constant 0.000000e+00 : f32
    %ne3A_2966 = vector.broadcast %ne3A_2965 : f32 to vector<16xf32>
    %ne3A_2967 = arith.cmpf one, %get3A_2959, %ne3A_2966 : vector<16xf32>
    %broadcast_in_dim3A_2968 = arith.constant 0.000000e+00 : f32
    %broadcast_in_dim3A_2969 = vector.broadcast %broadcast_in_dim3A_2968 : f32 to vector<16xf32>
    %select_n3A_2970 = arith.select %ne3A_2967, %exp3A_2964, %broadcast_in_dim3A_2969 : vector<16xi1>, vector<16xf32>
    %swap3A_2971 = arith.constant 960 : index
    %swap3A_2972 = tpu.vector_load %arg8[%swap3A_2971] {strides = array<i32>} : memref<1024xf32, #tpu.memory_space<vmem>>, vector<16xf32>,
    tpu.vector_store %arg8[%swap3A_2971], %select_n3A_2970 {strides = array<i32>} : memref<1024xf32, #tpu.memory_space<vmem>>, vector<16xf32>,
    %get3A_2973 = arith.constant 976 : index
    %get3A_2974 = tpu.vector_load %arg7[%get3A_2973] {strides = array<i32>} : memref<1024xf32, #tpu.memory_space<vmem>>, vector<16xf32>,
    %mul3A_2975 = arith.constant -5.000000e-01 : f32
    %mul3A_2976 = vector.broadcast %mul3A_2975 : f32 to vector<16xf32>
    %mul3A_2977 = arith.mulf %mul3A_2976, %get3A_2974 : vector<16xf32>
    %mul3A_2978 = arith.mulf %mul3A_2977, %get3A_2974 : vector<16xf32>
    %exp3A_2979 = math.exp %mul3A_2978 : vector<16xf32>
    %ne3A_2980 = arith.constant 0.000000e+00 : f32
    %ne3A_2981 = vector.broadcast %ne3A_2980 : f32 to vector<16xf32>
    %ne3A_2982 = arith.cmpf one, %get3A_2974, %ne3A_2981 : vector<16xf32>
    %broadcast_in_dim3A_2983 = arith.constant 0.000000e+00 : f32
    %broadcast_in_dim3A_2984 = vector.broadcast %broadcast_in_dim3A_2983 : f32 to vector<16xf32>
    %select_n3A_2985 = arith.select %ne3A_2982, %exp3A_2979, %broadcast_in_dim3A_2984 : vector<16xi1>, vector<16xf32>
    %swap3A_2986 = arith.constant 976 : index
    %swap3A_2987 = tpu.vector_load %arg8[%swap3A_2986] {strides = array<i32>} : memref<1024xf32, #tpu.memory_space<vmem>>, vector<16xf32>,
    tpu.vector_store %arg8[%swap3A_2986], %select_n3A_2985 {strides = array<i32>} : memref<1024xf32, #tpu.memory_space<vmem>>, vector<16xf32>,
    %get3A_2988 = arith.constant 992 : index
    %get3A_2989 = tpu.vector_load %arg7[%get3A_2988] {strides = array<i32>} : memref<1024xf32, #tpu.memory_space<vmem>>, vector<16xf32>,
    %mul3A_2990 = arith.constant -5.000000e-01 : f32
    %mul3A_2991 = vector.broadcast %mul3A_2990 : f32 to vector<16xf32>
    %mul3A_2992 = arith.mulf %mul3A_2991, %get3A_2989 : vector<16xf32>
    %mul3A_2993 = arith.mulf %mul3A_2992, %get3A_2989 : vector<16xf32>
    %exp3A_2994 = math.exp %mul3A_2993 : vector<16xf32>
    %ne3A_2995 = arith.constant 0.000000e+00 : f32
    %ne3A_2996 = vector.broadcast %ne3A_2995 : f32 to vector<16xf32>
    %ne3A_2997 = arith.cmpf one, %get3A_2989, %ne3A_2996 : vector<16xf32>
    %broadcast_in_dim3A_2998 = arith.constant 0.000000e+00 : f32
    %broadcast_in_dim3A_2999 = vector.broadcast %broadcast_in_dim3A_2998 : f32 to vector<16xf32>
    %select_n3A_3000 = arith.select %ne3A_2997, %exp3A_2994, %broadcast_in_dim3A_2999 : vector<16xi1>, vector<16xf32>
    %swap3A_3001 = arith.constant 992 : index
    %swap3A_3002 = tpu.vector_load %arg8[%swap3A_3001] {strides = array<i32>} : memref<1024xf32, #tpu.memory_space<vmem>>, vector<16xf32>,
    tpu.vector_store %arg8[%swap3A_3001], %select_n3A_3000 {strides = array<i32>} : memref<1024xf32, #tpu.memory_space<vmem>>, vector<16xf32>,
    %get3A_3003 = arith.constant 1008 : index
    %get3A_3004 = tpu.vector_load %arg7[%get3A_3003] {strides = array<i32>} : memref<1024xf32, #tpu.memory_space<vmem>>, vector<16xf32>,
    %mul3A_3005 = arith.constant -5.000000e-01 : f32
    %mul3A_3006 = vector.broadcast %mul3A_3005 : f32 to vector<16xf32>
    %mul3A_3007 = arith.mulf %mul3A_3006, %get3A_3004 : vector<16xf32>
    %mul3A_3008 = arith.mulf %mul3A_3007, %get3A_3004 : vector<16xf32>
    %exp3A_3009 = math.exp %mul3A_3008 : vector<16xf32>
    %ne3A_3010 = arith.constant 0.000000e+00 : f32
    %ne3A_3011 = vector.broadcast %ne3A_3010 : f32 to vector<16xf32>
    %ne3A_3012 = arith.cmpf one, %get3A_3004, %ne3A_3011 : vector<16xf32>
    %broadcast_in_dim3A_3013 = arith.constant 0.000000e+00 : f32
    %broadcast_in_dim3A_3014 = vector.broadcast %broadcast_in_dim3A_3013 : f32 to vector<16xf32>
    %select_n3A_3015 = arith.select %ne3A_3012, %exp3A_3009, %broadcast_in_dim3A_3014 : vector<16xi1>, vector<16xf32>
    %swap3A_3016 = arith.constant 1008 : index
    %swap3A_3017 = tpu.vector_load %arg8[%swap3A_3016] {strides = array<i32>} : memref<1024xf32, #tpu.memory_space<vmem>>, vector<16xf32>,
    tpu.vector_store %arg8[%swap3A_3016], %select_n3A_3015 {strides = array<i32>} : memref<1024xf32, #tpu.memory_space<vmem>>, vector<16xf32>,
    %dma_wait3A = arith.constant 0 : i32
    %dma_wait3A_3018 = arith.constant 0 : i32
    %dma_wait3A_3019 = arith.constant 0 : i32
    %dma_wait3A_3020 = tpu.memref_slice %arg10[%dma_wait3A_3018, %dma_wait3A_3019] : memref<8x128xf32, #tpu.memory_space<vmem>> -> memref<1x128xf32, #tpu.memory_space<vmem>>
    %dma_wait3A_3021 = tpu.memref_squeeze %dma_wait3A_3020 : memref<1x128xf32, #tpu.memory_space<vmem>> -> memref<128xf32, #tpu.memory_space<vmem>>
    %dma_wait3A_3022 = arith.constant 0 : i32
    %dma_wait3A_3023 = tpu.memref_slice %arg9[%dma_wait3A, %dma_wait3A_3022] : memref<8x128xi32, #tpu.memory_space<vmem>> -> memref<1x128xi32, #tpu.memory_space<vmem>>
    %dma_wait3A_3024 = tpu.memref_squeeze %dma_wait3A_3023 : memref<1x128xi32, #tpu.memory_space<vmem>> -> memref<128xi32, #tpu.memory_space<vmem>>
    %dma_wait3A_3025 = arith.constant 0 : i32
    %dma_wait3A_3026 = tpu.memref_slice %arg2[%dma_wait3A_3025] : memref<16384000xf32, #tpu.memory_space<hbm>> -> memref<16384000xf32, #tpu.memory_space<hbm>>
    tpu.wait_indirect_dma semaphore(%arg12 : memref<!tpu.dma_semaphore, #tpu.memory_space<semaphore_mem>>) src(%dma_wait3A_3026 : memref<16384000xf32, #tpu.memory_space<hbm>>) dst(%dma_wait3A_3021 : memref<128xf32, #tpu.memory_space<vmem>>)
    %dma_wait3A_3027 = arith.constant 1 : i32
    %dma_wait3A_3028 = arith.constant 1 : i32
    %dma_wait3A_3029 = arith.constant 0 : i32
    %dma_wait3A_3030 = tpu.memref_slice %arg10[%dma_wait3A_3028, %dma_wait3A_3029] : memref<8x128xf32, #tpu.memory_space<vmem>> -> memref<1x128xf32, #tpu.memory_space<vmem>>
    %dma_wait3A_3031 = tpu.memref_squeeze %dma_wait3A_3030 : memref<1x128xf32, #tpu.memory_space<vmem>> -> memref<128xf32, #tpu.memory_space<vmem>>
    %dma_wait3A_3032 = arith.constant 0 : i32
    %dma_wait3A_3033 = tpu.memref_slice %arg9[%dma_wait3A_3027, %dma_wait3A_3032] : memref<8x128xi32, #tpu.memory_space<vmem>> -> memref<1x128xi32, #tpu.memory_space<vmem>>
    %dma_wait3A_3034 = tpu.memref_squeeze %dma_wait3A_3033 : memref<1x128xi32, #tpu.memory_space<vmem>> -> memref<128xi32, #tpu.memory_space<vmem>>
    %dma_wait3A_3035 = arith.constant 0 : i32
    %dma_wait3A_3036 = tpu.memref_slice %arg2[%dma_wait3A_3035] : memref<16384000xf32, #tpu.memory_space<hbm>> -> memref<16384000xf32, #tpu.memory_space<hbm>>
    tpu.wait_indirect_dma semaphore(%arg12 : memref<!tpu.dma_semaphore, #tpu.memory_space<semaphore_mem>>) src(%dma_wait3A_3036 : memref<16384000xf32, #tpu.memory_space<hbm>>) dst(%dma_wait3A_3031 : memref<128xf32, #tpu.memory_space<vmem>>)
    %dma_wait3A_3037 = arith.constant 2 : i32
    %dma_wait3A_3038 = arith.constant 2 : i32
    %dma_wait3A_3039 = arith.constant 0 : i32
    %dma_wait3A_3040 = tpu.memref_slice %arg10[%dma_wait3A_3038, %dma_wait3A_3039] : memref<8x128xf32, #tpu.memory_space<vmem>> -> memref<1x128xf32, #tpu.memory_space<vmem>>
    %dma_wait3A_3041 = tpu.memref_squeeze %dma_wait3A_3040 : memref<1x128xf32, #tpu.memory_space<vmem>> -> memref<128xf32, #tpu.memory_space<vmem>>
    %dma_wait3A_3042 = arith.constant 0 : i32
    %dma_wait3A_3043 = tpu.memref_slice %arg9[%dma_wait3A_3037, %dma_wait3A_3042] : memref<8x128xi32, #tpu.memory_space<vmem>> -> memref<1x128xi32, #tpu.memory_space<vmem>>
    %dma_wait3A_3044 = tpu.memref_squeeze %dma_wait3A_3043 : memref<1x128xi32, #tpu.memory_space<vmem>> -> memref<128xi32, #tpu.memory_space<vmem>>
    %dma_wait3A_3045 = arith.constant 0 : i32
    %dma_wait3A_3046 = tpu.memref_slice %arg2[%dma_wait3A_3045] : memref<16384000xf32, #tpu.memory_space<hbm>> -> memref<16384000xf32, #tpu.memory_space<hbm>>
    tpu.wait_indirect_dma semaphore(%arg12 : memref<!tpu.dma_semaphore, #tpu.memory_space<semaphore_mem>>) src(%dma_wait3A_3046 : memref<16384000xf32, #tpu.memory_space<hbm>>) dst(%dma_wait3A_3041 : memref<128xf32, #tpu.memory_space<vmem>>)
    %dma_wait3A_3047 = arith.constant 3 : i32
    %dma_wait3A_3048 = arith.constant 3 : i32
    %dma_wait3A_3049 = arith.constant 0 : i32
    %dma_wait3A_3050 = tpu.memref_slice %arg10[%dma_wait3A_3048, %dma_wait3A_3049] : memref<8x128xf32, #tpu.memory_space<vmem>> -> memref<1x128xf32, #tpu.memory_space<vmem>>
    %dma_wait3A_3051 = tpu.memref_squeeze %dma_wait3A_3050 : memref<1x128xf32, #tpu.memory_space<vmem>> -> memref<128xf32, #tpu.memory_space<vmem>>
    %dma_wait3A_3052 = arith.constant 0 : i32
    %dma_wait3A_3053 = tpu.memref_slice %arg9[%dma_wait3A_3047, %dma_wait3A_3052] : memref<8x128xi32, #tpu.memory_space<vmem>> -> memref<1x128xi32, #tpu.memory_space<vmem>>
    %dma_wait3A_3054 = tpu.memref_squeeze %dma_wait3A_3053 : memref<1x128xi32, #tpu.memory_space<vmem>> -> memref<128xi32, #tpu.memory_space<vmem>>
    %dma_wait3A_3055 = arith.constant 0 : i32
    %dma_wait3A_3056 = tpu.memref_slice %arg2[%dma_wait3A_3055] : memref<16384000xf32, #tpu.memory_space<hbm>> -> memref<16384000xf32, #tpu.memory_space<hbm>>
    tpu.wait_indirect_dma semaphore(%arg12 : memref<!tpu.dma_semaphore, #tpu.memory_space<semaphore_mem>>) src(%dma_wait3A_3056 : memref<16384000xf32, #tpu.memory_space<hbm>>) dst(%dma_wait3A_3051 : memref<128xf32, #tpu.memory_space<vmem>>)
    %dma_wait3A_3057 = arith.constant 4 : i32
    %dma_wait3A_3058 = arith.constant 4 : i32
    %dma_wait3A_3059 = arith.constant 0 : i32
    %dma_wait3A_3060 = tpu.memref_slice %arg10[%dma_wait3A_3058, %dma_wait3A_3059] : memref<8x128xf32, #tpu.memory_space<vmem>> -> memref<1x128xf32, #tpu.memory_space<vmem>>
    %dma_wait3A_3061 = tpu.memref_squeeze %dma_wait3A_3060 : memref<1x128xf32, #tpu.memory_space<vmem>> -> memref<128xf32, #tpu.memory_space<vmem>>
    %dma_wait3A_3062 = arith.constant 0 : i32
    %dma_wait3A_3063 = tpu.memref_slice %arg9[%dma_wait3A_3057, %dma_wait3A_3062] : memref<8x128xi32, #tpu.memory_space<vmem>> -> memref<1x128xi32, #tpu.memory_space<vmem>>
    %dma_wait3A_3064 = tpu.memref_squeeze %dma_wait3A_3063 : memref<1x128xi32, #tpu.memory_space<vmem>> -> memref<128xi32, #tpu.memory_space<vmem>>
    %dma_wait3A_3065 = arith.constant 0 : i32
    %dma_wait3A_3066 = tpu.memref_slice %arg2[%dma_wait3A_3065] : memref<16384000xf32, #tpu.memory_space<hbm>> -> memref<16384000xf32, #tpu.memory_space<hbm>>
    tpu.wait_indirect_dma semaphore(%arg12 : memref<!tpu.dma_semaphore, #tpu.memory_space<semaphore_mem>>) src(%dma_wait3A_3066 : memref<16384000xf32, #tpu.memory_space<hbm>>) dst(%dma_wait3A_3061 : memref<128xf32, #tpu.memory_space<vmem>>)
    %dma_wait3A_3067 = arith.constant 5 : i32
    %dma_wait3A_3068 = arith.constant 5 : i32
    %dma_wait3A_3069 = arith.constant 0 : i32
    %dma_wait3A_3070 = tpu.memref_slice %arg10[%dma_wait3A_3068, %dma_wait3A_3069] : memref<8x128xf32, #tpu.memory_space<vmem>> -> memref<1x128xf32, #tpu.memory_space<vmem>>
    %dma_wait3A_3071 = tpu.memref_squeeze %dma_wait3A_3070 : memref<1x128xf32, #tpu.memory_space<vmem>> -> memref<128xf32, #tpu.memory_space<vmem>>
    %dma_wait3A_3072 = arith.constant 0 : i32
    %dma_wait3A_3073 = tpu.memref_slice %arg9[%dma_wait3A_3067, %dma_wait3A_3072] : memref<8x128xi32, #tpu.memory_space<vmem>> -> memref<1x128xi32, #tpu.memory_space<vmem>>
    %dma_wait3A_3074 = tpu.memref_squeeze %dma_wait3A_3073 : memref<1x128xi32, #tpu.memory_space<vmem>> -> memref<128xi32, #tpu.memory_space<vmem>>
    %dma_wait3A_3075 = arith.constant 0 : i32
    %dma_wait3A_3076 = tpu.memref_slice %arg2[%dma_wait3A_3075] : memref<16384000xf32, #tpu.memory_space<hbm>> -> memref<16384000xf32, #tpu.memory_space<hbm>>
    tpu.wait_indirect_dma semaphore(%arg12 : memref<!tpu.dma_semaphore, #tpu.memory_space<semaphore_mem>>) src(%dma_wait3A_3076 : memref<16384000xf32, #tpu.memory_space<hbm>>) dst(%dma_wait3A_3071 : memref<128xf32, #tpu.memory_space<vmem>>)
    %dma_wait3A_3077 = arith.constant 6 : i32
    %dma_wait3A_3078 = arith.constant 6 : i32
    %dma_wait3A_3079 = arith.constant 0 : i32
    %dma_wait3A_3080 = tpu.memref_slice %arg10[%dma_wait3A_3078, %dma_wait3A_3079] : memref<8x128xf32, #tpu.memory_space<vmem>> -> memref<1x128xf32, #tpu.memory_space<vmem>>
    %dma_wait3A_3081 = tpu.memref_squeeze %dma_wait3A_3080 : memref<1x128xf32, #tpu.memory_space<vmem>> -> memref<128xf32, #tpu.memory_space<vmem>>
    %dma_wait3A_3082 = arith.constant 0 : i32
    %dma_wait3A_3083 = tpu.memref_slice %arg9[%dma_wait3A_3077, %dma_wait3A_3082] : memref<8x128xi32, #tpu.memory_space<vmem>> -> memref<1x128xi32, #tpu.memory_space<vmem>>
    %dma_wait3A_3084 = tpu.memref_squeeze %dma_wait3A_3083 : memref<1x128xi32, #tpu.memory_space<vmem>> -> memref<128xi32, #tpu.memory_space<vmem>>
    %dma_wait3A_3085 = arith.constant 0 : i32
    %dma_wait3A_3086 = tpu.memref_slice %arg2[%dma_wait3A_3085] : memref<16384000xf32, #tpu.memory_space<hbm>> -> memref<16384000xf32, #tpu.memory_space<hbm>>
    tpu.wait_indirect_dma semaphore(%arg12 : memref<!tpu.dma_semaphore, #tpu.memory_space<semaphore_mem>>) src(%dma_wait3A_3086 : memref<16384000xf32, #tpu.memory_space<hbm>>) dst(%dma_wait3A_3081 : memref<128xf32, #tpu.memory_space<vmem>>)
    %dma_wait3A_3087 = arith.constant 7 : i32
    %dma_wait3A_3088 = arith.constant 7 : i32
    %dma_wait3A_3089 = arith.constant 0 : i32
    %dma_wait3A_3090 = tpu.memref_slice %arg10[%dma_wait3A_3088, %dma_wait3A_3089] : memref<8x128xf32, #tpu.memory_space<vmem>> -> memref<1x128xf32, #tpu.memory_space<vmem>>
    %dma_wait3A_3091 = tpu.memref_squeeze %dma_wait3A_3090 : memref<1x128xf32, #tpu.memory_space<vmem>> -> memref<128xf32, #tpu.memory_space<vmem>>
    %dma_wait3A_3092 = arith.constant 0 : i32
    %dma_wait3A_3093 = tpu.memref_slice %arg9[%dma_wait3A_3087, %dma_wait3A_3092] : memref<8x128xi32, #tpu.memory_space<vmem>> -> memref<1x128xi32, #tpu.memory_space<vmem>>
    %dma_wait3A_3094 = tpu.memref_squeeze %dma_wait3A_3093 : memref<1x128xi32, #tpu.memory_space<vmem>> -> memref<128xi32, #tpu.memory_space<vmem>>
    %dma_wait3A_3095 = arith.constant 0 : i32
    %dma_wait3A_3096 = tpu.memref_slice %arg2[%dma_wait3A_3095] : memref<16384000xf32, #tpu.memory_space<hbm>> -> memref<16384000xf32, #tpu.memory_space<hbm>>
    tpu.wait_indirect_dma semaphore(%arg12 : memref<!tpu.dma_semaphore, #tpu.memory_space<semaphore_mem>>) src(%dma_wait3A_3096 : memref<16384000xf32, #tpu.memory_space<hbm>>) dst(%dma_wait3A_3091 : memref<128xf32, #tpu.memory_space<vmem>>)
    %broadcast_in_dim3A_3097 = arith.constant 0.000000e+00 : f32
    %broadcast_in_dim3A_3098 = vector.broadcast %broadcast_in_dim3A_3097 : f32 to vector<16xf32>
    %get3A_3099 = arith.constant 0 : i32
    %get3A_3100 = arith.index_cast %get3A_3099 : i32 to index
    %get3A_3101 = arith.constant 0 : index
    %get3A_3102 = tpu.vector_load %arg10[%get3A_3100, %get3A_3101] {strides = array<i32>} : memref<8x128xf32, #tpu.memory_space<vmem>>, vector<16xf32>,
    %get3A_3103 = arith.constant 0 : index
    %get3A_3104 = tpu.vector_load %arg8[%get3A_3103] {strides = array<i32>} : memref<1024xf32, #tpu.memory_space<vmem>>, vector<16xf32>,
    %mul3A_3105 = arith.mulf %get3A_3104, %get3A_3102 : vector<16xf32>
    %add3A_3106 = arith.addf %broadcast_in_dim3A_3098, %mul3A_3105 : vector<16xf32>
    %get3A_3107 = arith.constant 0 : i32
    %get3A_3108 = arith.index_cast %get3A_3107 : i32 to index
    %get3A_3109 = arith.constant 16 : index
    %get3A_3110 = tpu.vector_load %arg10[%get3A_3108, %get3A_3109] {strides = array<i32>} : memref<8x128xf32, #tpu.memory_space<vmem>>, vector<16xf32>,
    %get3A_3111 = arith.constant 16 : index
    %get3A_3112 = tpu.vector_load %arg8[%get3A_3111] {strides = array<i32>} : memref<1024xf32, #tpu.memory_space<vmem>>, vector<16xf32>,
    %mul3A_3113 = arith.mulf %get3A_3112, %get3A_3110 : vector<16xf32>
    %add3A_3114 = arith.addf %add3A_3106, %mul3A_3113 : vector<16xf32>
    %get3A_3115 = arith.constant 0 : i32
    %get3A_3116 = arith.index_cast %get3A_3115 : i32 to index
    %get3A_3117 = arith.constant 32 : index
    %get3A_3118 = tpu.vector_load %arg10[%get3A_3116, %get3A_3117] {strides = array<i32>} : memref<8x128xf32, #tpu.memory_space<vmem>>, vector<16xf32>,
    %get3A_3119 = arith.constant 32 : index
    %get3A_3120 = tpu.vector_load %arg8[%get3A_3119] {strides = array<i32>} : memref<1024xf32, #tpu.memory_space<vmem>>, vector<16xf32>,
    %mul3A_3121 = arith.mulf %get3A_3120, %get3A_3118 : vector<16xf32>
    %add3A_3122 = arith.addf %add3A_3114, %mul3A_3121 : vector<16xf32>
    %get3A_3123 = arith.constant 0 : i32
    %get3A_3124 = arith.index_cast %get3A_3123 : i32 to index
    %get3A_3125 = arith.constant 48 : index
    %get3A_3126 = tpu.vector_load %arg10[%get3A_3124, %get3A_3125] {strides = array<i32>} : memref<8x128xf32, #tpu.memory_space<vmem>>, vector<16xf32>,
    %get3A_3127 = arith.constant 48 : index
    %get3A_3128 = tpu.vector_load %arg8[%get3A_3127] {strides = array<i32>} : memref<1024xf32, #tpu.memory_space<vmem>>, vector<16xf32>,
    %mul3A_3129 = arith.mulf %get3A_3128, %get3A_3126 : vector<16xf32>
    %add3A_3130 = arith.addf %add3A_3122, %mul3A_3129 : vector<16xf32>
    %get3A_3131 = arith.constant 0 : i32
    %get3A_3132 = arith.index_cast %get3A_3131 : i32 to index
    %get3A_3133 = arith.constant 64 : index
    %get3A_3134 = tpu.vector_load %arg10[%get3A_3132, %get3A_3133] {strides = array<i32>} : memref<8x128xf32, #tpu.memory_space<vmem>>, vector<16xf32>,
    %get3A_3135 = arith.constant 64 : index
    %get3A_3136 = tpu.vector_load %arg8[%get3A_3135] {strides = array<i32>} : memref<1024xf32, #tpu.memory_space<vmem>>, vector<16xf32>,
    %mul3A_3137 = arith.mulf %get3A_3136, %get3A_3134 : vector<16xf32>
    %add3A_3138 = arith.addf %add3A_3130, %mul3A_3137 : vector<16xf32>
    %get3A_3139 = arith.constant 0 : i32
    %get3A_3140 = arith.index_cast %get3A_3139 : i32 to index
    %get3A_3141 = arith.constant 80 : index
    %get3A_3142 = tpu.vector_load %arg10[%get3A_3140, %get3A_3141] {strides = array<i32>} : memref<8x128xf32, #tpu.memory_space<vmem>>, vector<16xf32>,
    %get3A_3143 = arith.constant 80 : index
    %get3A_3144 = tpu.vector_load %arg8[%get3A_3143] {strides = array<i32>} : memref<1024xf32, #tpu.memory_space<vmem>>, vector<16xf32>,
    %mul3A_3145 = arith.mulf %get3A_3144, %get3A_3142 : vector<16xf32>
    %add3A_3146 = arith.addf %add3A_3138, %mul3A_3145 : vector<16xf32>
    %get3A_3147 = arith.constant 0 : i32
    %get3A_3148 = arith.index_cast %get3A_3147 : i32 to index
    %get3A_3149 = arith.constant 96 : index
    %get3A_3150 = tpu.vector_load %arg10[%get3A_3148, %get3A_3149] {strides = array<i32>} : memref<8x128xf32, #tpu.memory_space<vmem>>, vector<16xf32>,
    %get3A_3151 = arith.constant 96 : index
    %get3A_3152 = tpu.vector_load %arg8[%get3A_3151] {strides = array<i32>} : memref<1024xf32, #tpu.memory_space<vmem>>, vector<16xf32>,
    %mul3A_3153 = arith.mulf %get3A_3152, %get3A_3150 : vector<16xf32>
    %add3A_3154 = arith.addf %add3A_3146, %mul3A_3153 : vector<16xf32>
    %get3A_3155 = arith.constant 0 : i32
    %get3A_3156 = arith.index_cast %get3A_3155 : i32 to index
    %get3A_3157 = arith.constant 112 : index
    %get3A_3158 = tpu.vector_load %arg10[%get3A_3156, %get3A_3157] {strides = array<i32>} : memref<8x128xf32, #tpu.memory_space<vmem>>, vector<16xf32>,
    %get3A_3159 = arith.constant 112 : index
    %get3A_3160 = tpu.vector_load %arg8[%get3A_3159] {strides = array<i32>} : memref<1024xf32, #tpu.memory_space<vmem>>, vector<16xf32>,
    %mul3A_3161 = arith.mulf %get3A_3160, %get3A_3158 : vector<16xf32>
    %add3A_3162 = arith.addf %add3A_3154, %mul3A_3161 : vector<16xf32>
    %get3A_3163 = arith.constant 1 : i32
    %get3A_3164 = arith.index_cast %get3A_3163 : i32 to index
    %get3A_3165 = arith.constant 0 : index
    %get3A_3166 = tpu.vector_load %arg10[%get3A_3164, %get3A_3165] {strides = array<i32>} : memref<8x128xf32, #tpu.memory_space<vmem>>, vector<16xf32>,
    %get3A_3167 = arith.constant 128 : index
    %get3A_3168 = tpu.vector_load %arg8[%get3A_3167] {strides = array<i32>} : memref<1024xf32, #tpu.memory_space<vmem>>, vector<16xf32>,
    %mul3A_3169 = arith.mulf %get3A_3168, %get3A_3166 : vector<16xf32>
    %add3A_3170 = arith.addf %add3A_3162, %mul3A_3169 : vector<16xf32>
    %get3A_3171 = arith.constant 1 : i32
    %get3A_3172 = arith.index_cast %get3A_3171 : i32 to index
    %get3A_3173 = arith.constant 16 : index
    %get3A_3174 = tpu.vector_load %arg10[%get3A_3172, %get3A_3173] {strides = array<i32>} : memref<8x128xf32, #tpu.memory_space<vmem>>, vector<16xf32>,
    %get3A_3175 = arith.constant 144 : index
    %get3A_3176 = tpu.vector_load %arg8[%get3A_3175] {strides = array<i32>} : memref<1024xf32, #tpu.memory_space<vmem>>, vector<16xf32>,
    %mul3A_3177 = arith.mulf %get3A_3176, %get3A_3174 : vector<16xf32>
    %add3A_3178 = arith.addf %add3A_3170, %mul3A_3177 : vector<16xf32>
    %get3A_3179 = arith.constant 1 : i32
    %get3A_3180 = arith.index_cast %get3A_3179 : i32 to index
    %get3A_3181 = arith.constant 32 : index
    %get3A_3182 = tpu.vector_load %arg10[%get3A_3180, %get3A_3181] {strides = array<i32>} : memref<8x128xf32, #tpu.memory_space<vmem>>, vector<16xf32>,
    %get3A_3183 = arith.constant 160 : index
    %get3A_3184 = tpu.vector_load %arg8[%get3A_3183] {strides = array<i32>} : memref<1024xf32, #tpu.memory_space<vmem>>, vector<16xf32>,
    %mul3A_3185 = arith.mulf %get3A_3184, %get3A_3182 : vector<16xf32>
    %add3A_3186 = arith.addf %add3A_3178, %mul3A_3185 : vector<16xf32>
    %get3A_3187 = arith.constant 1 : i32
    %get3A_3188 = arith.index_cast %get3A_3187 : i32 to index
    %get3A_3189 = arith.constant 48 : index
    %get3A_3190 = tpu.vector_load %arg10[%get3A_3188, %get3A_3189] {strides = array<i32>} : memref<8x128xf32, #tpu.memory_space<vmem>>, vector<16xf32>,
    %get3A_3191 = arith.constant 176 : index
    %get3A_3192 = tpu.vector_load %arg8[%get3A_3191] {strides = array<i32>} : memref<1024xf32, #tpu.memory_space<vmem>>, vector<16xf32>,
    %mul3A_3193 = arith.mulf %get3A_3192, %get3A_3190 : vector<16xf32>
    %add3A_3194 = arith.addf %add3A_3186, %mul3A_3193 : vector<16xf32>
    %get3A_3195 = arith.constant 1 : i32
    %get3A_3196 = arith.index_cast %get3A_3195 : i32 to index
    %get3A_3197 = arith.constant 64 : index
    %get3A_3198 = tpu.vector_load %arg10[%get3A_3196, %get3A_3197] {strides = array<i32>} : memref<8x128xf32, #tpu.memory_space<vmem>>, vector<16xf32>,
    %get3A_3199 = arith.constant 192 : index
    %get3A_3200 = tpu.vector_load %arg8[%get3A_3199] {strides = array<i32>} : memref<1024xf32, #tpu.memory_space<vmem>>, vector<16xf32>,
    %mul3A_3201 = arith.mulf %get3A_3200, %get3A_3198 : vector<16xf32>
    %add3A_3202 = arith.addf %add3A_3194, %mul3A_3201 : vector<16xf32>
    %get3A_3203 = arith.constant 1 : i32
    %get3A_3204 = arith.index_cast %get3A_3203 : i32 to index
    %get3A_3205 = arith.constant 80 : index
    %get3A_3206 = tpu.vector_load %arg10[%get3A_3204, %get3A_3205] {strides = array<i32>} : memref<8x128xf32, #tpu.memory_space<vmem>>, vector<16xf32>,
    %get3A_3207 = arith.constant 208 : index
    %get3A_3208 = tpu.vector_load %arg8[%get3A_3207] {strides = array<i32>} : memref<1024xf32, #tpu.memory_space<vmem>>, vector<16xf32>,
    %mul3A_3209 = arith.mulf %get3A_3208, %get3A_3206 : vector<16xf32>
    %add3A_3210 = arith.addf %add3A_3202, %mul3A_3209 : vector<16xf32>
    %get3A_3211 = arith.constant 1 : i32
    %get3A_3212 = arith.index_cast %get3A_3211 : i32 to index
    %get3A_3213 = arith.constant 96 : index
    %get3A_3214 = tpu.vector_load %arg10[%get3A_3212, %get3A_3213] {strides = array<i32>} : memref<8x128xf32, #tpu.memory_space<vmem>>, vector<16xf32>,
    %get3A_3215 = arith.constant 224 : index
    %get3A_3216 = tpu.vector_load %arg8[%get3A_3215] {strides = array<i32>} : memref<1024xf32, #tpu.memory_space<vmem>>, vector<16xf32>,
    %mul3A_3217 = arith.mulf %get3A_3216, %get3A_3214 : vector<16xf32>
    %add3A_3218 = arith.addf %add3A_3210, %mul3A_3217 : vector<16xf32>
    %get3A_3219 = arith.constant 1 : i32
    %get3A_3220 = arith.index_cast %get3A_3219 : i32 to index
    %get3A_3221 = arith.constant 112 : index
    %get3A_3222 = tpu.vector_load %arg10[%get3A_3220, %get3A_3221] {strides = array<i32>} : memref<8x128xf32, #tpu.memory_space<vmem>>, vector<16xf32>,
    %get3A_3223 = arith.constant 240 : index
    %get3A_3224 = tpu.vector_load %arg8[%get3A_3223] {strides = array<i32>} : memref<1024xf32, #tpu.memory_space<vmem>>, vector<16xf32>,
    %mul3A_3225 = arith.mulf %get3A_3224, %get3A_3222 : vector<16xf32>
    %add3A_3226 = arith.addf %add3A_3218, %mul3A_3225 : vector<16xf32>
    %get3A_3227 = arith.constant 2 : i32
    %get3A_3228 = arith.index_cast %get3A_3227 : i32 to index
    %get3A_3229 = arith.constant 0 : index
    %get3A_3230 = tpu.vector_load %arg10[%get3A_3228, %get3A_3229] {strides = array<i32>} : memref<8x128xf32, #tpu.memory_space<vmem>>, vector<16xf32>,
    %get3A_3231 = arith.constant 256 : index
    %get3A_3232 = tpu.vector_load %arg8[%get3A_3231] {strides = array<i32>} : memref<1024xf32, #tpu.memory_space<vmem>>, vector<16xf32>,
    %mul3A_3233 = arith.mulf %get3A_3232, %get3A_3230 : vector<16xf32>
    %add3A_3234 = arith.addf %add3A_3226, %mul3A_3233 : vector<16xf32>
    %get3A_3235 = arith.constant 2 : i32
    %get3A_3236 = arith.index_cast %get3A_3235 : i32 to index
    %get3A_3237 = arith.constant 16 : index
    %get3A_3238 = tpu.vector_load %arg10[%get3A_3236, %get3A_3237] {strides = array<i32>} : memref<8x128xf32, #tpu.memory_space<vmem>>, vector<16xf32>,
    %get3A_3239 = arith.constant 272 : index
    %get3A_3240 = tpu.vector_load %arg8[%get3A_3239] {strides = array<i32>} : memref<1024xf32, #tpu.memory_space<vmem>>, vector<16xf32>,
    %mul3A_3241 = arith.mulf %get3A_3240, %get3A_3238 : vector<16xf32>
    %add3A_3242 = arith.addf %add3A_3234, %mul3A_3241 : vector<16xf32>
    %get3A_3243 = arith.constant 2 : i32
    %get3A_3244 = arith.index_cast %get3A_3243 : i32 to index
    %get3A_3245 = arith.constant 32 : index
    %get3A_3246 = tpu.vector_load %arg10[%get3A_3244, %get3A_3245] {strides = array<i32>} : memref<8x128xf32, #tpu.memory_space<vmem>>, vector<16xf32>,
    %get3A_3247 = arith.constant 288 : index
    %get3A_3248 = tpu.vector_load %arg8[%get3A_3247] {strides = array<i32>} : memref<1024xf32, #tpu.memory_space<vmem>>, vector<16xf32>,
    %mul3A_3249 = arith.mulf %get3A_3248, %get3A_3246 : vector<16xf32>
    %add3A_3250 = arith.addf %add3A_3242, %mul3A_3249 : vector<16xf32>
    %get3A_3251 = arith.constant 2 : i32
    %get3A_3252 = arith.index_cast %get3A_3251 : i32 to index
    %get3A_3253 = arith.constant 48 : index
    %get3A_3254 = tpu.vector_load %arg10[%get3A_3252, %get3A_3253] {strides = array<i32>} : memref<8x128xf32, #tpu.memory_space<vmem>>, vector<16xf32>,
    %get3A_3255 = arith.constant 304 : index
    %get3A_3256 = tpu.vector_load %arg8[%get3A_3255] {strides = array<i32>} : memref<1024xf32, #tpu.memory_space<vmem>>, vector<16xf32>,
    %mul3A_3257 = arith.mulf %get3A_3256, %get3A_3254 : vector<16xf32>
    %add3A_3258 = arith.addf %add3A_3250, %mul3A_3257 : vector<16xf32>
    %get3A_3259 = arith.constant 2 : i32
    %get3A_3260 = arith.index_cast %get3A_3259 : i32 to index
    %get3A_3261 = arith.constant 64 : index
    %get3A_3262 = tpu.vector_load %arg10[%get3A_3260, %get3A_3261] {strides = array<i32>} : memref<8x128xf32, #tpu.memory_space<vmem>>, vector<16xf32>,
    %get3A_3263 = arith.constant 320 : index
    %get3A_3264 = tpu.vector_load %arg8[%get3A_3263] {strides = array<i32>} : memref<1024xf32, #tpu.memory_space<vmem>>, vector<16xf32>,
    %mul3A_3265 = arith.mulf %get3A_3264, %get3A_3262 : vector<16xf32>
    %add3A_3266 = arith.addf %add3A_3258, %mul3A_3265 : vector<16xf32>
    %get3A_3267 = arith.constant 2 : i32
    %get3A_3268 = arith.index_cast %get3A_3267 : i32 to index
    %get3A_3269 = arith.constant 80 : index
    %get3A_3270 = tpu.vector_load %arg10[%get3A_3268, %get3A_3269] {strides = array<i32>} : memref<8x128xf32, #tpu.memory_space<vmem>>, vector<16xf32>,
    %get3A_3271 = arith.constant 336 : index
    %get3A_3272 = tpu.vector_load %arg8[%get3A_3271] {strides = array<i32>} : memref<1024xf32, #tpu.memory_space<vmem>>, vector<16xf32>,
    %mul3A_3273 = arith.mulf %get3A_3272, %get3A_3270 : vector<16xf32>
    %add3A_3274 = arith.addf %add3A_3266, %mul3A_3273 : vector<16xf32>
    %get3A_3275 = arith.constant 2 : i32
    %get3A_3276 = arith.index_cast %get3A_3275 : i32 to index
    %get3A_3277 = arith.constant 96 : index
    %get3A_3278 = tpu.vector_load %arg10[%get3A_3276, %get3A_3277] {strides = array<i32>} : memref<8x128xf32, #tpu.memory_space<vmem>>, vector<16xf32>,
    %get3A_3279 = arith.constant 352 : index
    %get3A_3280 = tpu.vector_load %arg8[%get3A_3279] {strides = array<i32>} : memref<1024xf32, #tpu.memory_space<vmem>>, vector<16xf32>,
    %mul3A_3281 = arith.mulf %get3A_3280, %get3A_3278 : vector<16xf32>
    %add3A_3282 = arith.addf %add3A_3274, %mul3A_3281 : vector<16xf32>
    %get3A_3283 = arith.constant 2 : i32
    %get3A_3284 = arith.index_cast %get3A_3283 : i32 to index
    %get3A_3285 = arith.constant 112 : index
    %get3A_3286 = tpu.vector_load %arg10[%get3A_3284, %get3A_3285] {strides = array<i32>} : memref<8x128xf32, #tpu.memory_space<vmem>>, vector<16xf32>,
    %get3A_3287 = arith.constant 368 : index
    %get3A_3288 = tpu.vector_load %arg8[%get3A_3287] {strides = array<i32>} : memref<1024xf32, #tpu.memory_space<vmem>>, vector<16xf32>,
    %mul3A_3289 = arith.mulf %get3A_3288, %get3A_3286 : vector<16xf32>
    %add3A_3290 = arith.addf %add3A_3282, %mul3A_3289 : vector<16xf32>
    %get3A_3291 = arith.constant 3 : i32
    %get3A_3292 = arith.index_cast %get3A_3291 : i32 to index
    %get3A_3293 = arith.constant 0 : index
    %get3A_3294 = tpu.vector_load %arg10[%get3A_3292, %get3A_3293] {strides = array<i32>} : memref<8x128xf32, #tpu.memory_space<vmem>>, vector<16xf32>,
    %get3A_3295 = arith.constant 384 : index
    %get3A_3296 = tpu.vector_load %arg8[%get3A_3295] {strides = array<i32>} : memref<1024xf32, #tpu.memory_space<vmem>>, vector<16xf32>,
    %mul3A_3297 = arith.mulf %get3A_3296, %get3A_3294 : vector<16xf32>
    %add3A_3298 = arith.addf %add3A_3290, %mul3A_3297 : vector<16xf32>
    %get3A_3299 = arith.constant 3 : i32
    %get3A_3300 = arith.index_cast %get3A_3299 : i32 to index
    %get3A_3301 = arith.constant 16 : index
    %get3A_3302 = tpu.vector_load %arg10[%get3A_3300, %get3A_3301] {strides = array<i32>} : memref<8x128xf32, #tpu.memory_space<vmem>>, vector<16xf32>,
    %get3A_3303 = arith.constant 400 : index
    %get3A_3304 = tpu.vector_load %arg8[%get3A_3303] {strides = array<i32>} : memref<1024xf32, #tpu.memory_space<vmem>>, vector<16xf32>,
    %mul3A_3305 = arith.mulf %get3A_3304, %get3A_3302 : vector<16xf32>
    %add3A_3306 = arith.addf %add3A_3298, %mul3A_3305 : vector<16xf32>
    %get3A_3307 = arith.constant 3 : i32
    %get3A_3308 = arith.index_cast %get3A_3307 : i32 to index
    %get3A_3309 = arith.constant 32 : index
    %get3A_3310 = tpu.vector_load %arg10[%get3A_3308, %get3A_3309] {strides = array<i32>} : memref<8x128xf32, #tpu.memory_space<vmem>>, vector<16xf32>,
    %get3A_3311 = arith.constant 416 : index
    %get3A_3312 = tpu.vector_load %arg8[%get3A_3311] {strides = array<i32>} : memref<1024xf32, #tpu.memory_space<vmem>>, vector<16xf32>,
    %mul3A_3313 = arith.mulf %get3A_3312, %get3A_3310 : vector<16xf32>
    %add3A_3314 = arith.addf %add3A_3306, %mul3A_3313 : vector<16xf32>
    %get3A_3315 = arith.constant 3 : i32
    %get3A_3316 = arith.index_cast %get3A_3315 : i32 to index
    %get3A_3317 = arith.constant 48 : index
    %get3A_3318 = tpu.vector_load %arg10[%get3A_3316, %get3A_3317] {strides = array<i32>} : memref<8x128xf32, #tpu.memory_space<vmem>>, vector<16xf32>,
    %get3A_3319 = arith.constant 432 : index
    %get3A_3320 = tpu.vector_load %arg8[%get3A_3319] {strides = array<i32>} : memref<1024xf32, #tpu.memory_space<vmem>>, vector<16xf32>,
    %mul3A_3321 = arith.mulf %get3A_3320, %get3A_3318 : vector<16xf32>
    %add3A_3322 = arith.addf %add3A_3314, %mul3A_3321 : vector<16xf32>
    %get3A_3323 = arith.constant 3 : i32
    %get3A_3324 = arith.index_cast %get3A_3323 : i32 to index
    %get3A_3325 = arith.constant 64 : index
    %get3A_3326 = tpu.vector_load %arg10[%get3A_3324, %get3A_3325] {strides = array<i32>} : memref<8x128xf32, #tpu.memory_space<vmem>>, vector<16xf32>,
    %get3A_3327 = arith.constant 448 : index
    %get3A_3328 = tpu.vector_load %arg8[%get3A_3327] {strides = array<i32>} : memref<1024xf32, #tpu.memory_space<vmem>>, vector<16xf32>,
    %mul3A_3329 = arith.mulf %get3A_3328, %get3A_3326 : vector<16xf32>
    %add3A_3330 = arith.addf %add3A_3322, %mul3A_3329 : vector<16xf32>
    %get3A_3331 = arith.constant 3 : i32
    %get3A_3332 = arith.index_cast %get3A_3331 : i32 to index
    %get3A_3333 = arith.constant 80 : index
    %get3A_3334 = tpu.vector_load %arg10[%get3A_3332, %get3A_3333] {strides = array<i32>} : memref<8x128xf32, #tpu.memory_space<vmem>>, vector<16xf32>,
    %get3A_3335 = arith.constant 464 : index
    %get3A_3336 = tpu.vector_load %arg8[%get3A_3335] {strides = array<i32>} : memref<1024xf32, #tpu.memory_space<vmem>>, vector<16xf32>,
    %mul3A_3337 = arith.mulf %get3A_3336, %get3A_3334 : vector<16xf32>
    %add3A_3338 = arith.addf %add3A_3330, %mul3A_3337 : vector<16xf32>
    %get3A_3339 = arith.constant 3 : i32
    %get3A_3340 = arith.index_cast %get3A_3339 : i32 to index
    %get3A_3341 = arith.constant 96 : index
    %get3A_3342 = tpu.vector_load %arg10[%get3A_3340, %get3A_3341] {strides = array<i32>} : memref<8x128xf32, #tpu.memory_space<vmem>>, vector<16xf32>,
    %get3A_3343 = arith.constant 480 : index
    %get3A_3344 = tpu.vector_load %arg8[%get3A_3343] {strides = array<i32>} : memref<1024xf32, #tpu.memory_space<vmem>>, vector<16xf32>,
    %mul3A_3345 = arith.mulf %get3A_3344, %get3A_3342 : vector<16xf32>
    %add3A_3346 = arith.addf %add3A_3338, %mul3A_3345 : vector<16xf32>
    %get3A_3347 = arith.constant 3 : i32
    %get3A_3348 = arith.index_cast %get3A_3347 : i32 to index
    %get3A_3349 = arith.constant 112 : index
    %get3A_3350 = tpu.vector_load %arg10[%get3A_3348, %get3A_3349] {strides = array<i32>} : memref<8x128xf32, #tpu.memory_space<vmem>>, vector<16xf32>,
    %get3A_3351 = arith.constant 496 : index
    %get3A_3352 = tpu.vector_load %arg8[%get3A_3351] {strides = array<i32>} : memref<1024xf32, #tpu.memory_space<vmem>>, vector<16xf32>,
    %mul3A_3353 = arith.mulf %get3A_3352, %get3A_3350 : vector<16xf32>
    %add3A_3354 = arith.addf %add3A_3346, %mul3A_3353 : vector<16xf32>
    %get3A_3355 = arith.constant 4 : i32
    %get3A_3356 = arith.index_cast %get3A_3355 : i32 to index
    %get3A_3357 = arith.constant 0 : index
    %get3A_3358 = tpu.vector_load %arg10[%get3A_3356, %get3A_3357] {strides = array<i32>} : memref<8x128xf32, #tpu.memory_space<vmem>>, vector<16xf32>,
    %get3A_3359 = arith.constant 512 : index
    %get3A_3360 = tpu.vector_load %arg8[%get3A_3359] {strides = array<i32>} : memref<1024xf32, #tpu.memory_space<vmem>>, vector<16xf32>,
    %mul3A_3361 = arith.mulf %get3A_3360, %get3A_3358 : vector<16xf32>
    %add3A_3362 = arith.addf %add3A_3354, %mul3A_3361 : vector<16xf32>
    %get3A_3363 = arith.constant 4 : i32
    %get3A_3364 = arith.index_cast %get3A_3363 : i32 to index
    %get3A_3365 = arith.constant 16 : index
    %get3A_3366 = tpu.vector_load %arg10[%get3A_3364, %get3A_3365] {strides = array<i32>} : memref<8x128xf32, #tpu.memory_space<vmem>>, vector<16xf32>,
    %get3A_3367 = arith.constant 528 : index
    %get3A_3368 = tpu.vector_load %arg8[%get3A_3367] {strides = array<i32>} : memref<1024xf32, #tpu.memory_space<vmem>>, vector<16xf32>,
    %mul3A_3369 = arith.mulf %get3A_3368, %get3A_3366 : vector<16xf32>
    %add3A_3370 = arith.addf %add3A_3362, %mul3A_3369 : vector<16xf32>
    %get3A_3371 = arith.constant 4 : i32
    %get3A_3372 = arith.index_cast %get3A_3371 : i32 to index
    %get3A_3373 = arith.constant 32 : index
    %get3A_3374 = tpu.vector_load %arg10[%get3A_3372, %get3A_3373] {strides = array<i32>} : memref<8x128xf32, #tpu.memory_space<vmem>>, vector<16xf32>,
    %get3A_3375 = arith.constant 544 : index
    %get3A_3376 = tpu.vector_load %arg8[%get3A_3375] {strides = array<i32>} : memref<1024xf32, #tpu.memory_space<vmem>>, vector<16xf32>,
    %mul3A_3377 = arith.mulf %get3A_3376, %get3A_3374 : vector<16xf32>
    %add3A_3378 = arith.addf %add3A_3370, %mul3A_3377 : vector<16xf32>
    %get3A_3379 = arith.constant 4 : i32
    %get3A_3380 = arith.index_cast %get3A_3379 : i32 to index
    %get3A_3381 = arith.constant 48 : index
    %get3A_3382 = tpu.vector_load %arg10[%get3A_3380, %get3A_3381] {strides = array<i32>} : memref<8x128xf32, #tpu.memory_space<vmem>>, vector<16xf32>,
    %get3A_3383 = arith.constant 560 : index
    %get3A_3384 = tpu.vector_load %arg8[%get3A_3383] {strides = array<i32>} : memref<1024xf32, #tpu.memory_space<vmem>>, vector<16xf32>,
    %mul3A_3385 = arith.mulf %get3A_3384, %get3A_3382 : vector<16xf32>
    %add3A_3386 = arith.addf %add3A_3378, %mul3A_3385 : vector<16xf32>
    %get3A_3387 = arith.constant 4 : i32
    %get3A_3388 = arith.index_cast %get3A_3387 : i32 to index
    %get3A_3389 = arith.constant 64 : index
    %get3A_3390 = tpu.vector_load %arg10[%get3A_3388, %get3A_3389] {strides = array<i32>} : memref<8x128xf32, #tpu.memory_space<vmem>>, vector<16xf32>,
    %get3A_3391 = arith.constant 576 : index
    %get3A_3392 = tpu.vector_load %arg8[%get3A_3391] {strides = array<i32>} : memref<1024xf32, #tpu.memory_space<vmem>>, vector<16xf32>,
    %mul3A_3393 = arith.mulf %get3A_3392, %get3A_3390 : vector<16xf32>
    %add3A_3394 = arith.addf %add3A_3386, %mul3A_3393 : vector<16xf32>
    %get3A_3395 = arith.constant 4 : i32
    %get3A_3396 = arith.index_cast %get3A_3395 : i32 to index
    %get3A_3397 = arith.constant 80 : index
    %get3A_3398 = tpu.vector_load %arg10[%get3A_3396, %get3A_3397] {strides = array<i32>} : memref<8x128xf32, #tpu.memory_space<vmem>>, vector<16xf32>,
    %get3A_3399 = arith.constant 592 : index
    %get3A_3400 = tpu.vector_load %arg8[%get3A_3399] {strides = array<i32>} : memref<1024xf32, #tpu.memory_space<vmem>>, vector<16xf32>,
    %mul3A_3401 = arith.mulf %get3A_3400, %get3A_3398 : vector<16xf32>
    %add3A_3402 = arith.addf %add3A_3394, %mul3A_3401 : vector<16xf32>
    %get3A_3403 = arith.constant 4 : i32
    %get3A_3404 = arith.index_cast %get3A_3403 : i32 to index
    %get3A_3405 = arith.constant 96 : index
    %get3A_3406 = tpu.vector_load %arg10[%get3A_3404, %get3A_3405] {strides = array<i32>} : memref<8x128xf32, #tpu.memory_space<vmem>>, vector<16xf32>,
    %get3A_3407 = arith.constant 608 : index
    %get3A_3408 = tpu.vector_load %arg8[%get3A_3407] {strides = array<i32>} : memref<1024xf32, #tpu.memory_space<vmem>>, vector<16xf32>,
    %mul3A_3409 = arith.mulf %get3A_3408, %get3A_3406 : vector<16xf32>
    %add3A_3410 = arith.addf %add3A_3402, %mul3A_3409 : vector<16xf32>
    %get3A_3411 = arith.constant 4 : i32
    %get3A_3412 = arith.index_cast %get3A_3411 : i32 to index
    %get3A_3413 = arith.constant 112 : index
    %get3A_3414 = tpu.vector_load %arg10[%get3A_3412, %get3A_3413] {strides = array<i32>} : memref<8x128xf32, #tpu.memory_space<vmem>>, vector<16xf32>,
    %get3A_3415 = arith.constant 624 : index
    %get3A_3416 = tpu.vector_load %arg8[%get3A_3415] {strides = array<i32>} : memref<1024xf32, #tpu.memory_space<vmem>>, vector<16xf32>,
    %mul3A_3417 = arith.mulf %get3A_3416, %get3A_3414 : vector<16xf32>
    %add3A_3418 = arith.addf %add3A_3410, %mul3A_3417 : vector<16xf32>
    %get3A_3419 = arith.constant 5 : i32
    %get3A_3420 = arith.index_cast %get3A_3419 : i32 to index
    %get3A_3421 = arith.constant 0 : index
    %get3A_3422 = tpu.vector_load %arg10[%get3A_3420, %get3A_3421] {strides = array<i32>} : memref<8x128xf32, #tpu.memory_space<vmem>>, vector<16xf32>,
    %get3A_3423 = arith.constant 640 : index
    %get3A_3424 = tpu.vector_load %arg8[%get3A_3423] {strides = array<i32>} : memref<1024xf32, #tpu.memory_space<vmem>>, vector<16xf32>,
    %mul3A_3425 = arith.mulf %get3A_3424, %get3A_3422 : vector<16xf32>
    %add3A_3426 = arith.addf %add3A_3418, %mul3A_3425 : vector<16xf32>
    %get3A_3427 = arith.constant 5 : i32
    %get3A_3428 = arith.index_cast %get3A_3427 : i32 to index
    %get3A_3429 = arith.constant 16 : index
    %get3A_3430 = tpu.vector_load %arg10[%get3A_3428, %get3A_3429] {strides = array<i32>} : memref<8x128xf32, #tpu.memory_space<vmem>>, vector<16xf32>,
    %get3A_3431 = arith.constant 656 : index
    %get3A_3432 = tpu.vector_load %arg8[%get3A_3431] {strides = array<i32>} : memref<1024xf32, #tpu.memory_space<vmem>>, vector<16xf32>,
    %mul3A_3433 = arith.mulf %get3A_3432, %get3A_3430 : vector<16xf32>
    %add3A_3434 = arith.addf %add3A_3426, %mul3A_3433 : vector<16xf32>
    %get3A_3435 = arith.constant 5 : i32
    %get3A_3436 = arith.index_cast %get3A_3435 : i32 to index
    %get3A_3437 = arith.constant 32 : index
    %get3A_3438 = tpu.vector_load %arg10[%get3A_3436, %get3A_3437] {strides = array<i32>} : memref<8x128xf32, #tpu.memory_space<vmem>>, vector<16xf32>,
    %get3A_3439 = arith.constant 672 : index
    %get3A_3440 = tpu.vector_load %arg8[%get3A_3439] {strides = array<i32>} : memref<1024xf32, #tpu.memory_space<vmem>>, vector<16xf32>,
    %mul3A_3441 = arith.mulf %get3A_3440, %get3A_3438 : vector<16xf32>
    %add3A_3442 = arith.addf %add3A_3434, %mul3A_3441 : vector<16xf32>
    %get3A_3443 = arith.constant 5 : i32
    %get3A_3444 = arith.index_cast %get3A_3443 : i32 to index
    %get3A_3445 = arith.constant 48 : index
    %get3A_3446 = tpu.vector_load %arg10[%get3A_3444, %get3A_3445] {strides = array<i32>} : memref<8x128xf32, #tpu.memory_space<vmem>>, vector<16xf32>,
    %get3A_3447 = arith.constant 688 : index
    %get3A_3448 = tpu.vector_load %arg8[%get3A_3447] {strides = array<i32>} : memref<1024xf32, #tpu.memory_space<vmem>>, vector<16xf32>,
    %mul3A_3449 = arith.mulf %get3A_3448, %get3A_3446 : vector<16xf32>
    %add3A_3450 = arith.addf %add3A_3442, %mul3A_3449 : vector<16xf32>
    %get3A_3451 = arith.constant 5 : i32
    %get3A_3452 = arith.index_cast %get3A_3451 : i32 to index
    %get3A_3453 = arith.constant 64 : index
    %get3A_3454 = tpu.vector_load %arg10[%get3A_3452, %get3A_3453] {strides = array<i32>} : memref<8x128xf32, #tpu.memory_space<vmem>>, vector<16xf32>,
    %get3A_3455 = arith.constant 704 : index
    %get3A_3456 = tpu.vector_load %arg8[%get3A_3455] {strides = array<i32>} : memref<1024xf32, #tpu.memory_space<vmem>>, vector<16xf32>,
    %mul3A_3457 = arith.mulf %get3A_3456, %get3A_3454 : vector<16xf32>
    %add3A_3458 = arith.addf %add3A_3450, %mul3A_3457 : vector<16xf32>
    %get3A_3459 = arith.constant 5 : i32
    %get3A_3460 = arith.index_cast %get3A_3459 : i32 to index
    %get3A_3461 = arith.constant 80 : index
    %get3A_3462 = tpu.vector_load %arg10[%get3A_3460, %get3A_3461] {strides = array<i32>} : memref<8x128xf32, #tpu.memory_space<vmem>>, vector<16xf32>,
    %get3A_3463 = arith.constant 720 : index
    %get3A_3464 = tpu.vector_load %arg8[%get3A_3463] {strides = array<i32>} : memref<1024xf32, #tpu.memory_space<vmem>>, vector<16xf32>,
    %mul3A_3465 = arith.mulf %get3A_3464, %get3A_3462 : vector<16xf32>
    %add3A_3466 = arith.addf %add3A_3458, %mul3A_3465 : vector<16xf32>
    %get3A_3467 = arith.constant 5 : i32
    %get3A_3468 = arith.index_cast %get3A_3467 : i32 to index
    %get3A_3469 = arith.constant 96 : index
    %get3A_3470 = tpu.vector_load %arg10[%get3A_3468, %get3A_3469] {strides = array<i32>} : memref<8x128xf32, #tpu.memory_space<vmem>>, vector<16xf32>,
    %get3A_3471 = arith.constant 736 : index
    %get3A_3472 = tpu.vector_load %arg8[%get3A_3471] {strides = array<i32>} : memref<1024xf32, #tpu.memory_space<vmem>>, vector<16xf32>,
    %mul3A_3473 = arith.mulf %get3A_3472, %get3A_3470 : vector<16xf32>
    %add3A_3474 = arith.addf %add3A_3466, %mul3A_3473 : vector<16xf32>
    %get3A_3475 = arith.constant 5 : i32
    %get3A_3476 = arith.index_cast %get3A_3475 : i32 to index
    %get3A_3477 = arith.constant 112 : index
    %get3A_3478 = tpu.vector_load %arg10[%get3A_3476, %get3A_3477] {strides = array<i32>} : memref<8x128xf32, #tpu.memory_space<vmem>>, vector<16xf32>,
    %get3A_3479 = arith.constant 752 : index
    %get3A_3480 = tpu.vector_load %arg8[%get3A_3479] {strides = array<i32>} : memref<1024xf32, #tpu.memory_space<vmem>>, vector<16xf32>,
    %mul3A_3481 = arith.mulf %get3A_3480, %get3A_3478 : vector<16xf32>
    %add3A_3482 = arith.addf %add3A_3474, %mul3A_3481 : vector<16xf32>
    %get3A_3483 = arith.constant 6 : i32
    %get3A_3484 = arith.index_cast %get3A_3483 : i32 to index
    %get3A_3485 = arith.constant 0 : index
    %get3A_3486 = tpu.vector_load %arg10[%get3A_3484, %get3A_3485] {strides = array<i32>} : memref<8x128xf32, #tpu.memory_space<vmem>>, vector<16xf32>,
    %get3A_3487 = arith.constant 768 : index
    %get3A_3488 = tpu.vector_load %arg8[%get3A_3487] {strides = array<i32>} : memref<1024xf32, #tpu.memory_space<vmem>>, vector<16xf32>,
    %mul3A_3489 = arith.mulf %get3A_3488, %get3A_3486 : vector<16xf32>
    %add3A_3490 = arith.addf %add3A_3482, %mul3A_3489 : vector<16xf32>
    %get3A_3491 = arith.constant 6 : i32
    %get3A_3492 = arith.index_cast %get3A_3491 : i32 to index
    %get3A_3493 = arith.constant 16 : index
    %get3A_3494 = tpu.vector_load %arg10[%get3A_3492, %get3A_3493] {strides = array<i32>} : memref<8x128xf32, #tpu.memory_space<vmem>>, vector<16xf32>,
    %get3A_3495 = arith.constant 784 : index
    %get3A_3496 = tpu.vector_load %arg8[%get3A_3495] {strides = array<i32>} : memref<1024xf32, #tpu.memory_space<vmem>>, vector<16xf32>,
    %mul3A_3497 = arith.mulf %get3A_3496, %get3A_3494 : vector<16xf32>
    %add3A_3498 = arith.addf %add3A_3490, %mul3A_3497 : vector<16xf32>
    %get3A_3499 = arith.constant 6 : i32
    %get3A_3500 = arith.index_cast %get3A_3499 : i32 to index
    %get3A_3501 = arith.constant 32 : index
    %get3A_3502 = tpu.vector_load %arg10[%get3A_3500, %get3A_3501] {strides = array<i32>} : memref<8x128xf32, #tpu.memory_space<vmem>>, vector<16xf32>,
    %get3A_3503 = arith.constant 800 : index
    %get3A_3504 = tpu.vector_load %arg8[%get3A_3503] {strides = array<i32>} : memref<1024xf32, #tpu.memory_space<vmem>>, vector<16xf32>,
    %mul3A_3505 = arith.mulf %get3A_3504, %get3A_3502 : vector<16xf32>
    %add3A_3506 = arith.addf %add3A_3498, %mul3A_3505 : vector<16xf32>
    %get3A_3507 = arith.constant 6 : i32
    %get3A_3508 = arith.index_cast %get3A_3507 : i32 to index
    %get3A_3509 = arith.constant 48 : index
    %get3A_3510 = tpu.vector_load %arg10[%get3A_3508, %get3A_3509] {strides = array<i32>} : memref<8x128xf32, #tpu.memory_space<vmem>>, vector<16xf32>,
    %get3A_3511 = arith.constant 816 : index
    %get3A_3512 = tpu.vector_load %arg8[%get3A_3511] {strides = array<i32>} : memref<1024xf32, #tpu.memory_space<vmem>>, vector<16xf32>,
    %mul3A_3513 = arith.mulf %get3A_3512, %get3A_3510 : vector<16xf32>
    %add3A_3514 = arith.addf %add3A_3506, %mul3A_3513 : vector<16xf32>
    %get3A_3515 = arith.constant 6 : i32
    %get3A_3516 = arith.index_cast %get3A_3515 : i32 to index
    %get3A_3517 = arith.constant 64 : index
    %get3A_3518 = tpu.vector_load %arg10[%get3A_3516, %get3A_3517] {strides = array<i32>} : memref<8x128xf32, #tpu.memory_space<vmem>>, vector<16xf32>,
    %get3A_3519 = arith.constant 832 : index
    %get3A_3520 = tpu.vector_load %arg8[%get3A_3519] {strides = array<i32>} : memref<1024xf32, #tpu.memory_space<vmem>>, vector<16xf32>,
    %mul3A_3521 = arith.mulf %get3A_3520, %get3A_3518 : vector<16xf32>
    %add3A_3522 = arith.addf %add3A_3514, %mul3A_3521 : vector<16xf32>
    %get3A_3523 = arith.constant 6 : i32
    %get3A_3524 = arith.index_cast %get3A_3523 : i32 to index
    %get3A_3525 = arith.constant 80 : index
    %get3A_3526 = tpu.vector_load %arg10[%get3A_3524, %get3A_3525] {strides = array<i32>} : memref<8x128xf32, #tpu.memory_space<vmem>>, vector<16xf32>,
    %get3A_3527 = arith.constant 848 : index
    %get3A_3528 = tpu.vector_load %arg8[%get3A_3527] {strides = array<i32>} : memref<1024xf32, #tpu.memory_space<vmem>>, vector<16xf32>,
    %mul3A_3529 = arith.mulf %get3A_3528, %get3A_3526 : vector<16xf32>
    %add3A_3530 = arith.addf %add3A_3522, %mul3A_3529 : vector<16xf32>
    %get3A_3531 = arith.constant 6 : i32
    %get3A_3532 = arith.index_cast %get3A_3531 : i32 to index
    %get3A_3533 = arith.constant 96 : index
    %get3A_3534 = tpu.vector_load %arg10[%get3A_3532, %get3A_3533] {strides = array<i32>} : memref<8x128xf32, #tpu.memory_space<vmem>>, vector<16xf32>,
    %get3A_3535 = arith.constant 864 : index
    %get3A_3536 = tpu.vector_load %arg8[%get3A_3535] {strides = array<i32>} : memref<1024xf32, #tpu.memory_space<vmem>>, vector<16xf32>,
    %mul3A_3537 = arith.mulf %get3A_3536, %get3A_3534 : vector<16xf32>
    %add3A_3538 = arith.addf %add3A_3530, %mul3A_3537 : vector<16xf32>
    %get3A_3539 = arith.constant 6 : i32
    %get3A_3540 = arith.index_cast %get3A_3539 : i32 to index
    %get3A_3541 = arith.constant 112 : index
    %get3A_3542 = tpu.vector_load %arg10[%get3A_3540, %get3A_3541] {strides = array<i32>} : memref<8x128xf32, #tpu.memory_space<vmem>>, vector<16xf32>,
    %get3A_3543 = arith.constant 880 : index
    %get3A_3544 = tpu.vector_load %arg8[%get3A_3543] {strides = array<i32>} : memref<1024xf32, #tpu.memory_space<vmem>>, vector<16xf32>,
    %mul3A_3545 = arith.mulf %get3A_3544, %get3A_3542 : vector<16xf32>
    %add3A_3546 = arith.addf %add3A_3538, %mul3A_3545 : vector<16xf32>
    %get3A_3547 = arith.constant 7 : i32
    %get3A_3548 = arith.index_cast %get3A_3547 : i32 to index
    %get3A_3549 = arith.constant 0 : index
    %get3A_3550 = tpu.vector_load %arg10[%get3A_3548, %get3A_3549] {strides = array<i32>} : memref<8x128xf32, #tpu.memory_space<vmem>>, vector<16xf32>,
    %get3A_3551 = arith.constant 896 : index
    %get3A_3552 = tpu.vector_load %arg8[%get3A_3551] {strides = array<i32>} : memref<1024xf32, #tpu.memory_space<vmem>>, vector<16xf32>,
    %mul3A_3553 = arith.mulf %get3A_3552, %get3A_3550 : vector<16xf32>
    %add3A_3554 = arith.addf %add3A_3546, %mul3A_3553 : vector<16xf32>
    %get3A_3555 = arith.constant 7 : i32
    %get3A_3556 = arith.index_cast %get3A_3555 : i32 to index
    %get3A_3557 = arith.constant 16 : index
    %get3A_3558 = tpu.vector_load %arg10[%get3A_3556, %get3A_3557] {strides = array<i32>} : memref<8x128xf32, #tpu.memory_space<vmem>>, vector<16xf32>,
    %get3A_3559 = arith.constant 912 : index
    %get3A_3560 = tpu.vector_load %arg8[%get3A_3559] {strides = array<i32>} : memref<1024xf32, #tpu.memory_space<vmem>>, vector<16xf32>,
    %mul3A_3561 = arith.mulf %get3A_3560, %get3A_3558 : vector<16xf32>
    %add3A_3562 = arith.addf %add3A_3554, %mul3A_3561 : vector<16xf32>
    %get3A_3563 = arith.constant 7 : i32
    %get3A_3564 = arith.index_cast %get3A_3563 : i32 to index
    %get3A_3565 = arith.constant 32 : index
    %get3A_3566 = tpu.vector_load %arg10[%get3A_3564, %get3A_3565] {strides = array<i32>} : memref<8x128xf32, #tpu.memory_space<vmem>>, vector<16xf32>,
    %get3A_3567 = arith.constant 928 : index
    %get3A_3568 = tpu.vector_load %arg8[%get3A_3567] {strides = array<i32>} : memref<1024xf32, #tpu.memory_space<vmem>>, vector<16xf32>,
    %mul3A_3569 = arith.mulf %get3A_3568, %get3A_3566 : vector<16xf32>
    %add3A_3570 = arith.addf %add3A_3562, %mul3A_3569 : vector<16xf32>
    %get3A_3571 = arith.constant 7 : i32
    %get3A_3572 = arith.index_cast %get3A_3571 : i32 to index
    %get3A_3573 = arith.constant 48 : index
    %get3A_3574 = tpu.vector_load %arg10[%get3A_3572, %get3A_3573] {strides = array<i32>} : memref<8x128xf32, #tpu.memory_space<vmem>>, vector<16xf32>,
    %get3A_3575 = arith.constant 944 : index
    %get3A_3576 = tpu.vector_load %arg8[%get3A_3575] {strides = array<i32>} : memref<1024xf32, #tpu.memory_space<vmem>>, vector<16xf32>,
    %mul3A_3577 = arith.mulf %get3A_3576, %get3A_3574 : vector<16xf32>
    %add3A_3578 = arith.addf %add3A_3570, %mul3A_3577 : vector<16xf32>
    %get3A_3579 = arith.constant 7 : i32
    %get3A_3580 = arith.index_cast %get3A_3579 : i32 to index
    %get3A_3581 = arith.constant 64 : index
    %get3A_3582 = tpu.vector_load %arg10[%get3A_3580, %get3A_3581] {strides = array<i32>} : memref<8x128xf32, #tpu.memory_space<vmem>>, vector<16xf32>,
    %get3A_3583 = arith.constant 960 : index
    %get3A_3584 = tpu.vector_load %arg8[%get3A_3583] {strides = array<i32>} : memref<1024xf32, #tpu.memory_space<vmem>>, vector<16xf32>,
    %mul3A_3585 = arith.mulf %get3A_3584, %get3A_3582 : vector<16xf32>
    %add3A_3586 = arith.addf %add3A_3578, %mul3A_3585 : vector<16xf32>
    %get3A_3587 = arith.constant 7 : i32
    %get3A_3588 = arith.index_cast %get3A_3587 : i32 to index
    %get3A_3589 = arith.constant 80 : index
    %get3A_3590 = tpu.vector_load %arg10[%get3A_3588, %get3A_3589] {strides = array<i32>} : memref<8x128xf32, #tpu.memory_space<vmem>>, vector<16xf32>,
    %get3A_3591 = arith.constant 976 : index
    %get3A_3592 = tpu.vector_load %arg8[%get3A_3591] {strides = array<i32>} : memref<1024xf32, #tpu.memory_space<vmem>>, vector<16xf32>,
    %mul3A_3593 = arith.mulf %get3A_3592, %get3A_3590 : vector<16xf32>
    %add3A_3594 = arith.addf %add3A_3586, %mul3A_3593 : vector<16xf32>
    %get3A_3595 = arith.constant 7 : i32
    %get3A_3596 = arith.index_cast %get3A_3595 : i32 to index
    %get3A_3597 = arith.constant 96 : index
    %get3A_3598 = tpu.vector_load %arg10[%get3A_3596, %get3A_3597] {strides = array<i32>} : memref<8x128xf32, #tpu.memory_space<vmem>>, vector<16xf32>,
    %get3A_3599 = arith.constant 992 : index
    %get3A_3600 = tpu.vector_load %arg8[%get3A_3599] {strides = array<i32>} : memref<1024xf32, #tpu.memory_space<vmem>>, vector<16xf32>,
    %mul3A_3601 = arith.mulf %get3A_3600, %get3A_3598 : vector<16xf32>
    %add3A_3602 = arith.addf %add3A_3594, %mul3A_3601 : vector<16xf32>
    %get3A_3603 = arith.constant 7 : i32
    %get3A_3604 = arith.index_cast %get3A_3603 : i32 to index
    %get3A_3605 = arith.constant 112 : index
    %get3A_3606 = tpu.vector_load %arg10[%get3A_3604, %get3A_3605] {strides = array<i32>} : memref<8x128xf32, #tpu.memory_space<vmem>>, vector<16xf32>,
    %get3A_3607 = arith.constant 1008 : index
    %get3A_3608 = tpu.vector_load %arg8[%get3A_3607] {strides = array<i32>} : memref<1024xf32, #tpu.memory_space<vmem>>, vector<16xf32>,
    %mul3A_3609 = arith.mulf %get3A_3608, %get3A_3606 : vector<16xf32>
    %add3A_3610 = arith.addf %add3A_3602, %mul3A_3609 : vector<16xf32>
    %swap3A_3611 = arith.constant 0 : index
    %swap3A_3612 = tpu.vector_load %arg11[%swap3A_3611] {strides = array<i32>} : memref<16xf32, #tpu.memory_space<vmem>>, vector<16xf32>,
    tpu.vector_store %arg11[%swap3A_3611], %add3A_3610 {strides = array<i32>} : memref<16xf32, #tpu.memory_space<vmem>>, vector<16xf32>,
    "tpu.region"() ({
      %run_scoped3A = tpu.sem_alloc : memref<!tpu.dma_semaphore, #tpu.memory_space<semaphore_mem>>
      %dma_start3A_3613 = arith.constant 0 : i32
      %dma_start3A_3614 = tpu.memref_slice %arg5[%add3A, %dma_start3A_3613] : memref<16x16xf32, #tpu.memory_space<hbm>> -> memref<1x16xf32, #tpu.memory_space<hbm>>
      %dma_start3A_3615 = tpu.memref_squeeze %dma_start3A_3614 : memref<1x16xf32, #tpu.memory_space<hbm>> -> memref<16xf32, #tpu.memory_space<hbm>>
      %dma_start3A_3616 = arith.constant 0 : i32
      %dma_start3A_3617 = tpu.memref_slice %arg5[%add3A, %dma_start3A_3616] : memref<16x16xf32, #tpu.memory_space<hbm>> -> memref<1x16xf32, #tpu.memory_space<hbm>>
      %dma_start3A_3618 = tpu.memref_squeeze %dma_start3A_3617 : memref<1x16xf32, #tpu.memory_space<hbm>> -> memref<16xf32, #tpu.memory_space<hbm>>
      tpu.enqueue_dma source(%arg11 : memref<16xf32, #tpu.memory_space<vmem>>) target(%dma_start3A_3618 : memref<16xf32, #tpu.memory_space<hbm>>) target_semaphore(%run_scoped3A : memref<!tpu.dma_semaphore, #tpu.memory_space<semaphore_mem>>)
      %dma_wait3A_3619 = arith.constant 0 : i32
      %dma_wait3A_3620 = tpu.memref_slice %arg5[%add3A, %dma_wait3A_3619] : memref<16x16xf32, #tpu.memory_space<hbm>> -> memref<1x16xf32, #tpu.memory_space<hbm>>
      %dma_wait3A_3621 = tpu.memref_squeeze %dma_wait3A_3620 : memref<1x16xf32, #tpu.memory_space<hbm>> -> memref<16xf32, #tpu.memory_space<hbm>>
      %dma_wait3A_3622 = arith.constant 0 : i32
      %dma_wait3A_3623 = tpu.memref_slice %arg5[%add3A, %dma_wait3A_3622] : memref<16x16xf32, #tpu.memory_space<hbm>> -> memref<1x16xf32, #tpu.memory_space<hbm>>
      %dma_wait3A_3624 = tpu.memref_squeeze %dma_wait3A_3623 : memref<1x16xf32, #tpu.memory_space<hbm>> -> memref<16xf32, #tpu.memory_space<hbm>>
      tpu.wait_dma2 semaphore(%run_scoped3A : memref<!tpu.dma_semaphore, #tpu.memory_space<semaphore_mem>>) src(%arg11 : memref<16xf32, #tpu.memory_space<vmem>>) dst(%dma_wait3A_3624 : memref<16xf32, #tpu.memory_space<hbm>>)
      tpu.yield
    }) : () -> ()
    return
  }
}

module attributes {stable_mosaic.version = 14 : i64} {
  func.func @tc_body(%arg0: memref<16x16xf32, #tpu.memory_space<hbm>>, %arg1: memref<1x1xf32, #tpu.memory_space<vmem>>, %arg2: memref<16x16xf32, #tpu.memory_space<vmem>>, %arg3: memref<!tpu.dma_semaphore, #tpu.memory_space<semaphore_mem>>) attributes {dimension_semantics = [], scalar_prefetch = 0 : i64, scratch_operands = 2 : i64, tpu.core_type = #tpu.core_type<tc>} {
    tpu.enqueue_dma source(%arg0 : memref<16x16xf32, #tpu.memory_space<hbm>>) target(%arg2 : memref<16x16xf32, #tpu.memory_space<vmem>>) target_semaphore(%arg3 : memref<!tpu.dma_semaphore, #tpu.memory_space<semaphore_mem>>)
    tpu.wait_dma2 semaphore(%arg3 : memref<!tpu.dma_semaphore, #tpu.memory_space<semaphore_mem>>) src(%arg0 : memref<16x16xf32, #tpu.memory_space<hbm>>) dst(%arg2 : memref<16x16xf32, #tpu.memory_space<vmem>>)
    %get3A = arith.constant 0 : index
    %get3A_0 = arith.constant 0 : index
    %get3A_1 = vector.load %arg2[%get3A, %get3A_0] : memref<16x16xf32, #tpu.memory_space<vmem>>, vector<16x16xf32>
    %reduce_sum3A = vector.shape_cast %get3A_1 : vector<16x16xf32> to vector<1x16x16xf32>
    %reduce_sum3A_2 = arith.constant dense<0.000000e+00> : vector<1xf32>
    %reduce_sum3A_3 = vector.multi_reduction <add>, %reduce_sum3A, %reduce_sum3A_2 [1, 2] : vector<1x16x16xf32> to vector<1xf32>
    %reduce_sum3A_4 = vector.shape_cast %reduce_sum3A_3 : vector<1xf32> to vector<1x1x1xf32>
    %reduce_sum3A_5 = vector.extract %reduce_sum3A_4[0, 0, 0] : f32 from vector<1x1x1xf32>
    %mul3A = arith.constant -6.10351563E-5 : f32
    %mul3A_6 = arith.mulf %reduce_sum3A_5, %mul3A : f32
    %broadcast_in_dim3A = vector.broadcast %mul3A_6 : f32 to vector<1x1xf32>
    %swap3A = arith.constant 0 : index
    %swap3A_7 = arith.constant 0 : index
    %swap3A_8 = vector.load %arg1[%swap3A, %swap3A_7] : memref<1x1xf32, #tpu.memory_space<vmem>>, vector<1x1xf32>
    tpu.vector_store %arg1[%swap3A, %swap3A_7], %broadcast_in_dim3A {strides = array<i32>} : memref<1x1xf32, #tpu.memory_space<vmem>>, vector<1x1xf32>,
    return
  }
}

</mosaic_0001>

<sc_bundles>
// kernel: kernel.4.cloned.1.call-start
scs
__scs_entry_jumppad:
0x0: {  	(pc) =	sbr.rel $0x88, $3  }
0x1: {  	(tag) =	ssettag $0x0;
	lr =	simm.s32 $0x1  }
0x2: {  	[smem:$0x3F9E] =	sst lr;
	_ =	strace $0xD0000000  }
0x3: {  	_ = 	snop  }
0x4: {  	_ = 	snop  }
0x5: {  	_ = 	snop  }
0x6: {  	_ = 	snop  }
0x7: {  	_ = 	snop  }
__scs_overlays_trampoline_lowered:
0x8: {  	[smem:$0x3FAD] =	sst s0  }
0x9: {  	[smem:$0x3FAE] =	sst s1  }
0xa: {  	[smem:$0x3FAF] =	sst s2  }
0xb: {  	[smem:$0x3FB0] =	sst s3  }
0xc: {  	[smem:$0x3FB1] =	sst s4  }
0xd: {  	[smem:$0x3FB2] =	sst s5  }
0xe: {  	[smem:$0x3FB3] =	sst s6  }
0xf: {  	[smem:$0x3FB4] =	sst s7  }
0x10: {  	[smem:$0x3FB5] =	sst s8  }
0x11: {  	[smem:$0x3FB6] =	sst s9;
	s0 =	simm.s32 @!p0 $0x0  }
0x12: {  	s1 =	sld [smem:$0x3F9C];
	s0 =	simm.s32 @p0 $0x1  }
0x13: {  	[smem:$0x3FB7] =	sst s0;
	s0 =	simm.s32 @!p1 $0x0  }
0x14: {  	s2 =	sld [smem:$0x3F9B];
	s0 =	simm.s32 @p1 $0x1  }
0x15: {  	[smem:$0x3FB8] =	sst s0;
	s0 =	simm.s32 @!p2 $0x0  }
0x16: {  	s3 =	sld [smem:$0x3FDB];
	s0 =	simm.s32 @p2 $0x1  }
0x17: {  	s4 =	simm.s32 $0x1BF5;
	[smem:$0x3FBA] =	sst s0  }
0x18: {  	s0 =	sld [smem:$0x3F9D];
	_ =	swait.ge [sflag:s4], $0x0  }
0x19: {  	s7 =	sld [smem:$0x3F9E]  }
0x1a: {  	s8 =	sadd.s32 $0xFFFFE003, lr  }
0x1b: {  	s9 =	sadd.s32 $0xFFFFFEF7, lr;
	s5 =	simm.s32 $0xFFFFFFFF;
	p2 =	slt.u32 s8, $0xFFFFF086  }
0x1c: {  	p1 =	slt.u32 s9, $0xF7A;
	s5 =	simm.s32 @!p2 $0x0  }
0x1d: {  	s5 =	simm.s32 @p1 $0x1;
	p0 =	seq.s32 s7, s2  }
0x1e: {  	s7 =	smul.u32 @!p0 $0xF7A, s2;
	p2 =	seq.s32 @!p0 s5, $0x0  }
0x1f: {  	s9 =	smul.u32 $0xF7A, s1;
	s8 =	simm.s32 @!p0 $0x1BF5;
	p2 =	por !p2, p0  }
0x20: {  	[sflag:s8] =	ssyncset.s32 @!p0 $0xFFFFF086;
	s6 =	sadd.s32 @!p0 s3, s7;
	s7 =	simm.s32 @!p0 $0x108  }
0x21: {  	s3 =	sadd.s32 s3, s9;
	s6 =	sadd.s32 @!p0 $0x88, s6;
	s7 =	simm.s32 @p2 $0x1082  }
0x22: {  	[simem:s7], [sflag:s8] =	dma.local @!p0 [hbm:s6], $0xF7A  }
0x23: {  	s9 =	sor.u32 $0xD0000000, s2;
	s6 =	simm.s32 $0x108;
	_ =	swait.ge @!p0 [sflag:s8], $0x0  }
0x24: {  	s3 =	sadd.s32 $0x88, s3;
	s6 =	simm.s32 @!p1 $0x1082;
	[sflag:s4] =	ssyncset.s32 $0xFFFFF086  }
0x25: {  	[simem:s6], [sflag:s4] =	dma.local [hbm:s3], $0xF7A  }
0x26: {  	[smem:$0x3F9E] =	sst s1;
	(tag) =	ssettag s2;
	_ =	strace s9  }
0x27: {  	s1 =	sld [smem:$0x3FAE]  }
0x28: {  	s2 =	sld [smem:$0x3FAF]  }
0x29: {  	s4 =	sld [smem:$0x3FB1]  }
0x2a: {  	p0 =	seq.s32 s5, $0x0;
	s5 =	sld [smem:$0x3FB2]  }
0x2b: {  	s6 =	sld [smem:$0x3FB3]  }
0x2c: {  	s7 =	sld [smem:$0x3FB4]  }
0x2d: {  	s3 =	simm.s32 $0x108;
	s8 =	sld [smem:$0x3FB5]  }
0x2e: {  	s3 =	simm.s32 @!p0 $0x1082;
	s9 =	sld [smem:$0x3FB6]  }
0x2f: {  	lr =	sadd.s32 s0, s3;
	s0 =	sld [smem:$0x3FAD]  }
0x30: {  	s3 =	sld [smem:$0x3FB0]  }
0x31: {  	[smem:$0x3FB9] =	sst s10  }
0x32: {  	s10 =	sld [smem:$0x3FB7];
	_ =	sdelay $0x3  }
0x33: {  	p0 =	seq.s32 s10, $0x1;
	s10 =	sld [smem:$0x3FB9];
	_ =	sdelay $0x3  }
0x34: {  	[smem:$0x3FB9] =	sst s10  }
0x35: {  	s10 =	sld [smem:$0x3FB8];
	_ =	sdelay $0x3  }
0x36: {  	p1 =	seq.s32 s10, $0x1;
	s10 =	sld [smem:$0x3FB9];
	_ =	sdelay $0x3  }
0x37: {  	[smem:$0x3FB9] =	sst s10  }
0x38: {  	s10 =	sld [smem:$0x3FBA]  }
0x39: {  	_ = 	snop;
	(pc) =	sbr.ind lr, $3  }
0x3a: {  	_ = 	snop  }
0x3b: {  	_ = 	snop  }
0x3c: {  	p2 =	seq.s32 s10, $0x1;
	s10 =	sld [smem:$0x3FB9]  }
0x3d: {  	_ =	shalt  }
0x3e: {  	_ =	shalt  }
0x3f: {  	_ =	shalt  }
0x40: {  	_ =	shalt  }
0x41: {  	_ =	shalt  }
0x42: {  	_ =	shalt  }
0x43: {  	_ =	shalt  }
0x44: {  	_ =	shalt  }
0x45: {  	_ =	shalt  }
0x46: {  	_ =	shalt  }
0x47: {  	_ =	shalt  }
0x48: {  	_ =	shalt  }
0x49: {  	_ =	shalt  }
0x4a: {  	_ =	shalt  }
0x4b: {  	_ =	shalt  }
0x4c: {  	_ =	shalt  }
0x4d: {  	_ =	shalt  }
0x4e: {  	_ =	shalt  }
0x4f: {  	_ =	shalt  }
0x50: {  	_ =	shalt  }
0x51: {  	_ =	shalt  }
0x52: {  	_ =	shalt  }
0x53: {  	_ =	shalt  }
0x54: {  	_ =	shalt  }
0x55: {  	_ =	shalt  }
0x56: {  	_ =	shalt  }
0x57: {  	_ =	shalt  }
0x58: {  	_ =	shalt  }
0x59: {  	_ =	shalt  }
0x5a: {  	_ =	shalt  }
0x5b: {  	_ =	shalt  }
0x5c: {  	_ =	shalt  }
0x5d: {  	_ =	shalt  }
0x5e: {  	_ =	shalt  }
0x5f: {  	_ =	shalt  }
0x60: {  	_ =	shalt  }
0x61: {  	_ =	shalt  }
0x62: {  	_ =	shalt  }
0x63: {  	_ =	shalt  }
0x64: {  	_ =	shalt  }
0x65: {  	_ =	shalt  }
0x66: {  	_ =	shalt  }
0x67: {  	_ =	shalt  }
0x68: {  	_ =	shalt  }
0x69: {  	_ =	shalt  }
0x6a: {  	_ =	shalt  }
0x6b: {  	_ =	shalt  }
0x6c: {  	_ =	shalt  }
0x6d: {  	_ =	shalt  }
0x6e: {  	_ =	shalt  }
0x6f: {  	_ =	shalt  }
0x70: {  	_ =	shalt  }
0x71: {  	_ =	shalt  }
0x72: {  	_ =	shalt  }
0x73: {  	_ =	shalt  }
0x74: {  	_ =	shalt  }
0x75: {  	_ =	shalt  }
0x76: {  	_ =	shalt  }
0x77: {  	_ =	shalt  }
0x78: {  	_ =	shalt  }
0x79: {  	_ =	shalt  }
0x7a: {  	_ =	shalt  }
0x7b: {  	_ =	shalt  }
0x7c: {  	_ =	shalt  }
0x7d: {  	_ =	shalt  }
0x7e: {  	_ =	shalt  }
0x7f: {  	_ =	shalt  }
0x80: {  	_ =	shalt  }
0x81: {  	_ =	shalt  }
0x82: {  	_ =	shalt  }
0x83: {  	_ =	shalt  }
0x84: {  	_ =	shalt  }
0x85: {  	_ =	shalt  }
0x86: {  	_ =	shalt  }
0x87: {  	_ =	shalt  }
.Lfunc_end0:
.L_simem_size_0:
called_computation_lowered:
.L_overlay_start_0:
0x88: {  	s0 =	sld [smem:$0x3FD9]  }
0x89: {  	s1 =	sld [smem:$0x3FFE];
	_ =	sdelay $0x3  }
0x8a: {  	s0 =	sadd.s32 s1, s0  }
0x8b: {  	[smem:$0x3FC5] =	sst s0  }
0x8c: {  	_ = 	snop  }
0x8d: {  	s0 =	sld [smem:$0x3FC9]  }
0x8e: {  	s16 =	sld [smem:$0x3FC8]  }
0x8f: {  	s2 =	sld [smem:$0x3FC7];
	(tm) =	ssettm $0x1  }
0x90: {  	s3 =	sld [smem:$0x3FFB];
	_ =	sdelay $0x3  }
0x91: {  	_ =	strace s3  }
0x92: {  	s3 =	sld [smem:$0x3FFC];
	_ =	sdelay $0x3  }
0x93: {  	_ =	strace s3  }
0x94: {  	s3 =	sld [smem:$0x3FFD];
	_ =	sdelay $0x3  }
0x95: {  	_ =	strace s3  }
0x96: {  	_ =	strace $0x8FFFFFFF  }
0x97: {  	s17 =	sld [smem:$0x3FDB];
	_ =	sdelay $0x1  }
0x98: {  	s4 =	simm.s32 $_scs_section_size  }
0x99: {  	s5 =	simm.s32 $_size__tile_overlayer_lowered;
	s6 =	simm.s32 $_tile_overlayer_lowered  }
0x9a: {  	s20 =	simm.s32 $0x1BFF;
	s19 =	sshll.u32 s6, $0x1;
	s3 =	sadd.s32 s4, s17  }
0x9b: {  	s7 =	simm.s32 $0x0;
	s18 =	sshll.u32 s5, $0x1;
	s5 =	sadd.s32 s19, s3  }
0x9c: {  	[timem:s7], [sflag:s20] =	dma.local [hbm:s5], s18  }
0x9d: {  	_ =	swait.ge [sflag:s20], s18  }
0x9e: {  	s4 =	ssub.s32 $0x0, s18;
	[sflag:s20] =	ssyncset.done $0x0  }
0x9f: {  	[sflag:s20] =	ssyncadd.s32 s4;
	_ =	sdelay $0x1  }
0xa0: {  	s21 =	simm.s32 $0x1B8B  }
0xa1: {  	_ =	swait.ge [sflag:s21], $0x1  }
0xa2: {  	[sflag:s21] =	ssyncset.done $0x0  }
0xa3: {  	s23 =	simm.s32 $0x1B8E;
	s22 =	sld [smem:$0x3FFE];
	[sflag:s21] =	ssyncadd.s32 $0xFFFFFFFF  }
0xa4: {  	s24 =	simm.s32 $execute0_lowered;
	[smem:$0x3FD2] =	sst s23  }
0xa5: {  	s5 =	sshll.u32 s24, $0x1;
	_ =	strace $0x80000046;
	[dreg:$0x1] =	wrdreg $0xFFFFFFFF  }
0xa6: {  	s25 =	simm.s32 $_size_execute0_lowered;
	s3 =	sadd.s32 s3, s5;
	[dreg:$0x0] =	wrdreg $0x0  }
0xa7: {  	s5 =	sshll.u32 s25, $0x1;
	[dreg:$0x2] =	wrdreg s3  }
0xa8: {  	[dreg:$0x3] =	wrdreg s5  }
0xa9: {  	[dreg:$0x4] =	wrdreg $0xC0  }
0xaa: {  	_ =	task [dreg:s7], $0x5FFFF  }
0xab: {  	[dreg:$0x1] =	wrdreg $0xFFFFFFFF  }
0xac: {  	[dreg:$0x0] =	wrdreg $0x60  }
0xad: {  	[dreg:$0x2] =	wrdreg s0  }
0xae: {  	[dreg:$0x3] =	wrdreg s16  }
0xaf: {  	[dreg:$0x4] =	wrdreg s2  }
0xb0: {  	[dreg:$0x5] =	wrdreg s22  }
0xb1: {  	[dreg:$0x6] =	wrdreg $0x9  }
0xb2: {  	_ =	task.clear_ibuf [dreg:s7], $0x7FFFF;
	_ =	strace $0x90000046  }
0xb3: {  	s26 =	simm.s32 $0x9;
	_ =	strace $0x80000048  }
0xb4: {  	_ =	swait.ge [sflag:s26], $0x1  }
0xb5: {  	[sflag:s26] =	ssyncadd.s32 $0xFFFFFFFF  }
0xb6: {  	_ =	strace $0x90000048  }
0xb7: {  	_ =	sfence  }
0xb8: {  	s28 =	sld [smem:$0x0];
	_ =	sdelay $0x1  }
0xb9: {  	s29 =	srdreg.scid  }
0xba: {  	s30 =	sshll.u32 s29, $0xD;
	s31 =	sshrl.u32 s29, $0x2  }
0xbb: {  	s1 =	sand.u32 $0x1, s29;
	s2 =	sand.u32 $0x4000, s30;
	s0 =	sadd.s32 s31, s28  }
0xbc: {  	s1 =	sor.u32 s2, s1;
	s0 =	sshll.u32 s0, $0x11  }
0xbd: {  	s0 =	sor.u32 s0, s1  }
0xbe: {  	s0 =	sadd.s32 $0x8F2B, s0  }
0xbf: {  	[sflag:s0] =	ssyncadd.remote.s32 $0x1  }
0xc0: {  	_ =	sfence.sel $0xFFFF  }
0xc1: {  	[dreg:$0x0] =	wrdreg $0xFFFFFFFF;
	(pc) =	sbr.abs _section_cstart, $3  }
0xc2: {  	[dreg:$0x1] =	wrdreg $0xFFFFFFFF  }
0xc3: {  	_ =	task.clear_ibuf [dreg:s7], $0x2FFFF;
	_ =	strace $0x9FFFFFFF  }
0xc4: {  	(tm) =	ssettm $0x7FFFFFFF  }
0xc5: {  	_ =	shalt  }
tec
execute0_lowered:
.L_overlay_start_1:
0x0: {  	(tag) =	ssettag $0x1  }
0x1: {  	s5 =	rddreg [dreg:$0x0]  }
0x2: {  	s4 =	rddreg [dreg:$0x1]  }
0x3: {  	s6 =	rddreg [dreg:$0x2]  }
0x4: {  	s3 =	rddreg [dreg:$0x3];
	s2 =	simm.s32 $0x0;
	s1 =	stileid.u32  }
0x5: {  	[smem:$0x7FF] =	sst s2;
	s7 =	sshll.u32 s1, $0x7  }
0x6: {  	s0 =	rddreg [dreg:$0x4];
	_ =	strace $0x80000047;
	s4 =	sadd.s32 s4, s7  }
0x7: {  	[tilespmem:s2], [sflag:$0x2] =	stream.linear.gather [hbm4b:s4+s2], $0x400, $0x38;
	[tilespmem:$0x1480] =	vst v63  }
0x8: {  	s4 =	simm.s32 $0x2  }
0x9: {  	_ =	swait.ge [sflag:s4], $0x400  }
0xa: {  	[sflag:s4] =	ssyncset.done $0x0  }
0xb: {  	[sflag:s4] =	ssyncadd.s32 $0xFFFFFC00  }
0xc: {  	v0 =	vld [tilespmem:$0x0]  }
0xd: {  	v2 =	vld [tilespmem:$0x10]  }
0xe: {  	v3 =	vld [tilespmem:$0x20]  }
0xf: {  	v45 =	vld [tilespmem:$0x30]  }
0x10: {  	v8 =	vld [tilespmem:$0x40]  }
0x11: {  	v9 =	vld [tilespmem:$0x50]  }
0x12: {  	v12 =	vld [tilespmem:$0x60]  }
0x13: {  	v14 =	vld [tilespmem:$0x70]  }
0x14: {  	v1 =	vshll.u32 v0, $0x7;
	v0 =	vshll.u32 v0, $0xE;
	v5 =	vshll.u32 v2, $0xE  }
0x15: {  	v2 =	vshll.u32 v2, $0x7;
	v7 =	vshll.u32 v3, $0xE;
	v3 =	vshll.u32 v3, $0x7  }
0x16: {  	v50 =	vshll.u32 v45, $0xE;
	v52 =	vshll.u32 v45, $0x7;
	v11 =	vshll.u32 v8, $0xE  }
0x17: {  	v8 =	vshll.u32 v8, $0x7;
	v13 =	vshll.u32 v9, $0xE;
	v9 =	vshll.u32 v9, $0x7  }
0x18: {  	v56 =	vshll.u32 v12, $0xE;
	v59 =	vshll.u32 v12, $0x7;
	v60 =	vshll.u32 v14, $0xE  }
0x19: {  	v62 =	vshll.u32 v14, $0x7;
	v1 =	vand.u32 $0x380, v1;
	v0 =	vand.u32 $0xFFFE0000, v0  }
0x1a: {  	v44 =	vand.u32 $0xFFFE0000, v5;
	v2 =	vand.u32 $0x380, v2;
	v47 =	vand.u32 $0xFFFE0000, v7  }
0x1b: {  	v3 =	vand.u32 $0x380, v3;
	v51 =	vand.u32 $0xFFFE0000, v50;
	v53 =	vand.u32 $0xFFFE0000, v11  }
0x1c: {  	v8 =	vand.u32 $0x380, v8;
	v55 =	vand.u32 $0xFFFE0000, v13;
	v9 =	vand.u32 $0x380, v9  }
0x1d: {  	s8 =	sshll.u32 s1, $0xD;
	v57 =	vand.u32 $0xFFFE0000, v56;
	v61 =	vand.u32 $0xFFFE0000, v60;
	v14 =	vand.u32 $0x380, v62  }
0x1e: {  	v4 =	vor.u32 s8, v1;
	v1 =	vlaneseq.u32;
	v46 =	vor.u32 s8, v44  }
0x1f: {  	v49 =	vor.u32 s8, v47;
	v13 =	vor.u32 s8, v61;
	v0 =	vor.u32 v0, v4  }
0x20: {  	v4 =	vor.u32 $0x10, v1;
	v6 =	vor.u32 v1, v0;
	v0 =	vor.u32 v2, v46  }
0x21: {  	v2 =	vor.u32 $0x20, v1;
	v48 =	vor.u32 v4, v0;
	v0 =	vor.u32 v3, v49  }
0x22: {  	v3 =	vand.u32 $0x380, v52;
	v10 =	vor.u32 v2, v0;
	v0 =	vor.u32 s8, v51  }
0x23: {  	v5 =	vor.u32 $0x30, v1;
	[tilespmem:$0xC00] =	vst v6;
	v6 =	vor.u32 $0x50, v1;
	v0 =	vor.u32 v3, v0  }
0x24: {  	v3 =	vor.u32 s8, v53;
	[tilespmem:$0xC20] =	vst v10;
	v10 =	vand.u32 $0x380, v59;
	v54 =	vor.u32 v5, v0  }
0x25: {  	[tilespmem:$0xC10] =	vst v48;
	v0 =	vor.u32 $0x40, v1;
	v3 =	vor.u32 v8, v3;
	v8 =	vor.u32 s8, v55  }
0x26: {  	v8 =	vor.u32 v9, v8;
	v58 =	vor.u32 v0, v3;
	v9 =	vor.u32 s8, v57;
	[tilespmem:$0xC30] =	vst v54  }
0x27: {  	v3 =	vor.u32 $0x60, v1;
	v8 =	vor.u32 v6, v8;
	[tilespmem:$0xC40] =	vst v58;
	v63 =	vor.u32 v10, v9  }
0x28: {  	v7 =	vor.u32 $0x70, v1;
	v9 =	vor.u32 v14, v13;
	[tilespmem:$0xC50] =	vst v8;
	v15 =	vor.u32 v3, v63  }
0x29: {  	v16 =	vor.u32 v7, v9;
	[tilespmem:$0xC60] =	vst v15  }
0x2a: {  	s9 =	simm.s32 $0x80;
	s10 =	simm.s32 $0xC00;
	s11 =	simm.s32 $0x1000;
	[tilespmem:$0xC70] =	vst v16  }
0x2b: {  	[tilespmem:s11], [sflag:$0x1] =	stream.indirect.gather [hbm4b:s5+s9], $0x1, s10, s9, $0xb8;
	[tilespmem:$0x1480] =	vst v63  }
0x2c: {  	v17 =	vld [tilespmem:$0x80]  }
0x2d: {  	v18 =	vld [tilespmem:$0x90]  }
0x2e: {  	v20 =	vld [tilespmem:$0xA0]  }
0x2f: {  	v22 =	vld [tilespmem:$0xB0]  }
0x30: {  	v24 =	vld [tilespmem:$0xC0]  }
0x31: {  	v26 =	vld [tilespmem:$0xD0]  }
0x32: {  	v16 =	vld [tilespmem:$0xE0]  }
0x33: {  	v19 =	vshll.u32 v17, $0x7;
	v8 =	vshll.u32 v17, $0xE  }
0x34: {  	v21 =	vshll.u32 v18, $0xE;
	v9 =	vshll.u32 v18, $0x7;
	v25 =	vshll.u32 v20, $0xE  }
0x35: {  	v11 =	vshll.u32 v20, $0x7;
	v15 =	vshll.u32 v22, $0xE;
	v13 =	vshll.u32 v22, $0x7  }
0x36: {  	v28 =	vshll.u32 v24, $0xE;
	v30 =	vshll.u32 v26, $0xE;
	v14 =	vshll.u32 v26, $0x7  }
0x37: {  	v33 =	vshll.u32 v16, $0xE;
	v37 =	vshll.u32 v16, $0x7;
	v10 =	vand.u32 $0x380, v19  }
0x38: {  	v8 =	vand.u32 $0xFFFE0000, v8;
	v12 =	vand.u32 $0xFFFE0000, v21;
	v9 =	vand.u32 $0x380, v9  }
0x39: {  	v11 =	vand.u32 $0x380, v11;
	v27 =	vand.u32 $0xFFFE0000, v15;
	v13 =	vand.u32 $0x380, v13  }
0x3a: {  	s25 =	sor.u32 $0x400, s8;
	v29 =	vand.u32 $0xFFFE0000, v28;
	v15 =	vand.u32 $0xFFFE0000, v30;
	v14 =	vand.u32 $0x380, v14  }
0x3b: {  	v35 =	vand.u32 $0xFFFE0000, v33;
	v39 =	vand.u32 $0x380, v37;
	v10 =	vor.u32 s25, v10  }
0x3c: {  	v17 =	vld [tilespmem:$0xF0];
	v23 =	vor.u32 s25, v12;
	v12 =	vshll.u32 v24, $0x7;
	v15 =	vor.u32 s25, v15  }
0x3d: {  	v36 =	vor.u32 s25, v35;
	v8 =	vor.u32 v8, v10;
	v9 =	vor.u32 v9, v23  }
0x3e: {  	v10 =	vand.u32 $0xFFFE0000, v25;
	v12 =	vand.u32 $0x380, v12;
	v32 =	vor.u32 v14, v15  }
0x3f: {  	v42 =	vor.u32 v39, v36;
	v8 =	vor.u32 v1, v8;
	v10 =	vor.u32 s25, v10  }
0x40: {  	v9 =	vor.u32 v4, v9;
	v34 =	vor.u32 v6, v32;
	v10 =	vor.u32 v11, v10;
	[tilespmem:$0xC80] =	vst v8  }
0x41: {  	v11 =	vor.u32 s25, v27;
	[tilespmem:$0xC90] =	vst v9;
	v38 =	vshll.u32 v17, $0xE;
	v41 =	vshll.u32 v17, $0x7  }
0x42: {  	[tilespmem:$0xCD0] =	vst v34;
	v10 =	vor.u32 v2, v10;
	v11 =	vor.u32 v13, v11;
	v13 =	vor.u32 s25, v29  }
0x43: {  	v40 =	vand.u32 $0xFFFE0000, v38;
	v11 =	vor.u32 v5, v11;
	v31 =	vor.u32 v12, v13;
	[tilespmem:$0xCA0] =	vst v10  }
0x44: {  	v44 =	vand.u32 $0x380, v41;
	v43 =	vor.u32 s25, v40;
	v8 =	vor.u32 v0, v31;
	[tilespmem:$0xCB0] =	vst v11  }
0x45: {  	v45 =	vor.u32 v44, v43;
	[tilespmem:$0xCC0] =	vst v8;
	v8 =	vor.u32 v3, v42  }
0x46: {  	v46 =	vor.u32 v7, v45;
	[tilespmem:$0xCE0] =	vst v8  }
0x47: {  	s26 =	simm.s32 $0xC80;
	s28 =	simm.s32 $0x1080;
	[tilespmem:$0xCF0] =	vst v46  }
0x48: {  	[tilespmem:s28], [sflag:$0x1] =	stream.indirect.gather [hbm4b:s5+s9], $0x1, s26, s9, $0xb8;
	[tilespmem:$0x1480] =	vst v63  }
0x49: {  	v47 =	vld [tilespmem:$0x100]  }
0x4a: {  	v48 =	vld [tilespmem:$0x110]  }
0x4b: {  	v50 =	vld [tilespmem:$0x120]  }
0x4c: {  	v52 =	vld [tilespmem:$0x130]  }
0x4d: {  	v54 =	vld [tilespmem:$0x140]  }
0x4e: {  	v56 =	vld [tilespmem:$0x150]  }
0x4f: {  	v60 =	vld [tilespmem:$0x160]  }
0x50: {  	v63 =	vld [tilespmem:$0x170]  }
0x51: {  	v49 =	vshll.u32 v47, $0x7;
	v8 =	vshll.u32 v47, $0xE  }
0x52: {  	v51 =	vshll.u32 v48, $0xE;
	v9 =	vshll.u32 v48, $0x7;
	v55 =	vshll.u32 v50, $0xE  }
0x53: {  	v11 =	vshll.u32 v50, $0x7;
	v57 =	vshll.u32 v52, $0xE;
	v13 =	vshll.u32 v52, $0x7  }
0x54: {  	v59 =	vshll.u32 v54, $0xE;
	v62 =	vshll.u32 v56, $0xE;
	v14 =	vshll.u32 v56, $0x7  }
0x55: {  	v20 =	vshll.u32 v60, $0xE;
	v24 =	vshll.u32 v60, $0x7;
	v25 =	vshll.u32 v63, $0xE  }
0x56: {  	v28 =	vshll.u32 v63, $0x7;
	v10 =	vand.u32 $0x380, v49;
	v8 =	vand.u32 $0xFFFE0000, v8  }
0x57: {  	v12 =	vand.u32 $0xFFFE0000, v51;
	v9 =	vand.u32 $0x380, v9;
	v11 =	vand.u32 $0x380, v11  }
0x58: {  	v58 =	vand.u32 $0xFFFE0000, v57;
	v13 =	vand.u32 $0x380, v13;
	v61 =	vand.u32 $0xFFFE0000, v59  }
0x59: {  	v15 =	vand.u32 $0xFFFE0000, v62;
	v14 =	vand.u32 $0x380, v14;
	v22 =	vand.u32 $0xFFFE0000, v20  }
0x5a: {  	s29 =	sor.u32 $0x800, s8;
	v26 =	vand.u32 $0x380, v24;
	v27 =	vand.u32 $0xFFFE0000, v25;
	v31 =	vand.u32 $0x380, v28  }
0x5b: {  	v10 =	vor.u32 s29, v10;
	v53 =	vor.u32 s29, v12;
	v12 =	vshll.u32 v54, $0x7  }
0x5c: {  	v15 =	vor.u32 s29, v15;
	v30 =	vor.u32 s29, v27;
	v8 =	vor.u32 v8, v10  }
0x5d: {  	v9 =	vor.u32 v9, v53;
	v10 =	vand.u32 $0xFFFE0000, v55;
	v8 =	vor.u32 v1, v8  }
0x5e: {  	v12 =	vand.u32 $0x380, v12;
	v19 =	vor.u32 v14, v15;
	v9 =	vor.u32 v4, v9;
	[tilespmem:$0xD00] =	vst v8  }
0x5f: {  	v32 =	vor.u32 v31, v30;
	v10 =	vor.u32 s29, v10;
	v21 =	vor.u32 v6, v19;
	[tilespmem:$0xD10] =	vst v9  }
0x60: {  	v33 =	vor.u32 v7, v32;
	v10 =	vor.u32 v11, v10;
	v11 =	vor.u32 s29, v58;
	[tilespmem:$0xD50] =	vst v21  }
0x61: {  	[tilespmem:$0xD70] =	vst v33;
	v10 =	vor.u32 v2, v10;
	v11 =	vor.u32 v13, v11;
	v13 =	vor.u32 s29, v61  }
0x62: {  	v23 =	vor.u32 s29, v22;
	v11 =	vor.u32 v5, v11;
	v18 =	vor.u32 v12, v13;
	[tilespmem:$0xD20] =	vst v10  }
0x63: {  	v29 =	vor.u32 v26, v23;
	v8 =	vor.u32 v0, v18;
	[tilespmem:$0xD30] =	vst v11  }
0x64: {  	[tilespmem:$0xD40] =	vst v8;
	v8 =	vor.u32 v3, v29  }
0x65: {  	s30 =	simm.s32 $0xD00;
	s31 =	simm.s32 $0x1100;
	[tilespmem:$0xD60] =	vst v8  }
0x66: {  	[tilespmem:s31], [sflag:$0x1] =	stream.indirect.gather [hbm4b:s5+s9], $0x1, s30, s9, $0xb8;
	[tilespmem:$0x1480] =	vst v63  }
0x67: {  	v34 =	vld [tilespmem:$0x180]  }
0x68: {  	v35 =	vld [tilespmem:$0x190]  }
0x69: {  	v37 =	vld [tilespmem:$0x1A0]  }
0x6a: {  	v39 =	vld [tilespmem:$0x1B0]  }
0x6b: {  	v41 =	vld [tilespmem:$0x1C0]  }
0x6c: {  	v43 =	vld [tilespmem:$0x1D0]  }
0x6d: {  	v47 =	vld [tilespmem:$0x1E0]  }
0x6e: {  	v50 =	vld [tilespmem:$0x1F0]  }
0x6f: {  	v36 =	vshll.u32 v34, $0x7;
	v8 =	vshll.u32 v34, $0xE  }
0x70: {  	v38 =	vshll.u32 v35, $0xE;
	v9 =	vshll.u32 v35, $0x7;
	v42 =	vshll.u32 v37, $0xE  }
0x71: {  	v11 =	vshll.u32 v37, $0x7;
	v44 =	vshll.u32 v39, $0xE;
	v13 =	vshll.u32 v39, $0x7  }
0x72: {  	v46 =	vshll.u32 v41, $0xE;
	v49 =	vshll.u32 v43, $0xE;
	v14 =	vshll.u32 v43, $0x7  }
0x73: {  	v53 =	vshll.u32 v47, $0xE;
	v57 =	vshll.u32 v47, $0x7;
	v58 =	vshll.u32 v50, $0xE  }
0x74: {  	v61 =	vshll.u32 v50, $0x7;
	v10 =	vand.u32 $0x380, v36;
	v8 =	vand.u32 $0xFFFE0000, v8  }
0x75: {  	v12 =	vand.u32 $0xFFFE0000, v38;
	v9 =	vand.u32 $0x380, v9;
	v11 =	vand.u32 $0x380, v11  }
0x76: {  	v45 =	vand.u32 $0xFFFE0000, v44;
	v13 =	vand.u32 $0x380, v13;
	v48 =	vand.u32 $0xFFFE0000, v46  }
0x77: {  	s12 =	sor.u32 $0xC00, s8;
	v15 =	vand.u32 $0xFFFE0000, v49;
	v14 =	vand.u32 $0x380, v14;
	v55 =	vand.u32 $0xFFFE0000, v53  }
0x78: {  	v59 =	vand.u32 $0x380, v57;
	v60 =	vand.u32 $0xFFFE0000, v58;
	v10 =	vor.u32 s12, v10  }
0x79: {  	v40 =	vor.u32 s12, v12;
	v12 =	vshll.u32 v41, $0x7;
	v15 =	vor.u32 s12, v15  }
0x7a: {  	v56 =	vor.u32 s12, v55;
	v8 =	vor.u32 v8, v10;
	v9 =	vor.u32 v9, v40  }
0x7b: {  	v10 =	vand.u32 $0xFFFE0000, v42;
	v12 =	vand.u32 $0x380, v12;
	v8 =	vor.u32 v1, v8  }
0x7c: {  	v52 =	vor.u32 v14, v15;
	v9 =	vor.u32 v4, v9;
	v10 =	vor.u32 s12, v10;
	[tilespmem:$0xD80] =	vst v8  }
0x7d: {  	v54 =	vor.u32 v6, v52;
	v10 =	vor.u32 v11, v10;
	v11 =	vor.u32 s12, v45;
	[tilespmem:$0xD90] =	vst v9  }
0x7e: {  	[tilespmem:$0xDD0] =	vst v54;
	v10 =	vor.u32 v2, v10;
	v11 =	vor.u32 v13, v11;
	v13 =	vor.u32 s12, v48  }
0x7f: {  	v63 =	vor.u32 s12, v60;
	v11 =	vor.u32 v5, v11;
	v51 =	vor.u32 v12, v13;
	[tilespmem:$0xDA0] =	vst v10  }
0x80: {  	v62 =	vor.u32 v59, v56;
	v12 =	vand.u32 $0x380, v61;
	v8 =	vor.u32 v0, v51;
	[tilespmem:$0xDB0] =	vst v11  }
0x81: {  	v13 =	vor.u32 v12, v63;
	[tilespmem:$0xDC0] =	vst v8;
	v8 =	vor.u32 v3, v62  }
0x82: {  	v14 =	vor.u32 v7, v13;
	[tilespmem:$0xDE0] =	vst v8  }
0x83: {  	s13 =	simm.s32 $0xD80;
	s14 =	simm.s32 $0x1180;
	[tilespmem:$0xDF0] =	vst v14  }
0x84: {  	[tilespmem:s14], [sflag:$0x1] =	stream.indirect.gather [hbm4b:s5+s9], $0x1, s13, s9, $0xb8;
	[tilespmem:$0x1480] =	vst v63  }
0x85: {  	v15 =	vld [tilespmem:$0x200]  }
0x86: {  	v16 =	vld [tilespmem:$0x210]  }
0x87: {  	v18 =	vld [tilespmem:$0x220]  }
0x88: {  	v20 =	vld [tilespmem:$0x230]  }
0x89: {  	v22 =	vld [tilespmem:$0x240]  }
0x8a: {  	v24 =	vld [tilespmem:$0x250]  }
0x8b: {  	v28 =	vld [tilespmem:$0x260]  }
0x8c: {  	v31 =	vld [tilespmem:$0x270]  }
0x8d: {  	v17 =	vshll.u32 v15, $0x7;
	v8 =	vshll.u32 v15, $0xE  }
0x8e: {  	v19 =	vshll.u32 v16, $0xE;
	v9 =	vshll.u32 v16, $0x7;
	v23 =	vshll.u32 v18, $0xE  }
0x8f: {  	v11 =	vshll.u32 v18, $0x7;
	v25 =	vshll.u32 v20, $0xE;
	v13 =	vshll.u32 v20, $0x7  }
0x90: {  	v27 =	vshll.u32 v22, $0xE;
	v30 =	vshll.u32 v24, $0xE;
	v14 =	vshll.u32 v24, $0x7  }
0x91: {  	v34 =	vshll.u32 v28, $0xE;
	v38 =	vshll.u32 v28, $0x7;
	v39 =	vshll.u32 v31, $0xE  }
0x92: {  	v42 =	vshll.u32 v31, $0x7;
	v10 =	vand.u32 $0x380, v17;
	v8 =	vand.u32 $0xFFFE0000, v8  }
0x93: {  	v12 =	vand.u32 $0xFFFE0000, v19;
	v9 =	vand.u32 $0x380, v9;
	v11 =	vand.u32 $0x380, v11  }
0x94: {  	v26 =	vand.u32 $0xFFFE0000, v25;
	v13 =	vand.u32 $0x380, v13;
	v29 =	vand.u32 $0xFFFE0000, v27  }
0x95: {  	v15 =	vand.u32 $0xFFFE0000, v30;
	v14 =	vand.u32 $0x380, v14;
	v36 =	vand.u32 $0xFFFE0000, v34  }
0x96: {  	s15 =	sor.u32 $0x1000, s8;
	v40 =	vand.u32 $0x380, v38;
	v41 =	vand.u32 $0xFFFE0000, v39;
	v45 =	vand.u32 $0x380, v42  }
0x97: {  	v10 =	vor.u32 s15, v10;
	v21 =	vor.u32 s15, v12;
	v12 =	vshll.u32 v22, $0x7  }
0x98: {  	v15 =	vor.u32 s15, v15;
	v44 =	vor.u32 s15, v41;
	v8 =	vor.u32 v8, v10  }
0x99: {  	v9 =	vor.u32 v9, v21;
	v10 =	vand.u32 $0xFFFE0000, v23;
	v8 =	vor.u32 v1, v8  }
0x9a: {  	v12 =	vand.u32 $0x380, v12;
	v33 =	vor.u32 v14, v15;
	v9 =	vor.u32 v4, v9;
	[tilespmem:$0xE00] =	vst v8  }
0x9b: {  	v46 =	vor.u32 v45, v44;
	v10 =	vor.u32 s15, v10;
	v35 =	vor.u32 v6, v33;
	[tilespmem:$0xE10] =	vst v9  }
0x9c: {  	v47 =	vor.u32 v7, v46;
	v10 =	vor.u32 v11, v10;
	v11 =	vor.u32 s15, v26;
	[tilespmem:$0xE50] =	vst v35  }
0x9d: {  	[tilespmem:$0xE70] =	vst v47;
	v10 =	vor.u32 v2, v10;
	v11 =	vor.u32 v13, v11;
	v13 =	vor.u32 s15, v29  }
0x9e: {  	v37 =	vor.u32 s15, v36;
	v11 =	vor.u32 v5, v11;
	v32 =	vor.u32 v12, v13;
	[tilespmem:$0xE20] =	vst v10  }
0x9f: {  	v43 =	vor.u32 v40, v37;
	v8 =	vor.u32 v0, v32;
	[tilespmem:$0xE30] =	vst v11  }
0xa0: {  	[tilespmem:$0xE40] =	vst v8;
	v8 =	vor.u32 v3, v43  }
0xa1: {  	s16 =	simm.s32 $0xE00;
	s17 =	simm.s32 $0x1200;
	[tilespmem:$0xE60] =	vst v8  }
0xa2: {  	[tilespmem:s17], [sflag:$0x1] =	stream.indirect.gather [hbm4b:s5+s9], $0x1, s16, s9, $0xb8;
	[tilespmem:$0x1480] =	vst v63  }
0xa3: {  	v48 =	vld [tilespmem:$0x280]  }
0xa4: {  	v49 =	vld [tilespmem:$0x290]  }
0xa5: {  	v51 =	vld [tilespmem:$0x2A0]  }
0xa6: {  	v53 =	vld [tilespmem:$0x2B0]  }
0xa7: {  	v55 =	vld [tilespmem:$0x2C0]  }
0xa8: {  	v57 =	vld [tilespmem:$0x2D0]  }
0xa9: {  	v61 =	vld [tilespmem:$0x2E0]  }
0xaa: {  	v20 =	vld [tilespmem:$0x2F0]  }
0xab: {  	v50 =	vshll.u32 v48, $0x7;
	v8 =	vshll.u32 v48, $0xE  }
0xac: {  	v52 =	vshll.u32 v49, $0xE;
	v9 =	vshll.u32 v49, $0x7;
	v56 =	vshll.u32 v51, $0xE  }
0xad: {  	v11 =	vshll.u32 v51, $0x7;
	v58 =	vshll.u32 v53, $0xE;
	v13 =	vshll.u32 v53, $0x7  }
0xae: {  	v60 =	vshll.u32 v55, $0xE;
	v63 =	vshll.u32 v57, $0xE;
	v14 =	vshll.u32 v57, $0x7  }
0xaf: {  	v23 =	vshll.u32 v61, $0xE;
	v27 =	vshll.u32 v61, $0x7;
	v28 =	vshll.u32 v20, $0xE  }
0xb0: {  	v31 =	vshll.u32 v20, $0x7;
	v10 =	vand.u32 $0x380, v50;
	v8 =	vand.u32 $0xFFFE0000, v8  }
0xb1: {  	v12 =	vand.u32 $0xFFFE0000, v52;
	v9 =	vand.u32 $0x380, v9;
	v11 =	vand.u32 $0x380, v11  }
0xb2: {  	v59 =	vand.u32 $0xFFFE0000, v58;
	v13 =	vand.u32 $0x380, v13;
	v62 =	vand.u32 $0xFFFE0000, v60  }
0xb3: {  	v15 =	vand.u32 $0xFFFE0000, v63;
	v14 =	vand.u32 $0x380, v14;
	v25 =	vand.u32 $0xFFFE0000, v23  }
0xb4: {  	s18 =	sor.u32 $0x1400, s8;
	v29 =	vand.u32 $0x380, v27;
	v30 =	vand.u32 $0xFFFE0000, v28;
	v34 =	vand.u32 $0x380, v31  }
0xb5: {  	v10 =	vor.u32 s18, v10;
	v54 =	vor.u32 s18, v12;
	v12 =	vshll.u32 v55, $0x7  }
0xb6: {  	v15 =	vor.u32 s18, v15;
	v33 =	vor.u32 s18, v30;
	v8 =	vor.u32 v8, v10  }
0xb7: {  	v9 =	vor.u32 v9, v54;
	v10 =	vand.u32 $0xFFFE0000, v56;
	v8 =	vor.u32 v1, v8  }
0xb8: {  	v12 =	vand.u32 $0x380, v12;
	v22 =	vor.u32 v14, v15;
	v9 =	vor.u32 v4, v9;
	[tilespmem:$0xE80] =	vst v8  }
0xb9: {  	v35 =	vor.u32 v34, v33;
	v10 =	vor.u32 s18, v10;
	v24 =	vor.u32 v6, v22;
	[tilespmem:$0xE90] =	vst v9  }
0xba: {  	v36 =	vor.u32 v7, v35;
	v10 =	vor.u32 v11, v10;
	v11 =	vor.u32 s18, v59;
	[tilespmem:$0xED0] =	vst v24  }
0xbb: {  	[tilespmem:$0xEF0] =	vst v36;
	v10 =	vor.u32 v2, v10;
	v11 =	vor.u32 v13, v11;
	v13 =	vor.u32 s18, v62  }
0xbc: {  	v26 =	vor.u32 s18, v25;
	v11 =	vor.u32 v5, v11;
	v21 =	vor.u32 v12, v13;
	[tilespmem:$0xEA0] =	vst v10  }
0xbd: {  	v32 =	vor.u32 v29, v26;
	v8 =	vor.u32 v0, v21;
	[tilespmem:$0xEB0] =	vst v11  }
0xbe: {  	[tilespmem:$0xEC0] =	vst v8;
	v8 =	vor.u32 v3, v32  }
0xbf: {  	s19 =	simm.s32 $0xE80;
	s20 =	simm.s32 $0x1280;
	[tilespmem:$0xEE0] =	vst v8  }
0xc0: {  	[tilespmem:s20], [sflag:$0x1] =	stream.indirect.gather [hbm4b:s5+s9], $0x1, s19, s9, $0xb8;
	[tilespmem:$0x1480] =	vst v63  }
0xc1: {  	v37 =	vld [tilespmem:$0x300]  }
0xc2: {  	v38 =	vld [tilespmem:$0x310]  }
0xc3: {  	v40 =	vld [tilespmem:$0x320]  }
0xc4: {  	v42 =	vld [tilespmem:$0x330]  }
0xc5: {  	v44 =	vld [tilespmem:$0x340]  }
0xc6: {  	v46 =	vld [tilespmem:$0x350]  }
0xc7: {  	v50 =	vld [tilespmem:$0x360]  }
0xc8: {  	v53 =	vld [tilespmem:$0x370]  }
0xc9: {  	v39 =	vshll.u32 v37, $0x7;
	v8 =	vshll.u32 v37, $0xE  }
0xca: {  	v41 =	vshll.u32 v38, $0xE;
	v9 =	vshll.u32 v38, $0x7;
	v45 =	vshll.u32 v40, $0xE  }
0xcb: {  	v11 =	vshll.u32 v40, $0x7;
	v47 =	vshll.u32 v42, $0xE;
	v13 =	vshll.u32 v42, $0x7  }
0xcc: {  	v49 =	vshll.u32 v44, $0xE;
	v52 =	vshll.u32 v46, $0xE;
	v14 =	vshll.u32 v46, $0x7  }
0xcd: {  	v56 =	vshll.u32 v50, $0xE;
	v60 =	vshll.u32 v50, $0x7;
	v61 =	vshll.u32 v53, $0xE  }
0xce: {  	v16 =	vshll.u32 v53, $0x7;
	v10 =	vand.u32 $0x380, v39;
	v8 =	vand.u32 $0xFFFE0000, v8  }
0xcf: {  	v12 =	vand.u32 $0xFFFE0000, v41;
	v9 =	vand.u32 $0x380, v9;
	v11 =	vand.u32 $0x380, v11  }
0xd0: {  	v48 =	vand.u32 $0xFFFE0000, v47;
	v13 =	vand.u32 $0x380, v13;
	v51 =	vand.u32 $0xFFFE0000, v49  }
0xd1: {  	v15 =	vand.u32 $0xFFFE0000, v52;
	v14 =	vand.u32 $0x380, v14;
	v58 =	vand.u32 $0xFFFE0000, v56  }
0xd2: {  	s21 =	sor.u32 $0x1800, s8;
	v62 =	vand.u32 $0x380, v60;
	v63 =	vand.u32 $0xFFFE0000, v61;
	v19 =	vand.u32 $0x380, v16  }
0xd3: {  	v10 =	vor.u32 s21, v10;
	v43 =	vor.u32 s21, v12;
	v12 =	vshll.u32 v44, $0x7  }
0xd4: {  	v15 =	vor.u32 s21, v15;
	v18 =	vor.u32 s21, v63;
	v8 =	vor.u32 v8, v10  }
0xd5: {  	v9 =	vor.u32 v9, v43;
	v10 =	vand.u32 $0xFFFE0000, v45;
	v8 =	vor.u32 v1, v8  }
0xd6: {  	v12 =	vand.u32 $0x380, v12;
	v55 =	vor.u32 v14, v15;
	v9 =	vor.u32 v4, v9;
	[tilespmem:$0xF00] =	vst v8  }
0xd7: {  	v20 =	vor.u32 v19, v18;
	v10 =	vor.u32 s21, v10;
	v57 =	vor.u32 v6, v55;
	[tilespmem:$0xF10] =	vst v9  }
0xd8: {  	v21 =	vor.u32 v7, v20;
	v10 =	vor.u32 v11, v10;
	v11 =	vor.u32 s21, v48;
	[tilespmem:$0xF50] =	vst v57  }
0xd9: {  	[tilespmem:$0xF70] =	vst v21;
	v10 =	vor.u32 v2, v10;
	v11 =	vor.u32 v13, v11;
	v13 =	vor.u32 s21, v51  }
0xda: {  	v59 =	vor.u32 s21, v58;
	v11 =	vor.u32 v5, v11;
	v54 =	vor.u32 v12, v13;
	[tilespmem:$0xF20] =	vst v10  }
0xdb: {  	v17 =	vor.u32 v62, v59;
	v8 =	vor.u32 v0, v54;
	[tilespmem:$0xF30] =	vst v11  }
0xdc: {  	[tilespmem:$0xF40] =	vst v8;
	v8 =	vor.u32 v3, v17  }
0xdd: {  	s22 =	simm.s32 $0xF00;
	s23 =	simm.s32 $0x1300;
	[tilespmem:$0xF60] =	vst v8  }
0xde: {  	[tilespmem:s23], [sflag:$0x1] =	stream.indirect.gather [hbm4b:s5+s9], $0x1, s22, s9, $0xb8;
	[tilespmem:$0x1480] =	vst v63  }
0xdf: {  	v22 =	vld [tilespmem:$0x380]  }
0xe0: {  	v23 =	vld [tilespmem:$0x390]  }
0xe1: {  	v25 =	vld [tilespmem:$0x3A0]  }
0xe2: {  	v27 =	vld [tilespmem:$0x3B0]  }
0xe3: {  	v29 =	vld [tilespmem:$0x3C0]  }
0xe4: {  	v34 =	vld [tilespmem:$0x3D0]  }
0xe5: {  	v39 =	vld [tilespmem:$0x3E0]  }
0xe6: {  	v44 =	vld [tilespmem:$0x3F0]  }
0xe7: {  	v24 =	vshll.u32 v22, $0x7;
	v8 =	vshll.u32 v22, $0xE  }
0xe8: {  	v26 =	vshll.u32 v23, $0xE;
	v9 =	vshll.u32 v23, $0x7;
	v31 =	vshll.u32 v25, $0xE  }
0xe9: {  	v33 =	vshll.u32 v25, $0x7;
	v35 =	vshll.u32 v27, $0xE;
	v37 =	vshll.u32 v27, $0x7  }
0xea: {  	v38 =	vshll.u32 v29, $0xE;
	v43 =	vshll.u32 v34, $0xE;
	v47 =	vshll.u32 v39, $0xE  }
0xeb: {  	v51 =	vshll.u32 v39, $0x7;
	v52 =	vshll.u32 v44, $0xE;
	v54 =	vshll.u32 v44, $0x7  }
0xec: {  	v10 =	vand.u32 $0x380, v24;
	v8 =	vand.u32 $0xFFFE0000, v8;
	v12 =	vand.u32 $0xFFFE0000, v26  }
0xed: {  	v9 =	vand.u32 $0x380, v9;
	v32 =	vand.u32 $0xFFFE0000, v31;
	v36 =	vand.u32 $0xFFFE0000, v35  }
0xee: {  	s8 =	sor.u32 $0x1C00, s8;
	v11 =	vand.u32 $0x380, v37;
	v41 =	vand.u32 $0xFFFE0000, v38;
	v49 =	vand.u32 $0xFFFE0000, v47  }
0xef: {  	v53 =	vand.u32 $0xFFFE0000, v52;
	v57 =	vand.u32 $0x380, v54;
	v10 =	vor.u32 s8, v10  }
0xf0: {  	v28 =	vor.u32 s8, v12;
	v42 =	vor.u32 s8, v41;
	v12 =	vshll.u32 v29, $0x7  }
0xf1: {  	v50 =	vor.u32 s8, v49;
	v56 =	vor.u32 s8, v53;
	v8 =	vor.u32 v8, v10  }
0xf2: {  	v30 =	vor.u32 v9, v28;
	v9 =	vand.u32 $0x380, v33;
	v10 =	vshll.u32 v34, $0x7  }
0xf3: {  	v12 =	vand.u32 $0x380, v12;
	v58 =	vor.u32 v57, v56;
	v1 =	vor.u32 v1, v8  }
0xf4: {  	v4 =	vor.u32 v4, v30;
	v8 =	vor.u32 s8, v32;
	v10 =	vand.u32 $0x380, v10;
	[tilespmem:$0xF80] =	vst v1  }
0xf5: {  	v45 =	vor.u32 v12, v42;
	v59 =	vor.u32 v7, v58;
	v8 =	vor.u32 v9, v8;
	[tilespmem:$0xF90] =	vst v4  }
0xf6: {  	v9 =	vor.u32 s8, v36;
	v0 =	vor.u32 v0, v45;
	v4 =	vand.u32 $0x380, v51;
	[tilespmem:$0xFF0] =	vst v59  }
0xf7: {  	v2 =	vor.u32 v2, v8;
	v40 =	vor.u32 v11, v9;
	v9 =	vand.u32 $0xFFFE0000, v43;
	[tilespmem:$0xFC0] =	vst v0  }
0xf8: {  	v55 =	vor.u32 v4, v50;
	v5 =	vor.u32 v5, v40;
	v9 =	vor.u32 s8, v9;
	[tilespmem:$0xFA0] =	vst v2  }
0xf9: {  	v0 =	vor.u32 v3, v55;
	v46 =	vor.u32 v10, v9;
	[tilespmem:$0xFB0] =	vst v5  }
0xfa: {  	[tilespmem:$0xFE0] =	vst v0;
	v48 =	vor.u32 v6, v46  }
0xfb: {  	s24 =	simm.s32 $0xF80;
	s25 =	simm.s32 $0x1380;
	[tilespmem:$0xFD0] =	vst v48  }
0xfc: {  	[tilespmem:s25], [sflag:$0x1] =	stream.indirect.gather [hbm4b:s5+s9], $0x1, s24, s9, $0xb8;
	[tilespmem:$0x1480] =	vst v63  }
0xfd: {  	s26 =	sadd.s32 s6, s7;
	s28 =	simm.s32 $0x400  }
0xfe: {  	[tilespmem:s28], [sflag:$0x2] =	stream.linear.gather [hbm4b:s26+s2], $0x400, $0x38;
	[tilespmem:$0x1480] =	vst v63  }
0xff: {  	_ =	swait.ge [sflag:s4], $0x400  }
0x100: {  	[sflag:s4] =	ssyncset.done $0x0  }
0x101: {  	[sflag:s4] =	ssyncadd.s32 $0xFFFFFC00  }
0x102: {  	v60 =	vld [tilespmem:$0x400]  }
0x103: {  	v61 =	vld [tilespmem:$0x410]  }
0x104: {  	v63 =	vld [tilespmem:$0x420]  }
0x105: {  	v16 =	vld [tilespmem:$0x430]  }
0x106: {  	v18 =	vld [tilespmem:$0x440]  }
0x107: {  	v19 =	vld [tilespmem:$0x450]  }
0x108: {  	v23 =	vld [tilespmem:$0x460]  }
0x109: {  	v25 =	vld [tilespmem:$0x470]  }
0x10a: {  	v32 =	vld [tilespmem:$0x480]  }
0x10b: {  	v34 =	vld [tilespmem:$0x490]  }
0x10c: {  	v39 =	vld [tilespmem:$0x4A0];
	v62 =	vmul.f32 $-5.000000000e-01, v60;
	v14 =	vmul.f32 $-5.000000000e-01, v61  }
0x10d: {  	v15 =	vmul.f32 $-5.000000000e-01, v63;
	v20 =	vmul.f32 $-5.000000000e-01, v16  }
0x10e: {  	v22 =	vmul.f32 $-5.000000000e-01, v18;
	v24 =	vmul.f32 $-5.000000000e-01, v19  }
0x10f: {  	v33 =	vmul.f32 $-5.000000000e-01, v23;
	v35 =	vmul.f32 $-5.000000000e-01, v25  }
0x110: {  	v38 =	vmul.f32 $-5.000000000e-01, v32;
	v40 =	vmul.f32 $-5.000000000e-01, v34  }
0x111: {  	v41 =	vld [tilespmem:$0x4B0];
	vm0 =	vlt.f32 v60, $0.0e+00;
	v46 =	vmul.f32 $-5.000000000e-01, v39;
	v2 =	vmul.f32 v62, v60  }
0x112: {  	vm1 =	vgt.f32 v60, $0.0e+00;
	v4 =	vmul.f32 v14, v61;
	v17 =	vmul.f32 v15, v63  }
0x113: {  	vm8 =	vlt.f32 v61, $0.0e+00;
	v21 =	vmul.f32 v20, v16;
	v27 =	vmul.f32 v22, v18  }
0x114: {  	vm2 =	vgt.f32 v61, $0.0e+00;
	v29 =	vmul.f32 v24, v19;
	v11 =	vmul.f32 v33, v23  }
0x115: {  	vm9 =	vlt.f32 v63, $0.0e+00;
	v3 =	vmul.f32 v35, v25;
	v42 =	vmul.f32 v38, v32  }
0x116: {  	v5 =	vld [tilespmem:$0x4E0];
	vm10 =	vgt.f32 v63, $0.0e+00;
	v44 =	vmul.f32 v40, v34;
	v60 =	vmul.f32 $-5.000000000e-01, v41  }
0x117: {  	vm11 =	vlt.f32 v16, $0.0e+00;
	v8 =	vmul.f32 v46, v39;
	v2 =	vmul.f32 $1.442695020e+00, v2  }
0x118: {  	vm12 =	vgt.f32 v16, $0.0e+00;
	v40 =	vld [tilespmem:$0x550];
	v4 =	vmul.f32 $1.442695020e+00, v4;
	v31 =	vmul.f32 $1.442695020e+00, v27  }
0x119: {  	vm4 =	vlt.f32 v19, $0.0e+00;
	v37 =	vmul.f32 $1.442695020e+00, v11;
	v3 =	vmul.f32 $1.442695020e+00, v3  }
0x11a: {  	vm5 =	vgt.f32 v19, $0.0e+00;
	v19 =	vld [tilespmem:$0x500];
	v6 =	vmul.f32 $1.442695020e+00, v42;
	v62 =	vmul.f32 $1.442695020e+00, v8  }
0x11b: {  	vm13 =	vlt.f32 v18, $0.0e+00;
	v27 =	vmul.f32 $-5.000000000e-01, v5;
	(erf) = vpow2.f32 v2  }
0x11c: {  	v7 =	vld [tilespmem:$0x4F0];
	vm14 =	vgt.f32 v18, $0.0e+00;
	v2 =	vmul.f32 $1.442695020e+00, v17;
	(erf) = vpow2.f32 v4  }
0x11d: {  	vm6 =	vlt.f32 v23, $0.0e+00;
	v4 =	vmul.f32 $1.442695020e+00, v44;
	v44 =	vmul.f32 $-5.000000000e-01, v40  }
0x11e: {  	v47 =	vld [tilespmem:$0x4C0];
	vm7 =	vgt.f32 v23, $0.0e+00;
	(erf) = vpow2.f32 v2;
	v2 =	vmul.f32 $1.442695020e+00, v21  }
0x11f: {  	vm0 =	vmor vm1, vm0;
	v21 =	vmul.f32 $-5.000000000e-01, v19;
	v48 =	vmul.f32 v44, v40  }
0x120: {  	vm1 =	vmor vm2, vm8;
	v22 =	vld [tilespmem:$0x530];
	(erf) = vpow2.f32 v2;
	v2 =	vmul.f32 $1.442695020e+00, v29  }
0x121: {  	vm15 =	vmor vm14, vm13;
	v29 =	vmul.f32 $-5.000000000e-01, v7;
	(erf) = vpow2.f32 v31  }
0x122: {  	vm8 =	vlt.f32 v25, $0.0e+00;
	v33 =	vmul.f32 v21, v19;
	(erf) = vpow2.f32 v2  }
0x123: {  	vm13 =	vgt.f32 v34, $0.0e+00;
	v2 =	vmul.f32 $-5.000000000e-01, v47;
	v12 =	vmul.f32 v29, v7  }
0x124: {  	vm14 =	vlt.f32 v39, $0.0e+00;
	v13 =	vmul.f32 $1.442695020e+00, v33;
	(erf) = vpow2.f32 v37  }
0x125: {  	vm3 =	vgt.f32 v22, $0.0e+00;
	(erf) = vpow2.f32 v3;
	v8 =	vmul.f32 v2, v47;
	v26 =	vpop (erf)  }
0x126: {  	v12 =	vmul.f32 $1.442695020e+00, v12;
	v30 =	vnsel vm0, $0x0, v26;
	vm0 =	vmor vm10, vm9  }
0x127: {  	v37 =	vld [tilespmem:$0x540];
	v28 =	vpop (erf);
	vm9 =	vgt.f32 v25, $0.0e+00;
	vm10 =	vlt.f32 v32, $0.0e+00;
	v8 =	vmul.f32 $1.442695020e+00, v8  }
0x128: {  	v0 =	vnsel vm1, $0x0, v28;
	v36 =	vpop (erf);
	vm1 =	vmor vm5, vm4;
	vm4 =	vlt.f32 v41, $0.0e+00  }
0x129: {  	[tilespmem:$0x1FFA0] =	vst v30;
	vm5 =	vgt.f32 v41, $0.0e+00;
	v30 =	vmul.f32 v27, v5;
	v50 =	vnsel vm0, $0x0, v36  }
0x12a: {  	vm0 =	vmor vm12, vm11;
	vm11 =	vgt.f32 v32, $0.0e+00;
	v43 =	vpop (erf);
	(erf) = vpow2.f32 v6  }
0x12b: {  	v63 =	vld [tilespmem:$0x4D0];
	vm12 =	vlt.f32 v34, $0.0e+00;
	v6 =	vmul.f32 v60, v41;
	v14 =	vmul.f32 $1.442695020e+00, v30  }
0x12c: {  	v28 =	vld [tilespmem:$0x510];
	v41 =	vmul.f32 $-5.000000000e-01, v37;
	v45 =	vnsel vm0, $0x0, v43;
	v59 =	vpop (erf);
	(erf) = vpow2.f32 v4  }
0x12d: {  	v27 =	vld [tilespmem:$0x590];
	vm0 =	vmor vm7, vm6;
	vm6 =	vmor vm5, vm4;
	vm7 =	vlt.f32 v47, $0.0e+00  }
0x12e: {  	vm4 =	vlt.f32 v19, $0.0e+00;
	vm5 =	vgt.f32 v19, $0.0e+00;
	v51 =	vnsel vm15, $0x0, v59  }
0x12f: {  	v32 =	vld [tilespmem:$0x520];
	v61 =	vpop (erf);
	v6 =	vmul.f32 $1.442695020e+00, v6;
	(erf) = vpow2.f32 v62;
	vm15 =	vgt.f32 v39, $0.0e+00  }
0x130: {  	v43 =	vmul.f32 v41, v37;
	v59 =	vmul.f32 $1.442695020e+00, v48;
	v52 =	vnsel vm1, $0x0, v61  }
0x131: {  	v3 =	vpop (erf);
	vm1 =	vmor vm9, vm8;
	v23 =	vmul.f32 $-5.000000000e-01, v28;
	vm8 =	vgt.f32 v47, $0.0e+00  }
0x132: {  	[tilespmem:$0x1FFD0] =	vst v45;
	v45 =	vld [tilespmem:$0x560];
	vm9 =	vlt.f32 v63, $0.0e+00;
	v16 =	vmul.f32 $-5.000000000e-01, v27;
	v4 =	vpop (erf);
	(erf) = vpow2.f32 v6  }
0x133: {  	v54 =	vnsel vm0, $0x0, v3;
	v6 =	vmul.f32 $-5.000000000e-01, v63;
	vm0 =	vmor vm11, vm10  }
0x134: {  	v36 =	vmul.f32 $-5.000000000e-01, v32;
	vm10 =	vgt.f32 v63, $0.0e+00;
	vm11 =	vlt.f32 v5, $0.0e+00  }
0x135: {  	v47 =	vmul.f32 $1.442695020e+00, v43;
	v53 =	vnsel vm1, $0x0, v4;
	v35 =	vmul.f32 v23, v28  }
0x136: {  	vm1 =	vmor vm13, vm12;
	v23 =	vmul.f32 v16, v27;
	v18 =	vmul.f32 v6, v63  }
0x137: {  	[tilespmem:$0x1FFB0] =	vst v0;
	vm12 =	vgt.f32 v5, $0.0e+00;
	v21 =	vmul.f32 $1.442695020e+00, v35;
	v0 =	vmul.f32 $-5.000000000e-01, v45  }
0x138: {  	vm13 =	vlt.f32 v7, $0.0e+00;
	v23 =	vmul.f32 $1.442695020e+00, v23;
	v26 =	vmul.f32 $1.442695020e+00, v18;
	v24 =	vpop (erf)  }
0x139: {  	(erf) = vpow2.f32 v8;
	v5 =	vmul.f32 v0, v45;
	v56 =	vnsel vm0, $0x0, v24  }
0x13a: {  	v19 =	vld [tilespmem:$0x5C0];
	v25 =	vpop (erf);
	vm0 =	vmor vm15, vm14;
	(erf) = vpow2.f32 v26;
	v24 =	vmul.f32 $-5.000000000e-01, v22  }
0x13b: {  	vm14 =	vgt.f32 v7, $0.0e+00;
	v55 =	vnsel vm1, $0x0, v25;
	v20 =	vpop (erf);
	(erf) = vpow2.f32 v14;
	v25 =	vld [tilespmem:$0x570]  }
0x13c: {  	v29 =	vld [tilespmem:$0x5A0];
	v14 =	vmul.f32 v36, v32;
	vm15 =	vmor vm14, vm13;
	vm14 =	vlt.f32 v37, $0.0e+00  }
0x13d: {  	v57 =	vnsel vm0, $0x0, v20;
	(erf) = vpow2.f32 v12;
	v39 =	vmul.f32 v24, v22  }
0x13e: {  	vm0 =	vmor vm8, vm7;
	vm7 =	vlt.f32 v28, $0.0e+00;
	v14 =	vmul.f32 $1.442695020e+00, v14  }
0x13f: {  	vm8 =	vgt.f32 v28, $0.0e+00;
	v31 =	vpop (erf);
	v15 =	vmul.f32 $1.442695020e+00, v39;
	v39 =	vmul.f32 $-5.000000000e-01, v19  }
0x140: {  	v2 =	vnsel vm6, $0x0, v31;
	vm6 =	vmor vm5, vm4;
	v3 =	vmul.f32 $-5.000000000e-01, v25  }
0x141: {  	v30 =	vld [tilespmem:$0x5B0];
	vm4 =	vlt.f32 v40, $0.0e+00;
	v31 =	vmul.f32 $-5.000000000e-01, v29;
	v24 =	vmul.f32 v39, v19  }
0x142: {  	vm5 =	vgt.f32 v40, $0.0e+00;
	v34 =	vpop (erf);
	(erf) = vpow2.f32 v13;
	v28 =	vmul.f32 v3, v25  }
0x143: {  	v26 =	vld [tilespmem:$0x580];
	v13 =	vmul.f32 $1.442695020e+00, v5;
	v24 =	vmul.f32 $1.442695020e+00, v24;
	v1 =	vnsel vm0, $0x0, v34  }
0x144: {  	v38 =	vpop (erf);
	vm0 =	vmor vm10, vm9;
	(erf) = vpow2.f32 v21;
	vm10 =	vlt.f32 v32, $0.0e+00  }
0x145: {  	v60 =	vnsel vm0, $0x0, v38;
	vm0 =	vmor vm12, vm11;
	(erf) = vpow2.f32 v14;
	v42 =	vpop (erf)  }
0x146: {  	vm11 =	vgt.f32 v32, $0.0e+00;
	v32 =	vmul.f32 $-5.000000000e-01, v30;
	(erf) = vpow2.f32 v15;
	v46 =	vpop (erf)  }
0x147: {  	v62 =	vnsel vm15, $0x0, v46;
	vm15 =	vgt.f32 v37, $0.0e+00;
	v37 =	vmul.f32 v31, v29;
	v31 =	vld [tilespmem:$0x5D0]  }
0x148: {  	vm9 =	vmor vm8, vm7;
	v15 =	vmul.f32 $-5.000000000e-01, v26;
	v38 =	vmul.f32 v32, v30;
	v32 =	vld [tilespmem:$0x5E0]  }
0x149: {  	vm7 =	vgt.f32 v45, $0.0e+00;
	vm8 =	vlt.f32 v25, $0.0e+00;
	v14 =	vmul.f32 $1.442695020e+00, v28  }
0x14a: {  	vm12 =	vlt.f32 v22, $0.0e+00;
	(erf) = vpow2.f32 v47;
	v18 =	vmul.f32 v15, v26  }
0x14b: {  	v61 =	vnsel vm0, $0x0, v42;
	vm0 =	vmor vm11, vm10;
	vm13 =	vmor vm3, vm12  }
0x14c: {  	vm11 =	vlt.f32 v26, $0.0e+00;
	v22 =	vmul.f32 $1.442695020e+00, v18;
	v49 =	vpop (erf);
	(erf) = vpow2.f32 v59  }
0x14d: {  	vm12 =	vgt.f32 v26, $0.0e+00;
	v47 =	vld [tilespmem:$0x610];
	v41 =	vmul.f32 $-5.000000000e-01, v31;
	v42 =	vmul.f32 $-5.000000000e-01, v32  }
0x14e: {  	v63 =	vnsel vm6, $0x0, v49;
	v58 =	vpop (erf);
	(erf) = vpow2.f32 v13;
	vm6 =	vlt.f32 v45, $0.0e+00  }
0x14f: {  	v35 =	vld [tilespmem:$0x600];
	v10 =	vnsel vm9, $0x0, v58;
	v4 =	vpop (erf);
	vm9 =	vgt.f32 v25, $0.0e+00;
	v25 =	vmul.f32 v41, v31  }
0x150: {  	v26 =	vmul.f32 v42, v32;
	v8 =	vnsel vm0, $0x0, v4;
	vm0 =	vmor vm15, vm14  }
0x151: {  	v12 =	vpop (erf);
	(erf) = vpow2.f32 v14;
	vm10 =	vmor vm9, vm8;
	vm14 =	vgt.f32 v27, $0.0e+00  }
0x152: {  	vm8 =	vlt.f32 v19, $0.0e+00;
	vm9 =	vgt.f32 v19, $0.0e+00;
	v19 =	vmul.f32 $-5.000000000e-01, v47  }
0x153: {  	v41 =	vld [tilespmem:$0x660];
	v0 =	vnsel vm13, $0x0, v12;
	v17 =	vpop (erf);
	(erf) = vpow2.f32 v22;
	v22 =	vmul.f32 $1.442695020e+00, v37  }
0x154: {  	vm13 =	vlt.f32 v27, $0.0e+00;
	v34 =	vmul.f32 $1.442695020e+00, v25;
	v37 =	vmul.f32 $-5.000000000e-01, v35  }
0x155: {  	v26 =	vmul.f32 $1.442695020e+00, v26;
	v12 =	vnsel vm0, $0x0, v17;
	(erf) = vpow2.f32 v23  }
0x156: {  	vm0 =	vmor vm5, vm4;
	v23 =	vmul.f32 $1.442695020e+00, v38;
	v38 =	vld [tilespmem:$0x640];
	v14 =	vmul.f32 v37, v35  }
0x157: {  	vm15 =	vmor vm14, vm13;
	vm4 =	vlt.f32 v29, $0.0e+00;
	vm5 =	vgt.f32 v29, $0.0e+00  }
0x158: {  	vm13 =	vgt.f32 v32, $0.0e+00;
	v42 =	vmul.f32 $-5.000000000e-01, v41;
	v29 =	vmul.f32 $1.442695020e+00, v14;
	v36 =	vpop (erf)  }
0x159: {  	v20 =	vld [tilespmem:$0x630];
	(erf) = vpow2.f32 v22;
	v11 =	vnsel vm0, $0x0, v36;
	vm0 =	vmor vm7, vm6  }
0x15a: {  	v33 =	vpop (erf);
	(erf) = vpow2.f32 v23;
	vm6 =	vlt.f32 v30, $0.0e+00;
	vm7 =	vgt.f32 v30, $0.0e+00  }
0x15b: {  	v30 =	vmul.f32 v19, v47;
	v25 =	vmul.f32 $-5.000000000e-01, v38;
	v9 =	vnsel vm0, $0x0, v33  }
0x15c: {  	v36 =	vld [tilespmem:$0x620];
	vm0 =	vmor vm12, vm11;
	vm11 =	vgt.f32 v31, $0.0e+00;
	vm12 =	vlt.f32 v32, $0.0e+00  }
0x15d: {  	v33 =	vld [tilespmem:$0x5F0];
	v40 =	vpop (erf);
	(erf) = vpow2.f32 v24;
	vm14 =	vmor vm13, vm12;
	v23 =	vmul.f32 $1.442695020e+00, v30  }
0x15e: {  	v24 =	vmul.f32 $-5.000000000e-01, v20;
	vm12 =	vlt.f32 v20, $0.0e+00;
	vm13 =	vgt.f32 v20, $0.0e+00  }
0x15f: {  	v58 =	vnsel vm10, $0x0, v40;
	v43 =	vpop (erf);
	(erf) = vpow2.f32 v34;
	vm10 =	vlt.f32 v31, $0.0e+00;
	v40 =	vld [tilespmem:$0x650]  }
0x160: {  	v7 =	vnsel vm0, $0x0, v43;
	v44 =	vpop (erf);
	vm0 =	vmor vm5, vm4;
	v32 =	vmul.f32 v24, v20  }
0x161: {  	vm5 =	vlt.f32 v35, $0.0e+00;
	v59 =	vnsel vm15, $0x0, v44;
	v21 =	vmul.f32 $-5.000000000e-01, v36  }
0x162: {  	v43 =	vld [tilespmem:$0x670];
	v45 =	vmul.f32 $-5.000000000e-01, v33;
	vm15 =	vlt.f32 v33, $0.0e+00;
	v32 =	vmul.f32 $1.442695020e+00, v32  }
0x163: {  	v44 =	vld [tilespmem:$0x690];
	vm4 =	vgt.f32 v33, $0.0e+00;
	v31 =	vmul.f32 v21, v36;
	v46 =	vpop (erf);
	(erf) = vpow2.f32 v26  }
0x164: {  	v27 =	vmul.f32 v45, v33;
	v28 =	vmul.f32 $-5.000000000e-01, v40;
	v6 =	vnsel vm0, $0x0, v46  }
0x165: {  	v48 =	vpop (erf);
	vm0 =	vmor vm7, vm6;
	v31 =	vmul.f32 $1.442695020e+00, v31;
	vm6 =	vgt.f32 v35, $0.0e+00  }
0x166: {  	vm7 =	vlt.f32 v47, $0.0e+00;
	v49 =	vmul.f32 $1.442695020e+00, v27;
	v5 =	vnsel vm0, $0x0, v48  }
0x167: {  	vm0 =	vmor vm9, vm8;
	v27 =	vmul.f32 v25, v38;
	vm8 =	vgt.f32 v47, $0.0e+00  }
0x168: {  	v47 =	vmul.f32 $-5.000000000e-01, v43;
	vm9 =	vlt.f32 v36, $0.0e+00;
	v20 =	vmul.f32 $-5.000000000e-01, v44;
	v13 =	vpop (erf)  }
0x169: {  	(erf) = vpow2.f32 v49;
	v17 =	vnsel vm0, $0x0, v13;
	v33 =	vmul.f32 $1.442695020e+00, v27  }
0x16a: {  	vm0 =	vmor vm11, vm10;
	v49 =	vmul.f32 v47, v43;
	v37 =	vmul.f32 v20, v44  }
0x16b: {  	v39 =	vpop (erf);
	vm10 =	vgt.f32 v36, $0.0e+00;
	(erf) = vpow2.f32 v29;
	v29 =	vmul.f32 v42, v41;
	v42 =	vld [tilespmem:$0x680]  }
0x16c: {  	v47 =	vld [tilespmem:$0x6C0];
	v14 =	vnsel vm0, $0x0, v39;
	vm0 =	vmor vm4, vm15;
	v39 =	vmul.f32 v28, v40  }
0x16d: {  	vm11 =	vmor vm10, vm9;
	vm15 =	vlt.f32 v38, $0.0e+00;
	(erf) = vpow2.f32 v23  }
0x16e: {  	vm4 =	vgt.f32 v38, $0.0e+00;
	v24 =	vmul.f32 $1.442695020e+00, v37;
	(erf) = vpow2.f32 v31  }
0x16f: {  	vm9 =	vgt.f32 v41, $0.0e+00;
	v46 =	vmul.f32 $1.442695020e+00, v39;
	v35 =	vmul.f32 $1.442695020e+00, v29  }
0x170: {  	vm10 =	vlt.f32 v43, $0.0e+00;
	(erf) = vpow2.f32 v32;
	v22 =	vpop (erf);
	v3 =	vmul.f32 $-5.000000000e-01, v42  }
0x171: {  	v28 =	vmul.f32 $-5.000000000e-01, v47;
	v15 =	vnsel vm14, $0x0, v22;
	vm14 =	vmor vm13, vm12  }
0x172: {  	vm12 =	vlt.f32 v42, $0.0e+00;
	vm13 =	vgt.f32 v42, $0.0e+00;
	v36 =	vmul.f32 v3, v42;
	v26 =	vpop (erf)  }
0x173: {  	(erf) = vpow2.f32 v33;
	v16 =	vnsel vm0, $0x0, v26;
	vm0 =	vmor vm6, vm5  }
0x174: {  	v45 =	vpop (erf);
	(erf) = vpow2.f32 v46;
	v18 =	vmul.f32 $1.442695020e+00, v36;
	vm5 =	vmor vm4, vm15  }
0x175: {  	v46 =	vld [tilespmem:$0x6B0];
	vm6 =	vlt.f32 v40, $0.0e+00;
	vm15 =	vgt.f32 v44, $0.0e+00;
	v32 =	vnsel vm0, $0x0, v45  }
0x176: {  	[tilespmem:$0x1FFE0] =	vst v51;
	vm0 =	vmor vm8, vm7;
	(erf) = vpow2.f32 v35;
	v48 =	vpop (erf);
	v35 =	vmul.f32 $1.442695020e+00, v49;
	v45 =	vld [tilespmem:$0x6A0]  }
0x177: {  	[tilespmem:$0x840] =	vst v51;
	v51 =	vld [tilespmem:$0x700];
	vm7 =	vgt.f32 v40, $0.0e+00;
	vm8 =	vlt.f32 v41, $0.0e+00;
	v33 =	vnsel vm0, $0x0, v48  }
0x178: {  	v4 =	vpop (erf);
	vm0 =	vmor vm7, vm6;
	vm1 =	vmor vm9, vm8;
	vm9 =	vlt.f32 v47, $0.0e+00  }
0x179: {  	[tilespmem:$0x1FFC0] =	vst v50;
	v48 =	vld [tilespmem:$0x6D0];
	v34 =	vnsel vm11, $0x0, v4;
	v13 =	vpop (erf);
	(erf) = vpow2.f32 v35;
	vm11 =	vgt.f32 v43, $0.0e+00  }
0x17a: {  	[tilespmem:$0x820] =	vst v50;
	v43 =	vmul.f32 v28, v47;
	v35 =	vnsel vm14, $0x0, v13;
	(erf) = vpow2.f32 v18  }
0x17b: {  	[tilespmem:$0x1FFF0] =	vst v52;
	vm14 =	vlt.f32 v44, $0.0e+00;
	v25 =	vmul.f32 $-5.000000000e-01, v46;
	v21 =	vmul.f32 $-5.000000000e-01, v45  }
0x17c: {  	v50 =	vld [tilespmem:$0x6F0];
	[tilespmem:$0x850] =	vst v52;
	v13 =	vmul.f32 $-5.000000000e-01, v51;
	v20 =	vmul.f32 $1.442695020e+00, v43;
	vm7 =	vlt.f32 v46, $0.0e+00  }
0x17d: {  	[tilespmem:$0x860] =	vst v54;
	vm8 =	vgt.f32 v46, $0.0e+00;
	v27 =	vmul.f32 v25, v46;
	v49 =	vmul.f32 v21, v45  }
0x17e: {  	[tilespmem:$0x870] =	vst v53;
	vm4 =	vlt.f32 v45, $0.0e+00;
	v30 =	vmul.f32 $-5.000000000e-01, v48;
	v19 =	vpop (erf);
	(erf) = vpow2.f32 v24  }
0x17f: {  	[tilespmem:$0x880] =	vst v56;
	v36 =	vnsel vm5, $0x0, v19;
	v22 =	vpop (erf);
	v41 =	vmul.f32 $1.442695020e+00, v27;
	v26 =	vmul.f32 $1.442695020e+00, v49;
	v49 =	vld [tilespmem:$0x6E0]  }
0x180: {  	[tilespmem:$0x890] =	vst v55;
	v18 =	vmul.f32 v30, v48;
	vm5 =	vgt.f32 v45, $0.0e+00;
	v38 =	vnsel vm0, $0x0, v22  }
0x181: {  	[tilespmem:$0x8A0] =	vst v57;
	vm0 =	vmor vm11, vm10;
	v22 =	vmul.f32 $-5.000000000e-01, v50;
	vm6 =	vmor vm5, vm4  }
0x182: {  	v52 =	vld [tilespmem:$0x710];
	[tilespmem:$0x8B0] =	vst v2;
	v23 =	vpop (erf);
	vm10 =	vgt.f32 v47, $0.0e+00;
	vm11 =	vlt.f32 v48, $0.0e+00;
	vm4 =	vgt.f32 v48, $0.0e+00  }
0x183: {  	[tilespmem:$0x8C0] =	vst v1;
	vm5 =	vgt.f32 v50, $0.0e+00;
	v37 =	vnsel vm1, $0x0, v23;
	v42 =	vmul.f32 $1.442695020e+00, v18;
	v29 =	vpop (erf)  }
0x184: {  	[tilespmem:$0x8D0] =	vst v60;
	v31 =	vld [tilespmem:$0x1FFD0];
	(erf) = vpow2.f32 v26;
	v39 =	vnsel vm0, $0x0, v29;
	v21 =	vmul.f32 $-5.000000000e-01, v49  }
0x185: {  	[tilespmem:$0x8E0] =	vst v61;
	v19 =	vpop (erf);
	vm0 =	vmor vm13, vm12;
	(erf) = vpow2.f32 v41;
	v29 =	vmul.f32 v22, v50  }
0x186: {  	[tilespmem:$0x8F0] =	vst v62;
	v30 =	vmovc v53;
	v53 =	vld [tilespmem:$0x720];
	vm12 =	vmor vm10, vm9;
	vm13 =	vmor vm4, vm11;
	v23 =	vmul.f32 v21, v49  }
0x187: {  	[tilespmem:$0x900] =	vst v63;
	vm4 =	vlt.f32 v50, $0.0e+00;
	vm9 =	vlt.f32 v52, $0.0e+00;
	(erf) = vpow2.f32 v20  }
0x188: {  	[tilespmem:$0x910] =	vst v10;
	vm10 =	vgt.f32 v52, $0.0e+00;
	v26 =	vmovc v57;
	(erf) = vpow2.f32 v42;
	v57 =	vmul.f32 $1.442695020e+00, v23  }
0x189: {  	[tilespmem:$0x830] =	vst v31;
	v31 =	vmovc v54;
	v28 =	vmovc v56;
	v50 =	vld [tilespmem:$0x750];
	v40 =	vnsel vm0, $0x0, v19;
	vm0 =	vmor vm15, vm14;
	v19 =	vmul.f32 v13, v51  }
0x18a: {  	[tilespmem:$0x920] =	vst v8;
	v43 =	vmul.f32 $1.442695020e+00, v29;
	vm14 =	vlt.f32 v49, $0.0e+00;
	v56 =	vpop (erf);
	(erf) = vpow2.f32 v57  }
0x18b: {  	[tilespmem:$0x930] =	vst v0;
	v54 =	vld [tilespmem:$0x730];
	v25 =	vmovc v2;
	v13 =	vmovc v0;
	v0 =	vmul.f32 $-5.000000000e-01, v53;
	v41 =	vnsel vm0, $0x0, v56;
	v56 =	vmul.f32 $-5.000000000e-01, v52  }
0x18c: {  	[tilespmem:$0x940] =	vst v12;
	v27 =	vmovc v55;
	v55 =	vld [tilespmem:$0x740];
	v22 =	vmovc v61;
	vm15 =	vgt.f32 v49, $0.0e+00;
	v29 =	vmul.f32 $1.442695020e+00, v19;
	vm11 =	vlt.f32 v53, $0.0e+00  }
0x18d: {  	[tilespmem:$0x950] =	vst v11;
	vm0 =	vmor vm8, vm7;
	v2 =	vmul.f32 v0, v53;
	v61 =	vmul.f32 v56, v52;
	v18 =	vpop (erf)  }
0x18e: {  	[tilespmem:$0x960] =	vst v9;
	vm7 =	vlt.f32 v51, $0.0e+00;
	v0 =	vmul.f32 $-5.000000000e-01, v50;
	(erf) = vpow2.f32 v43;
	v57 =	vpop (erf)  }
0x18f: {  	[tilespmem:$0x970] =	vst v58;
	v20 =	vmovc v63;
	v63 =	vmul.f32 $1.442695020e+00, v61;
	(erf) = vpow2.f32 v29;
	v43 =	vnsel vm0, $0x0, v57;
	v57 =	vld [tilespmem:$0x760]  }
0x190: {  	[tilespmem:$0x980] =	vst v7;
	v48 =	vmul.f32 $1.442695020e+00, v2;
	v23 =	vmov v60;
	v29 =	vmul.f32 $-5.000000000e-01, v54;
	v60 =	vpop (erf)  }
0x191: {  	[tilespmem:$0x990] =	vst v59;
	v21 =	vmov v62;
	v56 =	vld [tilespmem:$0x770];
	v61 =	vmul.f32 $-5.000000000e-01, v55;
	v62 =	vpop (erf);
	(erf) = vpow2.f32 v63  }
0x192: {  	v24 =	vmovc v1;
	v2 =	vmul.f32 v0, v50;
	v42 =	vnsel vm6, $0x0, v18;
	v18 =	vmovc v8;
	v49 =	vmul.f32 v29, v54  }
0x193: {  	[tilespmem:$0x9A0] =	vst v6;
	vm0 =	vmor vm15, vm14;
	v44 =	vnsel vm13, $0x0, v62;
	v62 =	vmul.f32 v61, v55;
	v1 =	vpop (erf)  }
0x194: {  	[tilespmem:$0x9B0] =	vst v5;
	v8 =	vmovc v7;
	v7 =	vmovc v59;
	v59 =	vld [tilespmem:$0x780];
	v49 =	vmul.f32 $1.442695020e+00, v49;
	v46 =	vnsel vm0, $0x0, v1;
	v1 =	vmul.f32 $-5.000000000e-01, v57  }
0x195: {  	[tilespmem:$0x9C0] =	vst v17;
	v3 =	vld [tilespmem:$0x1FFA0];
	vm8 =	vgt.f32 v51, $0.0e+00;
	v51 =	vmul.f32 $1.442695020e+00, v62;
	(erf) = vpow2.f32 v48  }
0x196: {  	[tilespmem:$0x9D0] =	vst v14;
	v19 =	vmovc v10;
	vm6 =	vmor vm5, vm4;
	v61 =	vld [tilespmem:$0x790];
	v0 =	vmul.f32 v1, v57;
	v1 =	vmul.f32 $-5.000000000e-01, v56  }
0x197: {  	[tilespmem:$0x9E0] =	vst v15;
	v45 =	vnsel vm12, $0x0, v60;
	v62 =	vld [tilespmem:$0x7A0];
	v60 =	vpop (erf);
	vm0 =	vmor vm8, vm7;
	(erf) = vpow2.f32 v49  }
0x198: {  	[tilespmem:$0x9F0] =	vst v16;
	v4 =	vld [tilespmem:$0x1FFB0];
	v47 =	vnsel vm6, $0x0, v60;
	v63 =	vpop (erf);
	(erf) = vpow2.f32 v51;
	v60 =	vmul.f32 v1, v56  }
0x199: {  	[tilespmem:$0xA00] =	vst v32;
	v10 =	vmovc v9;
	v9 =	vmovc v58;
	v51 =	vmul.f32 $1.442695020e+00, v2;
	v2 =	vmul.f32 $-5.000000000e-01, v59;
	v48 =	vnsel vm0, $0x0, v63;
	v63 =	vld [tilespmem:$0x7B0]  }
0x19a: {  	[tilespmem:$0x800] =	vst v3;
	vm0 =	vmor vm10, vm9;
	v29 =	vpop (erf);
	v58 =	vmul.f32 $1.442695020e+00, v0;
	v0 =	vmul.f32 $1.442695020e+00, v60;
	v60 =	vld [tilespmem:$0x7C0]  }
0x19b: {  	[tilespmem:$0xA10] =	vst v33;
	(erf) = vpow2.f32 v51;
	v49 =	vnsel vm0, $0x0, v29;
	v29 =	vmul.f32 v2, v59  }
0x19c: {  	[tilespmem:$0xA20] =	vst v34;
	vm5 =	vlt.f32 v54, $0.0e+00;
	v1 =	vmul.f32 $-5.000000000e-01, v61;
	v2 =	vmul.f32 $-5.000000000e-01, v62  }
0x19d: {  	[tilespmem:$0xA30] =	vst v35;
	vm12 =	vgt.f32 v53, $0.0e+00;
	(erf) = vpow2.f32 v58;
	v51 =	vmul.f32 $1.442695020e+00, v29  }
0x19e: {  	[tilespmem:$0x810] =	vst v4;
	vm13 =	vmor vm12, vm11;
	v29 =	vmul.f32 v1, v61;
	v53 =	vmul.f32 $-5.000000000e-01, v63  }
0x19f: {  	[tilespmem:$0xA40] =	vst v36;
	vm8 =	vlt.f32 v50, $0.0e+00;
	(erf) = vpow2.f32 v0;
	v58 =	vmul.f32 $-5.000000000e-01, v60  }
0x1a0: {  	[tilespmem:$0xA50] =	vst v38;
	vm6 =	vgt.f32 v54, $0.0e+00;
	v52 =	vmul.f32 v2, v62;
	v1 =	vld [tilespmem:$0x7D0];
	(erf) = vpow2.f32 v51  }
0x1a1: {  	[tilespmem:$0xA60] =	vst v37;
	vm9 =	vgt.f32 v50, $0.0e+00;
	v2 =	vld [tilespmem:$0x7E0];
	v51 =	vmul.f32 $1.442695020e+00, v29;
	v53 =	vmul.f32 v53, v63  }
0x1a2: {  	[tilespmem:$0xA70] =	vst v39;
	vm10 =	vmor vm6, vm5;
	v52 =	vmul.f32 $1.442695020e+00, v52;
	v29 =	vpop (erf);
	v54 =	vmul.f32 v58, v60  }
0x1a3: {  	[tilespmem:$0xA80] =	vst v40;
	v50 =	vnsel vm13, $0x0, v29;
	(erf) = vpow2.f32 v51;
	v29 =	vmul.f32 $1.442695020e+00, v53;
	v58 =	vpop (erf)  }
0x1a4: {  	[tilespmem:$0xA90] =	vst v41;
	v0 =	vld [tilespmem:$0x7F0];
	(erf) = vpow2.f32 v52;
	v51 =	vnsel vm10, $0x0, v58;
	v58 =	vmul.f32 $1.442695020e+00, v54  }
0x1a5: {  	[tilespmem:$0xAA0] =	vst v42;
	vm11 =	vlt.f32 v57, $0.0e+00;
	(erf) = vpow2.f32 v29;
	v29 =	vmul.f32 $-5.000000000e-01, v1  }
0x1a6: {  	[tilespmem:$0xAB0] =	vst v43;
	vm12 =	vgt.f32 v57, $0.0e+00;
	v57 =	vpop (erf);
	(erf) = vpow2.f32 v58;
	v58 =	vmul.f32 $-5.000000000e-01, v2  }
0x1a7: {  	vm14 =	vlt.f32 v55, $0.0e+00;
	vm15 =	vgt.f32 v55, $0.0e+00;
	[tilespmem:$0xAC0] =	vst v45;
	v54 =	vmul.f32 v29, v1  }
0x1a8: {  	vm1 =	vmor vm15, vm14;
	vm14 =	vgt.f32 v56, $0.0e+00;
	[tilespmem:$0xAD0] =	vst v44;
	v53 =	vmul.f32 v58, v2  }
0x1a9: {  	vm15 =	vlt.f32 v59, $0.0e+00;
	[tilespmem:$0xAE0] =	vst v46;
	v55 =	vmul.f32 $-5.000000000e-01, v0;
	v54 =	vmul.f32 $1.442695020e+00, v54  }
0x1aa: {  	[tilespmem:$0xAF0] =	vst v47;
	vm0 =	vmor vm9, vm8;
	vm9 =	vgt.f32 v59, $0.0e+00;
	v29 =	vmul.f32 $1.442695020e+00, v53  }
0x1ab: {  	[tilespmem:$0xB00] =	vst v48;
	vm2 =	vmor vm9, vm15;
	vm4 =	vlt.f32 v63, $0.0e+00;
	v55 =	vmul.f32 v55, v0  }
0x1ac: {  	[tilespmem:$0xB10] =	vst v49;
	vm5 =	vgt.f32 v63, $0.0e+00;
	vm13 =	vlt.f32 v56, $0.0e+00;
	vm10 =	vmor vm12, vm11;
	v56 =	vpop (erf)  }
0x1ad: {  	[tilespmem:$0xB20] =	vst v50;
	v52 =	vnsel vm1, $0x0, v57;
	v57 =	vmul.f32 $1.442695020e+00, v55;
	(erf) = vpow2.f32 v54;
	v54 =	vpop (erf)  }
0x1ae: {  	vm1 =	vmor vm14, vm13;
	[tilespmem:$0xB30] =	vst v51;
	v53 =	vnsel vm0, $0x0, v56;
	(erf) = vpow2.f32 v29;
	v29 =	vpop (erf)  }
0x1af: {  	[tilespmem:$0xB40] =	vst v52;
	v55 =	vnsel vm10, $0x0, v54;
	v54 =	vnsel vm1, $0x0, v29;
	v29 =	vpop (erf);
	(erf) = vpow2.f32 v57  }
0x1b0: {  	vm6 =	vlt.f32 v60, $0.0e+00;
	vm7 =	vgt.f32 v60, $0.0e+00;
	vm8 =	vlt.f32 v1, $0.0e+00;
	[tilespmem:$0xB50] =	vst v53  }
0x1b1: {  	vm11 =	vlt.f32 v61, $0.0e+00;
	vm12 =	vgt.f32 v61, $0.0e+00;
	vm13 =	vlt.f32 v62, $0.0e+00;
	[tilespmem:$0xB60] =	vst v55  }
0x1b2: {  	vm14 =	vgt.f32 v62, $0.0e+00;
	vm0 =	vmor vm12, vm11;
	v61 =	vpop (erf);
	v58 =	vnsel vm2, $0x0, v29;
	[tilespmem:$0xB70] =	vst v54  }
0x1b3: {  	vm9 =	vgt.f32 v1, $0.0e+00;
	vm15 =	vmor vm14, vm13;
	v62 =	vpop (erf);
	v56 =	vnsel vm0, $0x0, v61;
	[tilespmem:$0xB80] =	vst v58  }
0x1b4: {  	vm13 =	vlt.f32 v0, $0.0e+00;
	vm0 =	vmor vm5, vm4;
	v57 =	vnsel vm15, $0x0, v62;
	v29 =	vpop (erf);
	[tilespmem:$0xB90] =	vst v56  }
0x1b5: {  	vm11 =	vlt.f32 v2, $0.0e+00;
	vm1 =	vmor vm7, vm6;
	v60 =	vpop (erf);
	v59 =	vnsel vm0, $0x0, v29;
	[tilespmem:$0xBA0] =	vst v57  }
0x1b6: {  	vm12 =	vgt.f32 v2, $0.0e+00;
	vm10 =	vmor vm9, vm8;
	v29 =	vpop (erf);
	v60 =	vnsel vm1, $0x0, v60;
	[tilespmem:$0xBB0] =	vst v59  }
0x1b7: {  	vm14 =	vgt.f32 v0, $0.0e+00;
	vm0 =	vmor vm12, vm11;
	v61 =	vnsel vm10, $0x0, v29;
	v62 =	vpop (erf);
	[tilespmem:$0xBC0] =	vst v60  }
0x1b8: {  	vm15 =	vmor vm14, vm13;
	v62 =	vnsel vm0, $0x0, v62;
	[tilespmem:$0xBD0] =	vst v61;
	v63 =	vpop (erf)  }
0x1b9: {  	[tilespmem:$0xBE0] =	vst v62;
	v63 =	vnsel vm15, $0x0, v63  }
0x1ba: {  	s29 =	simm.s32 $0x1;
	[tilespmem:$0xBF0] =	vst v63  }
0x1bb: {  	_ =	swait.ge [sflag:s29], $0x80  }
0x1bc: {  	[sflag:s29] =	ssyncset.done $0x0  }
0x1bd: {  	[sflag:s29] =	ssyncadd.s32 $0xFFFFFF80  }
0x1be: {  	_ =	swait.ge [sflag:s29], $0x80  }
0x1bf: {  	[sflag:s29] =	ssyncset.done $0x0  }
0x1c0: {  	[sflag:s29] =	ssyncadd.s32 $0xFFFFFF80  }
0x1c1: {  	_ =	swait.ge [sflag:s29], $0x80  }
0x1c2: {  	[sflag:s29] =	ssyncset.done $0x0  }
0x1c3: {  	[sflag:s29] =	ssyncadd.s32 $0xFFFFFF80  }
0x1c4: {  	_ =	swait.ge [sflag:s29], $0x80  }
0x1c5: {  	[sflag:s29] =	ssyncset.done $0x0  }
0x1c6: {  	[sflag:s29] =	ssyncadd.s32 $0xFFFFFF80  }
0x1c7: {  	_ =	swait.ge [sflag:s29], $0x80  }
0x1c8: {  	[sflag:s29] =	ssyncset.done $0x0  }
0x1c9: {  	[sflag:s29] =	ssyncadd.s32 $0xFFFFFF80  }
0x1ca: {  	_ =	swait.ge [sflag:s29], $0x80  }
0x1cb: {  	[sflag:s29] =	ssyncset.done $0x0  }
0x1cc: {  	[sflag:s29] =	ssyncadd.s32 $0xFFFFFF80  }
0x1cd: {  	_ =	swait.ge [sflag:s29], $0x80  }
0x1ce: {  	[sflag:s29] =	ssyncset.done $0x0  }
0x1cf: {  	[sflag:s29] =	ssyncadd.s32 $0xFFFFFF80  }
0x1d0: {  	_ =	swait.ge [sflag:s29], $0x80  }
0x1d1: {  	[sflag:s29] =	ssyncset.done $0x0  }
0x1d2: {  	[sflag:s29] =	ssyncadd.s32 $0xFFFFFF80  }
0x1d3: {  	v29 =	vld [tilespmem:$0x1010]  }
0x1d4: {  	v0 =	vld [tilespmem:$0x1000];
	_ =	sdelay $0x2  }
0x1d5: {  	v2 =	vld [tilespmem:$0x1020]  }
0x1d6: {  	v1 =	vmul.f32 v29, v4;
	v29 =	vld [tilespmem:$0x1FFC0]  }
0x1d7: {  	v0 =	vmul.f32 v0, v3;
	_ =	sdelay $0x1  }
0x1d8: {  	v0 =	vadd.f32 $0.0e+00, v0  }
0x1d9: {  	v3 =	vld [tilespmem:$0x1030]  }
0x1da: {  	v0 =	vadd.f32 v1, v0;
	v1 =	vmul.f32 v2, v29;
	v29 =	vld [tilespmem:$0x1FFD0];
	_ =	sdelay $0x3  }
0x1db: {  	v4 =	vld [tilespmem:$0x1040]  }
0x1dc: {  	v0 =	vadd.f32 v1, v0;
	v1 =	vmul.f32 v3, v29;
	v29 =	vld [tilespmem:$0x1FFE0];
	_ =	sdelay $0x3  }
0x1dd: {  	v2 =	vld [tilespmem:$0x1050]  }
0x1de: {  	v0 =	vadd.f32 v1, v0;
	v1 =	vmul.f32 v4, v29;
	v29 =	vld [tilespmem:$0x1FFF0];
	_ =	sdelay $0x1  }
0x1df: {  	v3 =	vld [tilespmem:$0x1060];
	_ =	sdelay $0x1  }
0x1e0: {  	v4 =	vld [tilespmem:$0x1070]  }
0x1e1: {  	v0 =	vadd.f32 v1, v0;
	v1 =	vmul.f32 v2, v29  }
0x1e2: {  	v2 =	vld [tilespmem:$0x1080]  }
0x1e3: {  	v29 =	vmul.f32 v3, v31;
	v0 =	vadd.f32 v1, v0  }
0x1e4: {  	v3 =	vld [tilespmem:$0x1090]  }
0x1e5: {  	v31 =	vmul.f32 v4, v30;
	v0 =	vadd.f32 v29, v0  }
0x1e6: {  	v4 =	vld [tilespmem:$0x10A0]  }
0x1e7: {  	v28 =	vmul.f32 v2, v28;
	v0 =	vadd.f32 v31, v0  }
0x1e8: {  	v29 =	vld [tilespmem:$0x10B0]  }
0x1e9: {  	v30 =	vmul.f32 v3, v27;
	v0 =	vadd.f32 v28, v0  }
0x1ea: {  	v31 =	vld [tilespmem:$0x10C0]  }
0x1eb: {  	v26 =	vmul.f32 v4, v26;
	v0 =	vadd.f32 v30, v0  }
0x1ec: {  	v27 =	vld [tilespmem:$0x10D0]  }
0x1ed: {  	v28 =	vmul.f32 v29, v25;
	v0 =	vadd.f32 v26, v0  }
0x1ee: {  	v29 =	vld [tilespmem:$0x10E0]  }
0x1ef: {  	v30 =	vmul.f32 v31, v24;
	v0 =	vadd.f32 v28, v0  }
0x1f0: {  	v31 =	vld [tilespmem:$0x10F0]  }
0x1f1: {  	v24 =	vmul.f32 v27, v23;
	v0 =	vadd.f32 v30, v0  }
0x1f2: {  	v25 =	vld [tilespmem:$0x1100]  }
0x1f3: {  	v26 =	vmul.f32 v29, v22;
	v0 =	vadd.f32 v24, v0  }
0x1f4: {  	v27 =	vld [tilespmem:$0x1110]  }
0x1f5: {  	v28 =	vmul.f32 v31, v21;
	v0 =	vadd.f32 v26, v0  }
0x1f6: {  	v29 =	vld [tilespmem:$0x1120]  }
0x1f7: {  	v30 =	vmul.f32 v25, v20;
	v0 =	vadd.f32 v28, v0  }
0x1f8: {  	v31 =	vld [tilespmem:$0x1130]  }
0x1f9: {  	v19 =	vmul.f32 v27, v19;
	v0 =	vadd.f32 v30, v0  }
0x1fa: {  	v20 =	vld [tilespmem:$0x1140]  }
0x1fb: {  	v21 =	vmul.f32 v29, v18;
	v0 =	vadd.f32 v19, v0  }
0x1fc: {  	v22 =	vld [tilespmem:$0x1150]  }
0x1fd: {  	v23 =	vmul.f32 v31, v13;
	v0 =	vadd.f32 v21, v0  }
0x1fe: {  	v24 =	vld [tilespmem:$0x1160]  }
0x1ff: {  	v25 =	vmul.f32 v20, v12;
	v0 =	vadd.f32 v23, v0  }
0x200: {  	v26 =	vld [tilespmem:$0x1170]  }
0x201: {  	v27 =	vmul.f32 v22, v11;
	v0 =	vadd.f32 v25, v0  }
0x202: {  	v28 =	vld [tilespmem:$0x1180]  }
0x203: {  	v29 =	vmul.f32 v24, v10;
	v0 =	vadd.f32 v27, v0  }
0x204: {  	v30 =	vld [tilespmem:$0x1190]  }
0x205: {  	v31 =	vmul.f32 v26, v9;
	v0 =	vadd.f32 v29, v0  }
0x206: {  	v9 =	vld [tilespmem:$0x11A0]  }
0x207: {  	v10 =	vmul.f32 v28, v8;
	v0 =	vadd.f32 v31, v0  }
0x208: {  	v11 =	vld [tilespmem:$0x11B0]  }
0x209: {  	v12 =	vmul.f32 v30, v7;
	v0 =	vadd.f32 v10, v0  }
0x20a: {  	v13 =	vld [tilespmem:$0x11C0]  }
0x20b: {  	v18 =	vmul.f32 v9, v6;
	v0 =	vadd.f32 v12, v0  }
0x20c: {  	v19 =	vld [tilespmem:$0x11D0]  }
0x20d: {  	v20 =	vmul.f32 v11, v5;
	v0 =	vadd.f32 v18, v0  }
0x20e: {  	v21 =	vld [tilespmem:$0x11E0]  }
0x20f: {  	v22 =	vmul.f32 v13, v17;
	v0 =	vadd.f32 v20, v0  }
0x210: {  	v23 =	vld [tilespmem:$0x11F0]  }
0x211: {  	v24 =	vmul.f32 v19, v14;
	v0 =	vadd.f32 v22, v0  }
0x212: {  	v25 =	vld [tilespmem:$0x1200]  }
0x213: {  	v26 =	vmul.f32 v21, v15;
	v0 =	vadd.f32 v24, v0  }
0x214: {  	v27 =	vld [tilespmem:$0x1210]  }
0x215: {  	v28 =	vmul.f32 v23, v16;
	v0 =	vadd.f32 v26, v0  }
0x216: {  	v29 =	vld [tilespmem:$0x1220]  }
0x217: {  	v30 =	vmul.f32 v25, v32;
	v0 =	vadd.f32 v28, v0  }
0x218: {  	v31 =	vld [tilespmem:$0x1230]  }
0x219: {  	v32 =	vmul.f32 v27, v33;
	v0 =	vadd.f32 v30, v0  }
0x21a: {  	v33 =	vld [tilespmem:$0x1240]  }
0x21b: {  	v34 =	vmul.f32 v29, v34;
	v0 =	vadd.f32 v32, v0  }
0x21c: {  	v8 =	vld [tilespmem:$0x1250]  }
0x21d: {  	v9 =	vmul.f32 v31, v35;
	v0 =	vadd.f32 v34, v0  }
0x21e: {  	v10 =	vld [tilespmem:$0x1260]  }
0x21f: {  	v11 =	vmul.f32 v33, v36;
	v0 =	vadd.f32 v9, v0  }
0x220: {  	v12 =	vld [tilespmem:$0x1270]  }
0x221: {  	v13 =	vmul.f32 v8, v38;
	v0 =	vadd.f32 v11, v0  }
0x222: {  	v14 =	vld [tilespmem:$0x1280]  }
0x223: {  	v15 =	vmul.f32 v10, v37;
	v0 =	vadd.f32 v13, v0  }
0x224: {  	v16 =	vld [tilespmem:$0x1290]  }
0x225: {  	v17 =	vmul.f32 v12, v39;
	v0 =	vadd.f32 v15, v0  }
0x226: {  	v18 =	vld [tilespmem:$0x12A0]  }
0x227: {  	v19 =	vmul.f32 v14, v40;
	v0 =	vadd.f32 v17, v0  }
0x228: {  	v20 =	vld [tilespmem:$0x12B0]  }
0x229: {  	v21 =	vmul.f32 v16, v41;
	v0 =	vadd.f32 v19, v0  }
0x22a: {  	v22 =	vld [tilespmem:$0x12C0]  }
0x22b: {  	v23 =	vmul.f32 v18, v42;
	v0 =	vadd.f32 v21, v0  }
0x22c: {  	v24 =	vld [tilespmem:$0x12D0]  }
0x22d: {  	v25 =	vmul.f32 v20, v43;
	v0 =	vadd.f32 v23, v0  }
0x22e: {  	v26 =	vld [tilespmem:$0x12E0]  }
0x22f: {  	v27 =	vmul.f32 v22, v45;
	v0 =	vadd.f32 v25, v0  }
0x230: {  	v28 =	vld [tilespmem:$0x12F0]  }
0x231: {  	v29 =	vmul.f32 v24, v44;
	v0 =	vadd.f32 v27, v0  }
0x232: {  	v30 =	vld [tilespmem:$0x1300]  }
0x233: {  	v31 =	vmul.f32 v26, v46;
	v0 =	vadd.f32 v29, v0  }
0x234: {  	v32 =	vld [tilespmem:$0x1310]  }
0x235: {  	v33 =	vmul.f32 v28, v47;
	v0 =	vadd.f32 v31, v0  }
0x236: {  	v34 =	vld [tilespmem:$0x1320]  }
0x237: {  	v35 =	vmul.f32 v30, v48;
	v0 =	vadd.f32 v33, v0  }
0x238: {  	v36 =	vld [tilespmem:$0x1330]  }
0x239: {  	v37 =	vmul.f32 v32, v49;
	v0 =	vadd.f32 v35, v0  }
0x23a: {  	v38 =	vld [tilespmem:$0x1340]  }
0x23b: {  	v39 =	vmul.f32 v34, v50;
	v0 =	vadd.f32 v37, v0  }
0x23c: {  	v40 =	vld [tilespmem:$0x1350]  }
0x23d: {  	v41 =	vmul.f32 v36, v51;
	v0 =	vadd.f32 v39, v0  }
0x23e: {  	v42 =	vld [tilespmem:$0x1360]  }
0x23f: {  	v43 =	vmul.f32 v38, v52;
	v0 =	vadd.f32 v41, v0  }
0x240: {  	v44 =	vld [tilespmem:$0x1370]  }
0x241: {  	v45 =	vmul.f32 v40, v53;
	v0 =	vadd.f32 v43, v0  }
0x242: {  	v46 =	vld [tilespmem:$0x1380]  }
0x243: {  	v47 =	vmul.f32 v42, v55;
	v0 =	vadd.f32 v45, v0  }
0x244: {  	v48 =	vld [tilespmem:$0x1390]  }
0x245: {  	v49 =	vmul.f32 v44, v54;
	v0 =	vadd.f32 v47, v0  }
0x246: {  	v50 =	vld [tilespmem:$0x13A0]  }
0x247: {  	v51 =	vmul.f32 v46, v58;
	v0 =	vadd.f32 v49, v0  }
0x248: {  	v52 =	vld [tilespmem:$0x13B0]  }
0x249: {  	v53 =	vmul.f32 v48, v56;
	v0 =	vadd.f32 v51, v0  }
0x24a: {  	v54 =	vld [tilespmem:$0x13C0]  }
0x24b: {  	v55 =	vmul.f32 v50, v57;
	v0 =	vadd.f32 v53, v0  }
0x24c: {  	v56 =	vld [tilespmem:$0x13D0]  }
0x24d: {  	v57 =	vmul.f32 v52, v59;
	v0 =	vadd.f32 v55, v0  }
0x24e: {  	v58 =	vld [tilespmem:$0x13E0]  }
0x24f: {  	v59 =	vmul.f32 v54, v60;
	v0 =	vadd.f32 v57, v0  }
0x250: {  	v60 =	vld [tilespmem:$0x13F0]  }
0x251: {  	v61 =	vmul.f32 v56, v61;
	v0 =	vadd.f32 v59, v0;
	_ =	sdelay $0x1  }
0x252: {  	v62 =	vmul.f32 v58, v62;
	v0 =	vadd.f32 v61, v0;
	_ =	sdelay $0x1  }
0x253: {  	v63 =	vmul.f32 v60, v63;
	v0 =	vadd.f32 v62, v0;
	_ =	sdelay $0x1  }
0x254: {  	s30 =	sshll.u32 s1, $0x4;
	v0 =	vadd.f32 v63, v0  }
0x255: {  	s3 =	sadd.s32 s30, s3  }
0x256: {  	s31 =	simm.s32 $0x1400;
	s3 =	sadd.s32 $0x600, s3;
	[tilespmem:$0x1400] =	vst v0  }
0x257: {  	[hbm4b:s3+s2] =	stream.linear.scatter [tilespmem:s31], [sflag:$0x2], $0x80, $0x38;
	[tilespmem:$0x1480] =	vst v63  }
0x258: {  	_ =	swait.ge [sflag:s4], $0x80  }
0x259: {  	[sflag:s4] =	ssyncset.done $0x0  }
0x25a: {  	[sflag:s4] =	ssyncadd.s32 $0xFFFFFF80  }
0x25b: {  	_ =	sfence.sel $0x180000  }
0x25c: {  	[bflag:$0x0] =	sbarrier.arrive $0xFFFF  }
0x25d: {  	p0 =	sne.s32 s1, $0x0;
	_ =	strace $0x90000047  }
0x25e: {  	s0 =	sadd.s32 @!p0 $0x100000, s0;
	[bflag:$0x2] =	sbarrier.arrive $0xFFFF  }
0x25f: {  	[sflag:s0] =	ssyncadd.tile.s32 @!p0 $0x1;
	_ =	shalt  }
.Lfunc_end2:
_tile_overlayer_lowered:
.L_overlay_start_2:
0x260: {  	(tag) =	ssettag $0x2  }
0x261: {  	s0 =	rddreg [dreg:$0x0];
	s2 =	stileid.u32  }
0x262: {  	s1 =	rddreg [dreg:$0x1];
	p0 =	sne.s32 s2, $0x0  }
0x263: {  	s3 =	rddreg [dreg:$0x2];
	[bflag:$0x3] =	sbarrier.arrive $0xFFFF;
	s2 =	simm.s32 @!p0 $0x1C02  }
0x264: {  	[timem:s3], [sflag:s2] =	dma.local @!p0 [hbm:s0], s1  }
0x265: {  	s0 =	simm.s32 @!p0 $0x2  }
0x266: {  	_ =	swait.ge @!p0 [sflag:s0], s1  }
0x267: {  	s1 =	ssub.s32 @!p0 $0x0, s1;
	[sflag:s0] =	ssyncset.done @!p0 $0x0  }
0x268: {  	[sflag:s0] =	ssyncadd.s32 @!p0 s1  }
0x269: {  	[bflag:$0x3] =	sbarrier.arrive $0xFFFF  }
0x26a: {  	_ =	shalt  }

</sc_bundles>
